<compile_context>
chip_gen: v7x
topology: tpu7x:2x2x1
jax: 0.10.2.dev20260603
libtpu: 0.0.44.dev20260713+nightly
codegen_flags: <defaults>
</compile_context>

<pallas_src>
import functools

import jax
import jax.numpy as jnp
from jax import lax
from jax.experimental import pallas as pl
from jax.experimental.pallas import tpu as pltpu
from jax.experimental.pallas import tpu_sc as plsc

H = 64
B = 1024
E_ITEM = 51200
E_SOC = 20480
NC = 2
NS = 16
NW = NC * NS
GC = 80
YW = 2 * H


def _mesh():
    return plsc.VectorSubcoreMesh(core_axis_name="c", subcore_axis_name="s")


_SC_PARAMS = pltpu.CompilerParams()


def _worker_id():
    return lax.axis_index("s") * NC + lax.axis_index("c")


NBUF = 4


def _gather_task(table, idx, out, n, idx_all, bufs, sems, w):
    D = table.shape[1]
    per = n // NW
    base = pl.multiple_of(w * per, 8)
    cols = pl.ds(0, D)
    pltpu.sync_copy(idx.at[pl.ds(base, per)], idx_all.at[pl.ds(0, per)])
    if per >= GC * NBUF:
        def body(i, carry):
            c0 = i * NBUF
            hs = [
                pltpu.async_copy(
                    table.at[idx_all.at[pl.ds((c0 + j) * GC, GC)]],
                    bufs[j], sems[j])
                for j in range(NBUF)
            ]
            for j in range(NBUF):
                hs[j].wait()
                pltpu.sync_copy(
                    bufs[j], out.at[pl.ds(base + (c0 + j) * GC, GC), cols])
            return carry
        lax.fori_loop(0, per // (GC * NBUF), body, 0)
    else:
        sl = pl.ds(0, per)
        pltpu.async_copy(table.at[idx_all.at[sl]], bufs[0].at[sl],
                         sems[0]).wait()
        pltpu.sync_copy(bufs[0].at[sl], out.at[pl.ds(base, per), cols])


def _sc_gather_item(item_table, batch_target, item):
    outs = [
        jax.ShapeDtypeStruct((B, YW), jnp.float32),
        jax.ShapeDtypeStruct((E_ITEM, YW), jnp.float32),
    ]

    @functools.partial(
        pl.kernel, out_type=outs, mesh=_mesh(),
        compiler_params=_SC_PARAMS,
        scratch_types=[pltpu.VMEM((E_ITEM // NW,), jnp.int32)]
                      + [pltpu.VMEM((GC, YW), jnp.float32)] * NBUF
                      + [pltpu.SemaphoreType.DMA] * NBUF)
    def k(item_t, btgt_i, item_i, tgt, item_emb,
          idx_all, b0, b1, b2, b3, s0, s1, s2, s3):
        w = _worker_id()
        bufs, sems = [b0, b1, b2, b3], [s0, s1, s2, s3]
        _gather_task(item_t, btgt_i, tgt, B, idx_all, bufs, sems, w)
        _gather_task(item_t, item_i, item_emb, E_ITEM, idx_all, bufs, sems, w)

    return k(item_table, batch_target, item)


def _sc_gather_user(user_table, user, social, batch_i_users):
    outs = [
        jax.ShapeDtypeStruct((B, YW), jnp.float32),
        jax.ShapeDtypeStruct((E_SOC, YW), jnp.float32),
        jax.ShapeDtypeStruct((E_ITEM, YW), jnp.float32),
    ]

    @functools.partial(
        pl.kernel, out_type=outs, mesh=_mesh(),
        compiler_params=_SC_PARAMS,
        scratch_types=[pltpu.VMEM((E_ITEM // NW,), jnp.int32)]
                      + [pltpu.VMEM((GC, YW), jnp.float32)] * NBUF
                      + [pltpu.SemaphoreType.DMA] * NBUF)
    def k(user_t, user_i, social_i, biu_i,
          user_emb, social_emb, item_u_emb,
          idx_all, b0, b1, b2, b3, s0, s1, s2, s3):
        w = _worker_id()
        bufs, sems = [b0, b1, b2, b3], [s0, s1, s2, s3]
        _gather_task(user_t, user_i, user_emb, B, idx_all, bufs, sems, w)
        _gather_task(user_t, social_i, social_emb, E_SOC, idx_all, bufs, sems,
                     w)
        _gather_task(user_t, biu_i, item_u_emb, E_ITEM, idx_all, bufs, sems,
                     w)

    return k(user_table, user, social, batch_i_users)


def _sc_gather_stage2(user_emb, tgt, item4user, social4user, batch_u_item):
    outs = [
        jax.ShapeDtypeStruct((E_ITEM, YW), jnp.float32),
        jax.ShapeDtypeStruct((E_SOC, YW), jnp.float32),
        jax.ShapeDtypeStruct((E_ITEM, YW), jnp.float32),
    ]

    @functools.partial(
        pl.kernel, out_type=outs, mesh=_mesh(),
        compiler_params=_SC_PARAMS,
        scratch_types=[pltpu.VMEM((E_ITEM // NW,), jnp.int32)]
                      + [pltpu.VMEM((GC, YW), jnp.float32)] * NBUF
                      + [pltpu.SemaphoreType.DMA] * NBUF)
    def k(ue_t, tgt_t, i4u_i, s4u_i, bui_i, ue_g, su, tgt_g,
          idx_all, b0, b1, b2, b3, s0, s1, s2, s3):
        w = _worker_id()
        bufs, sems = [b0, b1, b2, b3], [s0, s1, s2, s3]
        _gather_task(ue_t, i4u_i, ue_g, E_ITEM, idx_all, bufs, sems, w)
        _gather_task(ue_t, s4u_i, su, E_SOC, idx_all, bufs, sems, w)
        _gather_task(tgt_t, bui_i, tgt_g, E_ITEM, idx_all, bufs, sems, w)

    return k(user_emb, tgt, item4user, social4user, batch_u_item)


CB = 8192


def _tc_pad_table(table):
    t_t = table.T
    n = table.shape[0]
    grid = pl.cdiv(n, CB)
    eye = jnp.eye(H, dtype=jnp.float32)

    def body(t_ref, e_ref, o_ref):
        o_ref[:, :H] = lax.dot_general(t_ref[...], e_ref[...],
                                       (((0,), (0,)), ((), ())))

    return pl.pallas_call(
        body,
        grid=(grid,),
        in_specs=[pl.BlockSpec((H, CB), lambda i: (0, i)),
                  pl.BlockSpec((H, H), lambda i: (0, 0))],
        out_specs=pl.BlockSpec((CB, YW), lambda i: (i, 0)),
        out_shape=jax.ShapeDtypeStruct((n, YW), jnp.float32),
    )(t_t, eye)


CE = 2048


def _tc_edges_proj(x1, rids3, xg, r_table, w_pre, b_pre, w0, b0, w1, b1, n):
    grid = n // CE

    def body(x1_ref, rid_ref, xg_ref, rt_ref, wpre_ref, bpre_ref,
             w0_ref, b0_ref, w1_ref, b1_ref, y_ref):
        ids = rid_ref[0, 0, :]
        oh = (ids[:, None] == lax.broadcasted_iota(jnp.int32, (CE, 16), 1)
              ).astype(jnp.float32)
        x2 = oh @ rt_ref[...]
        wpre = wpre_ref[...]
        xia = (x1_ref[:, :H] @ wpre[:, :H].T + x2 @ wpre[:, H:].T
               + bpre_ref[...])
        w0m = w0_ref[...]
        a1 = jnp.maximum(
            xia @ w0m[:, :H].T + xg_ref[:, :H] @ w0m[:, H:].T + b0_ref[...],
            0.0)
        l = a1 @ w1_ref[...].T + b1_ref[...]
        e = jnp.exp(l)
        y_ref[...] = jnp.concatenate([xia * e, e], axis=1)

    rt16 = jnp.zeros((16, H), jnp.float32).at[:10].set(r_table)
    return pl.pallas_call(
        body,
        grid=(grid,),
        in_specs=[
            pl.BlockSpec((CE, YW), lambda i: (i, 0)),
            pl.BlockSpec((1, 1, CE), lambda i: (i, 0, 0)),
            pl.BlockSpec((CE, YW), lambda i: (i, 0)),
            pl.BlockSpec((16, H), lambda i: (0, 0)),
            pl.BlockSpec((H, 2 * H), lambda i: (0, 0)),
            pl.BlockSpec((1, H), lambda i: (0, 0)),
            pl.BlockSpec((H, 2 * H), lambda i: (0, 0)),
            pl.BlockSpec((1, H), lambda i: (0, 0)),
            pl.BlockSpec((H, H), lambda i: (0, 0)),
            pl.BlockSpec((1, 1), lambda i: (0, 0)),
        ],
        out_specs=pl.BlockSpec((CE, YW), lambda i: (i, 0)),
        out_shape=jax.ShapeDtypeStruct((n, YW), jnp.float32),
    )(x1, rids3, xg, rt16, w_pre, b_pre, w0, b0, w1, b1)


def _tc_edges_soc(se, su, w0, b0, w1, b1):
    grid = E_SOC // CE

    def body(se_ref, su_ref, w0_ref, b0_ref, w1_ref, b1_ref, y_ref):
        su_x = su_ref[:, :H]
        w0m = w0_ref[...]
        a1 = jnp.maximum(
            se_ref[:, :H] @ w0m[:, :H].T + su_x @ w0m[:, H:].T + b0_ref[...],
            0.0)
        l = a1 @ w1_ref[...].T + b1_ref[...]
        e = jnp.exp(l)
        y_ref[...] = jnp.concatenate([su_x * e, e], axis=1)

    return pl.pallas_call(
        body,
        grid=(grid,),
        in_specs=[
            pl.BlockSpec((CE, YW), lambda i: (i, 0)),
            pl.BlockSpec((CE, YW), lambda i: (i, 0)),
            pl.BlockSpec((H, 2 * H), lambda i: (0, 0)),
            pl.BlockSpec((1, H), lambda i: (0, 0)),
            pl.BlockSpec((H, H), lambda i: (0, 0)),
            pl.BlockSpec((1, 1), lambda i: (0, 0)),
        ],
        out_specs=pl.BlockSpec((CE, YW), lambda i: (i, 0)),
        out_shape=jax.ShapeDtypeStruct((E_SOC, YW), jnp.float32),
    )(se, su, w0, b0, w1, b1)


def _sc_segsum(y_i, seg_i, y_u, seg_u, y_s, seg_s, zero_rows):
    outs = [jax.ShapeDtypeStruct((NC, B, YW), jnp.float32)] * 3

    @functools.partial(
        pl.kernel, out_type=outs, mesh=_mesh(),
        compiler_params=_SC_PARAMS,
        scratch_types=[pltpu.VMEM((GC, YW), jnp.float32),
                       pltpu.VMEM((GC, YW), jnp.float32),
                       pltpu.VMEM((GC,), jnp.int32),
                       pltpu.VMEM((GC,), jnp.int32),
                       pltpu.SemaphoreType.DMA,
                       pltpu.SemaphoreType.DMA,
                       pltpu.VMEM_SHARED((B, YW), jnp.float32),
                       pltpu.VMEM_SHARED((B, YW), jnp.float32),
                       pltpu.VMEM_SHARED((B, YW), jnp.float32)])
    def k(yi, si, yu, su_, ys, ss, z, out_i, out_u, out_s,
          y_v, y_v1, seg_v, seg_v1, ysem0, ysem1, acc_i, acc_u, acc_s):
        c = lax.axis_index("c")
        s = lax.axis_index("s")
        w = s * NC + c

        @pl.when(s == 0)
        def _zero():
            pltpu.sync_copy(z, acc_i)
            pltpu.sync_copy(z, acc_u)
            pltpu.sync_copy(z, acc_s)

        plsc.subcore_barrier()

        def task(y, seg, acc, n):
            per = n // NW
            base = pl.multiple_of(w * per, 8)

            def body(i, carry):
                o0 = pl.multiple_of(base + (2 * i) * GC, 8)
                o1 = pl.multiple_of(base + (2 * i + 1) * GC, 8)
                h0 = pltpu.async_copy(y.at[pl.ds(o0, GC)], y_v, ysem0)
                h1 = pltpu.async_copy(y.at[pl.ds(o1, GC)], y_v1, ysem1)
                pltpu.sync_copy(seg.at[pl.ds(o0, GC)], seg_v)
                pltpu.sync_copy(seg.at[pl.ds(o1, GC)], seg_v1)
                h0.wait()
                pltpu.sync_copy(y_v, acc.at[seg_v], add=True)
                h1.wait()
                pltpu.sync_copy(y_v1, acc.at[seg_v1], add=True)
                return carry

            lax.fori_loop(0, per // (2 * GC), body, 0)

        task(yi, si, acc_i, E_ITEM)
        task(yu, su_, acc_u, E_ITEM)
        task(ys, ss, acc_s, E_SOC)

        plsc.subcore_barrier()
        rows = B // NS
        sl = pl.ds(s * rows, rows)
        pltpu.sync_copy(acc_i.at[sl], out_i.at[c, sl])
        pltpu.sync_copy(acc_u.at[sl], out_u.at[c, sl])
        pltpu.sync_copy(acc_s.at[sl], out_s.at[c, sl])

    return k(y_i, seg_i, y_u, seg_u, y_s, seg_s, zero_rows)


CI = 2048


def _tc_final(agg_i, agg_u, agg_s, item_table,
              eq4_w, eq4_b, eq4i_w, eq4i_b, eq9_w, eq9_b, eq13_w, eq13_b,
              mlp_w0, mlp_b0, mlp_w1, mlp_b1, mlp_w2, mlp_b2):
    grid = pl.cdiv(item_table.shape[0], CI)

    def body(ai, au, asoc, it, e4w, e4b, e4iw, e4ib, e9w, e9b,
             e13w, e13b, m0w, m0b, m1w, m1b, m2w, m2b,
             m_ref, sc_ref, h_scr):
        pid = pl.program_id(0)

        @pl.when(pid == 0)
        def _head():
            def head(agg, wt, bt):
                a = agg[0] + agg[1]
                v = a[:, :H]
                sden = a[:, H:]
                return jnp.maximum((v / (sden + 1e-16)) @ wt[...].T + bt[...],
                                   0.0)

            hi = head(ai[...], e4w, e4b)
            zj = head(au[...], e4iw, e4ib)
            hs = head(asoc[...], e9w, e9b)
            e13 = e13w[...]
            h = jnp.maximum(hi @ e13[:, :H].T + hs @ e13[:, H:].T + e13b[...],
                            0.0)
            h_scr[...] = h
            m0 = m0w[...]
            mm = h @ m0[:, :H].T + zj @ m0[:, H:].T + m0b[...]
            mm = jnp.maximum(mm, 0.0) @ m1w[...].T + m1b[...]
            mm = jnp.maximum(mm, 0.0) @ m2w[...].T + m2b[...]
            m_ref[...] = mm[:, :1]

        sc_ref[...] = lax.dot_general(it[:, :H], h_scr[...],
                                      (((1,), (1,)), ((), ())))

    full = lambda i: (0, 0)
    full3 = lambda i: (0, 0, 0)
    return pl.pallas_call(
        body,
        grid=(grid,),
        in_specs=[
            pl.BlockSpec((NC, B, YW), full3),
            pl.BlockSpec((NC, B, YW), full3),
            pl.BlockSpec((NC, B, YW), full3),
            pl.BlockSpec((CI, YW), lambda i: (i, 0)),
            pl.BlockSpec((H, H), full),
            pl.BlockSpec((1, H), full),
            pl.BlockSpec((H, H), full),
            pl.BlockSpec((1, H), full),
            pl.BlockSpec((H, H), full),
            pl.BlockSpec((1, H), full),
            pl.BlockSpec((H, 2 * H), full),
            pl.BlockSpec((1, H), full),
            pl.BlockSpec((H, 2 * H), full),
            pl.BlockSpec((1, H), full),
            pl.BlockSpec((H, H), full),
            pl.BlockSpec((1, H), full),
            pl.BlockSpec((H, H), full),
            pl.BlockSpec((1, 1), full),
        ],
        out_specs=[
            pl.BlockSpec((B, 1), lambda i: (0, 0)),
            pl.BlockSpec((CI, B), lambda i: (i, 0)),
        ],
        out_shape=[
            jax.ShapeDtypeStruct((B, 1), jnp.float32),
            jax.ShapeDtypeStruct((item_table.shape[0], B), jnp.float32),
        ],
        scratch_shapes=[pltpu.VMEM((B, H), jnp.float32)],
    )(agg_i, agg_u, agg_s, item_table,
      eq4_w, eq4_b, eq4i_w, eq4i_b, eq9_w, eq9_b, eq13_w, eq13_b,
      mlp_w0, mlp_b0, mlp_w1, mlp_b1, mlp_w2, mlp_b2)


def kernel(user, item, rating, item4user, social, social4user,
           batch_i_users, batch_i_ratings, batch_u_item, batch_target,
           user_table, item_table, rating_table,
           gv_w, gv_b, gu_w, gu_b,
           eq5_w0, eq5_b0, eq5_w1, eq5_b1,
           eq5i_w0, eq5i_b0, eq5i_w1, eq5i_b1,
           eq4_w, eq4_b, eq4i_w, eq4i_b,
           eq10_w0, eq10_b0, eq10_w1, eq10_b1,
           eq9_w, eq9_b, eq13_w, eq13_b,
           mlp_w0, mlp_b0, mlp_w1, mlp_b1, mlp_w2, mlp_b2):
    i32 = jnp.int32
    user = user.astype(i32)
    item = item.astype(i32)
    rating = rating.astype(i32)
    item4user = item4user.astype(i32)
    social = social.astype(i32)
    social4user = social4user.astype(i32)
    batch_i_users = batch_i_users.astype(i32)
    batch_i_ratings = batch_i_ratings.astype(i32)
    batch_u_item = batch_u_item.astype(i32)
    batch_target = batch_target.astype(i32)

    it128 = _tc_pad_table(item_table)
    ut128 = _tc_pad_table(user_table)
    tgt, item_emb = _sc_gather_item(it128, batch_target, item)
    user_emb, social_emb, item_u_emb = _sc_gather_user(
        ut128, user, social, batch_i_users)
    ue_g, su, tgt_g = _sc_gather_stage2(
        user_emb, tgt, item4user, social4user, batch_u_item)

    r2 = lambda b: b.reshape(1, -1)
    rep = lambda w: jnp.broadcast_to(w, (H, H))
    rids3 = rating.reshape(E_ITEM // CE, 1, CE)
    brids3 = batch_i_ratings.reshape(E_ITEM // CE, 1, CE)
    y_i = _tc_edges_proj(item_emb, rids3, ue_g, rating_table,
                         gv_w, r2(gv_b), eq5_w0, r2(eq5_b0), rep(eq5_w1),
                         r2(eq5_b1), E_ITEM)
    y_u = _tc_edges_proj(item_u_emb, brids3, tgt_g, rating_table,
                         gu_w, r2(gu_b), eq5i_w0, r2(eq5i_b0), rep(eq5i_w1),
                         r2(eq5i_b1), E_ITEM)
    y_s = _tc_edges_soc(social_emb, su, eq10_w0, r2(eq10_b0), rep(eq10_w1),
                        r2(eq10_b1))

    zero_rows = jnp.zeros((B, YW), jnp.float32)
    agg_i, agg_u, agg_s = _sc_segsum(y_i, item4user, y_u, batch_u_item,
                                     y_s, social4user, zero_rows)

    m, scores_t = _tc_final(agg_i, agg_u, agg_s, it128,
                            eq4_w, r2(eq4_b), eq4i_w, r2(eq4i_b),
                            eq9_w, r2(eq9_b), eq13_w, r2(eq13_b),
                            mlp_w0, r2(mlp_b0), mlp_w1, r2(mlp_b1),
                            rep(mlp_w2), mlp_b2.reshape(1, 1))
    return m, scores_t.T

# --- scband reference (transcript-rebuilt; emitter-appended) ---
"""Pipeline reference for scband-model-13168369730039 (READ-ONLY COPY).

The authoritative reference and input builder live on the scoring server;
editing this copy changes nothing except your own understanding.
"""

import jax, jax.numpy as jnp
import numpy as np

H = 64
USER_NUM = 1000000
ITEM_NUM = 100000
B = 1024
E_ITEM = 51200
E_SOC = 20480

PARAM_SHAPES = {
    "user_table": (USER_NUM + 1, H),
    "item_table": (ITEM_NUM, H),
    "rating_table": (10, H),
    "gv_w": (H, 2 * H), "gv_b": (H,),
    "gu_w": (H, 2 * H), "gu_b": (H,),
    "eq5_w0": (H, 2 * H), "eq5_b0": (H,), "eq5_w1": (1, H), "eq5_b1": (1,),
    "eq5i_w0": (H, 2 * H), "eq5i_b0": (H,), "eq5i_w1": (1, H), "eq5i_b1": (1,),
    "eq4_w": (H, H), "eq4_b": (H,),
    "eq4i_w": (H, H), "eq4i_b": (H,),
    "eq10_w0": (H, 2 * H), "eq10_b0": (H,), "eq10_w1": (1, H), "eq10_b1": (1,),
    "eq9_w": (H, H), "eq9_b": (H,),
    "eq13_w": (H, 2 * H), "eq13_b": (H,),
    "mlp_w0": (H, 2 * H), "mlp_b0": (H,),
    "mlp_w1": (H, H), "mlp_b1": (H,),
    "mlp_w2": (1, H), "mlp_b2": (1,),
}
PARAM_KEYS = list(PARAM_SHAPES.keys())
INT_KEYS = ["user", "item", "rating", "item4user", "social", "social4user",
            "batch_i_users", "batch_i_ratings", "batch_u_item", "batch_target"]


def _lin(x, w, b):
    return x @ w.T + b


def _seg_softmax(x, seg, n):
    m = jax.ops.segment_max(x, seg, num_segments=n)
    e = jnp.exp(x - m[seg])
    s = jax.ops.segment_sum(e, seg, num_segments=n)
    return e / (s[seg] + 1e-16)


def _forward(p, user, item, rating, item4user, social, social4user,
             batch_i_users, batch_i_ratings, batch_u_item, batch_target):
    user_emb = p["user_table"][user]
    item_emb = p["item_table"][item]
    rating_emb = p["rating_table"][rating]
    social_emb = p["user_table"][social]
    xia = _lin(jnp.concatenate([item_emb, rating_emb], -1), p["gv_w"], p["gv_b"])
    a = _lin(jnp.concatenate([xia, user_emb[item4user]], -1), p["eq5_w0"], p["eq5_b0"])
    a = _lin(jax.nn.relu(a), p["eq5_w1"], p["eq5_b1"])
    a = _seg_softmax(a, item4user, B)
    hi = jax.nn.relu(_lin(jax.ops.segment_sum(xia * a, item4user, num_segments=B), p["eq4_w"], p["eq4_b"]))
    item_u_emb = p["user_table"][batch_i_users]
    item_i_rating = p["rating_table"][batch_i_ratings]
    fjt = _lin(jnp.concatenate([item_u_emb, item_i_rating], -1), p["gu_w"], p["gu_b"])
    tgt = p["item_table"][batch_target]
    u = _lin(jnp.concatenate([fjt, tgt[batch_u_item]], -1), p["eq5i_w0"], p["eq5i_b0"])
    u = _lin(jax.nn.relu(u), p["eq5i_w1"], p["eq5i_b1"])
    u = _seg_softmax(u, batch_u_item, B)
    zj = jax.nn.relu(_lin(jax.ops.segment_sum(fjt * u, batch_u_item, num_segments=B), p["eq4i_w"], p["eq4i_b"]))
    su = user_emb[social4user]
    bta = _lin(jnp.concatenate([social_emb, su], -1), p["eq10_w0"], p["eq10_b0"])
    bta = _lin(jax.nn.relu(bta), p["eq10_w1"], p["eq10_b1"])
    bta = _seg_softmax(bta, social4user, B)
    hs = jax.nn.relu(_lin(jax.ops.segment_sum(su * bta, social4user, num_segments=B), p["eq9_w"], p["eq9_b"]))
    h = jax.nn.relu(_lin(jnp.concatenate([hi, hs], -1), p["eq13_w"], p["eq13_b"]))
    m = _lin(jnp.concatenate([h, zj], -1), p["mlp_w0"], p["mlp_b0"])
    m = _lin(jax.nn.relu(m), p["mlp_w1"], p["mlp_b1"])
    m = _lin(jax.nn.relu(m), p["mlp_w2"], p["mlp_b2"])
    return m, h @ p["item_table"].T


def setup_inputs(seed: int = 0):
    key = jax.random.key(seed)
    inp = {}
    inp["user"] = jax.random.randint(jax.random.fold_in(key, 0), (B,), 0, USER_NUM)
    inp["item"] = jax.random.randint(jax.random.fold_in(key, 1), (E_ITEM,), 0, ITEM_NUM)
    inp["rating"] = jax.random.randint(jax.random.fold_in(key, 2), (E_ITEM,), 0, 10)
    inp["item4user"] = jnp.sort(jax.random.randint(jax.random.fold_in(key, 3), (E_ITEM,), 0, B))
    inp["social"] = jax.random.randint(jax.random.fold_in(key, 4), (E_SOC,), 0, USER_NUM)
    inp["social4user"] = jnp.sort(jax.random.randint(jax.random.fold_in(key, 5), (E_SOC,), 0, B))
    inp["batch_i_users"] = jax.random.randint(jax.random.fold_in(key, 6), (E_ITEM,), 0, USER_NUM)
    inp["batch_i_ratings"] = jax.random.randint(jax.random.fold_in(key, 7), (E_ITEM,), 0, 10)
    inp["batch_u_item"] = jnp.sort(jax.random.randint(jax.random.fold_in(key, 8), (E_ITEM,), 0, B))
    inp["batch_target"] = jax.random.randint(jax.random.fold_in(key, 9), (B,), 0, ITEM_NUM)
    for i, (k, shp) in enumerate(PARAM_SHAPES.items()):
        inp[k] = jax.random.uniform(jax.random.fold_in(key, 100 + i), shp, minval=-0.1, maxval=0.1, dtype=jnp.float32)
    return inp


def reference(user, item, rating, item4user, social, social4user,
              batch_i_users, batch_i_ratings, batch_u_item, batch_target,
              user_table, item_table, rating_table,
              gv_w, gv_b, gu_w, gu_b,
              eq5_w0, eq5_b0, eq5_w1, eq5_b1,
              eq5i_w0, eq5i_b0, eq5i_w1, eq5i_b1,
              eq4_w, eq4_b, eq4i_w, eq4i_b,
              eq10_w0, eq10_b0, eq10_w1, eq10_b1,
              eq9_w, eq9_b, eq13_w, eq13_b,
              mlp_w0, mlp_b0, mlp_w1, mlp_b1, mlp_w2, mlp_b2):
    inp = dict(locals())
    p = {k: inp[k] for k in PARAM_KEYS}
    ints = tuple(inp[k] for k in INT_KEYS)
    return _forward(p, *ints)

if __name__ == "__main__":
    import jax
    _d = setup_inputs()
    print(jax.jit(kernel)(*tuple(_d.values())))

</pallas_src>

<mosaic_0001>
#map = affine_map<(d0, d1) -> (0, 0)>
#map1 = affine_map<(d0, d1) -> (0)>
module attributes {stable_mosaic.version = 14 : i64} {
  func.func @k(%arg0: i32, %arg1: i32, %arg2: memref<100000x128xf32, #tpu.memory_space<hbm>>, %arg3: memref<1024xi32, #tpu.memory_space<hbm>>, %arg4: memref<51200xi32, #tpu.memory_space<hbm>>, %arg5: memref<1024x128xf32, #tpu.memory_space<hbm>>, %arg6: memref<51200x128xf32, #tpu.memory_space<hbm>>, %arg7: memref<1600xi32, #tpu.memory_space<vmem>>, %arg8: memref<80x128xf32, #tpu.memory_space<vmem>>, %arg9: memref<80x128xf32, #tpu.memory_space<vmem>>, %arg10: memref<80x128xf32, #tpu.memory_space<vmem>>, %arg11: memref<80x128xf32, #tpu.memory_space<vmem>>, %arg12: memref<!tpu.dma_semaphore, #tpu.memory_space<semaphore_mem>>, %arg13: memref<!tpu.dma_semaphore, #tpu.memory_space<semaphore_mem>>, %arg14: memref<!tpu.dma_semaphore, #tpu.memory_space<semaphore_mem>>, %arg15: memref<!tpu.dma_semaphore, #tpu.memory_space<semaphore_mem>>) attributes {dimension_semantics = [#tpu.dimension_semantics<core_parallel>, #tpu.dimension_semantics<subcore_parallel>], iteration_bounds = array<i64: 2, 16>, scalar_prefetch = 0 : i64, scratch_operands = 9 : i64, tpu.core_type = #tpu.core_type<sc_vector_subcore>, window_params = [{transform_indices = #map}, {transform_indices = #map1}, {transform_indices = #map1}, {transform_indices = #map}, {transform_indices = #map}]} {
    %mul3A = arith.constant 2 : i32
    %mul3A_0 = arith.muli %arg1, %mul3A : i32
    %add3A = arith.addi %mul3A_0, %arg0 : i32
    %mul3A_1 = arith.constant 32 : i32
    %mul3A_2 = arith.muli %add3A, %mul3A_1 : i32
    %multiple_of3A = tpu.assume_multiple %mul3A_2, 8 : i32
    "tpu.region"() ({
      %run_scoped3A = tpu.sem_alloc : memref<!tpu.dma_semaphore, #tpu.memory_space<semaphore_mem>>
      %dma_start3A_25 = arith.constant 0 : i32
      %dma_start3A_26 = tpu.memref_slice %arg7[%dma_start3A_25] : memref<1600xi32, #tpu.memory_space<vmem>> -> memref<32xi32, #tpu.memory_space<vmem>>
      %dma_start3A_27 = tpu.memref_slice %arg3[%multiple_of3A] : memref<1024xi32, #tpu.memory_space<hbm>> -> memref<32xi32, #tpu.memory_space<hbm>>
      %dma_start3A_28 = arith.constant 0 : i32
      %dma_start3A_29 = tpu.memref_slice %arg7[%dma_start3A_28] : memref<1600xi32, #tpu.memory_space<vmem>> -> memref<32xi32, #tpu.memory_space<vmem>>
      %dma_start3A_30 = tpu.memref_slice %arg3[%multiple_of3A] : memref<1024xi32, #tpu.memory_space<hbm>> -> memref<32xi32, #tpu.memory_space<hbm>>
      tpu.enqueue_dma source(%dma_start3A_30 : memref<32xi32, #tpu.memory_space<hbm>>) target(%dma_start3A_29 : memref<32xi32, #tpu.memory_space<vmem>>) target_semaphore(%run_scoped3A : memref<!tpu.dma_semaphore, #tpu.memory_space<semaphore_mem>>)
      %dma_wait3A_31 = arith.constant 0 : i32
      %dma_wait3A_32 = tpu.memref_slice %arg7[%dma_wait3A_31] : memref<1600xi32, #tpu.memory_space<vmem>> -> memref<32xi32, #tpu.memory_space<vmem>>
      %dma_wait3A_33 = tpu.memref_slice %arg3[%multiple_of3A] : memref<1024xi32, #tpu.memory_space<hbm>> -> memref<32xi32, #tpu.memory_space<hbm>>
      %dma_wait3A_34 = arith.constant 0 : i32
      %dma_wait3A_35 = tpu.memref_slice %arg7[%dma_wait3A_34] : memref<1600xi32, #tpu.memory_space<vmem>> -> memref<32xi32, #tpu.memory_space<vmem>>
      %dma_wait3A_36 = tpu.memref_slice %arg3[%multiple_of3A] : memref<1024xi32, #tpu.memory_space<hbm>> -> memref<32xi32, #tpu.memory_space<hbm>>
      tpu.wait_dma2 semaphore(%run_scoped3A : memref<!tpu.dma_semaphore, #tpu.memory_space<semaphore_mem>>) src(%dma_wait3A_36 : memref<32xi32, #tpu.memory_space<hbm>>) dst(%dma_wait3A_35 : memref<32xi32, #tpu.memory_space<vmem>>)
      tpu.yield
    }) : () -> ()
    %dma_start3A = arith.constant 0 : i32
    %dma_start3A_3 = arith.constant 0 : i32
    %dma_start3A_4 = tpu.memref_slice %arg8[%dma_start3A, %dma_start3A_3] : memref<80x128xf32, #tpu.memory_space<vmem>> -> memref<32x128xf32, #tpu.memory_space<vmem>>
    %dma_start3A_5 = arith.constant 0 : i32
    %dma_start3A_6 = tpu.memref_slice %arg7[%dma_start3A_5] : memref<1600xi32, #tpu.memory_space<vmem>> -> memref<32xi32, #tpu.memory_space<vmem>>
    %dma_start3A_7 = arith.constant 0 : i32
    %dma_start3A_8 = arith.constant 0 : i32
    %dma_start3A_9 = tpu.memref_slice %arg2[%dma_start3A_7, %dma_start3A_8] : memref<100000x128xf32, #tpu.memory_space<hbm>> -> memref<100000x128xf32, #tpu.memory_space<hbm>>
    tpu.enqueue_indirect_dma source(%dma_start3A_9 : memref<100000x128xf32, #tpu.memory_space<hbm>>) target(%dma_start3A_4 : memref<32x128xf32, #tpu.memory_space<vmem>>) offsets(%dma_start3A_6 : memref<32xi32, #tpu.memory_space<vmem>>) semaphore(%arg12 : memref<!tpu.dma_semaphore, #tpu.memory_space<semaphore_mem>>)
    %dma_wait3A = arith.constant 0 : i32
    %dma_wait3A_10 = arith.constant 0 : i32
    %dma_wait3A_11 = tpu.memref_slice %arg8[%dma_wait3A, %dma_wait3A_10] : memref<80x128xf32, #tpu.memory_space<vmem>> -> memref<32x128xf32, #tpu.memory_space<vmem>>
    %dma_wait3A_12 = arith.constant 0 : i32
    %dma_wait3A_13 = tpu.memref_slice %arg7[%dma_wait3A_12] : memref<1600xi32, #tpu.memory_space<vmem>> -> memref<32xi32, #tpu.memory_space<vmem>>
    %dma_wait3A_14 = arith.constant 0 : i32
    %dma_wait3A_15 = arith.constant 0 : i32
    %dma_wait3A_16 = tpu.memref_slice %arg2[%dma_wait3A_14, %dma_wait3A_15] : memref<100000x128xf32, #tpu.memory_space<hbm>> -> memref<100000x128xf32, #tpu.memory_space<hbm>>
    tpu.wait_indirect_dma semaphore(%arg12 : memref<!tpu.dma_semaphore, #tpu.memory_space<semaphore_mem>>) src(%dma_wait3A_16 : memref<100000x128xf32, #tpu.memory_space<hbm>>) dst(%dma_wait3A_11 : memref<32x128xf32, #tpu.memory_space<vmem>>)
    "tpu.region"() ({
      %run_scoped3A = tpu.sem_alloc : memref<!tpu.dma_semaphore, #tpu.memory_space<semaphore_mem>>
      %dma_start3A_25 = arith.constant 0 : i32
      %dma_start3A_26 = arith.constant 0 : i32
      %dma_start3A_27 = tpu.memref_slice %arg8[%dma_start3A_25, %dma_start3A_26] : memref<80x128xf32, #tpu.memory_space<vmem>> -> memref<32x128xf32, #tpu.memory_space<vmem>>
      %dma_start3A_28 = arith.constant 0 : i32
      %dma_start3A_29 = tpu.memref_slice %arg5[%multiple_of3A, %dma_start3A_28] : memref<1024x128xf32, #tpu.memory_space<hbm>> -> memref<32x128xf32, #tpu.memory_space<hbm>>
      %dma_start3A_30 = arith.constant 0 : i32
      %dma_start3A_31 = tpu.memref_slice %arg5[%multiple_of3A, %dma_start3A_30] : memref<1024x128xf32, #tpu.memory_space<hbm>> -> memref<32x128xf32, #tpu.memory_space<hbm>>
      %dma_start3A_32 = arith.constant 0 : i32
      %dma_start3A_33 = arith.constant 0 : i32
      %dma_start3A_34 = tpu.memref_slice %arg8[%dma_start3A_32, %dma_start3A_33] : memref<80x128xf32, #tpu.memory_space<vmem>> -> memref<32x128xf32, #tpu.memory_space<vmem>>
      tpu.enqueue_dma source(%dma_start3A_34 : memref<32x128xf32, #tpu.memory_space<vmem>>) target(%dma_start3A_31 : memref<32x128xf32, #tpu.memory_space<hbm>>) target_semaphore(%run_scoped3A : memref<!tpu.dma_semaphore, #tpu.memory_space<semaphore_mem>>)
      %dma_wait3A_35 = arith.constant 0 : i32
      %dma_wait3A_36 = arith.constant 0 : i32
      %dma_wait3A_37 = tpu.memref_slice %arg8[%dma_wait3A_35, %dma_wait3A_36] : memref<80x128xf32, #tpu.memory_space<vmem>> -> memref<32x128xf32, #tpu.memory_space<vmem>>
      %dma_wait3A_38 = arith.constant 0 : i32
      %dma_wait3A_39 = tpu.memref_slice %arg5[%multiple_of3A, %dma_wait3A_38] : memref<1024x128xf32, #tpu.memory_space<hbm>> -> memref<32x128xf32, #tpu.memory_space<hbm>>
      %dma_wait3A_40 = arith.constant 0 : i32
      %dma_wait3A_41 = tpu.memref_slice %arg5[%multiple_of3A, %dma_wait3A_40] : memref<1024x128xf32, #tpu.memory_space<hbm>> -> memref<32x128xf32, #tpu.memory_space<hbm>>
      %dma_wait3A_42 = arith.constant 0 : i32
      %dma_wait3A_43 = arith.constant 0 : i32
      %dma_wait3A_44 = tpu.memref_slice %arg8[%dma_wait3A_42, %dma_wait3A_43] : memref<80x128xf32, #tpu.memory_space<vmem>> -> memref<32x128xf32, #tpu.memory_space<vmem>>
      tpu.wait_dma2 semaphore(%run_scoped3A : memref<!tpu.dma_semaphore, #tpu.memory_space<semaphore_mem>>) src(%dma_wait3A_44 : memref<32x128xf32, #tpu.memory_space<vmem>>) dst(%dma_wait3A_41 : memref<32x128xf32, #tpu.memory_space<hbm>>)
      tpu.yield
    }) : () -> ()
    %mul3A_17 = arith.constant 1600 : i32
    %mul3A_18 = arith.muli %add3A, %mul3A_17 : i32
    %multiple_of3A_19 = tpu.assume_multiple %mul3A_18, 8 : i32
    "tpu.region"() ({
      %run_scoped3A = tpu.sem_alloc : memref<!tpu.dma_semaphore, #tpu.memory_space<semaphore_mem>>
      %dma_start3A_25 = arith.constant 0 : i32
      %dma_start3A_26 = tpu.memref_slice %arg7[%dma_start3A_25] : memref<1600xi32, #tpu.memory_space<vmem>> -> memref<1600xi32, #tpu.memory_space<vmem>>
      %dma_start3A_27 = tpu.memref_slice %arg4[%multiple_of3A_19] : memref<51200xi32, #tpu.memory_space<hbm>> -> memref<1600xi32, #tpu.memory_space<hbm>>
      %dma_start3A_28 = arith.constant 0 : i32
      %dma_start3A_29 = tpu.memref_slice %arg7[%dma_start3A_28] : memref<1600xi32, #tpu.memory_space<vmem>> -> memref<1600xi32, #tpu.memory_space<vmem>>
      %dma_start3A_30 = tpu.memref_slice %arg4[%multiple_of3A_19] : memref<51200xi32, #tpu.memory_space<hbm>> -> memref<1600xi32, #tpu.memory_space<hbm>>
      tpu.enqueue_dma source(%dma_start3A_30 : memref<1600xi32, #tpu.memory_space<hbm>>) target(%dma_start3A_29 : memref<1600xi32, #tpu.memory_space<vmem>>) target_semaphore(%run_scoped3A : memref<!tpu.dma_semaphore, #tpu.memory_space<semaphore_mem>>)
      %dma_wait3A_31 = arith.constant 0 : i32
      %dma_wait3A_32 = tpu.memref_slice %arg7[%dma_wait3A_31] : memref<1600xi32, #tpu.memory_space<vmem>> -> memref<1600xi32, #tpu.memory_space<vmem>>
      %dma_wait3A_33 = tpu.memref_slice %arg4[%multiple_of3A_19] : memref<51200xi32, #tpu.memory_space<hbm>> -> memref<1600xi32, #tpu.memory_space<hbm>>
      %dma_wait3A_34 = arith.constant 0 : i32
      %dma_wait3A_35 = tpu.memref_slice %arg7[%dma_wait3A_34] : memref<1600xi32, #tpu.memory_space<vmem>> -> memref<1600xi32, #tpu.memory_space<vmem>>
      %dma_wait3A_36 = tpu.memref_slice %arg4[%multiple_of3A_19] : memref<51200xi32, #tpu.memory_space<hbm>> -> memref<1600xi32, #tpu.memory_space<hbm>>
      tpu.wait_dma2 semaphore(%run_scoped3A : memref<!tpu.dma_semaphore, #tpu.memory_space<semaphore_mem>>) src(%dma_wait3A_36 : memref<1600xi32, #tpu.memory_space<hbm>>) dst(%dma_wait3A_35 : memref<1600xi32, #tpu.memory_space<vmem>>)
      tpu.yield
    }) : () -> ()
    %scan3A = arith.constant 0 : i32
    %scan3A_20 = arith.constant 0 : i32
    %scan3A_21 = arith.constant 5 : i32
    %scan3A_22 = arith.addi %scan3A_20, %scan3A_21 : i32
    %scan3A_23 = arith.constant 1 : i32
    scf.for %scan3A_25 = %scan3A_20 to %scan3A_22 step %scan3A_23  : i32 {
      %mul3A_26 = arith.constant 4 : i32
      %mul3A_27 = arith.muli %scan3A_25, %mul3A_26 : i32
      %add3A_28 = arith.constant 0 : i32
      %add3A_29 = arith.addi %mul3A_27, %add3A_28 : i32
      %mul3A_30 = arith.constant 80 : i32
      %mul3A_31 = arith.muli %add3A_29, %mul3A_30 : i32
      %dma_start3A_32 = tpu.memref_slice %arg7[%mul3A_31] : memref<1600xi32, #tpu.memory_space<vmem>> -> memref<80xi32, #tpu.memory_space<vmem>>
      %dma_start3A_33 = arith.constant 0 : i32
      %dma_start3A_34 = arith.constant 0 : i32
      %dma_start3A_35 = tpu.memref_slice %arg2[%dma_start3A_33, %dma_start3A_34] : memref<100000x128xf32, #tpu.memory_space<hbm>> -> memref<100000x128xf32, #tpu.memory_space<hbm>>
      tpu.enqueue_indirect_dma source(%dma_start3A_35 : memref<100000x128xf32, #tpu.memory_space<hbm>>) target(%arg8 : memref<80x128xf32, #tpu.memory_space<vmem>>) offsets(%dma_start3A_32 : memref<80xi32, #tpu.memory_space<vmem>>) semaphore(%arg12 : memref<!tpu.dma_semaphore, #tpu.memory_space<semaphore_mem>>)
      %add3A_36 = arith.constant 1 : i32
      %add3A_37 = arith.addi %mul3A_27, %add3A_36 : i32
      %mul3A_38 = arith.constant 80 : i32
      %mul3A_39 = arith.muli %add3A_37, %mul3A_38 : i32
      %dma_start3A_40 = tpu.memref_slice %arg7[%mul3A_39] : memref<1600xi32, #tpu.memory_space<vmem>> -> memref<80xi32, #tpu.memory_space<vmem>>
      %dma_start3A_41 = arith.constant 0 : i32
      %dma_start3A_42 = arith.constant 0 : i32
      %dma_start3A_43 = tpu.memref_slice %arg2[%dma_start3A_41, %dma_start3A_42] : memref<100000x128xf32, #tpu.memory_space<hbm>> -> memref<100000x128xf32, #tpu.memory_space<hbm>>
      tpu.enqueue_indirect_dma source(%dma_start3A_43 : memref<100000x128xf32, #tpu.memory_space<hbm>>) target(%arg9 : memref<80x128xf32, #tpu.memory_space<vmem>>) offsets(%dma_start3A_40 : memref<80xi32, #tpu.memory_space<vmem>>) semaphore(%arg13 : memref<!tpu.dma_semaphore, #tpu.memory_space<semaphore_mem>>)
      %add3A_44 = arith.constant 2 : i32
      %add3A_45 = arith.addi %mul3A_27, %add3A_44 : i32
      %mul3A_46 = arith.constant 80 : i32
      %mul3A_47 = arith.muli %add3A_45, %mul3A_46 : i32
      %dma_start3A_48 = tpu.memref_slice %arg7[%mul3A_47] : memref<1600xi32, #tpu.memory_space<vmem>> -> memref<80xi32, #tpu.memory_space<vmem>>
      %dma_start3A_49 = arith.constant 0 : i32
      %dma_start3A_50 = arith.constant 0 : i32
      %dma_start3A_51 = tpu.memref_slice %arg2[%dma_start3A_49, %dma_start3A_50] : memref<100000x128xf32, #tpu.memory_space<hbm>> -> memref<100000x128xf32, #tpu.memory_space<hbm>>
      tpu.enqueue_indirect_dma source(%dma_start3A_51 : memref<100000x128xf32, #tpu.memory_space<hbm>>) target(%arg10 : memref<80x128xf32, #tpu.memory_space<vmem>>) offsets(%dma_start3A_48 : memref<80xi32, #tpu.memory_space<vmem>>) semaphore(%arg14 : memref<!tpu.dma_semaphore, #tpu.memory_space<semaphore_mem>>)
      %add3A_52 = arith.constant 3 : i32
      %add3A_53 = arith.addi %mul3A_27, %add3A_52 : i32
      %mul3A_54 = arith.constant 80 : i32
      %mul3A_55 = arith.muli %add3A_53, %mul3A_54 : i32
      %dma_start3A_56 = tpu.memref_slice %arg7[%mul3A_55] : memref<1600xi32, #tpu.memory_space<vmem>> -> memref<80xi32, #tpu.memory_space<vmem>>
      %dma_start3A_57 = arith.constant 0 : i32
      %dma_start3A_58 = arith.constant 0 : i32
      %dma_start3A_59 = tpu.memref_slice %arg2[%dma_start3A_57, %dma_start3A_58] : memref<100000x128xf32, #tpu.memory_space<hbm>> -> memref<100000x128xf32, #tpu.memory_space<hbm>>
      tpu.enqueue_indirect_dma source(%dma_start3A_59 : memref<100000x128xf32, #tpu.memory_space<hbm>>) target(%arg11 : memref<80x128xf32, #tpu.memory_space<vmem>>) offsets(%dma_start3A_56 : memref<80xi32, #tpu.memory_space<vmem>>) semaphore(%arg15 : memref<!tpu.dma_semaphore, #tpu.memory_space<semaphore_mem>>)
      %dma_wait3A_60 = tpu.memref_slice %arg7[%mul3A_31] : memref<1600xi32, #tpu.memory_space<vmem>> -> memref<80xi32, #tpu.memory_space<vmem>>
      %dma_wait3A_61 = arith.constant 0 : i32
      %dma_wait3A_62 = arith.constant 0 : i32
      %dma_wait3A_63 = tpu.memref_slice %arg2[%dma_wait3A_61, %dma_wait3A_62] : memref<100000x128xf32, #tpu.memory_space<hbm>> -> memref<100000x128xf32, #tpu.memory_space<hbm>>
      tpu.wait_indirect_dma semaphore(%arg12 : memref<!tpu.dma_semaphore, #tpu.memory_space<semaphore_mem>>) src(%dma_wait3A_63 : memref<100000x128xf32, #tpu.memory_space<hbm>>) dst(%arg8 : memref<80x128xf32, #tpu.memory_space<vmem>>)
      %add3A_64 = arith.constant 0 : i32
      %add3A_65 = arith.addi %mul3A_27, %add3A_64 : i32
      %mul3A_66 = arith.constant 80 : i32
      %mul3A_67 = arith.muli %add3A_65, %mul3A_66 : i32
      %add3A_68 = arith.addi %multiple_of3A_19, %mul3A_67 : i32
      "tpu.region"() ({
        %run_scoped3A = tpu.sem_alloc : memref<!tpu.dma_semaphore, #tpu.memory_space<semaphore_mem>>
        %dma_start3A_96 = arith.constant 0 : i32
        %dma_start3A_97 = tpu.memref_slice %arg6[%add3A_68, %dma_start3A_96] : memref<51200x128xf32, #tpu.memory_space<hbm>> -> memref<80x128xf32, #tpu.memory_space<hbm>>
        %dma_start3A_98 = arith.constant 0 : i32
        %dma_start3A_99 = tpu.memref_slice %arg6[%add3A_68, %dma_start3A_98] : memref<51200x128xf32, #tpu.memory_space<hbm>> -> memref<80x128xf32, #tpu.memory_space<hbm>>
        tpu.enqueue_dma source(%arg8 : memref<80x128xf32, #tpu.memory_space<vmem>>) target(%dma_start3A_99 : memref<80x128xf32, #tpu.memory_space<hbm>>) target_semaphore(%run_scoped3A : memref<!tpu.dma_semaphore, #tpu.memory_space<semaphore_mem>>)
        %dma_wait3A_100 = arith.constant 0 : i32
        %dma_wait3A_101 = tpu.memref_slice %arg6[%add3A_68, %dma_wait3A_100] : memref<51200x128xf32, #tpu.memory_space<hbm>> -> memref<80x128xf32, #tpu.memory_space<hbm>>
        %dma_wait3A_102 = arith.constant 0 : i32
        %dma_wait3A_103 = tpu.memref_slice %arg6[%add3A_68, %dma_wait3A_102] : memref<51200x128xf32, #tpu.memory_space<hbm>> -> memref<80x128xf32, #tpu.memory_space<hbm>>
        tpu.wait_dma2 semaphore(%run_scoped3A : memref<!tpu.dma_semaphore, #tpu.memory_space<semaphore_mem>>) src(%arg8 : memref<80x128xf32, #tpu.memory_space<vmem>>) dst(%dma_wait3A_103 : memref<80x128xf32, #tpu.memory_space<hbm>>)
        tpu.yield
      }) : () -> ()
      %dma_wait3A_69 = tpu.memref_slice %arg7[%mul3A_39] : memref<1600xi32, #tpu.memory_space<vmem>> -> memref<80xi32, #tpu.memory_space<vmem>>
      %dma_wait3A_70 = arith.constant 0 : i32
      %dma_wait3A_71 = arith.constant 0 : i32
      %dma_wait3A_72 = tpu.memref_slice %arg2[%dma_wait3A_70, %dma_wait3A_71] : memref<100000x128xf32, #tpu.memory_space<hbm>> -> memref<100000x128xf32, #tpu.memory_space<hbm>>
      tpu.wait_indirect_dma semaphore(%arg13 : memref<!tpu.dma_semaphore, #tpu.memory_space<semaphore_mem>>) src(%dma_wait3A_72 : memref<100000x128xf32, #tpu.memory_space<hbm>>) dst(%arg9 : memref<80x128xf32, #tpu.memory_space<vmem>>)
      %add3A_73 = arith.constant 1 : i32
      %add3A_74 = arith.addi %mul3A_27, %add3A_73 : i32
      %mul3A_75 = arith.constant 80 : i32
      %mul3A_76 = arith.muli %add3A_74, %mul3A_75 : i32
      %add3A_77 = arith.addi %multiple_of3A_19, %mul3A_76 : i32
      "tpu.region"() ({
        %run_scoped3A = tpu.sem_alloc : memref<!tpu.dma_semaphore, #tpu.memory_space<semaphore_mem>>
        %dma_start3A_96 = arith.constant 0 : i32
        %dma_start3A_97 = tpu.memref_slice %arg6[%add3A_77, %dma_start3A_96] : memref<51200x128xf32, #tpu.memory_space<hbm>> -> memref<80x128xf32, #tpu.memory_space<hbm>>
        %dma_start3A_98 = arith.constant 0 : i32
        %dma_start3A_99 = tpu.memref_slice %arg6[%add3A_77, %dma_start3A_98] : memref<51200x128xf32, #tpu.memory_space<hbm>> -> memref<80x128xf32, #tpu.memory_space<hbm>>
        tpu.enqueue_dma source(%arg9 : memref<80x128xf32, #tpu.memory_space<vmem>>) target(%dma_start3A_99 : memref<80x128xf32, #tpu.memory_space<hbm>>) target_semaphore(%run_scoped3A : memref<!tpu.dma_semaphore, #tpu.memory_space<semaphore_mem>>)
        %dma_wait3A_100 = arith.constant 0 : i32
        %dma_wait3A_101 = tpu.memref_slice %arg6[%add3A_77, %dma_wait3A_100] : memref<51200x128xf32, #tpu.memory_space<hbm>> -> memref<80x128xf32, #tpu.memory_space<hbm>>
        %dma_wait3A_102 = arith.constant 0 : i32
        %dma_wait3A_103 = tpu.memref_slice %arg6[%add3A_77, %dma_wait3A_102] : memref<51200x128xf32, #tpu.memory_space<hbm>> -> memref<80x128xf32, #tpu.memory_space<hbm>>
        tpu.wait_dma2 semaphore(%run_scoped3A : memref<!tpu.dma_semaphore, #tpu.memory_space<semaphore_mem>>) src(%arg9 : memref<80x128xf32, #tpu.memory_space<vmem>>) dst(%dma_wait3A_103 : memref<80x128xf32, #tpu.memory_space<hbm>>)
        tpu.yield
      }) : () -> ()
      %dma_wait3A_78 = tpu.memref_slice %arg7[%mul3A_47] : memref<1600xi32, #tpu.memory_space<vmem>> -> memref<80xi32, #tpu.memory_space<vmem>>
      %dma_wait3A_79 = arith.constant 0 : i32
      %dma_wait3A_80 = arith.constant 0 : i32
      %dma_wait3A_81 = tpu.memref_slice %arg2[%dma_wait3A_79, %dma_wait3A_80] : memref<100000x128xf32, #tpu.memory_space<hbm>> -> memref<100000x128xf32, #tpu.memory_space<hbm>>
      tpu.wait_indirect_dma semaphore(%arg14 : memref<!tpu.dma_semaphore, #tpu.memory_space<semaphore_mem>>) src(%dma_wait3A_81 : memref<100000x128xf32, #tpu.memory_space<hbm>>) dst(%arg10 : memref<80x128xf32, #tpu.memory_space<vmem>>)
      %add3A_82 = arith.constant 2 : i32
      %add3A_83 = arith.addi %mul3A_27, %add3A_82 : i32
      %mul3A_84 = arith.constant 80 : i32
      %mul3A_85 = arith.muli %add3A_83, %mul3A_84 : i32
      %add3A_86 = arith.addi %multiple_of3A_19, %mul3A_85 : i32
      "tpu.region"() ({
        %run_scoped3A = tpu.sem_alloc : memref<!tpu.dma_semaphore, #tpu.memory_space<semaphore_mem>>
        %dma_start3A_96 = arith.constant 0 : i32
        %dma_start3A_97 = tpu.memref_slice %arg6[%add3A_86, %dma_start3A_96] : memref<51200x128xf32, #tpu.memory_space<hbm>> -> memref<80x128xf32, #tpu.memory_space<hbm>>
        %dma_start3A_98 = arith.constant 0 : i32
        %dma_start3A_99 = tpu.memref_slice %arg6[%add3A_86, %dma_start3A_98] : memref<51200x128xf32, #tpu.memory_space<hbm>> -> memref<80x128xf32, #tpu.memory_space<hbm>>
        tpu.enqueue_dma source(%arg10 : memref<80x128xf32, #tpu.memory_space<vmem>>) target(%dma_start3A_99 : memref<80x128xf32, #tpu.memory_space<hbm>>) target_semaphore(%run_scoped3A : memref<!tpu.dma_semaphore, #tpu.memory_space<semaphore_mem>>)
        %dma_wait3A_100 = arith.constant 0 : i32
        %dma_wait3A_101 = tpu.memref_slice %arg6[%add3A_86, %dma_wait3A_100] : memref<51200x128xf32, #tpu.memory_space<hbm>> -> memref<80x128xf32, #tpu.memory_space<hbm>>
        %dma_wait3A_102 = arith.constant 0 : i32
        %dma_wait3A_103 = tpu.memref_slice %arg6[%add3A_86, %dma_wait3A_102] : memref<51200x128xf32, #tpu.memory_space<hbm>> -> memref<80x128xf32, #tpu.memory_space<hbm>>
        tpu.wait_dma2 semaphore(%run_scoped3A : memref<!tpu.dma_semaphore, #tpu.memory_space<semaphore_mem>>) src(%arg10 : memref<80x128xf32, #tpu.memory_space<vmem>>) dst(%dma_wait3A_103 : memref<80x128xf32, #tpu.memory_space<hbm>>)
        tpu.yield
      }) : () -> ()
      %dma_wait3A_87 = tpu.memref_slice %arg7[%mul3A_55] : memref<1600xi32, #tpu.memory_space<vmem>> -> memref<80xi32, #tpu.memory_space<vmem>>
      %dma_wait3A_88 = arith.constant 0 : i32
      %dma_wait3A_89 = arith.constant 0 : i32
      %dma_wait3A_90 = tpu.memref_slice %arg2[%dma_wait3A_88, %dma_wait3A_89] : memref<100000x128xf32, #tpu.memory_space<hbm>> -> memref<100000x128xf32, #tpu.memory_space<hbm>>
      tpu.wait_indirect_dma semaphore(%arg15 : memref<!tpu.dma_semaphore, #tpu.memory_space<semaphore_mem>>) src(%dma_wait3A_90 : memref<100000x128xf32, #tpu.memory_space<hbm>>) dst(%arg11 : memref<80x128xf32, #tpu.memory_space<vmem>>)
      %add3A_91 = arith.constant 3 : i32
      %add3A_92 = arith.addi %mul3A_27, %add3A_91 : i32
      %mul3A_93 = arith.constant 80 : i32
      %mul3A_94 = arith.muli %add3A_92, %mul3A_93 : i32
      %add3A_95 = arith.addi %multiple_of3A_19, %mul3A_94 : i32
      "tpu.region"() ({
        %run_scoped3A = tpu.sem_alloc : memref<!tpu.dma_semaphore, #tpu.memory_space<semaphore_mem>>
        %dma_start3A_96 = arith.constant 0 : i32
        %dma_start3A_97 = tpu.memref_slice %arg6[%add3A_95, %dma_start3A_96] : memref<51200x128xf32, #tpu.memory_space<hbm>> -> memref<80x128xf32, #tpu.memory_space<hbm>>
        %dma_start3A_98 = arith.constant 0 : i32
        %dma_start3A_99 = tpu.memref_slice %arg6[%add3A_95, %dma_start3A_98] : memref<51200x128xf32, #tpu.memory_space<hbm>> -> memref<80x128xf32, #tpu.memory_space<hbm>>
        tpu.enqueue_dma source(%arg11 : memref<80x128xf32, #tpu.memory_space<vmem>>) target(%dma_start3A_99 : memref<80x128xf32, #tpu.memory_space<hbm>>) target_semaphore(%run_scoped3A : memref<!tpu.dma_semaphore, #tpu.memory_space<semaphore_mem>>)
        %dma_wait3A_100 = arith.constant 0 : i32
        %dma_wait3A_101 = tpu.memref_slice %arg6[%add3A_95, %dma_wait3A_100] : memref<51200x128xf32, #tpu.memory_space<hbm>> -> memref<80x128xf32, #tpu.memory_space<hbm>>
        %dma_wait3A_102 = arith.constant 0 : i32
        %dma_wait3A_103 = tpu.memref_slice %arg6[%add3A_95, %dma_wait3A_102] : memref<51200x128xf32, #tpu.memory_space<hbm>> -> memref<80x128xf32, #tpu.memory_space<hbm>>
        tpu.wait_dma2 semaphore(%run_scoped3A : memref<!tpu.dma_semaphore, #tpu.memory_space<semaphore_mem>>) src(%arg11 : memref<80x128xf32, #tpu.memory_space<vmem>>) dst(%dma_wait3A_103 : memref<80x128xf32, #tpu.memory_space<hbm>>)
        tpu.yield
      }) : () -> ()
    }
    %scan3A_24 = arith.constant 5 : i32
    return
  }
}

#map = affine_map<(d0, d1) -> (0, 0)>
#map1 = affine_map<(d0, d1) -> (0)>
module attributes {stable_mosaic.version = 14 : i64} {
  func.func @k(%arg0: i32, %arg1: i32, %arg2: memref<1000001x128xf32, #tpu.memory_space<hbm>>, %arg3: memref<1024xi32, #tpu.memory_space<hbm>>, %arg4: memref<20480xi32, #tpu.memory_space<hbm>>, %arg5: memref<51200xi32, #tpu.memory_space<hbm>>, %arg6: memref<1024x128xf32, #tpu.memory_space<hbm>>, %arg7: memref<20480x128xf32, #tpu.memory_space<hbm>>, %arg8: memref<51200x128xf32, #tpu.memory_space<hbm>>, %arg9: memref<1600xi32, #tpu.memory_space<vmem>>, %arg10: memref<80x128xf32, #tpu.memory_space<vmem>>, %arg11: memref<80x128xf32, #tpu.memory_space<vmem>>, %arg12: memref<80x128xf32, #tpu.memory_space<vmem>>, %arg13: memref<80x128xf32, #tpu.memory_space<vmem>>, %arg14: memref<!tpu.dma_semaphore, #tpu.memory_space<semaphore_mem>>, %arg15: memref<!tpu.dma_semaphore, #tpu.memory_space<semaphore_mem>>, %arg16: memref<!tpu.dma_semaphore, #tpu.memory_space<semaphore_mem>>, %arg17: memref<!tpu.dma_semaphore, #tpu.memory_space<semaphore_mem>>) attributes {dimension_semantics = [#tpu.dimension_semantics<core_parallel>, #tpu.dimension_semantics<subcore_parallel>], iteration_bounds = array<i64: 2, 16>, scalar_prefetch = 0 : i64, scratch_operands = 9 : i64, tpu.core_type = #tpu.core_type<sc_vector_subcore>, window_params = [{transform_indices = #map}, {transform_indices = #map1}, {transform_indices = #map1}, {transform_indices = #map1}, {transform_indices = #map}, {transform_indices = #map}, {transform_indices = #map}]} {
    %mul3A = arith.constant 2 : i32
    %mul3A_0 = arith.muli %arg1, %mul3A : i32
    %add3A = arith.addi %mul3A_0, %arg0 : i32
    %mul3A_1 = arith.constant 32 : i32
    %mul3A_2 = arith.muli %add3A, %mul3A_1 : i32
    %multiple_of3A = tpu.assume_multiple %mul3A_2, 8 : i32
    "tpu.region"() ({
      %run_scoped3A = tpu.sem_alloc : memref<!tpu.dma_semaphore, #tpu.memory_space<semaphore_mem>>
      %dma_start3A_34 = arith.constant 0 : i32
      %dma_start3A_35 = tpu.memref_slice %arg9[%dma_start3A_34] : memref<1600xi32, #tpu.memory_space<vmem>> -> memref<32xi32, #tpu.memory_space<vmem>>
      %dma_start3A_36 = tpu.memref_slice %arg3[%multiple_of3A] : memref<1024xi32, #tpu.memory_space<hbm>> -> memref<32xi32, #tpu.memory_space<hbm>>
      %dma_start3A_37 = arith.constant 0 : i32
      %dma_start3A_38 = tpu.memref_slice %arg9[%dma_start3A_37] : memref<1600xi32, #tpu.memory_space<vmem>> -> memref<32xi32, #tpu.memory_space<vmem>>
      %dma_start3A_39 = tpu.memref_slice %arg3[%multiple_of3A] : memref<1024xi32, #tpu.memory_space<hbm>> -> memref<32xi32, #tpu.memory_space<hbm>>
      tpu.enqueue_dma source(%dma_start3A_39 : memref<32xi32, #tpu.memory_space<hbm>>) target(%dma_start3A_38 : memref<32xi32, #tpu.memory_space<vmem>>) target_semaphore(%run_scoped3A : memref<!tpu.dma_semaphore, #tpu.memory_space<semaphore_mem>>)
      %dma_wait3A_40 = arith.constant 0 : i32
      %dma_wait3A_41 = tpu.memref_slice %arg9[%dma_wait3A_40] : memref<1600xi32, #tpu.memory_space<vmem>> -> memref<32xi32, #tpu.memory_space<vmem>>
      %dma_wait3A_42 = tpu.memref_slice %arg3[%multiple_of3A] : memref<1024xi32, #tpu.memory_space<hbm>> -> memref<32xi32, #tpu.memory_space<hbm>>
      %dma_wait3A_43 = arith.constant 0 : i32
      %dma_wait3A_44 = tpu.memref_slice %arg9[%dma_wait3A_43] : memref<1600xi32, #tpu.memory_space<vmem>> -> memref<32xi32, #tpu.memory_space<vmem>>
      %dma_wait3A_45 = tpu.memref_slice %arg3[%multiple_of3A] : memref<1024xi32, #tpu.memory_space<hbm>> -> memref<32xi32, #tpu.memory_space<hbm>>
      tpu.wait_dma2 semaphore(%run_scoped3A : memref<!tpu.dma_semaphore, #tpu.memory_space<semaphore_mem>>) src(%dma_wait3A_45 : memref<32xi32, #tpu.memory_space<hbm>>) dst(%dma_wait3A_44 : memref<32xi32, #tpu.memory_space<vmem>>)
      tpu.yield
    }) : () -> ()
    %dma_start3A = arith.constant 0 : i32
    %dma_start3A_3 = arith.constant 0 : i32
    %dma_start3A_4 = tpu.memref_slice %arg10[%dma_start3A, %dma_start3A_3] : memref<80x128xf32, #tpu.memory_space<vmem>> -> memref<32x128xf32, #tpu.memory_space<vmem>>
    %dma_start3A_5 = arith.constant 0 : i32
    %dma_start3A_6 = tpu.memref_slice %arg9[%dma_start3A_5] : memref<1600xi32, #tpu.memory_space<vmem>> -> memref<32xi32, #tpu.memory_space<vmem>>
    %dma_start3A_7 = arith.constant 0 : i32
    %dma_start3A_8 = arith.constant 0 : i32
    %dma_start3A_9 = tpu.memref_slice %arg2[%dma_start3A_7, %dma_start3A_8] : memref<1000001x128xf32, #tpu.memory_space<hbm>> -> memref<1000001x128xf32, #tpu.memory_space<hbm>>
    tpu.enqueue_indirect_dma source(%dma_start3A_9 : memref<1000001x128xf32, #tpu.memory_space<hbm>>) target(%dma_start3A_4 : memref<32x128xf32, #tpu.memory_space<vmem>>) offsets(%dma_start3A_6 : memref<32xi32, #tpu.memory_space<vmem>>) semaphore(%arg14 : memref<!tpu.dma_semaphore, #tpu.memory_space<semaphore_mem>>)
    %dma_wait3A = arith.constant 0 : i32
    %dma_wait3A_10 = arith.constant 0 : i32
    %dma_wait3A_11 = tpu.memref_slice %arg10[%dma_wait3A, %dma_wait3A_10] : memref<80x128xf32, #tpu.memory_space<vmem>> -> memref<32x128xf32, #tpu.memory_space<vmem>>
    %dma_wait3A_12 = arith.constant 0 : i32
    %dma_wait3A_13 = tpu.memref_slice %arg9[%dma_wait3A_12] : memref<1600xi32, #tpu.memory_space<vmem>> -> memref<32xi32, #tpu.memory_space<vmem>>
    %dma_wait3A_14 = arith.constant 0 : i32
    %dma_wait3A_15 = arith.constant 0 : i32
    %dma_wait3A_16 = tpu.memref_slice %arg2[%dma_wait3A_14, %dma_wait3A_15] : memref<1000001x128xf32, #tpu.memory_space<hbm>> -> memref<1000001x128xf32, #tpu.memory_space<hbm>>
    tpu.wait_indirect_dma semaphore(%arg14 : memref<!tpu.dma_semaphore, #tpu.memory_space<semaphore_mem>>) src(%dma_wait3A_16 : memref<1000001x128xf32, #tpu.memory_space<hbm>>) dst(%dma_wait3A_11 : memref<32x128xf32, #tpu.memory_space<vmem>>)
    "tpu.region"() ({
      %run_scoped3A = tpu.sem_alloc : memref<!tpu.dma_semaphore, #tpu.memory_space<semaphore_mem>>
      %dma_start3A_34 = arith.constant 0 : i32
      %dma_start3A_35 = arith.constant 0 : i32
      %dma_start3A_36 = tpu.memref_slice %arg10[%dma_start3A_34, %dma_start3A_35] : memref<80x128xf32, #tpu.memory_space<vmem>> -> memref<32x128xf32, #tpu.memory_space<vmem>>
      %dma_start3A_37 = arith.constant 0 : i32
      %dma_start3A_38 = tpu.memref_slice %arg6[%multiple_of3A, %dma_start3A_37] : memref<1024x128xf32, #tpu.memory_space<hbm>> -> memref<32x128xf32, #tpu.memory_space<hbm>>
      %dma_start3A_39 = arith.constant 0 : i32
      %dma_start3A_40 = tpu.memref_slice %arg6[%multiple_of3A, %dma_start3A_39] : memref<1024x128xf32, #tpu.memory_space<hbm>> -> memref<32x128xf32, #tpu.memory_space<hbm>>
      %dma_start3A_41 = arith.constant 0 : i32
      %dma_start3A_42 = arith.constant 0 : i32
      %dma_start3A_43 = tpu.memref_slice %arg10[%dma_start3A_41, %dma_start3A_42] : memref<80x128xf32, #tpu.memory_space<vmem>> -> memref<32x128xf32, #tpu.memory_space<vmem>>
      tpu.enqueue_dma source(%dma_start3A_43 : memref<32x128xf32, #tpu.memory_space<vmem>>) target(%dma_start3A_40 : memref<32x128xf32, #tpu.memory_space<hbm>>) target_semaphore(%run_scoped3A : memref<!tpu.dma_semaphore, #tpu.memory_space<semaphore_mem>>)
      %dma_wait3A_44 = arith.constant 0 : i32
      %dma_wait3A_45 = arith.constant 0 : i32
      %dma_wait3A_46 = tpu.memref_slice %arg10[%dma_wait3A_44, %dma_wait3A_45] : memref<80x128xf32, #tpu.memory_space<vmem>> -> memref<32x128xf32, #tpu.memory_space<vmem>>
      %dma_wait3A_47 = arith.constant 0 : i32
      %dma_wait3A_48 = tpu.memref_slice %arg6[%multiple_of3A, %dma_wait3A_47] : memref<1024x128xf32, #tpu.memory_space<hbm>> -> memref<32x128xf32, #tpu.memory_space<hbm>>
      %dma_wait3A_49 = arith.constant 0 : i32
      %dma_wait3A_50 = tpu.memref_slice %arg6[%multiple_of3A, %dma_wait3A_49] : memref<1024x128xf32, #tpu.memory_space<hbm>> -> memref<32x128xf32, #tpu.memory_space<hbm>>
      %dma_wait3A_51 = arith.constant 0 : i32
      %dma_wait3A_52 = arith.constant 0 : i32
      %dma_wait3A_53 = tpu.memref_slice %arg10[%dma_wait3A_51, %dma_wait3A_52] : memref<80x128xf32, #tpu.memory_space<vmem>> -> memref<32x128xf32, #tpu.memory_space<vmem>>
      tpu.wait_dma2 semaphore(%run_scoped3A : memref<!tpu.dma_semaphore, #tpu.memory_space<semaphore_mem>>) src(%dma_wait3A_53 : memref<32x128xf32, #tpu.memory_space<vmem>>) dst(%dma_wait3A_50 : memref<32x128xf32, #tpu.memory_space<hbm>>)
      tpu.yield
    }) : () -> ()
    %mul3A_17 = arith.constant 640 : i32
    %mul3A_18 = arith.muli %add3A, %mul3A_17 : i32
    %multiple_of3A_19 = tpu.assume_multiple %mul3A_18, 8 : i32
    "tpu.region"() ({
      %run_scoped3A = tpu.sem_alloc : memref<!tpu.dma_semaphore, #tpu.memory_space<semaphore_mem>>
      %dma_start3A_34 = arith.constant 0 : i32
      %dma_start3A_35 = tpu.memref_slice %arg9[%dma_start3A_34] : memref<1600xi32, #tpu.memory_space<vmem>> -> memref<640xi32, #tpu.memory_space<vmem>>
      %dma_start3A_36 = tpu.memref_slice %arg4[%multiple_of3A_19] : memref<20480xi32, #tpu.memory_space<hbm>> -> memref<640xi32, #tpu.memory_space<hbm>>
      %dma_start3A_37 = arith.constant 0 : i32
      %dma_start3A_38 = tpu.memref_slice %arg9[%dma_start3A_37] : memref<1600xi32, #tpu.memory_space<vmem>> -> memref<640xi32, #tpu.memory_space<vmem>>
      %dma_start3A_39 = tpu.memref_slice %arg4[%multiple_of3A_19] : memref<20480xi32, #tpu.memory_space<hbm>> -> memref<640xi32, #tpu.memory_space<hbm>>
      tpu.enqueue_dma source(%dma_start3A_39 : memref<640xi32, #tpu.memory_space<hbm>>) target(%dma_start3A_38 : memref<640xi32, #tpu.memory_space<vmem>>) target_semaphore(%run_scoped3A : memref<!tpu.dma_semaphore, #tpu.memory_space<semaphore_mem>>)
      %dma_wait3A_40 = arith.constant 0 : i32
      %dma_wait3A_41 = tpu.memref_slice %arg9[%dma_wait3A_40] : memref<1600xi32, #tpu.memory_space<vmem>> -> memref<640xi32, #tpu.memory_space<vmem>>
      %dma_wait3A_42 = tpu.memref_slice %arg4[%multiple_of3A_19] : memref<20480xi32, #tpu.memory_space<hbm>> -> memref<640xi32, #tpu.memory_space<hbm>>
      %dma_wait3A_43 = arith.constant 0 : i32
      %dma_wait3A_44 = tpu.memref_slice %arg9[%dma_wait3A_43] : memref<1600xi32, #tpu.memory_space<vmem>> -> memref<640xi32, #tpu.memory_space<vmem>>
      %dma_wait3A_45 = tpu.memref_slice %arg4[%multiple_of3A_19] : memref<20480xi32, #tpu.memory_space<hbm>> -> memref<640xi32, #tpu.memory_space<hbm>>
      tpu.wait_dma2 semaphore(%run_scoped3A : memref<!tpu.dma_semaphore, #tpu.memory_space<semaphore_mem>>) src(%dma_wait3A_45 : memref<640xi32, #tpu.memory_space<hbm>>) dst(%dma_wait3A_44 : memref<640xi32, #tpu.memory_space<vmem>>)
      tpu.yield
    }) : () -> ()
    %scan3A = arith.constant 0 : i32
    %scan3A_20 = arith.constant 0 : i32
    %scan3A_21 = arith.constant 2 : i32
    %scan3A_22 = arith.addi %scan3A_20, %scan3A_21 : i32
    %scan3A_23 = arith.constant 1 : i32
    scf.for %scan3A_34 = %scan3A_20 to %scan3A_22 step %scan3A_23  : i32 {
      %mul3A_35 = arith.constant 4 : i32
      %mul3A_36 = arith.muli %scan3A_34, %mul3A_35 : i32
      %add3A_37 = arith.constant 0 : i32
      %add3A_38 = arith.addi %mul3A_36, %add3A_37 : i32
      %mul3A_39 = arith.constant 80 : i32
      %mul3A_40 = arith.muli %add3A_38, %mul3A_39 : i32
      %dma_start3A_41 = tpu.memref_slice %arg9[%mul3A_40] : memref<1600xi32, #tpu.memory_space<vmem>> -> memref<80xi32, #tpu.memory_space<vmem>>
      %dma_start3A_42 = arith.constant 0 : i32
      %dma_start3A_43 = arith.constant 0 : i32
      %dma_start3A_44 = tpu.memref_slice %arg2[%dma_start3A_42, %dma_start3A_43] : memref<1000001x128xf32, #tpu.memory_space<hbm>> -> memref<1000001x128xf32, #tpu.memory_space<hbm>>
      tpu.enqueue_indirect_dma source(%dma_start3A_44 : memref<1000001x128xf32, #tpu.memory_space<hbm>>) target(%arg10 : memref<80x128xf32, #tpu.memory_space<vmem>>) offsets(%dma_start3A_41 : memref<80xi32, #tpu.memory_space<vmem>>) semaphore(%arg14 : memref<!tpu.dma_semaphore, #tpu.memory_space<semaphore_mem>>)
      %add3A_45 = arith.constant 1 : i32
      %add3A_46 = arith.addi %mul3A_36, %add3A_45 : i32
      %mul3A_47 = arith.constant 80 : i32
      %mul3A_48 = arith.muli %add3A_46, %mul3A_47 : i32
      %dma_start3A_49 = tpu.memref_slice %arg9[%mul3A_48] : memref<1600xi32, #tpu.memory_space<vmem>> -> memref<80xi32, #tpu.memory_space<vmem>>
      %dma_start3A_50 = arith.constant 0 : i32
      %dma_start3A_51 = arith.constant 0 : i32
      %dma_start3A_52 = tpu.memref_slice %arg2[%dma_start3A_50, %dma_start3A_51] : memref<1000001x128xf32, #tpu.memory_space<hbm>> -> memref<1000001x128xf32, #tpu.memory_space<hbm>>
      tpu.enqueue_indirect_dma source(%dma_start3A_52 : memref<1000001x128xf32, #tpu.memory_space<hbm>>) target(%arg11 : memref<80x128xf32, #tpu.memory_space<vmem>>) offsets(%dma_start3A_49 : memref<80xi32, #tpu.memory_space<vmem>>) semaphore(%arg15 : memref<!tpu.dma_semaphore, #tpu.memory_space<semaphore_mem>>)
      %add3A_53 = arith.constant 2 : i32
      %add3A_54 = arith.addi %mul3A_36, %add3A_53 : i32
      %mul3A_55 = arith.constant 80 : i32
      %mul3A_56 = arith.muli %add3A_54, %mul3A_55 : i32
      %dma_start3A_57 = tpu.memref_slice %arg9[%mul3A_56] : memref<1600xi32, #tpu.memory_space<vmem>> -> memref<80xi32, #tpu.memory_space<vmem>>
      %dma_start3A_58 = arith.constant 0 : i32
      %dma_start3A_59 = arith.constant 0 : i32
      %dma_start3A_60 = tpu.memref_slice %arg2[%dma_start3A_58, %dma_start3A_59] : memref<1000001x128xf32, #tpu.memory_space<hbm>> -> memref<1000001x128xf32, #tpu.memory_space<hbm>>
      tpu.enqueue_indirect_dma source(%dma_start3A_60 : memref<1000001x128xf32, #tpu.memory_space<hbm>>) target(%arg12 : memref<80x128xf32, #tpu.memory_space<vmem>>) offsets(%dma_start3A_57 : memref<80xi32, #tpu.memory_space<vmem>>) semaphore(%arg16 : memref<!tpu.dma_semaphore, #tpu.memory_space<semaphore_mem>>)
      %add3A_61 = arith.constant 3 : i32
      %add3A_62 = arith.addi %mul3A_36, %add3A_61 : i32
      %mul3A_63 = arith.constant 80 : i32
      %mul3A_64 = arith.muli %add3A_62, %mul3A_63 : i32
      %dma_start3A_65 = tpu.memref_slice %arg9[%mul3A_64] : memref<1600xi32, #tpu.memory_space<vmem>> -> memref<80xi32, #tpu.memory_space<vmem>>
      %dma_start3A_66 = arith.constant 0 : i32
      %dma_start3A_67 = arith.constant 0 : i32
      %dma_start3A_68 = tpu.memref_slice %arg2[%dma_start3A_66, %dma_start3A_67] : memref<1000001x128xf32, #tpu.memory_space<hbm>> -> memref<1000001x128xf32, #tpu.memory_space<hbm>>
      tpu.enqueue_indirect_dma source(%dma_start3A_68 : memref<1000001x128xf32, #tpu.memory_space<hbm>>) target(%arg13 : memref<80x128xf32, #tpu.memory_space<vmem>>) offsets(%dma_start3A_65 : memref<80xi32, #tpu.memory_space<vmem>>) semaphore(%arg17 : memref<!tpu.dma_semaphore, #tpu.memory_space<semaphore_mem>>)
      %dma_wait3A_69 = tpu.memref_slice %arg9[%mul3A_40] : memref<1600xi32, #tpu.memory_space<vmem>> -> memref<80xi32, #tpu.memory_space<vmem>>
      %dma_wait3A_70 = arith.constant 0 : i32
      %dma_wait3A_71 = arith.constant 0 : i32
      %dma_wait3A_72 = tpu.memref_slice %arg2[%dma_wait3A_70, %dma_wait3A_71] : memref<1000001x128xf32, #tpu.memory_space<hbm>> -> memref<1000001x128xf32, #tpu.memory_space<hbm>>
      tpu.wait_indirect_dma semaphore(%arg14 : memref<!tpu.dma_semaphore, #tpu.memory_space<semaphore_mem>>) src(%dma_wait3A_72 : memref<1000001x128xf32, #tpu.memory_space<hbm>>) dst(%arg10 : memref<80x128xf32, #tpu.memory_space<vmem>>)
      %add3A_73 = arith.constant 0 : i32
      %add3A_74 = arith.addi %mul3A_36, %add3A_73 : i32
      %mul3A_75 = arith.constant 80 : i32
      %mul3A_76 = arith.muli %add3A_74, %mul3A_75 : i32
      %add3A_77 = arith.addi %multiple_of3A_19, %mul3A_76 : i32
      "tpu.region"() ({
        %run_scoped3A = tpu.sem_alloc : memref<!tpu.dma_semaphore, #tpu.memory_space<semaphore_mem>>
        %dma_start3A_105 = arith.constant 0 : i32
        %dma_start3A_106 = tpu.memref_slice %arg7[%add3A_77, %dma_start3A_105] : memref<20480x128xf32, #tpu.memory_space<hbm>> -> memref<80x128xf32, #tpu.memory_space<hbm>>
        %dma_start3A_107 = arith.constant 0 : i32
        %dma_start3A_108 = tpu.memref_slice %arg7[%add3A_77, %dma_start3A_107] : memref<20480x128xf32, #tpu.memory_space<hbm>> -> memref<80x128xf32, #tpu.memory_space<hbm>>
        tpu.enqueue_dma source(%arg10 : memref<80x128xf32, #tpu.memory_space<vmem>>) target(%dma_start3A_108 : memref<80x128xf32, #tpu.memory_space<hbm>>) target_semaphore(%run_scoped3A : memref<!tpu.dma_semaphore, #tpu.memory_space<semaphore_mem>>)
        %dma_wait3A_109 = arith.constant 0 : i32
        %dma_wait3A_110 = tpu.memref_slice %arg7[%add3A_77, %dma_wait3A_109] : memref<20480x128xf32, #tpu.memory_space<hbm>> -> memref<80x128xf32, #tpu.memory_space<hbm>>
        %dma_wait3A_111 = arith.constant 0 : i32
        %dma_wait3A_112 = tpu.memref_slice %arg7[%add3A_77, %dma_wait3A_111] : memref<20480x128xf32, #tpu.memory_space<hbm>> -> memref<80x128xf32, #tpu.memory_space<hbm>>
        tpu.wait_dma2 semaphore(%run_scoped3A : memref<!tpu.dma_semaphore, #tpu.memory_space<semaphore_mem>>) src(%arg10 : memref<80x128xf32, #tpu.memory_space<vmem>>) dst(%dma_wait3A_112 : memref<80x128xf32, #tpu.memory_space<hbm>>)
        tpu.yield
      }) : () -> ()
      %dma_wait3A_78 = tpu.memref_slice %arg9[%mul3A_48] : memref<1600xi32, #tpu.memory_space<vmem>> -> memref<80xi32, #tpu.memory_space<vmem>>
      %dma_wait3A_79 = arith.constant 0 : i32
      %dma_wait3A_80 = arith.constant 0 : i32
      %dma_wait3A_81 = tpu.memref_slice %arg2[%dma_wait3A_79, %dma_wait3A_80] : memref<1000001x128xf32, #tpu.memory_space<hbm>> -> memref<1000001x128xf32, #tpu.memory_space<hbm>>
      tpu.wait_indirect_dma semaphore(%arg15 : memref<!tpu.dma_semaphore, #tpu.memory_space<semaphore_mem>>) src(%dma_wait3A_81 : memref<1000001x128xf32, #tpu.memory_space<hbm>>) dst(%arg11 : memref<80x128xf32, #tpu.memory_space<vmem>>)
      %add3A_82 = arith.constant 1 : i32
      %add3A_83 = arith.addi %mul3A_36, %add3A_82 : i32
      %mul3A_84 = arith.constant 80 : i32
      %mul3A_85 = arith.muli %add3A_83, %mul3A_84 : i32
      %add3A_86 = arith.addi %multiple_of3A_19, %mul3A_85 : i32
      "tpu.region"() ({
        %run_scoped3A = tpu.sem_alloc : memref<!tpu.dma_semaphore, #tpu.memory_space<semaphore_mem>>
        %dma_start3A_105 = arith.constant 0 : i32
        %dma_start3A_106 = tpu.memref_slice %arg7[%add3A_86, %dma_start3A_105] : memref<20480x128xf32, #tpu.memory_space<hbm>> -> memref<80x128xf32, #tpu.memory_space<hbm>>
        %dma_start3A_107 = arith.constant 0 : i32
        %dma_start3A_108 = tpu.memref_slice %arg7[%add3A_86, %dma_start3A_107] : memref<20480x128xf32, #tpu.memory_space<hbm>> -> memref<80x128xf32, #tpu.memory_space<hbm>>
        tpu.enqueue_dma source(%arg11 : memref<80x128xf32, #tpu.memory_space<vmem>>) target(%dma_start3A_108 : memref<80x128xf32, #tpu.memory_space<hbm>>) target_semaphore(%run_scoped3A : memref<!tpu.dma_semaphore, #tpu.memory_space<semaphore_mem>>)
        %dma_wait3A_109 = arith.constant 0 : i32
        %dma_wait3A_110 = tpu.memref_slice %arg7[%add3A_86, %dma_wait3A_109] : memref<20480x128xf32, #tpu.memory_space<hbm>> -> memref<80x128xf32, #tpu.memory_space<hbm>>
        %dma_wait3A_111 = arith.constant 0 : i32
        %dma_wait3A_112 = tpu.memref_slice %arg7[%add3A_86, %dma_wait3A_111] : memref<20480x128xf32, #tpu.memory_space<hbm>> -> memref<80x128xf32, #tpu.memory_space<hbm>>
        tpu.wait_dma2 semaphore(%run_scoped3A : memref<!tpu.dma_semaphore, #tpu.memory_space<semaphore_mem>>) src(%arg11 : memref<80x128xf32, #tpu.memory_space<vmem>>) dst(%dma_wait3A_112 : memref<80x128xf32, #tpu.memory_space<hbm>>)
        tpu.yield
      }) : () -> ()
      %dma_wait3A_87 = tpu.memref_slice %arg9[%mul3A_56] : memref<1600xi32, #tpu.memory_space<vmem>> -> memref<80xi32, #tpu.memory_space<vmem>>
      %dma_wait3A_88 = arith.constant 0 : i32
      %dma_wait3A_89 = arith.constant 0 : i32
      %dma_wait3A_90 = tpu.memref_slice %arg2[%dma_wait3A_88, %dma_wait3A_89] : memref<1000001x128xf32, #tpu.memory_space<hbm>> -> memref<1000001x128xf32, #tpu.memory_space<hbm>>
      tpu.wait_indirect_dma semaphore(%arg16 : memref<!tpu.dma_semaphore, #tpu.memory_space<semaphore_mem>>) src(%dma_wait3A_90 : memref<1000001x128xf32, #tpu.memory_space<hbm>>) dst(%arg12 : memref<80x128xf32, #tpu.memory_space<vmem>>)
      %add3A_91 = arith.constant 2 : i32
      %add3A_92 = arith.addi %mul3A_36, %add3A_91 : i32
      %mul3A_93 = arith.constant 80 : i32
      %mul3A_94 = arith.muli %add3A_92, %mul3A_93 : i32
      %add3A_95 = arith.addi %multiple_of3A_19, %mul3A_94 : i32
      "tpu.region"() ({
        %run_scoped3A = tpu.sem_alloc : memref<!tpu.dma_semaphore, #tpu.memory_space<semaphore_mem>>
        %dma_start3A_105 = arith.constant 0 : i32
        %dma_start3A_106 = tpu.memref_slice %arg7[%add3A_95, %dma_start3A_105] : memref<20480x128xf32, #tpu.memory_space<hbm>> -> memref<80x128xf32, #tpu.memory_space<hbm>>
        %dma_start3A_107 = arith.constant 0 : i32
        %dma_start3A_108 = tpu.memref_slice %arg7[%add3A_95, %dma_start3A_107] : memref<20480x128xf32, #tpu.memory_space<hbm>> -> memref<80x128xf32, #tpu.memory_space<hbm>>
        tpu.enqueue_dma source(%arg12 : memref<80x128xf32, #tpu.memory_space<vmem>>) target(%dma_start3A_108 : memref<80x128xf32, #tpu.memory_space<hbm>>) target_semaphore(%run_scoped3A : memref<!tpu.dma_semaphore, #tpu.memory_space<semaphore_mem>>)
        %dma_wait3A_109 = arith.constant 0 : i32
        %dma_wait3A_110 = tpu.memref_slice %arg7[%add3A_95, %dma_wait3A_109] : memref<20480x128xf32, #tpu.memory_space<hbm>> -> memref<80x128xf32, #tpu.memory_space<hbm>>
        %dma_wait3A_111 = arith.constant 0 : i32
        %dma_wait3A_112 = tpu.memref_slice %arg7[%add3A_95, %dma_wait3A_111] : memref<20480x128xf32, #tpu.memory_space<hbm>> -> memref<80x128xf32, #tpu.memory_space<hbm>>
        tpu.wait_dma2 semaphore(%run_scoped3A : memref<!tpu.dma_semaphore, #tpu.memory_space<semaphore_mem>>) src(%arg12 : memref<80x128xf32, #tpu.memory_space<vmem>>) dst(%dma_wait3A_112 : memref<80x128xf32, #tpu.memory_space<hbm>>)
        tpu.yield
      }) : () -> ()
      %dma_wait3A_96 = tpu.memref_slice %arg9[%mul3A_64] : memref<1600xi32, #tpu.memory_space<vmem>> -> memref<80xi32, #tpu.memory_space<vmem>>
      %dma_wait3A_97 = arith.constant 0 : i32
      %dma_wait3A_98 = arith.constant 0 : i32
      %dma_wait3A_99 = tpu.memref_slice %arg2[%dma_wait3A_97, %dma_wait3A_98] : memref<1000001x128xf32, #tpu.memory_space<hbm>> -> memref<1000001x128xf32, #tpu.memory_space<hbm>>
      tpu.wait_indirect_dma semaphore(%arg17 : memref<!tpu.dma_semaphore, #tpu.memory_space<semaphore_mem>>) src(%dma_wait3A_99 : memref<1000001x128xf32, #tpu.memory_space<hbm>>) dst(%arg13 : memref<80x128xf32, #tpu.memory_space<vmem>>)
      %add3A_100 = arith.constant 3 : i32
      %add3A_101 = arith.addi %mul3A_36, %add3A_100 : i32
      %mul3A_102 = arith.constant 80 : i32
      %mul3A_103 = arith.muli %add3A_101, %mul3A_102 : i32
      %add3A_104 = arith.addi %multiple_of3A_19, %mul3A_103 : i32
      "tpu.region"() ({
        %run_scoped3A = tpu.sem_alloc : memref<!tpu.dma_semaphore, #tpu.memory_space<semaphore_mem>>
        %dma_start3A_105 = arith.constant 0 : i32
        %dma_start3A_106 = tpu.memref_slice %arg7[%add3A_104, %dma_start3A_105] : memref<20480x128xf32, #tpu.memory_space<hbm>> -> memref<80x128xf32, #tpu.memory_space<hbm>>
        %dma_start3A_107 = arith.constant 0 : i32
        %dma_start3A_108 = tpu.memref_slice %arg7[%add3A_104, %dma_start3A_107] : memref<20480x128xf32, #tpu.memory_space<hbm>> -> memref<80x128xf32, #tpu.memory_space<hbm>>
        tpu.enqueue_dma source(%arg13 : memref<80x128xf32, #tpu.memory_space<vmem>>) target(%dma_start3A_108 : memref<80x128xf32, #tpu.memory_space<hbm>>) target_semaphore(%run_scoped3A : memref<!tpu.dma_semaphore, #tpu.memory_space<semaphore_mem>>)
        %dma_wait3A_109 = arith.constant 0 : i32
        %dma_wait3A_110 = tpu.memref_slice %arg7[%add3A_104, %dma_wait3A_109] : memref<20480x128xf32, #tpu.memory_space<hbm>> -> memref<80x128xf32, #tpu.memory_space<hbm>>
        %dma_wait3A_111 = arith.constant 0 : i32
        %dma_wait3A_112 = tpu.memref_slice %arg7[%add3A_104, %dma_wait3A_111] : memref<20480x128xf32, #tpu.memory_space<hbm>> -> memref<80x128xf32, #tpu.memory_space<hbm>>
        tpu.wait_dma2 semaphore(%run_scoped3A : memref<!tpu.dma_semaphore, #tpu.memory_space<semaphore_mem>>) src(%arg13 : memref<80x128xf32, #tpu.memory_space<vmem>>) dst(%dma_wait3A_112 : memref<80x128xf32, #tpu.memory_space<hbm>>)
        tpu.yield
      }) : () -> ()
    }
    %scan3A_24 = arith.constant 2 : i32
    %mul3A_25 = arith.constant 1600 : i32
    %mul3A_26 = arith.muli %add3A, %mul3A_25 : i32
    %multiple_of3A_27 = tpu.assume_multiple %mul3A_26, 8 : i32
    "tpu.region"() ({
      %run_scoped3A = tpu.sem_alloc : memref<!tpu.dma_semaphore, #tpu.memory_space<semaphore_mem>>
      %dma_start3A_34 = arith.constant 0 : i32
      %dma_start3A_35 = tpu.memref_slice %arg9[%dma_start3A_34] : memref<1600xi32, #tpu.memory_space<vmem>> -> memref<1600xi32, #tpu.memory_space<vmem>>
      %dma_start3A_36 = tpu.memref_slice %arg5[%multiple_of3A_27] : memref<51200xi32, #tpu.memory_space<hbm>> -> memref<1600xi32, #tpu.memory_space<hbm>>
      %dma_start3A_37 = arith.constant 0 : i32
      %dma_start3A_38 = tpu.memref_slice %arg9[%dma_start3A_37] : memref<1600xi32, #tpu.memory_space<vmem>> -> memref<1600xi32, #tpu.memory_space<vmem>>
      %dma_start3A_39 = tpu.memref_slice %arg5[%multiple_of3A_27] : memref<51200xi32, #tpu.memory_space<hbm>> -> memref<1600xi32, #tpu.memory_space<hbm>>
      tpu.enqueue_dma source(%dma_start3A_39 : memref<1600xi32, #tpu.memory_space<hbm>>) target(%dma_start3A_38 : memref<1600xi32, #tpu.memory_space<vmem>>) target_semaphore(%run_scoped3A : memref<!tpu.dma_semaphore, #tpu.memory_space<semaphore_mem>>)
      %dma_wait3A_40 = arith.constant 0 : i32
      %dma_wait3A_41 = tpu.memref_slice %arg9[%dma_wait3A_40] : memref<1600xi32, #tpu.memory_space<vmem>> -> memref<1600xi32, #tpu.memory_space<vmem>>
      %dma_wait3A_42 = tpu.memref_slice %arg5[%multiple_of3A_27] : memref<51200xi32, #tpu.memory_space<hbm>> -> memref<1600xi32, #tpu.memory_space<hbm>>
      %dma_wait3A_43 = arith.constant 0 : i32
      %dma_wait3A_44 = tpu.memref_slice %arg9[%dma_wait3A_43] : memref<1600xi32, #tpu.memory_space<vmem>> -> memref<1600xi32, #tpu.memory_space<vmem>>
      %dma_wait3A_45 = tpu.memref_slice %arg5[%multiple_of3A_27] : memref<51200xi32, #tpu.memory_space<hbm>> -> memref<1600xi32, #tpu.memory_space<hbm>>
      tpu.wait_dma2 semaphore(%run_scoped3A : memref<!tpu.dma_semaphore, #tpu.memory_space<semaphore_mem>>) src(%dma_wait3A_45 : memref<1600xi32, #tpu.memory_space<hbm>>) dst(%dma_wait3A_44 : memref<1600xi32, #tpu.memory_space<vmem>>)
      tpu.yield
    }) : () -> ()
    %scan3A_28 = arith.constant 0 : i32
    %scan3A_29 = arith.constant 0 : i32
    %scan3A_30 = arith.constant 5 : i32
    %scan3A_31 = arith.addi %scan3A_29, %scan3A_30 : i32
    %scan3A_32 = arith.constant 1 : i32
    scf.for %scan3A_34 = %scan3A_29 to %scan3A_31 step %scan3A_32  : i32 {
      %mul3A_35 = arith.constant 4 : i32
      %mul3A_36 = arith.muli %scan3A_34, %mul3A_35 : i32
      %add3A_37 = arith.constant 0 : i32
      %add3A_38 = arith.addi %mul3A_36, %add3A_37 : i32
      %mul3A_39 = arith.constant 80 : i32
      %mul3A_40 = arith.muli %add3A_38, %mul3A_39 : i32
      %dma_start3A_41 = tpu.memref_slice %arg9[%mul3A_40] : memref<1600xi32, #tpu.memory_space<vmem>> -> memref<80xi32, #tpu.memory_space<vmem>>
      %dma_start3A_42 = arith.constant 0 : i32
      %dma_start3A_43 = arith.constant 0 : i32
      %dma_start3A_44 = tpu.memref_slice %arg2[%dma_start3A_42, %dma_start3A_43] : memref<1000001x128xf32, #tpu.memory_space<hbm>> -> memref<1000001x128xf32, #tpu.memory_space<hbm>>
      tpu.enqueue_indirect_dma source(%dma_start3A_44 : memref<1000001x128xf32, #tpu.memory_space<hbm>>) target(%arg10 : memref<80x128xf32, #tpu.memory_space<vmem>>) offsets(%dma_start3A_41 : memref<80xi32, #tpu.memory_space<vmem>>) semaphore(%arg14 : memref<!tpu.dma_semaphore, #tpu.memory_space<semaphore_mem>>)
      %add3A_45 = arith.constant 1 : i32
      %add3A_46 = arith.addi %mul3A_36, %add3A_45 : i32
      %mul3A_47 = arith.constant 80 : i32
      %mul3A_48 = arith.muli %add3A_46, %mul3A_47 : i32
      %dma_start3A_49 = tpu.memref_slice %arg9[%mul3A_48] : memref<1600xi32, #tpu.memory_space<vmem>> -> memref<80xi32, #tpu.memory_space<vmem>>
      %dma_start3A_50 = arith.constant 0 : i32
      %dma_start3A_51 = arith.constant 0 : i32
      %dma_start3A_52 = tpu.memref_slice %arg2[%dma_start3A_50, %dma_start3A_51] : memref<1000001x128xf32, #tpu.memory_space<hbm>> -> memref<1000001x128xf32, #tpu.memory_space<hbm>>
      tpu.enqueue_indirect_dma source(%dma_start3A_52 : memref<1000001x128xf32, #tpu.memory_space<hbm>>) target(%arg11 : memref<80x128xf32, #tpu.memory_space<vmem>>) offsets(%dma_start3A_49 : memref<80xi32, #tpu.memory_space<vmem>>) semaphore(%arg15 : memref<!tpu.dma_semaphore, #tpu.memory_space<semaphore_mem>>)
      %add3A_53 = arith.constant 2 : i32
      %add3A_54 = arith.addi %mul3A_36, %add3A_53 : i32
      %mul3A_55 = arith.constant 80 : i32
      %mul3A_56 = arith.muli %add3A_54, %mul3A_55 : i32
      %dma_start3A_57 = tpu.memref_slice %arg9[%mul3A_56] : memref<1600xi32, #tpu.memory_space<vmem>> -> memref<80xi32, #tpu.memory_space<vmem>>
      %dma_start3A_58 = arith.constant 0 : i32
      %dma_start3A_59 = arith.constant 0 : i32
      %dma_start3A_60 = tpu.memref_slice %arg2[%dma_start3A_58, %dma_start3A_59] : memref<1000001x128xf32, #tpu.memory_space<hbm>> -> memref<1000001x128xf32, #tpu.memory_space<hbm>>
      tpu.enqueue_indirect_dma source(%dma_start3A_60 : memref<1000001x128xf32, #tpu.memory_space<hbm>>) target(%arg12 : memref<80x128xf32, #tpu.memory_space<vmem>>) offsets(%dma_start3A_57 : memref<80xi32, #tpu.memory_space<vmem>>) semaphore(%arg16 : memref<!tpu.dma_semaphore, #tpu.memory_space<semaphore_mem>>)
      %add3A_61 = arith.constant 3 : i32
      %add3A_62 = arith.addi %mul3A_36, %add3A_61 : i32
      %mul3A_63 = arith.constant 80 : i32
      %mul3A_64 = arith.muli %add3A_62, %mul3A_63 : i32
      %dma_start3A_65 = tpu.memref_slice %arg9[%mul3A_64] : memref<1600xi32, #tpu.memory_space<vmem>> -> memref<80xi32, #tpu.memory_space<vmem>>
      %dma_start3A_66 = arith.constant 0 : i32
      %dma_start3A_67 = arith.constant 0 : i32
      %dma_start3A_68 = tpu.memref_slice %arg2[%dma_start3A_66, %dma_start3A_67] : memref<1000001x128xf32, #tpu.memory_space<hbm>> -> memref<1000001x128xf32, #tpu.memory_space<hbm>>
      tpu.enqueue_indirect_dma source(%dma_start3A_68 : memref<1000001x128xf32, #tpu.memory_space<hbm>>) target(%arg13 : memref<80x128xf32, #tpu.memory_space<vmem>>) offsets(%dma_start3A_65 : memref<80xi32, #tpu.memory_space<vmem>>) semaphore(%arg17 : memref<!tpu.dma_semaphore, #tpu.memory_space<semaphore_mem>>)
      %dma_wait3A_69 = tpu.memref_slice %arg9[%mul3A_40] : memref<1600xi32, #tpu.memory_space<vmem>> -> memref<80xi32, #tpu.memory_space<vmem>>
      %dma_wait3A_70 = arith.constant 0 : i32
      %dma_wait3A_71 = arith.constant 0 : i32
      %dma_wait3A_72 = tpu.memref_slice %arg2[%dma_wait3A_70, %dma_wait3A_71] : memref<1000001x128xf32, #tpu.memory_space<hbm>> -> memref<1000001x128xf32, #tpu.memory_space<hbm>>
      tpu.wait_indirect_dma semaphore(%arg14 : memref<!tpu.dma_semaphore, #tpu.memory_space<semaphore_mem>>) src(%dma_wait3A_72 : memref<1000001x128xf32, #tpu.memory_space<hbm>>) dst(%arg10 : memref<80x128xf32, #tpu.memory_space<vmem>>)
      %add3A_73 = arith.constant 0 : i32
      %add3A_74 = arith.addi %mul3A_36, %add3A_73 : i32
      %mul3A_75 = arith.constant 80 : i32
      %mul3A_76 = arith.muli %add3A_74, %mul3A_75 : i32
      %add3A_77 = arith.addi %multiple_of3A_27, %mul3A_76 : i32
      "tpu.region"() ({
        %run_scoped3A = tpu.sem_alloc : memref<!tpu.dma_semaphore, #tpu.memory_space<semaphore_mem>>
        %dma_start3A_105 = arith.constant 0 : i32
        %dma_start3A_106 = tpu.memref_slice %arg8[%add3A_77, %dma_start3A_105] : memref<51200x128xf32, #tpu.memory_space<hbm>> -> memref<80x128xf32, #tpu.memory_space<hbm>>
        %dma_start3A_107 = arith.constant 0 : i32
        %dma_start3A_108 = tpu.memref_slice %arg8[%add3A_77, %dma_start3A_107] : memref<51200x128xf32, #tpu.memory_space<hbm>> -> memref<80x128xf32, #tpu.memory_space<hbm>>
        tpu.enqueue_dma source(%arg10 : memref<80x128xf32, #tpu.memory_space<vmem>>) target(%dma_start3A_108 : memref<80x128xf32, #tpu.memory_space<hbm>>) target_semaphore(%run_scoped3A : memref<!tpu.dma_semaphore, #tpu.memory_space<semaphore_mem>>)
        %dma_wait3A_109 = arith.constant 0 : i32
        %dma_wait3A_110 = tpu.memref_slice %arg8[%add3A_77, %dma_wait3A_109] : memref<51200x128xf32, #tpu.memory_space<hbm>> -> memref<80x128xf32, #tpu.memory_space<hbm>>
        %dma_wait3A_111 = arith.constant 0 : i32
        %dma_wait3A_112 = tpu.memref_slice %arg8[%add3A_77, %dma_wait3A_111] : memref<51200x128xf32, #tpu.memory_space<hbm>> -> memref<80x128xf32, #tpu.memory_space<hbm>>
        tpu.wait_dma2 semaphore(%run_scoped3A : memref<!tpu.dma_semaphore, #tpu.memory_space<semaphore_mem>>) src(%arg10 : memref<80x128xf32, #tpu.memory_space<vmem>>) dst(%dma_wait3A_112 : memref<80x128xf32, #tpu.memory_space<hbm>>)
        tpu.yield
      }) : () -> ()
      %dma_wait3A_78 = tpu.memref_slice %arg9[%mul3A_48] : memref<1600xi32, #tpu.memory_space<vmem>> -> memref<80xi32, #tpu.memory_space<vmem>>
      %dma_wait3A_79 = arith.constant 0 : i32
      %dma_wait3A_80 = arith.constant 0 : i32
      %dma_wait3A_81 = tpu.memref_slice %arg2[%dma_wait3A_79, %dma_wait3A_80] : memref<1000001x128xf32, #tpu.memory_space<hbm>> -> memref<1000001x128xf32, #tpu.memory_space<hbm>>
      tpu.wait_indirect_dma semaphore(%arg15 : memref<!tpu.dma_semaphore, #tpu.memory_space<semaphore_mem>>) src(%dma_wait3A_81 : memref<1000001x128xf32, #tpu.memory_space<hbm>>) dst(%arg11 : memref<80x128xf32, #tpu.memory_space<vmem>>)
      %add3A_82 = arith.constant 1 : i32
      %add3A_83 = arith.addi %mul3A_36, %add3A_82 : i32
      %mul3A_84 = arith.constant 80 : i32
      %mul3A_85 = arith.muli %add3A_83, %mul3A_84 : i32
      %add3A_86 = arith.addi %multiple_of3A_27, %mul3A_85 : i32
      "tpu.region"() ({
        %run_scoped3A = tpu.sem_alloc : memref<!tpu.dma_semaphore, #tpu.memory_space<semaphore_mem>>
        %dma_start3A_105 = arith.constant 0 : i32
        %dma_start3A_106 = tpu.memref_slice %arg8[%add3A_86, %dma_start3A_105] : memref<51200x128xf32, #tpu.memory_space<hbm>> -> memref<80x128xf32, #tpu.memory_space<hbm>>
        %dma_start3A_107 = arith.constant 0 : i32
        %dma_start3A_108 = tpu.memref_slice %arg8[%add3A_86, %dma_start3A_107] : memref<51200x128xf32, #tpu.memory_space<hbm>> -> memref<80x128xf32, #tpu.memory_space<hbm>>
        tpu.enqueue_dma source(%arg11 : memref<80x128xf32, #tpu.memory_space<vmem>>) target(%dma_start3A_108 : memref<80x128xf32, #tpu.memory_space<hbm>>) target_semaphore(%run_scoped3A : memref<!tpu.dma_semaphore, #tpu.memory_space<semaphore_mem>>)
        %dma_wait3A_109 = arith.constant 0 : i32
        %dma_wait3A_110 = tpu.memref_slice %arg8[%add3A_86, %dma_wait3A_109] : memref<51200x128xf32, #tpu.memory_space<hbm>> -> memref<80x128xf32, #tpu.memory_space<hbm>>
        %dma_wait3A_111 = arith.constant 0 : i32
        %dma_wait3A_112 = tpu.memref_slice %arg8[%add3A_86, %dma_wait3A_111] : memref<51200x128xf32, #tpu.memory_space<hbm>> -> memref<80x128xf32, #tpu.memory_space<hbm>>
        tpu.wait_dma2 semaphore(%run_scoped3A : memref<!tpu.dma_semaphore, #tpu.memory_space<semaphore_mem>>) src(%arg11 : memref<80x128xf32, #tpu.memory_space<vmem>>) dst(%dma_wait3A_112 : memref<80x128xf32, #tpu.memory_space<hbm>>)
        tpu.yield
      }) : () -> ()
      %dma_wait3A_87 = tpu.memref_slice %arg9[%mul3A_56] : memref<1600xi32, #tpu.memory_space<vmem>> -> memref<80xi32, #tpu.memory_space<vmem>>
      %dma_wait3A_88 = arith.constant 0 : i32
      %dma_wait3A_89 = arith.constant 0 : i32
      %dma_wait3A_90 = tpu.memref_slice %arg2[%dma_wait3A_88, %dma_wait3A_89] : memref<1000001x128xf32, #tpu.memory_space<hbm>> -> memref<1000001x128xf32, #tpu.memory_space<hbm>>
      tpu.wait_indirect_dma semaphore(%arg16 : memref<!tpu.dma_semaphore, #tpu.memory_space<semaphore_mem>>) src(%dma_wait3A_90 : memref<1000001x128xf32, #tpu.memory_space<hbm>>) dst(%arg12 : memref<80x128xf32, #tpu.memory_space<vmem>>)
      %add3A_91 = arith.constant 2 : i32
      %add3A_92 = arith.addi %mul3A_36, %add3A_91 : i32
      %mul3A_93 = arith.constant 80 : i32
      %mul3A_94 = arith.muli %add3A_92, %mul3A_93 : i32
      %add3A_95 = arith.addi %multiple_of3A_27, %mul3A_94 : i32
      "tpu.region"() ({
        %run_scoped3A = tpu.sem_alloc : memref<!tpu.dma_semaphore, #tpu.memory_space<semaphore_mem>>
        %dma_start3A_105 = arith.constant 0 : i32
        %dma_start3A_106 = tpu.memref_slice %arg8[%add3A_95, %dma_start3A_105] : memref<51200x128xf32, #tpu.memory_space<hbm>> -> memref<80x128xf32, #tpu.memory_space<hbm>>
        %dma_start3A_107 = arith.constant 0 : i32
        %dma_start3A_108 = tpu.memref_slice %arg8[%add3A_95, %dma_start3A_107] : memref<51200x128xf32, #tpu.memory_space<hbm>> -> memref<80x128xf32, #tpu.memory_space<hbm>>
        tpu.enqueue_dma source(%arg12 : memref<80x128xf32, #tpu.memory_space<vmem>>) target(%dma_start3A_108 : memref<80x128xf32, #tpu.memory_space<hbm>>) target_semaphore(%run_scoped3A : memref<!tpu.dma_semaphore, #tpu.memory_space<semaphore_mem>>)
        %dma_wait3A_109 = arith.constant 0 : i32
        %dma_wait3A_110 = tpu.memref_slice %arg8[%add3A_95, %dma_wait3A_109] : memref<51200x128xf32, #tpu.memory_space<hbm>> -> memref<80x128xf32, #tpu.memory_space<hbm>>
        %dma_wait3A_111 = arith.constant 0 : i32
        %dma_wait3A_112 = tpu.memref_slice %arg8[%add3A_95, %dma_wait3A_111] : memref<51200x128xf32, #tpu.memory_space<hbm>> -> memref<80x128xf32, #tpu.memory_space<hbm>>
        tpu.wait_dma2 semaphore(%run_scoped3A : memref<!tpu.dma_semaphore, #tpu.memory_space<semaphore_mem>>) src(%arg12 : memref<80x128xf32, #tpu.memory_space<vmem>>) dst(%dma_wait3A_112 : memref<80x128xf32, #tpu.memory_space<hbm>>)
        tpu.yield
      }) : () -> ()
      %dma_wait3A_96 = tpu.memref_slice %arg9[%mul3A_64] : memref<1600xi32, #tpu.memory_space<vmem>> -> memref<80xi32, #tpu.memory_space<vmem>>
      %dma_wait3A_97 = arith.constant 0 : i32
      %dma_wait3A_98 = arith.constant 0 : i32
      %dma_wait3A_99 = tpu.memref_slice %arg2[%dma_wait3A_97, %dma_wait3A_98] : memref<1000001x128xf32, #tpu.memory_space<hbm>> -> memref<1000001x128xf32, #tpu.memory_space<hbm>>
      tpu.wait_indirect_dma semaphore(%arg17 : memref<!tpu.dma_semaphore, #tpu.memory_space<semaphore_mem>>) src(%dma_wait3A_99 : memref<1000001x128xf32, #tpu.memory_space<hbm>>) dst(%arg13 : memref<80x128xf32, #tpu.memory_space<vmem>>)
      %add3A_100 = arith.constant 3 : i32
      %add3A_101 = arith.addi %mul3A_36, %add3A_100 : i32
      %mul3A_102 = arith.constant 80 : i32
      %mul3A_103 = arith.muli %add3A_101, %mul3A_102 : i32
      %add3A_104 = arith.addi %multiple_of3A_27, %mul3A_103 : i32
      "tpu.region"() ({
        %run_scoped3A = tpu.sem_alloc : memref<!tpu.dma_semaphore, #tpu.memory_space<semaphore_mem>>
        %dma_start3A_105 = arith.constant 0 : i32
        %dma_start3A_106 = tpu.memref_slice %arg8[%add3A_104, %dma_start3A_105] : memref<51200x128xf32, #tpu.memory_space<hbm>> -> memref<80x128xf32, #tpu.memory_space<hbm>>
        %dma_start3A_107 = arith.constant 0 : i32
        %dma_start3A_108 = tpu.memref_slice %arg8[%add3A_104, %dma_start3A_107] : memref<51200x128xf32, #tpu.memory_space<hbm>> -> memref<80x128xf32, #tpu.memory_space<hbm>>
        tpu.enqueue_dma source(%arg13 : memref<80x128xf32, #tpu.memory_space<vmem>>) target(%dma_start3A_108 : memref<80x128xf32, #tpu.memory_space<hbm>>) target_semaphore(%run_scoped3A : memref<!tpu.dma_semaphore, #tpu.memory_space<semaphore_mem>>)
        %dma_wait3A_109 = arith.constant 0 : i32
        %dma_wait3A_110 = tpu.memref_slice %arg8[%add3A_104, %dma_wait3A_109] : memref<51200x128xf32, #tpu.memory_space<hbm>> -> memref<80x128xf32, #tpu.memory_space<hbm>>
        %dma_wait3A_111 = arith.constant 0 : i32
        %dma_wait3A_112 = tpu.memref_slice %arg8[%add3A_104, %dma_wait3A_111] : memref<51200x128xf32, #tpu.memory_space<hbm>> -> memref<80x128xf32, #tpu.memory_space<hbm>>
        tpu.wait_dma2 semaphore(%run_scoped3A : memref<!tpu.dma_semaphore, #tpu.memory_space<semaphore_mem>>) src(%arg13 : memref<80x128xf32, #tpu.memory_space<vmem>>) dst(%dma_wait3A_112 : memref<80x128xf32, #tpu.memory_space<hbm>>)
        tpu.yield
      }) : () -> ()
    }
    %scan3A_33 = arith.constant 5 : i32
    return
  }
}

#map = affine_map<(d0, d1) -> (0, 0)>
#map1 = affine_map<(d0, d1) -> (0)>
module attributes {stable_mosaic.version = 14 : i64} {
  func.func @k(%arg0: i32, %arg1: i32, %arg2: memref<1024x128xf32, #tpu.memory_space<hbm>>, %arg3: memref<1024x128xf32, #tpu.memory_space<hbm>>, %arg4: memref<51200xi32, #tpu.memory_space<hbm>>, %arg5: memref<20480xi32, #tpu.memory_space<hbm>>, %arg6: memref<51200xi32, #tpu.memory_space<hbm>>, %arg7: memref<51200x128xf32, #tpu.memory_space<hbm>>, %arg8: memref<20480x128xf32, #tpu.memory_space<hbm>>, %arg9: memref<51200x128xf32, #tpu.memory_space<hbm>>, %arg10: memref<1600xi32, #tpu.memory_space<vmem>>, %arg11: memref<80x128xf32, #tpu.memory_space<vmem>>, %arg12: memref<80x128xf32, #tpu.memory_space<vmem>>, %arg13: memref<80x128xf32, #tpu.memory_space<vmem>>, %arg14: memref<80x128xf32, #tpu.memory_space<vmem>>, %arg15: memref<!tpu.dma_semaphore, #tpu.memory_space<semaphore_mem>>, %arg16: memref<!tpu.dma_semaphore, #tpu.memory_space<semaphore_mem>>, %arg17: memref<!tpu.dma_semaphore, #tpu.memory_space<semaphore_mem>>, %arg18: memref<!tpu.dma_semaphore, #tpu.memory_space<semaphore_mem>>) attributes {dimension_semantics = [#tpu.dimension_semantics<core_parallel>, #tpu.dimension_semantics<subcore_parallel>], iteration_bounds = array<i64: 2, 16>, scalar_prefetch = 0 : i64, scratch_operands = 9 : i64, tpu.core_type = #tpu.core_type<sc_vector_subcore>, window_params = [{transform_indices = #map}, {transform_indices = #map}, {transform_indices = #map1}, {transform_indices = #map1}, {transform_indices = #map1}, {transform_indices = #map}, {transform_indices = #map}, {transform_indices = #map}]} {
    %mul3A = arith.constant 2 : i32
    %mul3A_0 = arith.muli %arg1, %mul3A : i32
    %add3A = arith.addi %mul3A_0, %arg0 : i32
    %mul3A_1 = arith.constant 1600 : i32
    %mul3A_2 = arith.muli %add3A, %mul3A_1 : i32
    %multiple_of3A = tpu.assume_multiple %mul3A_2, 8 : i32
    "tpu.region"() ({
      %run_scoped3A = tpu.sem_alloc : memref<!tpu.dma_semaphore, #tpu.memory_space<semaphore_mem>>
      %dma_start3A = arith.constant 0 : i32
      %dma_start3A_26 = tpu.memref_slice %arg10[%dma_start3A] : memref<1600xi32, #tpu.memory_space<vmem>> -> memref<1600xi32, #tpu.memory_space<vmem>>
      %dma_start3A_27 = tpu.memref_slice %arg4[%multiple_of3A] : memref<51200xi32, #tpu.memory_space<hbm>> -> memref<1600xi32, #tpu.memory_space<hbm>>
      %dma_start3A_28 = arith.constant 0 : i32
      %dma_start3A_29 = tpu.memref_slice %arg10[%dma_start3A_28] : memref<1600xi32, #tpu.memory_space<vmem>> -> memref<1600xi32, #tpu.memory_space<vmem>>
      %dma_start3A_30 = tpu.memref_slice %arg4[%multiple_of3A] : memref<51200xi32, #tpu.memory_space<hbm>> -> memref<1600xi32, #tpu.memory_space<hbm>>
      tpu.enqueue_dma source(%dma_start3A_30 : memref<1600xi32, #tpu.memory_space<hbm>>) target(%dma_start3A_29 : memref<1600xi32, #tpu.memory_space<vmem>>) target_semaphore(%run_scoped3A : memref<!tpu.dma_semaphore, #tpu.memory_space<semaphore_mem>>)
      %dma_wait3A = arith.constant 0 : i32
      %dma_wait3A_31 = tpu.memref_slice %arg10[%dma_wait3A] : memref<1600xi32, #tpu.memory_space<vmem>> -> memref<1600xi32, #tpu.memory_space<vmem>>
      %dma_wait3A_32 = tpu.memref_slice %arg4[%multiple_of3A] : memref<51200xi32, #tpu.memory_space<hbm>> -> memref<1600xi32, #tpu.memory_space<hbm>>
      %dma_wait3A_33 = arith.constant 0 : i32
      %dma_wait3A_34 = tpu.memref_slice %arg10[%dma_wait3A_33] : memref<1600xi32, #tpu.memory_space<vmem>> -> memref<1600xi32, #tpu.memory_space<vmem>>
      %dma_wait3A_35 = tpu.memref_slice %arg4[%multiple_of3A] : memref<51200xi32, #tpu.memory_space<hbm>> -> memref<1600xi32, #tpu.memory_space<hbm>>
      tpu.wait_dma2 semaphore(%run_scoped3A : memref<!tpu.dma_semaphore, #tpu.memory_space<semaphore_mem>>) src(%dma_wait3A_35 : memref<1600xi32, #tpu.memory_space<hbm>>) dst(%dma_wait3A_34 : memref<1600xi32, #tpu.memory_space<vmem>>)
      tpu.yield
    }) : () -> ()
    %scan3A = arith.constant 0 : i32
    %scan3A_3 = arith.constant 0 : i32
    %scan3A_4 = arith.constant 5 : i32
    %scan3A_5 = arith.addi %scan3A_3, %scan3A_4 : i32
    %scan3A_6 = arith.constant 1 : i32
    scf.for %scan3A_26 = %scan3A_3 to %scan3A_5 step %scan3A_6  : i32 {
      %mul3A_27 = arith.constant 4 : i32
      %mul3A_28 = arith.muli %scan3A_26, %mul3A_27 : i32
      %add3A_29 = arith.constant 0 : i32
      %add3A_30 = arith.addi %mul3A_28, %add3A_29 : i32
      %mul3A_31 = arith.constant 80 : i32
      %mul3A_32 = arith.muli %add3A_30, %mul3A_31 : i32
      %dma_start3A = tpu.memref_slice %arg10[%mul3A_32] : memref<1600xi32, #tpu.memory_space<vmem>> -> memref<80xi32, #tpu.memory_space<vmem>>
      %dma_start3A_33 = arith.constant 0 : i32
      %dma_start3A_34 = arith.constant 0 : i32
      %dma_start3A_35 = tpu.memref_slice %arg2[%dma_start3A_33, %dma_start3A_34] : memref<1024x128xf32, #tpu.memory_space<hbm>> -> memref<1024x128xf32, #tpu.memory_space<hbm>>
      tpu.enqueue_indirect_dma source(%dma_start3A_35 : memref<1024x128xf32, #tpu.memory_space<hbm>>) target(%arg11 : memref<80x128xf32, #tpu.memory_space<vmem>>) offsets(%dma_start3A : memref<80xi32, #tpu.memory_space<vmem>>) semaphore(%arg15 : memref<!tpu.dma_semaphore, #tpu.memory_space<semaphore_mem>>)
      %add3A_36 = arith.constant 1 : i32
      %add3A_37 = arith.addi %mul3A_28, %add3A_36 : i32
      %mul3A_38 = arith.constant 80 : i32
      %mul3A_39 = arith.muli %add3A_37, %mul3A_38 : i32
      %dma_start3A_40 = tpu.memref_slice %arg10[%mul3A_39] : memref<1600xi32, #tpu.memory_space<vmem>> -> memref<80xi32, #tpu.memory_space<vmem>>
      %dma_start3A_41 = arith.constant 0 : i32
      %dma_start3A_42 = arith.constant 0 : i32
      %dma_start3A_43 = tpu.memref_slice %arg2[%dma_start3A_41, %dma_start3A_42] : memref<1024x128xf32, #tpu.memory_space<hbm>> -> memref<1024x128xf32, #tpu.memory_space<hbm>>
      tpu.enqueue_indirect_dma source(%dma_start3A_43 : memref<1024x128xf32, #tpu.memory_space<hbm>>) target(%arg12 : memref<80x128xf32, #tpu.memory_space<vmem>>) offsets(%dma_start3A_40 : memref<80xi32, #tpu.memory_space<vmem>>) semaphore(%arg16 : memref<!tpu.dma_semaphore, #tpu.memory_space<semaphore_mem>>)
      %add3A_44 = arith.constant 2 : i32
      %add3A_45 = arith.addi %mul3A_28, %add3A_44 : i32
      %mul3A_46 = arith.constant 80 : i32
      %mul3A_47 = arith.muli %add3A_45, %mul3A_46 : i32
      %dma_start3A_48 = tpu.memref_slice %arg10[%mul3A_47] : memref<1600xi32, #tpu.memory_space<vmem>> -> memref<80xi32, #tpu.memory_space<vmem>>
      %dma_start3A_49 = arith.constant 0 : i32
      %dma_start3A_50 = arith.constant 0 : i32
      %dma_start3A_51 = tpu.memref_slice %arg2[%dma_start3A_49, %dma_start3A_50] : memref<1024x128xf32, #tpu.memory_space<hbm>> -> memref<1024x128xf32, #tpu.memory_space<hbm>>
      tpu.enqueue_indirect_dma source(%dma_start3A_51 : memref<1024x128xf32, #tpu.memory_space<hbm>>) target(%arg13 : memref<80x128xf32, #tpu.memory_space<vmem>>) offsets(%dma_start3A_48 : memref<80xi32, #tpu.memory_space<vmem>>) semaphore(%arg17 : memref<!tpu.dma_semaphore, #tpu.memory_space<semaphore_mem>>)
      %add3A_52 = arith.constant 3 : i32
      %add3A_53 = arith.addi %mul3A_28, %add3A_52 : i32
      %mul3A_54 = arith.constant 80 : i32
      %mul3A_55 = arith.muli %add3A_53, %mul3A_54 : i32
      %dma_start3A_56 = tpu.memref_slice %arg10[%mul3A_55] : memref<1600xi32, #tpu.memory_space<vmem>> -> memref<80xi32, #tpu.memory_space<vmem>>
      %dma_start3A_57 = arith.constant 0 : i32
      %dma_start3A_58 = arith.constant 0 : i32
      %dma_start3A_59 = tpu.memref_slice %arg2[%dma_start3A_57, %dma_start3A_58] : memref<1024x128xf32, #tpu.memory_space<hbm>> -> memref<1024x128xf32, #tpu.memory_space<hbm>>
      tpu.enqueue_indirect_dma source(%dma_start3A_59 : memref<1024x128xf32, #tpu.memory_space<hbm>>) target(%arg14 : memref<80x128xf32, #tpu.memory_space<vmem>>) offsets(%dma_start3A_56 : memref<80xi32, #tpu.memory_space<vmem>>) semaphore(%arg18 : memref<!tpu.dma_semaphore, #tpu.memory_space<semaphore_mem>>)
      %dma_wait3A = tpu.memref_slice %arg10[%mul3A_32] : memref<1600xi32, #tpu.memory_space<vmem>> -> memref<80xi32, #tpu.memory_space<vmem>>
      %dma_wait3A_60 = arith.constant 0 : i32
      %dma_wait3A_61 = arith.constant 0 : i32
      %dma_wait3A_62 = tpu.memref_slice %arg2[%dma_wait3A_60, %dma_wait3A_61] : memref<1024x128xf32, #tpu.memory_space<hbm>> -> memref<1024x128xf32, #tpu.memory_space<hbm>>
      tpu.wait_indirect_dma semaphore(%arg15 : memref<!tpu.dma_semaphore, #tpu.memory_space<semaphore_mem>>) src(%dma_wait3A_62 : memref<1024x128xf32, #tpu.memory_space<hbm>>) dst(%arg11 : memref<80x128xf32, #tpu.memory_space<vmem>>)
      %add3A_63 = arith.constant 0 : i32
      %add3A_64 = arith.addi %mul3A_28, %add3A_63 : i32
      %mul3A_65 = arith.constant 80 : i32
      %mul3A_66 = arith.muli %add3A_64, %mul3A_65 : i32
      %add3A_67 = arith.addi %multiple_of3A, %mul3A_66 : i32
      "tpu.region"() ({
        %run_scoped3A = tpu.sem_alloc : memref<!tpu.dma_semaphore, #tpu.memory_space<semaphore_mem>>
        %dma_start3A_95 = arith.constant 0 : i32
        %dma_start3A_96 = tpu.memref_slice %arg7[%add3A_67, %dma_start3A_95] : memref<51200x128xf32, #tpu.memory_space<hbm>> -> memref<80x128xf32, #tpu.memory_space<hbm>>
        %dma_start3A_97 = arith.constant 0 : i32
        %dma_start3A_98 = tpu.memref_slice %arg7[%add3A_67, %dma_start3A_97] : memref<51200x128xf32, #tpu.memory_space<hbm>> -> memref<80x128xf32, #tpu.memory_space<hbm>>
        tpu.enqueue_dma source(%arg11 : memref<80x128xf32, #tpu.memory_space<vmem>>) target(%dma_start3A_98 : memref<80x128xf32, #tpu.memory_space<hbm>>) target_semaphore(%run_scoped3A : memref<!tpu.dma_semaphore, #tpu.memory_space<semaphore_mem>>)
        %dma_wait3A_99 = arith.constant 0 : i32
        %dma_wait3A_100 = tpu.memref_slice %arg7[%add3A_67, %dma_wait3A_99] : memref<51200x128xf32, #tpu.memory_space<hbm>> -> memref<80x128xf32, #tpu.memory_space<hbm>>
        %dma_wait3A_101 = arith.constant 0 : i32
        %dma_wait3A_102 = tpu.memref_slice %arg7[%add3A_67, %dma_wait3A_101] : memref<51200x128xf32, #tpu.memory_space<hbm>> -> memref<80x128xf32, #tpu.memory_space<hbm>>
        tpu.wait_dma2 semaphore(%run_scoped3A : memref<!tpu.dma_semaphore, #tpu.memory_space<semaphore_mem>>) src(%arg11 : memref<80x128xf32, #tpu.memory_space<vmem>>) dst(%dma_wait3A_102 : memref<80x128xf32, #tpu.memory_space<hbm>>)
        tpu.yield
      }) : () -> ()
      %dma_wait3A_68 = tpu.memref_slice %arg10[%mul3A_39] : memref<1600xi32, #tpu.memory_space<vmem>> -> memref<80xi32, #tpu.memory_space<vmem>>
      %dma_wait3A_69 = arith.constant 0 : i32
      %dma_wait3A_70 = arith.constant 0 : i32
      %dma_wait3A_71 = tpu.memref_slice %arg2[%dma_wait3A_69, %dma_wait3A_70] : memref<1024x128xf32, #tpu.memory_space<hbm>> -> memref<1024x128xf32, #tpu.memory_space<hbm>>
      tpu.wait_indirect_dma semaphore(%arg16 : memref<!tpu.dma_semaphore, #tpu.memory_space<semaphore_mem>>) src(%dma_wait3A_71 : memref<1024x128xf32, #tpu.memory_space<hbm>>) dst(%arg12 : memref<80x128xf32, #tpu.memory_space<vmem>>)
      %add3A_72 = arith.constant 1 : i32
      %add3A_73 = arith.addi %mul3A_28, %add3A_72 : i32
      %mul3A_74 = arith.constant 80 : i32
      %mul3A_75 = arith.muli %add3A_73, %mul3A_74 : i32
      %add3A_76 = arith.addi %multiple_of3A, %mul3A_75 : i32
      "tpu.region"() ({
        %run_scoped3A = tpu.sem_alloc : memref<!tpu.dma_semaphore, #tpu.memory_space<semaphore_mem>>
        %dma_start3A_95 = arith.constant 0 : i32
        %dma_start3A_96 = tpu.memref_slice %arg7[%add3A_76, %dma_start3A_95] : memref<51200x128xf32, #tpu.memory_space<hbm>> -> memref<80x128xf32, #tpu.memory_space<hbm>>
        %dma_start3A_97 = arith.constant 0 : i32
        %dma_start3A_98 = tpu.memref_slice %arg7[%add3A_76, %dma_start3A_97] : memref<51200x128xf32, #tpu.memory_space<hbm>> -> memref<80x128xf32, #tpu.memory_space<hbm>>
        tpu.enqueue_dma source(%arg12 : memref<80x128xf32, #tpu.memory_space<vmem>>) target(%dma_start3A_98 : memref<80x128xf32, #tpu.memory_space<hbm>>) target_semaphore(%run_scoped3A : memref<!tpu.dma_semaphore, #tpu.memory_space<semaphore_mem>>)
        %dma_wait3A_99 = arith.constant 0 : i32
        %dma_wait3A_100 = tpu.memref_slice %arg7[%add3A_76, %dma_wait3A_99] : memref<51200x128xf32, #tpu.memory_space<hbm>> -> memref<80x128xf32, #tpu.memory_space<hbm>>
        %dma_wait3A_101 = arith.constant 0 : i32
        %dma_wait3A_102 = tpu.memref_slice %arg7[%add3A_76, %dma_wait3A_101] : memref<51200x128xf32, #tpu.memory_space<hbm>> -> memref<80x128xf32, #tpu.memory_space<hbm>>
        tpu.wait_dma2 semaphore(%run_scoped3A : memref<!tpu.dma_semaphore, #tpu.memory_space<semaphore_mem>>) src(%arg12 : memref<80x128xf32, #tpu.memory_space<vmem>>) dst(%dma_wait3A_102 : memref<80x128xf32, #tpu.memory_space<hbm>>)
        tpu.yield
      }) : () -> ()
      %dma_wait3A_77 = tpu.memref_slice %arg10[%mul3A_47] : memref<1600xi32, #tpu.memory_space<vmem>> -> memref<80xi32, #tpu.memory_space<vmem>>
      %dma_wait3A_78 = arith.constant 0 : i32
      %dma_wait3A_79 = arith.constant 0 : i32
      %dma_wait3A_80 = tpu.memref_slice %arg2[%dma_wait3A_78, %dma_wait3A_79] : memref<1024x128xf32, #tpu.memory_space<hbm>> -> memref<1024x128xf32, #tpu.memory_space<hbm>>
      tpu.wait_indirect_dma semaphore(%arg17 : memref<!tpu.dma_semaphore, #tpu.memory_space<semaphore_mem>>) src(%dma_wait3A_80 : memref<1024x128xf32, #tpu.memory_space<hbm>>) dst(%arg13 : memref<80x128xf32, #tpu.memory_space<vmem>>)
      %add3A_81 = arith.constant 2 : i32
      %add3A_82 = arith.addi %mul3A_28, %add3A_81 : i32
      %mul3A_83 = arith.constant 80 : i32
      %mul3A_84 = arith.muli %add3A_82, %mul3A_83 : i32
      %add3A_85 = arith.addi %multiple_of3A, %mul3A_84 : i32
      "tpu.region"() ({
        %run_scoped3A = tpu.sem_alloc : memref<!tpu.dma_semaphore, #tpu.memory_space<semaphore_mem>>
        %dma_start3A_95 = arith.constant 0 : i32
        %dma_start3A_96 = tpu.memref_slice %arg7[%add3A_85, %dma_start3A_95] : memref<51200x128xf32, #tpu.memory_space<hbm>> -> memref<80x128xf32, #tpu.memory_space<hbm>>
        %dma_start3A_97 = arith.constant 0 : i32
        %dma_start3A_98 = tpu.memref_slice %arg7[%add3A_85, %dma_start3A_97] : memref<51200x128xf32, #tpu.memory_space<hbm>> -> memref<80x128xf32, #tpu.memory_space<hbm>>
        tpu.enqueue_dma source(%arg13 : memref<80x128xf32, #tpu.memory_space<vmem>>) target(%dma_start3A_98 : memref<80x128xf32, #tpu.memory_space<hbm>>) target_semaphore(%run_scoped3A : memref<!tpu.dma_semaphore, #tpu.memory_space<semaphore_mem>>)
        %dma_wait3A_99 = arith.constant 0 : i32
        %dma_wait3A_100 = tpu.memref_slice %arg7[%add3A_85, %dma_wait3A_99] : memref<51200x128xf32, #tpu.memory_space<hbm>> -> memref<80x128xf32, #tpu.memory_space<hbm>>
        %dma_wait3A_101 = arith.constant 0 : i32
        %dma_wait3A_102 = tpu.memref_slice %arg7[%add3A_85, %dma_wait3A_101] : memref<51200x128xf32, #tpu.memory_space<hbm>> -> memref<80x128xf32, #tpu.memory_space<hbm>>
        tpu.wait_dma2 semaphore(%run_scoped3A : memref<!tpu.dma_semaphore, #tpu.memory_space<semaphore_mem>>) src(%arg13 : memref<80x128xf32, #tpu.memory_space<vmem>>) dst(%dma_wait3A_102 : memref<80x128xf32, #tpu.memory_space<hbm>>)
        tpu.yield
      }) : () -> ()
      %dma_wait3A_86 = tpu.memref_slice %arg10[%mul3A_55] : memref<1600xi32, #tpu.memory_space<vmem>> -> memref<80xi32, #tpu.memory_space<vmem>>
      %dma_wait3A_87 = arith.constant 0 : i32
      %dma_wait3A_88 = arith.constant 0 : i32
      %dma_wait3A_89 = tpu.memref_slice %arg2[%dma_wait3A_87, %dma_wait3A_88] : memref<1024x128xf32, #tpu.memory_space<hbm>> -> memref<1024x128xf32, #tpu.memory_space<hbm>>
      tpu.wait_indirect_dma semaphore(%arg18 : memref<!tpu.dma_semaphore, #tpu.memory_space<semaphore_mem>>) src(%dma_wait3A_89 : memref<1024x128xf32, #tpu.memory_space<hbm>>) dst(%arg14 : memref<80x128xf32, #tpu.memory_space<vmem>>)
      %add3A_90 = arith.constant 3 : i32
      %add3A_91 = arith.addi %mul3A_28, %add3A_90 : i32
      %mul3A_92 = arith.constant 80 : i32
      %mul3A_93 = arith.muli %add3A_91, %mul3A_92 : i32
      %add3A_94 = arith.addi %multiple_of3A, %mul3A_93 : i32
      "tpu.region"() ({
        %run_scoped3A = tpu.sem_alloc : memref<!tpu.dma_semaphore, #tpu.memory_space<semaphore_mem>>
        %dma_start3A_95 = arith.constant 0 : i32
        %dma_start3A_96 = tpu.memref_slice %arg7[%add3A_94, %dma_start3A_95] : memref<51200x128xf32, #tpu.memory_space<hbm>> -> memref<80x128xf32, #tpu.memory_space<hbm>>
        %dma_start3A_97 = arith.constant 0 : i32
        %dma_start3A_98 = tpu.memref_slice %arg7[%add3A_94, %dma_start3A_97] : memref<51200x128xf32, #tpu.memory_space<hbm>> -> memref<80x128xf32, #tpu.memory_space<hbm>>
        tpu.enqueue_dma source(%arg14 : memref<80x128xf32, #tpu.memory_space<vmem>>) target(%dma_start3A_98 : memref<80x128xf32, #tpu.memory_space<hbm>>) target_semaphore(%run_scoped3A : memref<!tpu.dma_semaphore, #tpu.memory_space<semaphore_mem>>)
        %dma_wait3A_99 = arith.constant 0 : i32
        %dma_wait3A_100 = tpu.memref_slice %arg7[%add3A_94, %dma_wait3A_99] : memref<51200x128xf32, #tpu.memory_space<hbm>> -> memref<80x128xf32, #tpu.memory_space<hbm>>
        %dma_wait3A_101 = arith.constant 0 : i32
        %dma_wait3A_102 = tpu.memref_slice %arg7[%add3A_94, %dma_wait3A_101] : memref<51200x128xf32, #tpu.memory_space<hbm>> -> memref<80x128xf32, #tpu.memory_space<hbm>>
        tpu.wait_dma2 semaphore(%run_scoped3A : memref<!tpu.dma_semaphore, #tpu.memory_space<semaphore_mem>>) src(%arg14 : memref<80x128xf32, #tpu.memory_space<vmem>>) dst(%dma_wait3A_102 : memref<80x128xf32, #tpu.memory_space<hbm>>)
        tpu.yield
      }) : () -> ()
    }
    %scan3A_7 = arith.constant 5 : i32
    %mul3A_8 = arith.constant 640 : i32
    %mul3A_9 = arith.muli %add3A, %mul3A_8 : i32
    %multiple_of3A_10 = tpu.assume_multiple %mul3A_9, 8 : i32
    "tpu.region"() ({
      %run_scoped3A = tpu.sem_alloc : memref<!tpu.dma_semaphore, #tpu.memory_space<semaphore_mem>>
      %dma_start3A = arith.constant 0 : i32
      %dma_start3A_26 = tpu.memref_slice %arg10[%dma_start3A] : memref<1600xi32, #tpu.memory_space<vmem>> -> memref<640xi32, #tpu.memory_space<vmem>>
      %dma_start3A_27 = tpu.memref_slice %arg5[%multiple_of3A_10] : memref<20480xi32, #tpu.memory_space<hbm>> -> memref<640xi32, #tpu.memory_space<hbm>>
      %dma_start3A_28 = arith.constant 0 : i32
      %dma_start3A_29 = tpu.memref_slice %arg10[%dma_start3A_28] : memref<1600xi32, #tpu.memory_space<vmem>> -> memref<640xi32, #tpu.memory_space<vmem>>
      %dma_start3A_30 = tpu.memref_slice %arg5[%multiple_of3A_10] : memref<20480xi32, #tpu.memory_space<hbm>> -> memref<640xi32, #tpu.memory_space<hbm>>
      tpu.enqueue_dma source(%dma_start3A_30 : memref<640xi32, #tpu.memory_space<hbm>>) target(%dma_start3A_29 : memref<640xi32, #tpu.memory_space<vmem>>) target_semaphore(%run_scoped3A : memref<!tpu.dma_semaphore, #tpu.memory_space<semaphore_mem>>)
      %dma_wait3A = arith.constant 0 : i32
      %dma_wait3A_31 = tpu.memref_slice %arg10[%dma_wait3A] : memref<1600xi32, #tpu.memory_space<vmem>> -> memref<640xi32, #tpu.memory_space<vmem>>
      %dma_wait3A_32 = tpu.memref_slice %arg5[%multiple_of3A_10] : memref<20480xi32, #tpu.memory_space<hbm>> -> memref<640xi32, #tpu.memory_space<hbm>>
      %dma_wait3A_33 = arith.constant 0 : i32
      %dma_wait3A_34 = tpu.memref_slice %arg10[%dma_wait3A_33] : memref<1600xi32, #tpu.memory_space<vmem>> -> memref<640xi32, #tpu.memory_space<vmem>>
      %dma_wait3A_35 = tpu.memref_slice %arg5[%multiple_of3A_10] : memref<20480xi32, #tpu.memory_space<hbm>> -> memref<640xi32, #tpu.memory_space<hbm>>
      tpu.wait_dma2 semaphore(%run_scoped3A : memref<!tpu.dma_semaphore, #tpu.memory_space<semaphore_mem>>) src(%dma_wait3A_35 : memref<640xi32, #tpu.memory_space<hbm>>) dst(%dma_wait3A_34 : memref<640xi32, #tpu.memory_space<vmem>>)
      tpu.yield
    }) : () -> ()
    %scan3A_11 = arith.constant 0 : i32
    %scan3A_12 = arith.constant 0 : i32
    %scan3A_13 = arith.constant 2 : i32
    %scan3A_14 = arith.addi %scan3A_12, %scan3A_13 : i32
    %scan3A_15 = arith.constant 1 : i32
    scf.for %scan3A_26 = %scan3A_12 to %scan3A_14 step %scan3A_15  : i32 {
      %mul3A_27 = arith.constant 4 : i32
      %mul3A_28 = arith.muli %scan3A_26, %mul3A_27 : i32
      %add3A_29 = arith.constant 0 : i32
      %add3A_30 = arith.addi %mul3A_28, %add3A_29 : i32
      %mul3A_31 = arith.constant 80 : i32
      %mul3A_32 = arith.muli %add3A_30, %mul3A_31 : i32
      %dma_start3A = tpu.memref_slice %arg10[%mul3A_32] : memref<1600xi32, #tpu.memory_space<vmem>> -> memref<80xi32, #tpu.memory_space<vmem>>
      %dma_start3A_33 = arith.constant 0 : i32
      %dma_start3A_34 = arith.constant 0 : i32
      %dma_start3A_35 = tpu.memref_slice %arg2[%dma_start3A_33, %dma_start3A_34] : memref<1024x128xf32, #tpu.memory_space<hbm>> -> memref<1024x128xf32, #tpu.memory_space<hbm>>
      tpu.enqueue_indirect_dma source(%dma_start3A_35 : memref<1024x128xf32, #tpu.memory_space<hbm>>) target(%arg11 : memref<80x128xf32, #tpu.memory_space<vmem>>) offsets(%dma_start3A : memref<80xi32, #tpu.memory_space<vmem>>) semaphore(%arg15 : memref<!tpu.dma_semaphore, #tpu.memory_space<semaphore_mem>>)
      %add3A_36 = arith.constant 1 : i32
      %add3A_37 = arith.addi %mul3A_28, %add3A_36 : i32
      %mul3A_38 = arith.constant 80 : i32
      %mul3A_39 = arith.muli %add3A_37, %mul3A_38 : i32
      %dma_start3A_40 = tpu.memref_slice %arg10[%mul3A_39] : memref<1600xi32, #tpu.memory_space<vmem>> -> memref<80xi32, #tpu.memory_space<vmem>>
      %dma_start3A_41 = arith.constant 0 : i32
      %dma_start3A_42 = arith.constant 0 : i32
      %dma_start3A_43 = tpu.memref_slice %arg2[%dma_start3A_41, %dma_start3A_42] : memref<1024x128xf32, #tpu.memory_space<hbm>> -> memref<1024x128xf32, #tpu.memory_space<hbm>>
      tpu.enqueue_indirect_dma source(%dma_start3A_43 : memref<1024x128xf32, #tpu.memory_space<hbm>>) target(%arg12 : memref<80x128xf32, #tpu.memory_space<vmem>>) offsets(%dma_start3A_40 : memref<80xi32, #tpu.memory_space<vmem>>) semaphore(%arg16 : memref<!tpu.dma_semaphore, #tpu.memory_space<semaphore_mem>>)
      %add3A_44 = arith.constant 2 : i32
      %add3A_45 = arith.addi %mul3A_28, %add3A_44 : i32
      %mul3A_46 = arith.constant 80 : i32
      %mul3A_47 = arith.muli %add3A_45, %mul3A_46 : i32
      %dma_start3A_48 = tpu.memref_slice %arg10[%mul3A_47] : memref<1600xi32, #tpu.memory_space<vmem>> -> memref<80xi32, #tpu.memory_space<vmem>>
      %dma_start3A_49 = arith.constant 0 : i32
      %dma_start3A_50 = arith.constant 0 : i32
      %dma_start3A_51 = tpu.memref_slice %arg2[%dma_start3A_49, %dma_start3A_50] : memref<1024x128xf32, #tpu.memory_space<hbm>> -> memref<1024x128xf32, #tpu.memory_space<hbm>>
      tpu.enqueue_indirect_dma source(%dma_start3A_51 : memref<1024x128xf32, #tpu.memory_space<hbm>>) target(%arg13 : memref<80x128xf32, #tpu.memory_space<vmem>>) offsets(%dma_start3A_48 : memref<80xi32, #tpu.memory_space<vmem>>) semaphore(%arg17 : memref<!tpu.dma_semaphore, #tpu.memory_space<semaphore_mem>>)
      %add3A_52 = arith.constant 3 : i32
      %add3A_53 = arith.addi %mul3A_28, %add3A_52 : i32
      %mul3A_54 = arith.constant 80 : i32
      %mul3A_55 = arith.muli %add3A_53, %mul3A_54 : i32
      %dma_start3A_56 = tpu.memref_slice %arg10[%mul3A_55] : memref<1600xi32, #tpu.memory_space<vmem>> -> memref<80xi32, #tpu.memory_space<vmem>>
      %dma_start3A_57 = arith.constant 0 : i32
      %dma_start3A_58 = arith.constant 0 : i32
      %dma_start3A_59 = tpu.memref_slice %arg2[%dma_start3A_57, %dma_start3A_58] : memref<1024x128xf32, #tpu.memory_space<hbm>> -> memref<1024x128xf32, #tpu.memory_space<hbm>>
      tpu.enqueue_indirect_dma source(%dma_start3A_59 : memref<1024x128xf32, #tpu.memory_space<hbm>>) target(%arg14 : memref<80x128xf32, #tpu.memory_space<vmem>>) offsets(%dma_start3A_56 : memref<80xi32, #tpu.memory_space<vmem>>) semaphore(%arg18 : memref<!tpu.dma_semaphore, #tpu.memory_space<semaphore_mem>>)
      %dma_wait3A = tpu.memref_slice %arg10[%mul3A_32] : memref<1600xi32, #tpu.memory_space<vmem>> -> memref<80xi32, #tpu.memory_space<vmem>>
      %dma_wait3A_60 = arith.constant 0 : i32
      %dma_wait3A_61 = arith.constant 0 : i32
      %dma_wait3A_62 = tpu.memref_slice %arg2[%dma_wait3A_60, %dma_wait3A_61] : memref<1024x128xf32, #tpu.memory_space<hbm>> -> memref<1024x128xf32, #tpu.memory_space<hbm>>
      tpu.wait_indirect_dma semaphore(%arg15 : memref<!tpu.dma_semaphore, #tpu.memory_space<semaphore_mem>>) src(%dma_wait3A_62 : memref<1024x128xf32, #tpu.memory_space<hbm>>) dst(%arg11 : memref<80x128xf32, #tpu.memory_space<vmem>>)
      %add3A_63 = arith.constant 0 : i32
      %add3A_64 = arith.addi %mul3A_28, %add3A_63 : i32
      %mul3A_65 = arith.constant 80 : i32
      %mul3A_66 = arith.muli %add3A_64, %mul3A_65 : i32
      %add3A_67 = arith.addi %multiple_of3A_10, %mul3A_66 : i32
      "tpu.region"() ({
        %run_scoped3A = tpu.sem_alloc : memref<!tpu.dma_semaphore, #tpu.memory_space<semaphore_mem>>
        %dma_start3A_95 = arith.constant 0 : i32
        %dma_start3A_96 = tpu.memref_slice %arg8[%add3A_67, %dma_start3A_95] : memref<20480x128xf32, #tpu.memory_space<hbm>> -> memref<80x128xf32, #tpu.memory_space<hbm>>
        %dma_start3A_97 = arith.constant 0 : i32
        %dma_start3A_98 = tpu.memref_slice %arg8[%add3A_67, %dma_start3A_97] : memref<20480x128xf32, #tpu.memory_space<hbm>> -> memref<80x128xf32, #tpu.memory_space<hbm>>
        tpu.enqueue_dma source(%arg11 : memref<80x128xf32, #tpu.memory_space<vmem>>) target(%dma_start3A_98 : memref<80x128xf32, #tpu.memory_space<hbm>>) target_semaphore(%run_scoped3A : memref<!tpu.dma_semaphore, #tpu.memory_space<semaphore_mem>>)
        %dma_wait3A_99 = arith.constant 0 : i32
        %dma_wait3A_100 = tpu.memref_slice %arg8[%add3A_67, %dma_wait3A_99] : memref<20480x128xf32, #tpu.memory_space<hbm>> -> memref<80x128xf32, #tpu.memory_space<hbm>>
        %dma_wait3A_101 = arith.constant 0 : i32
        %dma_wait3A_102 = tpu.memref_slice %arg8[%add3A_67, %dma_wait3A_101] : memref<20480x128xf32, #tpu.memory_space<hbm>> -> memref<80x128xf32, #tpu.memory_space<hbm>>
        tpu.wait_dma2 semaphore(%run_scoped3A : memref<!tpu.dma_semaphore, #tpu.memory_space<semaphore_mem>>) src(%arg11 : memref<80x128xf32, #tpu.memory_space<vmem>>) dst(%dma_wait3A_102 : memref<80x128xf32, #tpu.memory_space<hbm>>)
        tpu.yield
      }) : () -> ()
      %dma_wait3A_68 = tpu.memref_slice %arg10[%mul3A_39] : memref<1600xi32, #tpu.memory_space<vmem>> -> memref<80xi32, #tpu.memory_space<vmem>>
      %dma_wait3A_69 = arith.constant 0 : i32
      %dma_wait3A_70 = arith.constant 0 : i32
      %dma_wait3A_71 = tpu.memref_slice %arg2[%dma_wait3A_69, %dma_wait3A_70] : memref<1024x128xf32, #tpu.memory_space<hbm>> -> memref<1024x128xf32, #tpu.memory_space<hbm>>
      tpu.wait_indirect_dma semaphore(%arg16 : memref<!tpu.dma_semaphore, #tpu.memory_space<semaphore_mem>>) src(%dma_wait3A_71 : memref<1024x128xf32, #tpu.memory_space<hbm>>) dst(%arg12 : memref<80x128xf32, #tpu.memory_space<vmem>>)
      %add3A_72 = arith.constant 1 : i32
      %add3A_73 = arith.addi %mul3A_28, %add3A_72 : i32
      %mul3A_74 = arith.constant 80 : i32
      %mul3A_75 = arith.muli %add3A_73, %mul3A_74 : i32
      %add3A_76 = arith.addi %multiple_of3A_10, %mul3A_75 : i32
      "tpu.region"() ({
        %run_scoped3A = tpu.sem_alloc : memref<!tpu.dma_semaphore, #tpu.memory_space<semaphore_mem>>
        %dma_start3A_95 = arith.constant 0 : i32
        %dma_start3A_96 = tpu.memref_slice %arg8[%add3A_76, %dma_start3A_95] : memref<20480x128xf32, #tpu.memory_space<hbm>> -> memref<80x128xf32, #tpu.memory_space<hbm>>
        %dma_start3A_97 = arith.constant 0 : i32
        %dma_start3A_98 = tpu.memref_slice %arg8[%add3A_76, %dma_start3A_97] : memref<20480x128xf32, #tpu.memory_space<hbm>> -> memref<80x128xf32, #tpu.memory_space<hbm>>
        tpu.enqueue_dma source(%arg12 : memref<80x128xf32, #tpu.memory_space<vmem>>) target(%dma_start3A_98 : memref<80x128xf32, #tpu.memory_space<hbm>>) target_semaphore(%run_scoped3A : memref<!tpu.dma_semaphore, #tpu.memory_space<semaphore_mem>>)
        %dma_wait3A_99 = arith.constant 0 : i32
        %dma_wait3A_100 = tpu.memref_slice %arg8[%add3A_76, %dma_wait3A_99] : memref<20480x128xf32, #tpu.memory_space<hbm>> -> memref<80x128xf32, #tpu.memory_space<hbm>>
        %dma_wait3A_101 = arith.constant 0 : i32
        %dma_wait3A_102 = tpu.memref_slice %arg8[%add3A_76, %dma_wait3A_101] : memref<20480x128xf32, #tpu.memory_space<hbm>> -> memref<80x128xf32, #tpu.memory_space<hbm>>
        tpu.wait_dma2 semaphore(%run_scoped3A : memref<!tpu.dma_semaphore, #tpu.memory_space<semaphore_mem>>) src(%arg12 : memref<80x128xf32, #tpu.memory_space<vmem>>) dst(%dma_wait3A_102 : memref<80x128xf32, #tpu.memory_space<hbm>>)
        tpu.yield
      }) : () -> ()
      %dma_wait3A_77 = tpu.memref_slice %arg10[%mul3A_47] : memref<1600xi32, #tpu.memory_space<vmem>> -> memref<80xi32, #tpu.memory_space<vmem>>
      %dma_wait3A_78 = arith.constant 0 : i32
      %dma_wait3A_79 = arith.constant 0 : i32
      %dma_wait3A_80 = tpu.memref_slice %arg2[%dma_wait3A_78, %dma_wait3A_79] : memref<1024x128xf32, #tpu.memory_space<hbm>> -> memref<1024x128xf32, #tpu.memory_space<hbm>>
      tpu.wait_indirect_dma semaphore(%arg17 : memref<!tpu.dma_semaphore, #tpu.memory_space<semaphore_mem>>) src(%dma_wait3A_80 : memref<1024x128xf32, #tpu.memory_space<hbm>>) dst(%arg13 : memref<80x128xf32, #tpu.memory_space<vmem>>)
      %add3A_81 = arith.constant 2 : i32
      %add3A_82 = arith.addi %mul3A_28, %add3A_81 : i32
      %mul3A_83 = arith.constant 80 : i32
      %mul3A_84 = arith.muli %add3A_82, %mul3A_83 : i32
      %add3A_85 = arith.addi %multiple_of3A_10, %mul3A_84 : i32
      "tpu.region"() ({
        %run_scoped3A = tpu.sem_alloc : memref<!tpu.dma_semaphore, #tpu.memory_space<semaphore_mem>>
        %dma_start3A_95 = arith.constant 0 : i32
        %dma_start3A_96 = tpu.memref_slice %arg8[%add3A_85, %dma_start3A_95] : memref<20480x128xf32, #tpu.memory_space<hbm>> -> memref<80x128xf32, #tpu.memory_space<hbm>>
        %dma_start3A_97 = arith.constant 0 : i32
        %dma_start3A_98 = tpu.memref_slice %arg8[%add3A_85, %dma_start3A_97] : memref<20480x128xf32, #tpu.memory_space<hbm>> -> memref<80x128xf32, #tpu.memory_space<hbm>>
        tpu.enqueue_dma source(%arg13 : memref<80x128xf32, #tpu.memory_space<vmem>>) target(%dma_start3A_98 : memref<80x128xf32, #tpu.memory_space<hbm>>) target_semaphore(%run_scoped3A : memref<!tpu.dma_semaphore, #tpu.memory_space<semaphore_mem>>)
        %dma_wait3A_99 = arith.constant 0 : i32
        %dma_wait3A_100 = tpu.memref_slice %arg8[%add3A_85, %dma_wait3A_99] : memref<20480x128xf32, #tpu.memory_space<hbm>> -> memref<80x128xf32, #tpu.memory_space<hbm>>
        %dma_wait3A_101 = arith.constant 0 : i32
        %dma_wait3A_102 = tpu.memref_slice %arg8[%add3A_85, %dma_wait3A_101] : memref<20480x128xf32, #tpu.memory_space<hbm>> -> memref<80x128xf32, #tpu.memory_space<hbm>>
        tpu.wait_dma2 semaphore(%run_scoped3A : memref<!tpu.dma_semaphore, #tpu.memory_space<semaphore_mem>>) src(%arg13 : memref<80x128xf32, #tpu.memory_space<vmem>>) dst(%dma_wait3A_102 : memref<80x128xf32, #tpu.memory_space<hbm>>)
        tpu.yield
      }) : () -> ()
      %dma_wait3A_86 = tpu.memref_slice %arg10[%mul3A_55] : memref<1600xi32, #tpu.memory_space<vmem>> -> memref<80xi32, #tpu.memory_space<vmem>>
      %dma_wait3A_87 = arith.constant 0 : i32
      %dma_wait3A_88 = arith.constant 0 : i32
      %dma_wait3A_89 = tpu.memref_slice %arg2[%dma_wait3A_87, %dma_wait3A_88] : memref<1024x128xf32, #tpu.memory_space<hbm>> -> memref<1024x128xf32, #tpu.memory_space<hbm>>
      tpu.wait_indirect_dma semaphore(%arg18 : memref<!tpu.dma_semaphore, #tpu.memory_space<semaphore_mem>>) src(%dma_wait3A_89 : memref<1024x128xf32, #tpu.memory_space<hbm>>) dst(%arg14 : memref<80x128xf32, #tpu.memory_space<vmem>>)
      %add3A_90 = arith.constant 3 : i32
      %add3A_91 = arith.addi %mul3A_28, %add3A_90 : i32
      %mul3A_92 = arith.constant 80 : i32
      %mul3A_93 = arith.muli %add3A_91, %mul3A_92 : i32
      %add3A_94 = arith.addi %multiple_of3A_10, %mul3A_93 : i32
      "tpu.region"() ({
        %run_scoped3A = tpu.sem_alloc : memref<!tpu.dma_semaphore, #tpu.memory_space<semaphore_mem>>
        %dma_start3A_95 = arith.constant 0 : i32
        %dma_start3A_96 = tpu.memref_slice %arg8[%add3A_94, %dma_start3A_95] : memref<20480x128xf32, #tpu.memory_space<hbm>> -> memref<80x128xf32, #tpu.memory_space<hbm>>
        %dma_start3A_97 = arith.constant 0 : i32
        %dma_start3A_98 = tpu.memref_slice %arg8[%add3A_94, %dma_start3A_97] : memref<20480x128xf32, #tpu.memory_space<hbm>> -> memref<80x128xf32, #tpu.memory_space<hbm>>
        tpu.enqueue_dma source(%arg14 : memref<80x128xf32, #tpu.memory_space<vmem>>) target(%dma_start3A_98 : memref<80x128xf32, #tpu.memory_space<hbm>>) target_semaphore(%run_scoped3A : memref<!tpu.dma_semaphore, #tpu.memory_space<semaphore_mem>>)
        %dma_wait3A_99 = arith.constant 0 : i32
        %dma_wait3A_100 = tpu.memref_slice %arg8[%add3A_94, %dma_wait3A_99] : memref<20480x128xf32, #tpu.memory_space<hbm>> -> memref<80x128xf32, #tpu.memory_space<hbm>>
        %dma_wait3A_101 = arith.constant 0 : i32
        %dma_wait3A_102 = tpu.memref_slice %arg8[%add3A_94, %dma_wait3A_101] : memref<20480x128xf32, #tpu.memory_space<hbm>> -> memref<80x128xf32, #tpu.memory_space<hbm>>
        tpu.wait_dma2 semaphore(%run_scoped3A : memref<!tpu.dma_semaphore, #tpu.memory_space<semaphore_mem>>) src(%arg14 : memref<80x128xf32, #tpu.memory_space<vmem>>) dst(%dma_wait3A_102 : memref<80x128xf32, #tpu.memory_space<hbm>>)
        tpu.yield
      }) : () -> ()
    }
    %scan3A_16 = arith.constant 2 : i32
    %mul3A_17 = arith.constant 1600 : i32
    %mul3A_18 = arith.muli %add3A, %mul3A_17 : i32
    %multiple_of3A_19 = tpu.assume_multiple %mul3A_18, 8 : i32
    "tpu.region"() ({
      %run_scoped3A = tpu.sem_alloc : memref<!tpu.dma_semaphore, #tpu.memory_space<semaphore_mem>>
      %dma_start3A = arith.constant 0 : i32
      %dma_start3A_26 = tpu.memref_slice %arg10[%dma_start3A] : memref<1600xi32, #tpu.memory_space<vmem>> -> memref<1600xi32, #tpu.memory_space<vmem>>
      %dma_start3A_27 = tpu.memref_slice %arg6[%multiple_of3A_19] : memref<51200xi32, #tpu.memory_space<hbm>> -> memref<1600xi32, #tpu.memory_space<hbm>>
      %dma_start3A_28 = arith.constant 0 : i32
      %dma_start3A_29 = tpu.memref_slice %arg10[%dma_start3A_28] : memref<1600xi32, #tpu.memory_space<vmem>> -> memref<1600xi32, #tpu.memory_space<vmem>>
      %dma_start3A_30 = tpu.memref_slice %arg6[%multiple_of3A_19] : memref<51200xi32, #tpu.memory_space<hbm>> -> memref<1600xi32, #tpu.memory_space<hbm>>
      tpu.enqueue_dma source(%dma_start3A_30 : memref<1600xi32, #tpu.memory_space<hbm>>) target(%dma_start3A_29 : memref<1600xi32, #tpu.memory_space<vmem>>) target_semaphore(%run_scoped3A : memref<!tpu.dma_semaphore, #tpu.memory_space<semaphore_mem>>)
      %dma_wait3A = arith.constant 0 : i32
      %dma_wait3A_31 = tpu.memref_slice %arg10[%dma_wait3A] : memref<1600xi32, #tpu.memory_space<vmem>> -> memref<1600xi32, #tpu.memory_space<vmem>>
      %dma_wait3A_32 = tpu.memref_slice %arg6[%multiple_of3A_19] : memref<51200xi32, #tpu.memory_space<hbm>> -> memref<1600xi32, #tpu.memory_space<hbm>>
      %dma_wait3A_33 = arith.constant 0 : i32
      %dma_wait3A_34 = tpu.memref_slice %arg10[%dma_wait3A_33] : memref<1600xi32, #tpu.memory_space<vmem>> -> memref<1600xi32, #tpu.memory_space<vmem>>
      %dma_wait3A_35 = tpu.memref_slice %arg6[%multiple_of3A_19] : memref<51200xi32, #tpu.memory_space<hbm>> -> memref<1600xi32, #tpu.memory_space<hbm>>
      tpu.wait_dma2 semaphore(%run_scoped3A : memref<!tpu.dma_semaphore, #tpu.memory_space<semaphore_mem>>) src(%dma_wait3A_35 : memref<1600xi32, #tpu.memory_space<hbm>>) dst(%dma_wait3A_34 : memref<1600xi32, #tpu.memory_space<vmem>>)
      tpu.yield
    }) : () -> ()
    %scan3A_20 = arith.constant 0 : i32
    %scan3A_21 = arith.constant 0 : i32
    %scan3A_22 = arith.constant 5 : i32
    %scan3A_23 = arith.addi %scan3A_21, %scan3A_22 : i32
    %scan3A_24 = arith.constant 1 : i32
    scf.for %scan3A_26 = %scan3A_21 to %scan3A_23 step %scan3A_24  : i32 {
      %mul3A_27 = arith.constant 4 : i32
      %mul3A_28 = arith.muli %scan3A_26, %mul3A_27 : i32
      %add3A_29 = arith.constant 0 : i32
      %add3A_30 = arith.addi %mul3A_28, %add3A_29 : i32
      %mul3A_31 = arith.constant 80 : i32
      %mul3A_32 = arith.muli %add3A_30, %mul3A_31 : i32
      %dma_start3A = tpu.memref_slice %arg10[%mul3A_32] : memref<1600xi32, #tpu.memory_space<vmem>> -> memref<80xi32, #tpu.memory_space<vmem>>
      %dma_start3A_33 = arith.constant 0 : i32
      %dma_start3A_34 = arith.constant 0 : i32
      %dma_start3A_35 = tpu.memref_slice %arg3[%dma_start3A_33, %dma_start3A_34] : memref<1024x128xf32, #tpu.memory_space<hbm>> -> memref<1024x128xf32, #tpu.memory_space<hbm>>
      tpu.enqueue_indirect_dma source(%dma_start3A_35 : memref<1024x128xf32, #tpu.memory_space<hbm>>) target(%arg11 : memref<80x128xf32, #tpu.memory_space<vmem>>) offsets(%dma_start3A : memref<80xi32, #tpu.memory_space<vmem>>) semaphore(%arg15 : memref<!tpu.dma_semaphore, #tpu.memory_space<semaphore_mem>>)
      %add3A_36 = arith.constant 1 : i32
      %add3A_37 = arith.addi %mul3A_28, %add3A_36 : i32
      %mul3A_38 = arith.constant 80 : i32
      %mul3A_39 = arith.muli %add3A_37, %mul3A_38 : i32
      %dma_start3A_40 = tpu.memref_slice %arg10[%mul3A_39] : memref<1600xi32, #tpu.memory_space<vmem>> -> memref<80xi32, #tpu.memory_space<vmem>>
      %dma_start3A_41 = arith.constant 0 : i32
      %dma_start3A_42 = arith.constant 0 : i32
      %dma_start3A_43 = tpu.memref_slice %arg3[%dma_start3A_41, %dma_start3A_42] : memref<1024x128xf32, #tpu.memory_space<hbm>> -> memref<1024x128xf32, #tpu.memory_space<hbm>>
      tpu.enqueue_indirect_dma source(%dma_start3A_43 : memref<1024x128xf32, #tpu.memory_space<hbm>>) target(%arg12 : memref<80x128xf32, #tpu.memory_space<vmem>>) offsets(%dma_start3A_40 : memref<80xi32, #tpu.memory_space<vmem>>) semaphore(%arg16 : memref<!tpu.dma_semaphore, #tpu.memory_space<semaphore_mem>>)
      %add3A_44 = arith.constant 2 : i32
      %add3A_45 = arith.addi %mul3A_28, %add3A_44 : i32
      %mul3A_46 = arith.constant 80 : i32
      %mul3A_47 = arith.muli %add3A_45, %mul3A_46 : i32
      %dma_start3A_48 = tpu.memref_slice %arg10[%mul3A_47] : memref<1600xi32, #tpu.memory_space<vmem>> -> memref<80xi32, #tpu.memory_space<vmem>>
      %dma_start3A_49 = arith.constant 0 : i32
      %dma_start3A_50 = arith.constant 0 : i32
      %dma_start3A_51 = tpu.memref_slice %arg3[%dma_start3A_49, %dma_start3A_50] : memref<1024x128xf32, #tpu.memory_space<hbm>> -> memref<1024x128xf32, #tpu.memory_space<hbm>>
      tpu.enqueue_indirect_dma source(%dma_start3A_51 : memref<1024x128xf32, #tpu.memory_space<hbm>>) target(%arg13 : memref<80x128xf32, #tpu.memory_space<vmem>>) offsets(%dma_start3A_48 : memref<80xi32, #tpu.memory_space<vmem>>) semaphore(%arg17 : memref<!tpu.dma_semaphore, #tpu.memory_space<semaphore_mem>>)
      %add3A_52 = arith.constant 3 : i32
      %add3A_53 = arith.addi %mul3A_28, %add3A_52 : i32
      %mul3A_54 = arith.constant 80 : i32
      %mul3A_55 = arith.muli %add3A_53, %mul3A_54 : i32
      %dma_start3A_56 = tpu.memref_slice %arg10[%mul3A_55] : memref<1600xi32, #tpu.memory_space<vmem>> -> memref<80xi32, #tpu.memory_space<vmem>>
      %dma_start3A_57 = arith.constant 0 : i32
      %dma_start3A_58 = arith.constant 0 : i32
      %dma_start3A_59 = tpu.memref_slice %arg3[%dma_start3A_57, %dma_start3A_58] : memref<1024x128xf32, #tpu.memory_space<hbm>> -> memref<1024x128xf32, #tpu.memory_space<hbm>>
      tpu.enqueue_indirect_dma source(%dma_start3A_59 : memref<1024x128xf32, #tpu.memory_space<hbm>>) target(%arg14 : memref<80x128xf32, #tpu.memory_space<vmem>>) offsets(%dma_start3A_56 : memref<80xi32, #tpu.memory_space<vmem>>) semaphore(%arg18 : memref<!tpu.dma_semaphore, #tpu.memory_space<semaphore_mem>>)
      %dma_wait3A = tpu.memref_slice %arg10[%mul3A_32] : memref<1600xi32, #tpu.memory_space<vmem>> -> memref<80xi32, #tpu.memory_space<vmem>>
      %dma_wait3A_60 = arith.constant 0 : i32
      %dma_wait3A_61 = arith.constant 0 : i32
      %dma_wait3A_62 = tpu.memref_slice %arg3[%dma_wait3A_60, %dma_wait3A_61] : memref<1024x128xf32, #tpu.memory_space<hbm>> -> memref<1024x128xf32, #tpu.memory_space<hbm>>
      tpu.wait_indirect_dma semaphore(%arg15 : memref<!tpu.dma_semaphore, #tpu.memory_space<semaphore_mem>>) src(%dma_wait3A_62 : memref<1024x128xf32, #tpu.memory_space<hbm>>) dst(%arg11 : memref<80x128xf32, #tpu.memory_space<vmem>>)
      %add3A_63 = arith.constant 0 : i32
      %add3A_64 = arith.addi %mul3A_28, %add3A_63 : i32
      %mul3A_65 = arith.constant 80 : i32
      %mul3A_66 = arith.muli %add3A_64, %mul3A_65 : i32
      %add3A_67 = arith.addi %multiple_of3A_19, %mul3A_66 : i32
      "tpu.region"() ({
        %run_scoped3A = tpu.sem_alloc : memref<!tpu.dma_semaphore, #tpu.memory_space<semaphore_mem>>
        %dma_start3A_95 = arith.constant 0 : i32
        %dma_start3A_96 = tpu.memref_slice %arg9[%add3A_67, %dma_start3A_95] : memref<51200x128xf32, #tpu.memory_space<hbm>> -> memref<80x128xf32, #tpu.memory_space<hbm>>
        %dma_start3A_97 = arith.constant 0 : i32
        %dma_start3A_98 = tpu.memref_slice %arg9[%add3A_67, %dma_start3A_97] : memref<51200x128xf32, #tpu.memory_space<hbm>> -> memref<80x128xf32, #tpu.memory_space<hbm>>
        tpu.enqueue_dma source(%arg11 : memref<80x128xf32, #tpu.memory_space<vmem>>) target(%dma_start3A_98 : memref<80x128xf32, #tpu.memory_space<hbm>>) target_semaphore(%run_scoped3A : memref<!tpu.dma_semaphore, #tpu.memory_space<semaphore_mem>>)
        %dma_wait3A_99 = arith.constant 0 : i32
        %dma_wait3A_100 = tpu.memref_slice %arg9[%add3A_67, %dma_wait3A_99] : memref<51200x128xf32, #tpu.memory_space<hbm>> -> memref<80x128xf32, #tpu.memory_space<hbm>>
        %dma_wait3A_101 = arith.constant 0 : i32
        %dma_wait3A_102 = tpu.memref_slice %arg9[%add3A_67, %dma_wait3A_101] : memref<51200x128xf32, #tpu.memory_space<hbm>> -> memref<80x128xf32, #tpu.memory_space<hbm>>
        tpu.wait_dma2 semaphore(%run_scoped3A : memref<!tpu.dma_semaphore, #tpu.memory_space<semaphore_mem>>) src(%arg11 : memref<80x128xf32, #tpu.memory_space<vmem>>) dst(%dma_wait3A_102 : memref<80x128xf32, #tpu.memory_space<hbm>>)
        tpu.yield
      }) : () -> ()
      %dma_wait3A_68 = tpu.memref_slice %arg10[%mul3A_39] : memref<1600xi32, #tpu.memory_space<vmem>> -> memref<80xi32, #tpu.memory_space<vmem>>
      %dma_wait3A_69 = arith.constant 0 : i32
      %dma_wait3A_70 = arith.constant 0 : i32
      %dma_wait3A_71 = tpu.memref_slice %arg3[%dma_wait3A_69, %dma_wait3A_70] : memref<1024x128xf32, #tpu.memory_space<hbm>> -> memref<1024x128xf32, #tpu.memory_space<hbm>>
      tpu.wait_indirect_dma semaphore(%arg16 : memref<!tpu.dma_semaphore, #tpu.memory_space<semaphore_mem>>) src(%dma_wait3A_71 : memref<1024x128xf32, #tpu.memory_space<hbm>>) dst(%arg12 : memref<80x128xf32, #tpu.memory_space<vmem>>)
      %add3A_72 = arith.constant 1 : i32
      %add3A_73 = arith.addi %mul3A_28, %add3A_72 : i32
      %mul3A_74 = arith.constant 80 : i32
      %mul3A_75 = arith.muli %add3A_73, %mul3A_74 : i32
      %add3A_76 = arith.addi %multiple_of3A_19, %mul3A_75 : i32
      "tpu.region"() ({
        %run_scoped3A = tpu.sem_alloc : memref<!tpu.dma_semaphore, #tpu.memory_space<semaphore_mem>>
        %dma_start3A_95 = arith.constant 0 : i32
        %dma_start3A_96 = tpu.memref_slice %arg9[%add3A_76, %dma_start3A_95] : memref<51200x128xf32, #tpu.memory_space<hbm>> -> memref<80x128xf32, #tpu.memory_space<hbm>>
        %dma_start3A_97 = arith.constant 0 : i32
        %dma_start3A_98 = tpu.memref_slice %arg9[%add3A_76, %dma_start3A_97] : memref<51200x128xf32, #tpu.memory_space<hbm>> -> memref<80x128xf32, #tpu.memory_space<hbm>>
        tpu.enqueue_dma source(%arg12 : memref<80x128xf32, #tpu.memory_space<vmem>>) target(%dma_start3A_98 : memref<80x128xf32, #tpu.memory_space<hbm>>) target_semaphore(%run_scoped3A : memref<!tpu.dma_semaphore, #tpu.memory_space<semaphore_mem>>)
        %dma_wait3A_99 = arith.constant 0 : i32
        %dma_wait3A_100 = tpu.memref_slice %arg9[%add3A_76, %dma_wait3A_99] : memref<51200x128xf32, #tpu.memory_space<hbm>> -> memref<80x128xf32, #tpu.memory_space<hbm>>
        %dma_wait3A_101 = arith.constant 0 : i32
        %dma_wait3A_102 = tpu.memref_slice %arg9[%add3A_76, %dma_wait3A_101] : memref<51200x128xf32, #tpu.memory_space<hbm>> -> memref<80x128xf32, #tpu.memory_space<hbm>>
        tpu.wait_dma2 semaphore(%run_scoped3A : memref<!tpu.dma_semaphore, #tpu.memory_space<semaphore_mem>>) src(%arg12 : memref<80x128xf32, #tpu.memory_space<vmem>>) dst(%dma_wait3A_102 : memref<80x128xf32, #tpu.memory_space<hbm>>)
        tpu.yield
      }) : () -> ()
      %dma_wait3A_77 = tpu.memref_slice %arg10[%mul3A_47] : memref<1600xi32, #tpu.memory_space<vmem>> -> memref<80xi32, #tpu.memory_space<vmem>>
      %dma_wait3A_78 = arith.constant 0 : i32
      %dma_wait3A_79 = arith.constant 0 : i32
      %dma_wait3A_80 = tpu.memref_slice %arg3[%dma_wait3A_78, %dma_wait3A_79] : memref<1024x128xf32, #tpu.memory_space<hbm>> -> memref<1024x128xf32, #tpu.memory_space<hbm>>
      tpu.wait_indirect_dma semaphore(%arg17 : memref<!tpu.dma_semaphore, #tpu.memory_space<semaphore_mem>>) src(%dma_wait3A_80 : memref<1024x128xf32, #tpu.memory_space<hbm>>) dst(%arg13 : memref<80x128xf32, #tpu.memory_space<vmem>>)
      %add3A_81 = arith.constant 2 : i32
      %add3A_82 = arith.addi %mul3A_28, %add3A_81 : i32
      %mul3A_83 = arith.constant 80 : i32
      %mul3A_84 = arith.muli %add3A_82, %mul3A_83 : i32
      %add3A_85 = arith.addi %multiple_of3A_19, %mul3A_84 : i32
      "tpu.region"() ({
        %run_scoped3A = tpu.sem_alloc : memref<!tpu.dma_semaphore, #tpu.memory_space<semaphore_mem>>
        %dma_start3A_95 = arith.constant 0 : i32
        %dma_start3A_96 = tpu.memref_slice %arg9[%add3A_85, %dma_start3A_95] : memref<51200x128xf32, #tpu.memory_space<hbm>> -> memref<80x128xf32, #tpu.memory_space<hbm>>
        %dma_start3A_97 = arith.constant 0 : i32
        %dma_start3A_98 = tpu.memref_slice %arg9[%add3A_85, %dma_start3A_97] : memref<51200x128xf32, #tpu.memory_space<hbm>> -> memref<80x128xf32, #tpu.memory_space<hbm>>
        tpu.enqueue_dma source(%arg13 : memref<80x128xf32, #tpu.memory_space<vmem>>) target(%dma_start3A_98 : memref<80x128xf32, #tpu.memory_space<hbm>>) target_semaphore(%run_scoped3A : memref<!tpu.dma_semaphore, #tpu.memory_space<semaphore_mem>>)
        %dma_wait3A_99 = arith.constant 0 : i32
        %dma_wait3A_100 = tpu.memref_slice %arg9[%add3A_85, %dma_wait3A_99] : memref<51200x128xf32, #tpu.memory_space<hbm>> -> memref<80x128xf32, #tpu.memory_space<hbm>>
        %dma_wait3A_101 = arith.constant 0 : i32
        %dma_wait3A_102 = tpu.memref_slice %arg9[%add3A_85, %dma_wait3A_101] : memref<51200x128xf32, #tpu.memory_space<hbm>> -> memref<80x128xf32, #tpu.memory_space<hbm>>
        tpu.wait_dma2 semaphore(%run_scoped3A : memref<!tpu.dma_semaphore, #tpu.memory_space<semaphore_mem>>) src(%arg13 : memref<80x128xf32, #tpu.memory_space<vmem>>) dst(%dma_wait3A_102 : memref<80x128xf32, #tpu.memory_space<hbm>>)
        tpu.yield
      }) : () -> ()
      %dma_wait3A_86 = tpu.memref_slice %arg10[%mul3A_55] : memref<1600xi32, #tpu.memory_space<vmem>> -> memref<80xi32, #tpu.memory_space<vmem>>
      %dma_wait3A_87 = arith.constant 0 : i32
      %dma_wait3A_88 = arith.constant 0 : i32
      %dma_wait3A_89 = tpu.memref_slice %arg3[%dma_wait3A_87, %dma_wait3A_88] : memref<1024x128xf32, #tpu.memory_space<hbm>> -> memref<1024x128xf32, #tpu.memory_space<hbm>>
      tpu.wait_indirect_dma semaphore(%arg18 : memref<!tpu.dma_semaphore, #tpu.memory_space<semaphore_mem>>) src(%dma_wait3A_89 : memref<1024x128xf32, #tpu.memory_space<hbm>>) dst(%arg14 : memref<80x128xf32, #tpu.memory_space<vmem>>)
      %add3A_90 = arith.constant 3 : i32
      %add3A_91 = arith.addi %mul3A_28, %add3A_90 : i32
      %mul3A_92 = arith.constant 80 : i32
      %mul3A_93 = arith.muli %add3A_91, %mul3A_92 : i32
      %add3A_94 = arith.addi %multiple_of3A_19, %mul3A_93 : i32
      "tpu.region"() ({
        %run_scoped3A = tpu.sem_alloc : memref<!tpu.dma_semaphore, #tpu.memory_space<semaphore_mem>>
        %dma_start3A_95 = arith.constant 0 : i32
        %dma_start3A_96 = tpu.memref_slice %arg9[%add3A_94, %dma_start3A_95] : memref<51200x128xf32, #tpu.memory_space<hbm>> -> memref<80x128xf32, #tpu.memory_space<hbm>>
        %dma_start3A_97 = arith.constant 0 : i32
        %dma_start3A_98 = tpu.memref_slice %arg9[%add3A_94, %dma_start3A_97] : memref<51200x128xf32, #tpu.memory_space<hbm>> -> memref<80x128xf32, #tpu.memory_space<hbm>>
        tpu.enqueue_dma source(%arg14 : memref<80x128xf32, #tpu.memory_space<vmem>>) target(%dma_start3A_98 : memref<80x128xf32, #tpu.memory_space<hbm>>) target_semaphore(%run_scoped3A : memref<!tpu.dma_semaphore, #tpu.memory_space<semaphore_mem>>)
        %dma_wait3A_99 = arith.constant 0 : i32
        %dma_wait3A_100 = tpu.memref_slice %arg9[%add3A_94, %dma_wait3A_99] : memref<51200x128xf32, #tpu.memory_space<hbm>> -> memref<80x128xf32, #tpu.memory_space<hbm>>
        %dma_wait3A_101 = arith.constant 0 : i32
        %dma_wait3A_102 = tpu.memref_slice %arg9[%add3A_94, %dma_wait3A_101] : memref<51200x128xf32, #tpu.memory_space<hbm>> -> memref<80x128xf32, #tpu.memory_space<hbm>>
        tpu.wait_dma2 semaphore(%run_scoped3A : memref<!tpu.dma_semaphore, #tpu.memory_space<semaphore_mem>>) src(%arg14 : memref<80x128xf32, #tpu.memory_space<vmem>>) dst(%dma_wait3A_102 : memref<80x128xf32, #tpu.memory_space<hbm>>)
        tpu.yield
      }) : () -> ()
    }
    %scan3A_25 = arith.constant 5 : i32
    return
  }
}

#map = affine_map<(d0, d1) -> (0, 0)>
#map1 = affine_map<(d0, d1) -> (0)>
#map2 = affine_map<(d0, d1) -> (0, 0, 0)>
module attributes {stable_mosaic.version = 14 : i64} {
  func.func @k(%arg0: i32, %arg1: i32, %arg2: memref<51200x128xf32, #tpu.memory_space<hbm>>, %arg3: memref<51200xi32, #tpu.memory_space<hbm>>, %arg4: memref<51200x128xf32, #tpu.memory_space<hbm>>, %arg5: memref<51200xi32, #tpu.memory_space<hbm>>, %arg6: memref<20480x128xf32, #tpu.memory_space<hbm>>, %arg7: memref<20480xi32, #tpu.memory_space<hbm>>, %arg8: memref<1024x128xf32, #tpu.memory_space<hbm>>, %arg9: memref<2x1024x128xf32, #tpu.memory_space<hbm>>, %arg10: memref<2x1024x128xf32, #tpu.memory_space<hbm>>, %arg11: memref<2x1024x128xf32, #tpu.memory_space<hbm>>, %arg12: memref<80x128xf32, #tpu.memory_space<vmem>>, %arg13: memref<80x128xf32, #tpu.memory_space<vmem>>, %arg14: memref<80xi32, #tpu.memory_space<vmem>>, %arg15: memref<80xi32, #tpu.memory_space<vmem>>, %arg16: memref<!tpu.dma_semaphore, #tpu.memory_space<semaphore_mem>>, %arg17: memref<!tpu.dma_semaphore, #tpu.memory_space<semaphore_mem>>, %arg18: memref<1024x128xf32, #tpu.memory_space<vmem_shared>>, %arg19: memref<1024x128xf32, #tpu.memory_space<vmem_shared>>, %arg20: memref<1024x128xf32, #tpu.memory_space<vmem_shared>>) attributes {dimension_semantics = [#tpu.dimension_semantics<core_parallel>, #tpu.dimension_semantics<subcore_parallel>], iteration_bounds = array<i64: 2, 16>, scalar_prefetch = 0 : i64, scratch_operands = 9 : i64, tpu.core_type = #tpu.core_type<sc_vector_subcore>, window_params = [{transform_indices = #map}, {transform_indices = #map1}, {transform_indices = #map}, {transform_indices = #map1}, {transform_indices = #map}, {transform_indices = #map1}, {transform_indices = #map}, {transform_indices = #map2}, {transform_indices = #map2}, {transform_indices = #map2}]} {
    %mul3A = arith.constant 2 : i32
    %mul3A_0 = arith.muli %arg1, %mul3A : i32
    %add3A = arith.addi %mul3A_0, %arg0 : i32
    %eq3A = arith.constant 0 : i32
    %eq3A_1 = arith.cmpi eq, %arg1, %eq3A : i32
    %convert_element_type3A = arith.extui %eq3A_1 : i1 to i32
    %cond3A = arith.constant 0 : i32
    %cond3A_2 = arith.cmpi ne, %convert_element_type3A, %cond3A : i32
    scf.if %cond3A_2 {
      "tpu.region"() ({
        %run_scoped3A = tpu.sem_alloc : memref<!tpu.dma_semaphore, #tpu.memory_space<semaphore_mem>>
        tpu.enqueue_dma source(%arg8 : memref<1024x128xf32, #tpu.memory_space<hbm>>) target(%arg18 : memref<1024x128xf32, #tpu.memory_space<vmem_shared>>) target_semaphore(%run_scoped3A : memref<!tpu.dma_semaphore, #tpu.memory_space<semaphore_mem>>)
        tpu.wait_dma2 semaphore(%run_scoped3A : memref<!tpu.dma_semaphore, #tpu.memory_space<semaphore_mem>>) src(%arg8 : memref<1024x128xf32, #tpu.memory_space<hbm>>) dst(%arg18 : memref<1024x128xf32, #tpu.memory_space<vmem_shared>>)
        tpu.yield
      }) : () -> ()
      "tpu.region"() ({
        %run_scoped3A = tpu.sem_alloc : memref<!tpu.dma_semaphore, #tpu.memory_space<semaphore_mem>>
        tpu.enqueue_dma source(%arg8 : memref<1024x128xf32, #tpu.memory_space<hbm>>) target(%arg19 : memref<1024x128xf32, #tpu.memory_space<vmem_shared>>) target_semaphore(%run_scoped3A : memref<!tpu.dma_semaphore, #tpu.memory_space<semaphore_mem>>)
        tpu.wait_dma2 semaphore(%run_scoped3A : memref<!tpu.dma_semaphore, #tpu.memory_space<semaphore_mem>>) src(%arg8 : memref<1024x128xf32, #tpu.memory_space<hbm>>) dst(%arg19 : memref<1024x128xf32, #tpu.memory_space<vmem_shared>>)
        tpu.yield
      }) : () -> ()
      "tpu.region"() ({
        %run_scoped3A = tpu.sem_alloc : memref<!tpu.dma_semaphore, #tpu.memory_space<semaphore_mem>>
        tpu.enqueue_dma source(%arg8 : memref<1024x128xf32, #tpu.memory_space<hbm>>) target(%arg20 : memref<1024x128xf32, #tpu.memory_space<vmem_shared>>) target_semaphore(%run_scoped3A : memref<!tpu.dma_semaphore, #tpu.memory_space<semaphore_mem>>)
        tpu.wait_dma2 semaphore(%run_scoped3A : memref<!tpu.dma_semaphore, #tpu.memory_space<semaphore_mem>>) src(%arg8 : memref<1024x128xf32, #tpu.memory_space<hbm>>) dst(%arg20 : memref<1024x128xf32, #tpu.memory_space<vmem_shared>>)
        tpu.yield
      }) : () -> ()
    } else {
    }
    %barrier3A = arith.constant 0 : index
    tpu.barrier barrier_id(%barrier3A)
    %mul3A_3 = arith.constant 1600 : i32
    %mul3A_4 = arith.muli %add3A, %mul3A_3 : i32
    %multiple_of3A = tpu.assume_multiple %mul3A_4, 8 : i32
    %scan3A = arith.constant 0 : i32
    %scan3A_5 = arith.constant 0 : i32
    %scan3A_6 = arith.constant 10 : i32
    %scan3A_7 = arith.addi %scan3A_5, %scan3A_6 : i32
    %scan3A_8 = arith.constant 1 : i32
    scf.for %scan3A_31 = %scan3A_5 to %scan3A_7 step %scan3A_8  : i32 {
      %mul3A_32 = arith.constant 2 : i32
      %mul3A_33 = arith.muli %mul3A_32, %scan3A_31 : i32
      %mul3A_34 = arith.constant 80 : i32
      %mul3A_35 = arith.muli %mul3A_33, %mul3A_34 : i32
      %add3A_36 = arith.addi %multiple_of3A, %mul3A_35 : i32
      %multiple_of3A_37 = tpu.assume_multiple %add3A_36, 8 : i32
      %mul3A_38 = arith.constant 2 : i32
      %mul3A_39 = arith.muli %mul3A_38, %scan3A_31 : i32
      %add3A_40 = arith.constant 1 : i32
      %add3A_41 = arith.addi %mul3A_39, %add3A_40 : i32
      %mul3A_42 = arith.constant 80 : i32
      %mul3A_43 = arith.muli %add3A_41, %mul3A_42 : i32
      %add3A_44 = arith.addi %multiple_of3A, %mul3A_43 : i32
      %multiple_of3A_45 = tpu.assume_multiple %add3A_44, 8 : i32
      %dma_start3A = arith.constant 0 : i32
      %dma_start3A_46 = tpu.memref_slice %arg2[%multiple_of3A_37, %dma_start3A] : memref<51200x128xf32, #tpu.memory_space<hbm>> -> memref<80x128xf32, #tpu.memory_space<hbm>>
      %dma_start3A_47 = arith.constant 0 : i32
      %dma_start3A_48 = tpu.memref_slice %arg2[%multiple_of3A_37, %dma_start3A_47] : memref<51200x128xf32, #tpu.memory_space<hbm>> -> memref<80x128xf32, #tpu.memory_space<hbm>>
      tpu.enqueue_dma source(%dma_start3A_48 : memref<80x128xf32, #tpu.memory_space<hbm>>) target(%arg12 : memref<80x128xf32, #tpu.memory_space<vmem>>) target_semaphore(%arg16 : memref<!tpu.dma_semaphore, #tpu.memory_space<semaphore_mem>>)
      %dma_start3A_49 = arith.constant 0 : i32
      %dma_start3A_50 = tpu.memref_slice %arg2[%multiple_of3A_45, %dma_start3A_49] : memref<51200x128xf32, #tpu.memory_space<hbm>> -> memref<80x128xf32, #tpu.memory_space<hbm>>
      %dma_start3A_51 = arith.constant 0 : i32
      %dma_start3A_52 = tpu.memref_slice %arg2[%multiple_of3A_45, %dma_start3A_51] : memref<51200x128xf32, #tpu.memory_space<hbm>> -> memref<80x128xf32, #tpu.memory_space<hbm>>
      tpu.enqueue_dma source(%dma_start3A_52 : memref<80x128xf32, #tpu.memory_space<hbm>>) target(%arg13 : memref<80x128xf32, #tpu.memory_space<vmem>>) target_semaphore(%arg17 : memref<!tpu.dma_semaphore, #tpu.memory_space<semaphore_mem>>)
      "tpu.region"() ({
        %run_scoped3A = tpu.sem_alloc : memref<!tpu.dma_semaphore, #tpu.memory_space<semaphore_mem>>
        %dma_start3A_60 = tpu.memref_slice %arg3[%multiple_of3A_37] : memref<51200xi32, #tpu.memory_space<hbm>> -> memref<80xi32, #tpu.memory_space<hbm>>
        %dma_start3A_61 = tpu.memref_slice %arg3[%multiple_of3A_37] : memref<51200xi32, #tpu.memory_space<hbm>> -> memref<80xi32, #tpu.memory_space<hbm>>
        tpu.enqueue_dma source(%dma_start3A_61 : memref<80xi32, #tpu.memory_space<hbm>>) target(%arg14 : memref<80xi32, #tpu.memory_space<vmem>>) target_semaphore(%run_scoped3A : memref<!tpu.dma_semaphore, #tpu.memory_space<semaphore_mem>>)
        %dma_wait3A_62 = tpu.memref_slice %arg3[%multiple_of3A_37] : memref<51200xi32, #tpu.memory_space<hbm>> -> memref<80xi32, #tpu.memory_space<hbm>>
        %dma_wait3A_63 = tpu.memref_slice %arg3[%multiple_of3A_37] : memref<51200xi32, #tpu.memory_space<hbm>> -> memref<80xi32, #tpu.memory_space<hbm>>
        tpu.wait_dma2 semaphore(%run_scoped3A : memref<!tpu.dma_semaphore, #tpu.memory_space<semaphore_mem>>) src(%dma_wait3A_63 : memref<80xi32, #tpu.memory_space<hbm>>) dst(%arg14 : memref<80xi32, #tpu.memory_space<vmem>>)
        tpu.yield
      }) : () -> ()
      "tpu.region"() ({
        %run_scoped3A = tpu.sem_alloc : memref<!tpu.dma_semaphore, #tpu.memory_space<semaphore_mem>>
        %dma_start3A_60 = tpu.memref_slice %arg3[%multiple_of3A_45] : memref<51200xi32, #tpu.memory_space<hbm>> -> memref<80xi32, #tpu.memory_space<hbm>>
        %dma_start3A_61 = tpu.memref_slice %arg3[%multiple_of3A_45] : memref<51200xi32, #tpu.memory_space<hbm>> -> memref<80xi32, #tpu.memory_space<hbm>>
        tpu.enqueue_dma source(%dma_start3A_61 : memref<80xi32, #tpu.memory_space<hbm>>) target(%arg15 : memref<80xi32, #tpu.memory_space<vmem>>) target_semaphore(%run_scoped3A : memref<!tpu.dma_semaphore, #tpu.memory_space<semaphore_mem>>)
        %dma_wait3A_62 = tpu.memref_slice %arg3[%multiple_of3A_45] : memref<51200xi32, #tpu.memory_space<hbm>> -> memref<80xi32, #tpu.memory_space<hbm>>
        %dma_wait3A_63 = tpu.memref_slice %arg3[%multiple_of3A_45] : memref<51200xi32, #tpu.memory_space<hbm>> -> memref<80xi32, #tpu.memory_space<hbm>>
        tpu.wait_dma2 semaphore(%run_scoped3A : memref<!tpu.dma_semaphore, #tpu.memory_space<semaphore_mem>>) src(%dma_wait3A_63 : memref<80xi32, #tpu.memory_space<hbm>>) dst(%arg15 : memref<80xi32, #tpu.memory_space<vmem>>)
        tpu.yield
      }) : () -> ()
      %dma_wait3A = arith.constant 0 : i32
      %dma_wait3A_53 = tpu.memref_slice %arg2[%multiple_of3A_37, %dma_wait3A] : memref<51200x128xf32, #tpu.memory_space<hbm>> -> memref<80x128xf32, #tpu.memory_space<hbm>>
      %dma_wait3A_54 = arith.constant 0 : i32
      %dma_wait3A_55 = tpu.memref_slice %arg2[%multiple_of3A_37, %dma_wait3A_54] : memref<51200x128xf32, #tpu.memory_space<hbm>> -> memref<80x128xf32, #tpu.memory_space<hbm>>
      tpu.wait_dma2 semaphore(%arg16 : memref<!tpu.dma_semaphore, #tpu.memory_space<semaphore_mem>>) src(%dma_wait3A_55 : memref<80x128xf32, #tpu.memory_space<hbm>>) dst(%arg12 : memref<80x128xf32, #tpu.memory_space<vmem>>)
      "tpu.region"() ({
        %run_scoped3A = tpu.sem_alloc : memref<!tpu.dma_semaphore, #tpu.memory_space<semaphore_mem>>
        %dma_start3A_60 = arith.constant 0 : i32
        %dma_start3A_61 = arith.constant 0 : i32
        %dma_start3A_62 = tpu.memref_slice %arg18[%dma_start3A_60, %dma_start3A_61] : memref<1024x128xf32, #tpu.memory_space<vmem_shared>> -> memref<1024x128xf32, #tpu.memory_space<vmem_shared>>
        tpu.enqueue_indirect_dma source(%arg12 : memref<80x128xf32, #tpu.memory_space<vmem>>) target(%dma_start3A_62 : memref<1024x128xf32, #tpu.memory_space<vmem_shared>>) offsets(%arg14 : memref<80xi32, #tpu.memory_space<vmem>>) semaphore(%run_scoped3A : memref<!tpu.dma_semaphore, #tpu.memory_space<semaphore_mem>>) {add = true}
        %dma_wait3A_63 = arith.constant 0 : i32
        %dma_wait3A_64 = arith.constant 0 : i32
        %dma_wait3A_65 = tpu.memref_slice %arg18[%dma_wait3A_63, %dma_wait3A_64] : memref<1024x128xf32, #tpu.memory_space<vmem_shared>> -> memref<1024x128xf32, #tpu.memory_space<vmem_shared>>
        tpu.wait_indirect_dma semaphore(%run_scoped3A : memref<!tpu.dma_semaphore, #tpu.memory_space<semaphore_mem>>) src(%arg12 : memref<80x128xf32, #tpu.memory_space<vmem>>) dst(%dma_wait3A_65 : memref<1024x128xf32, #tpu.memory_space<vmem_shared>>)
        tpu.yield
      }) : () -> ()
      %dma_wait3A_56 = arith.constant 0 : i32
      %dma_wait3A_57 = tpu.memref_slice %arg2[%multiple_of3A_45, %dma_wait3A_56] : memref<51200x128xf32, #tpu.memory_space<hbm>> -> memref<80x128xf32, #tpu.memory_space<hbm>>
      %dma_wait3A_58 = arith.constant 0 : i32
      %dma_wait3A_59 = tpu.memref_slice %arg2[%multiple_of3A_45, %dma_wait3A_58] : memref<51200x128xf32, #tpu.memory_space<hbm>> -> memref<80x128xf32, #tpu.memory_space<hbm>>
      tpu.wait_dma2 semaphore(%arg17 : memref<!tpu.dma_semaphore, #tpu.memory_space<semaphore_mem>>) src(%dma_wait3A_59 : memref<80x128xf32, #tpu.memory_space<hbm>>) dst(%arg13 : memref<80x128xf32, #tpu.memory_space<vmem>>)
      "tpu.region"() ({
        %run_scoped3A = tpu.sem_alloc : memref<!tpu.dma_semaphore, #tpu.memory_space<semaphore_mem>>
        %dma_start3A_60 = arith.constant 0 : i32
        %dma_start3A_61 = arith.constant 0 : i32
        %dma_start3A_62 = tpu.memref_slice %arg18[%dma_start3A_60, %dma_start3A_61] : memref<1024x128xf32, #tpu.memory_space<vmem_shared>> -> memref<1024x128xf32, #tpu.memory_space<vmem_shared>>
        tpu.enqueue_indirect_dma source(%arg13 : memref<80x128xf32, #tpu.memory_space<vmem>>) target(%dma_start3A_62 : memref<1024x128xf32, #tpu.memory_space<vmem_shared>>) offsets(%arg15 : memref<80xi32, #tpu.memory_space<vmem>>) semaphore(%run_scoped3A : memref<!tpu.dma_semaphore, #tpu.memory_space<semaphore_mem>>) {add = true}
        %dma_wait3A_63 = arith.constant 0 : i32
        %dma_wait3A_64 = arith.constant 0 : i32
        %dma_wait3A_65 = tpu.memref_slice %arg18[%dma_wait3A_63, %dma_wait3A_64] : memref<1024x128xf32, #tpu.memory_space<vmem_shared>> -> memref<1024x128xf32, #tpu.memory_space<vmem_shared>>
        tpu.wait_indirect_dma semaphore(%run_scoped3A : memref<!tpu.dma_semaphore, #tpu.memory_space<semaphore_mem>>) src(%arg13 : memref<80x128xf32, #tpu.memory_space<vmem>>) dst(%dma_wait3A_65 : memref<1024x128xf32, #tpu.memory_space<vmem_shared>>)
        tpu.yield
      }) : () -> ()
    }
    %scan3A_9 = arith.constant 10 : i32
    %mul3A_10 = arith.constant 1600 : i32
    %mul3A_11 = arith.muli %add3A, %mul3A_10 : i32
    %multiple_of3A_12 = tpu.assume_multiple %mul3A_11, 8 : i32
    %scan3A_13 = arith.constant 0 : i32
    %scan3A_14 = arith.constant 0 : i32
    %scan3A_15 = arith.constant 10 : i32
    %scan3A_16 = arith.addi %scan3A_14, %scan3A_15 : i32
    %scan3A_17 = arith.constant 1 : i32
    scf.for %scan3A_31 = %scan3A_14 to %scan3A_16 step %scan3A_17  : i32 {
      %mul3A_32 = arith.constant 2 : i32
      %mul3A_33 = arith.muli %mul3A_32, %scan3A_31 : i32
      %mul3A_34 = arith.constant 80 : i32
      %mul3A_35 = arith.muli %mul3A_33, %mul3A_34 : i32
      %add3A_36 = arith.addi %multiple_of3A_12, %mul3A_35 : i32
      %multiple_of3A_37 = tpu.assume_multiple %add3A_36, 8 : i32
      %mul3A_38 = arith.constant 2 : i32
      %mul3A_39 = arith.muli %mul3A_38, %scan3A_31 : i32
      %add3A_40 = arith.constant 1 : i32
      %add3A_41 = arith.addi %mul3A_39, %add3A_40 : i32
      %mul3A_42 = arith.constant 80 : i32
      %mul3A_43 = arith.muli %add3A_41, %mul3A_42 : i32
      %add3A_44 = arith.addi %multiple_of3A_12, %mul3A_43 : i32
      %multiple_of3A_45 = tpu.assume_multiple %add3A_44, 8 : i32
      %dma_start3A = arith.constant 0 : i32
      %dma_start3A_46 = tpu.memref_slice %arg4[%multiple_of3A_37, %dma_start3A] : memref<51200x128xf32, #tpu.memory_space<hbm>> -> memref<80x128xf32, #tpu.memory_space<hbm>>
      %dma_start3A_47 = arith.constant 0 : i32
      %dma_start3A_48 = tpu.memref_slice %arg4[%multiple_of3A_37, %dma_start3A_47] : memref<51200x128xf32, #tpu.memory_space<hbm>> -> memref<80x128xf32, #tpu.memory_space<hbm>>
      tpu.enqueue_dma source(%dma_start3A_48 : memref<80x128xf32, #tpu.memory_space<hbm>>) target(%arg12 : memref<80x128xf32, #tpu.memory_space<vmem>>) target_semaphore(%arg16 : memref<!tpu.dma_semaphore, #tpu.memory_space<semaphore_mem>>)
      %dma_start3A_49 = arith.constant 0 : i32
      %dma_start3A_50 = tpu.memref_slice %arg4[%multiple_of3A_45, %dma_start3A_49] : memref<51200x128xf32, #tpu.memory_space<hbm>> -> memref<80x128xf32, #tpu.memory_space<hbm>>
      %dma_start3A_51 = arith.constant 0 : i32
      %dma_start3A_52 = tpu.memref_slice %arg4[%multiple_of3A_45, %dma_start3A_51] : memref<51200x128xf32, #tpu.memory_space<hbm>> -> memref<80x128xf32, #tpu.memory_space<hbm>>
      tpu.enqueue_dma source(%dma_start3A_52 : memref<80x128xf32, #tpu.memory_space<hbm>>) target(%arg13 : memref<80x128xf32, #tpu.memory_space<vmem>>) target_semaphore(%arg17 : memref<!tpu.dma_semaphore, #tpu.memory_space<semaphore_mem>>)
      "tpu.region"() ({
        %run_scoped3A = tpu.sem_alloc : memref<!tpu.dma_semaphore, #tpu.memory_space<semaphore_mem>>
        %dma_start3A_60 = tpu.memref_slice %arg5[%multiple_of3A_37] : memref<51200xi32, #tpu.memory_space<hbm>> -> memref<80xi32, #tpu.memory_space<hbm>>
        %dma_start3A_61 = tpu.memref_slice %arg5[%multiple_of3A_37] : memref<51200xi32, #tpu.memory_space<hbm>> -> memref<80xi32, #tpu.memory_space<hbm>>
        tpu.enqueue_dma source(%dma_start3A_61 : memref<80xi32, #tpu.memory_space<hbm>>) target(%arg14 : memref<80xi32, #tpu.memory_space<vmem>>) target_semaphore(%run_scoped3A : memref<!tpu.dma_semaphore, #tpu.memory_space<semaphore_mem>>)
        %dma_wait3A_62 = tpu.memref_slice %arg5[%multiple_of3A_37] : memref<51200xi32, #tpu.memory_space<hbm>> -> memref<80xi32, #tpu.memory_space<hbm>>
        %dma_wait3A_63 = tpu.memref_slice %arg5[%multiple_of3A_37] : memref<51200xi32, #tpu.memory_space<hbm>> -> memref<80xi32, #tpu.memory_space<hbm>>
        tpu.wait_dma2 semaphore(%run_scoped3A : memref<!tpu.dma_semaphore, #tpu.memory_space<semaphore_mem>>) src(%dma_wait3A_63 : memref<80xi32, #tpu.memory_space<hbm>>) dst(%arg14 : memref<80xi32, #tpu.memory_space<vmem>>)
        tpu.yield
      }) : () -> ()
      "tpu.region"() ({
        %run_scoped3A = tpu.sem_alloc : memref<!tpu.dma_semaphore, #tpu.memory_space<semaphore_mem>>
        %dma_start3A_60 = tpu.memref_slice %arg5[%multiple_of3A_45] : memref<51200xi32, #tpu.memory_space<hbm>> -> memref<80xi32, #tpu.memory_space<hbm>>
        %dma_start3A_61 = tpu.memref_slice %arg5[%multiple_of3A_45] : memref<51200xi32, #tpu.memory_space<hbm>> -> memref<80xi32, #tpu.memory_space<hbm>>
        tpu.enqueue_dma source(%dma_start3A_61 : memref<80xi32, #tpu.memory_space<hbm>>) target(%arg15 : memref<80xi32, #tpu.memory_space<vmem>>) target_semaphore(%run_scoped3A : memref<!tpu.dma_semaphore, #tpu.memory_space<semaphore_mem>>)
        %dma_wait3A_62 = tpu.memref_slice %arg5[%multiple_of3A_45] : memref<51200xi32, #tpu.memory_space<hbm>> -> memref<80xi32, #tpu.memory_space<hbm>>
        %dma_wait3A_63 = tpu.memref_slice %arg5[%multiple_of3A_45] : memref<51200xi32, #tpu.memory_space<hbm>> -> memref<80xi32, #tpu.memory_space<hbm>>
        tpu.wait_dma2 semaphore(%run_scoped3A : memref<!tpu.dma_semaphore, #tpu.memory_space<semaphore_mem>>) src(%dma_wait3A_63 : memref<80xi32, #tpu.memory_space<hbm>>) dst(%arg15 : memref<80xi32, #tpu.memory_space<vmem>>)
        tpu.yield
      }) : () -> ()
      %dma_wait3A = arith.constant 0 : i32
      %dma_wait3A_53 = tpu.memref_slice %arg4[%multiple_of3A_37, %dma_wait3A] : memref<51200x128xf32, #tpu.memory_space<hbm>> -> memref<80x128xf32, #tpu.memory_space<hbm>>
      %dma_wait3A_54 = arith.constant 0 : i32
      %dma_wait3A_55 = tpu.memref_slice %arg4[%multiple_of3A_37, %dma_wait3A_54] : memref<51200x128xf32, #tpu.memory_space<hbm>> -> memref<80x128xf32, #tpu.memory_space<hbm>>
      tpu.wait_dma2 semaphore(%arg16 : memref<!tpu.dma_semaphore, #tpu.memory_space<semaphore_mem>>) src(%dma_wait3A_55 : memref<80x128xf32, #tpu.memory_space<hbm>>) dst(%arg12 : memref<80x128xf32, #tpu.memory_space<vmem>>)
      "tpu.region"() ({
        %run_scoped3A = tpu.sem_alloc : memref<!tpu.dma_semaphore, #tpu.memory_space<semaphore_mem>>
        %dma_start3A_60 = arith.constant 0 : i32
        %dma_start3A_61 = arith.constant 0 : i32
        %dma_start3A_62 = tpu.memref_slice %arg19[%dma_start3A_60, %dma_start3A_61] : memref<1024x128xf32, #tpu.memory_space<vmem_shared>> -> memref<1024x128xf32, #tpu.memory_space<vmem_shared>>
        tpu.enqueue_indirect_dma source(%arg12 : memref<80x128xf32, #tpu.memory_space<vmem>>) target(%dma_start3A_62 : memref<1024x128xf32, #tpu.memory_space<vmem_shared>>) offsets(%arg14 : memref<80xi32, #tpu.memory_space<vmem>>) semaphore(%run_scoped3A : memref<!tpu.dma_semaphore, #tpu.memory_space<semaphore_mem>>) {add = true}
        %dma_wait3A_63 = arith.constant 0 : i32
        %dma_wait3A_64 = arith.constant 0 : i32
        %dma_wait3A_65 = tpu.memref_slice %arg19[%dma_wait3A_63, %dma_wait3A_64] : memref<1024x128xf32, #tpu.memory_space<vmem_shared>> -> memref<1024x128xf32, #tpu.memory_space<vmem_shared>>
        tpu.wait_indirect_dma semaphore(%run_scoped3A : memref<!tpu.dma_semaphore, #tpu.memory_space<semaphore_mem>>) src(%arg12 : memref<80x128xf32, #tpu.memory_space<vmem>>) dst(%dma_wait3A_65 : memref<1024x128xf32, #tpu.memory_space<vmem_shared>>)
        tpu.yield
      }) : () -> ()
      %dma_wait3A_56 = arith.constant 0 : i32
      %dma_wait3A_57 = tpu.memref_slice %arg4[%multiple_of3A_45, %dma_wait3A_56] : memref<51200x128xf32, #tpu.memory_space<hbm>> -> memref<80x128xf32, #tpu.memory_space<hbm>>
      %dma_wait3A_58 = arith.constant 0 : i32
      %dma_wait3A_59 = tpu.memref_slice %arg4[%multiple_of3A_45, %dma_wait3A_58] : memref<51200x128xf32, #tpu.memory_space<hbm>> -> memref<80x128xf32, #tpu.memory_space<hbm>>
      tpu.wait_dma2 semaphore(%arg17 : memref<!tpu.dma_semaphore, #tpu.memory_space<semaphore_mem>>) src(%dma_wait3A_59 : memref<80x128xf32, #tpu.memory_space<hbm>>) dst(%arg13 : memref<80x128xf32, #tpu.memory_space<vmem>>)
      "tpu.region"() ({
        %run_scoped3A = tpu.sem_alloc : memref<!tpu.dma_semaphore, #tpu.memory_space<semaphore_mem>>
        %dma_start3A_60 = arith.constant 0 : i32
        %dma_start3A_61 = arith.constant 0 : i32
        %dma_start3A_62 = tpu.memref_slice %arg19[%dma_start3A_60, %dma_start3A_61] : memref<1024x128xf32, #tpu.memory_space<vmem_shared>> -> memref<1024x128xf32, #tpu.memory_space<vmem_shared>>
        tpu.enqueue_indirect_dma source(%arg13 : memref<80x128xf32, #tpu.memory_space<vmem>>) target(%dma_start3A_62 : memref<1024x128xf32, #tpu.memory_space<vmem_shared>>) offsets(%arg15 : memref<80xi32, #tpu.memory_space<vmem>>) semaphore(%run_scoped3A : memref<!tpu.dma_semaphore, #tpu.memory_space<semaphore_mem>>) {add = true}
        %dma_wait3A_63 = arith.constant 0 : i32
        %dma_wait3A_64 = arith.constant 0 : i32
        %dma_wait3A_65 = tpu.memref_slice %arg19[%dma_wait3A_63, %dma_wait3A_64] : memref<1024x128xf32, #tpu.memory_space<vmem_shared>> -> memref<1024x128xf32, #tpu.memory_space<vmem_shared>>
        tpu.wait_indirect_dma semaphore(%run_scoped3A : memref<!tpu.dma_semaphore, #tpu.memory_space<semaphore_mem>>) src(%arg13 : memref<80x128xf32, #tpu.memory_space<vmem>>) dst(%dma_wait3A_65 : memref<1024x128xf32, #tpu.memory_space<vmem_shared>>)
        tpu.yield
      }) : () -> ()
    }
    %scan3A_18 = arith.constant 10 : i32
    %mul3A_19 = arith.constant 640 : i32
    %mul3A_20 = arith.muli %add3A, %mul3A_19 : i32
    %multiple_of3A_21 = tpu.assume_multiple %mul3A_20, 8 : i32
    %scan3A_22 = arith.constant 0 : i32
    %scan3A_23 = arith.constant 0 : i32
    %scan3A_24 = arith.constant 4 : i32
    %scan3A_25 = arith.addi %scan3A_23, %scan3A_24 : i32
    %scan3A_26 = arith.constant 1 : i32
    scf.for %scan3A_31 = %scan3A_23 to %scan3A_25 step %scan3A_26  : i32 {
      %mul3A_32 = arith.constant 2 : i32
      %mul3A_33 = arith.muli %mul3A_32, %scan3A_31 : i32
      %mul3A_34 = arith.constant 80 : i32
      %mul3A_35 = arith.muli %mul3A_33, %mul3A_34 : i32
      %add3A_36 = arith.addi %multiple_of3A_21, %mul3A_35 : i32
      %multiple_of3A_37 = tpu.assume_multiple %add3A_36, 8 : i32
      %mul3A_38 = arith.constant 2 : i32
      %mul3A_39 = arith.muli %mul3A_38, %scan3A_31 : i32
      %add3A_40 = arith.constant 1 : i32
      %add3A_41 = arith.addi %mul3A_39, %add3A_40 : i32
      %mul3A_42 = arith.constant 80 : i32
      %mul3A_43 = arith.muli %add3A_41, %mul3A_42 : i32
      %add3A_44 = arith.addi %multiple_of3A_21, %mul3A_43 : i32
      %multiple_of3A_45 = tpu.assume_multiple %add3A_44, 8 : i32
      %dma_start3A = arith.constant 0 : i32
      %dma_start3A_46 = tpu.memref_slice %arg6[%multiple_of3A_37, %dma_start3A] : memref<20480x128xf32, #tpu.memory_space<hbm>> -> memref<80x128xf32, #tpu.memory_space<hbm>>
      %dma_start3A_47 = arith.constant 0 : i32
      %dma_start3A_48 = tpu.memref_slice %arg6[%multiple_of3A_37, %dma_start3A_47] : memref<20480x128xf32, #tpu.memory_space<hbm>> -> memref<80x128xf32, #tpu.memory_space<hbm>>
      tpu.enqueue_dma source(%dma_start3A_48 : memref<80x128xf32, #tpu.memory_space<hbm>>) target(%arg12 : memref<80x128xf32, #tpu.memory_space<vmem>>) target_semaphore(%arg16 : memref<!tpu.dma_semaphore, #tpu.memory_space<semaphore_mem>>)
      %dma_start3A_49 = arith.constant 0 : i32
      %dma_start3A_50 = tpu.memref_slice %arg6[%multiple_of3A_45, %dma_start3A_49] : memref<20480x128xf32, #tpu.memory_space<hbm>> -> memref<80x128xf32, #tpu.memory_space<hbm>>
      %dma_start3A_51 = arith.constant 0 : i32
      %dma_start3A_52 = tpu.memref_slice %arg6[%multiple_of3A_45, %dma_start3A_51] : memref<20480x128xf32, #tpu.memory_space<hbm>> -> memref<80x128xf32, #tpu.memory_space<hbm>>
      tpu.enqueue_dma source(%dma_start3A_52 : memref<80x128xf32, #tpu.memory_space<hbm>>) target(%arg13 : memref<80x128xf32, #tpu.memory_space<vmem>>) target_semaphore(%arg17 : memref<!tpu.dma_semaphore, #tpu.memory_space<semaphore_mem>>)
      "tpu.region"() ({
        %run_scoped3A = tpu.sem_alloc : memref<!tpu.dma_semaphore, #tpu.memory_space<semaphore_mem>>
        %dma_start3A_60 = tpu.memref_slice %arg7[%multiple_of3A_37] : memref<20480xi32, #tpu.memory_space<hbm>> -> memref<80xi32, #tpu.memory_space<hbm>>
        %dma_start3A_61 = tpu.memref_slice %arg7[%multiple_of3A_37] : memref<20480xi32, #tpu.memory_space<hbm>> -> memref<80xi32, #tpu.memory_space<hbm>>
        tpu.enqueue_dma source(%dma_start3A_61 : memref<80xi32, #tpu.memory_space<hbm>>) target(%arg14 : memref<80xi32, #tpu.memory_space<vmem>>) target_semaphore(%run_scoped3A : memref<!tpu.dma_semaphore, #tpu.memory_space<semaphore_mem>>)
        %dma_wait3A_62 = tpu.memref_slice %arg7[%multiple_of3A_37] : memref<20480xi32, #tpu.memory_space<hbm>> -> memref<80xi32, #tpu.memory_space<hbm>>
        %dma_wait3A_63 = tpu.memref_slice %arg7[%multiple_of3A_37] : memref<20480xi32, #tpu.memory_space<hbm>> -> memref<80xi32, #tpu.memory_space<hbm>>
        tpu.wait_dma2 semaphore(%run_scoped3A : memref<!tpu.dma_semaphore, #tpu.memory_space<semaphore_mem>>) src(%dma_wait3A_63 : memref<80xi32, #tpu.memory_space<hbm>>) dst(%arg14 : memref<80xi32, #tpu.memory_space<vmem>>)
        tpu.yield
      }) : () -> ()
      "tpu.region"() ({
        %run_scoped3A = tpu.sem_alloc : memref<!tpu.dma_semaphore, #tpu.memory_space<semaphore_mem>>
        %dma_start3A_60 = tpu.memref_slice %arg7[%multiple_of3A_45] : memref<20480xi32, #tpu.memory_space<hbm>> -> memref<80xi32, #tpu.memory_space<hbm>>
        %dma_start3A_61 = tpu.memref_slice %arg7[%multiple_of3A_45] : memref<20480xi32, #tpu.memory_space<hbm>> -> memref<80xi32, #tpu.memory_space<hbm>>
        tpu.enqueue_dma source(%dma_start3A_61 : memref<80xi32, #tpu.memory_space<hbm>>) target(%arg15 : memref<80xi32, #tpu.memory_space<vmem>>) target_semaphore(%run_scoped3A : memref<!tpu.dma_semaphore, #tpu.memory_space<semaphore_mem>>)
        %dma_wait3A_62 = tpu.memref_slice %arg7[%multiple_of3A_45] : memref<20480xi32, #tpu.memory_space<hbm>> -> memref<80xi32, #tpu.memory_space<hbm>>
        %dma_wait3A_63 = tpu.memref_slice %arg7[%multiple_of3A_45] : memref<20480xi32, #tpu.memory_space<hbm>> -> memref<80xi32, #tpu.memory_space<hbm>>
        tpu.wait_dma2 semaphore(%run_scoped3A : memref<!tpu.dma_semaphore, #tpu.memory_space<semaphore_mem>>) src(%dma_wait3A_63 : memref<80xi32, #tpu.memory_space<hbm>>) dst(%arg15 : memref<80xi32, #tpu.memory_space<vmem>>)
        tpu.yield
      }) : () -> ()
      %dma_wait3A = arith.constant 0 : i32
      %dma_wait3A_53 = tpu.memref_slice %arg6[%multiple_of3A_37, %dma_wait3A] : memref<20480x128xf32, #tpu.memory_space<hbm>> -> memref<80x128xf32, #tpu.memory_space<hbm>>
      %dma_wait3A_54 = arith.constant 0 : i32
      %dma_wait3A_55 = tpu.memref_slice %arg6[%multiple_of3A_37, %dma_wait3A_54] : memref<20480x128xf32, #tpu.memory_space<hbm>> -> memref<80x128xf32, #tpu.memory_space<hbm>>
      tpu.wait_dma2 semaphore(%arg16 : memref<!tpu.dma_semaphore, #tpu.memory_space<semaphore_mem>>) src(%dma_wait3A_55 : memref<80x128xf32, #tpu.memory_space<hbm>>) dst(%arg12 : memref<80x128xf32, #tpu.memory_space<vmem>>)
      "tpu.region"() ({
        %run_scoped3A = tpu.sem_alloc : memref<!tpu.dma_semaphore, #tpu.memory_space<semaphore_mem>>
        %dma_start3A_60 = arith.constant 0 : i32
        %dma_start3A_61 = arith.constant 0 : i32
        %dma_start3A_62 = tpu.memref_slice %arg20[%dma_start3A_60, %dma_start3A_61] : memref<1024x128xf32, #tpu.memory_space<vmem_shared>> -> memref<1024x128xf32, #tpu.memory_space<vmem_shared>>
        tpu.enqueue_indirect_dma source(%arg12 : memref<80x128xf32, #tpu.memory_space<vmem>>) target(%dma_start3A_62 : memref<1024x128xf32, #tpu.memory_space<vmem_shared>>) offsets(%arg14 : memref<80xi32, #tpu.memory_space<vmem>>) semaphore(%run_scoped3A : memref<!tpu.dma_semaphore, #tpu.memory_space<semaphore_mem>>) {add = true}
        %dma_wait3A_63 = arith.constant 0 : i32
        %dma_wait3A_64 = arith.constant 0 : i32
        %dma_wait3A_65 = tpu.memref_slice %arg20[%dma_wait3A_63, %dma_wait3A_64] : memref<1024x128xf32, #tpu.memory_space<vmem_shared>> -> memref<1024x128xf32, #tpu.memory_space<vmem_shared>>
        tpu.wait_indirect_dma semaphore(%run_scoped3A : memref<!tpu.dma_semaphore, #tpu.memory_space<semaphore_mem>>) src(%arg12 : memref<80x128xf32, #tpu.memory_space<vmem>>) dst(%dma_wait3A_65 : memref<1024x128xf32, #tpu.memory_space<vmem_shared>>)
        tpu.yield
      }) : () -> ()
      %dma_wait3A_56 = arith.constant 0 : i32
      %dma_wait3A_57 = tpu.memref_slice %arg6[%multiple_of3A_45, %dma_wait3A_56] : memref<20480x128xf32, #tpu.memory_space<hbm>> -> memref<80x128xf32, #tpu.memory_space<hbm>>
      %dma_wait3A_58 = arith.constant 0 : i32
      %dma_wait3A_59 = tpu.memref_slice %arg6[%multiple_of3A_45, %dma_wait3A_58] : memref<20480x128xf32, #tpu.memory_space<hbm>> -> memref<80x128xf32, #tpu.memory_space<hbm>>
      tpu.wait_dma2 semaphore(%arg17 : memref<!tpu.dma_semaphore, #tpu.memory_space<semaphore_mem>>) src(%dma_wait3A_59 : memref<80x128xf32, #tpu.memory_space<hbm>>) dst(%arg13 : memref<80x128xf32, #tpu.memory_space<vmem>>)
      "tpu.region"() ({
        %run_scoped3A = tpu.sem_alloc : memref<!tpu.dma_semaphore, #tpu.memory_space<semaphore_mem>>
        %dma_start3A_60 = arith.constant 0 : i32
        %dma_start3A_61 = arith.constant 0 : i32
        %dma_start3A_62 = tpu.memref_slice %arg20[%dma_start3A_60, %dma_start3A_61] : memref<1024x128xf32, #tpu.memory_space<vmem_shared>> -> memref<1024x128xf32, #tpu.memory_space<vmem_shared>>
        tpu.enqueue_indirect_dma source(%arg13 : memref<80x128xf32, #tpu.memory_space<vmem>>) target(%dma_start3A_62 : memref<1024x128xf32, #tpu.memory_space<vmem_shared>>) offsets(%arg15 : memref<80xi32, #tpu.memory_space<vmem>>) semaphore(%run_scoped3A : memref<!tpu.dma_semaphore, #tpu.memory_space<semaphore_mem>>) {add = true}
        %dma_wait3A_63 = arith.constant 0 : i32
        %dma_wait3A_64 = arith.constant 0 : i32
        %dma_wait3A_65 = tpu.memref_slice %arg20[%dma_wait3A_63, %dma_wait3A_64] : memref<1024x128xf32, #tpu.memory_space<vmem_shared>> -> memref<1024x128xf32, #tpu.memory_space<vmem_shared>>
        tpu.wait_indirect_dma semaphore(%run_scoped3A : memref<!tpu.dma_semaphore, #tpu.memory_space<semaphore_mem>>) src(%arg13 : memref<80x128xf32, #tpu.memory_space<vmem>>) dst(%dma_wait3A_65 : memref<1024x128xf32, #tpu.memory_space<vmem_shared>>)
        tpu.yield
      }) : () -> ()
    }
    %scan3A_27 = arith.constant 4 : i32
    %barrier3A_28 = arith.constant 0 : index
    tpu.barrier barrier_id(%barrier3A_28)
    %mul3A_29 = arith.constant 64 : i32
    %mul3A_30 = arith.muli %arg1, %mul3A_29 : i32
    "tpu.region"() ({
      %run_scoped3A = tpu.sem_alloc : memref<!tpu.dma_semaphore, #tpu.memory_space<semaphore_mem>>
      %dma_start3A = arith.constant 0 : i32
      %dma_start3A_31 = tpu.memref_slice %arg9[%arg0, %mul3A_30, %dma_start3A] : memref<2x1024x128xf32, #tpu.memory_space<hbm>> -> memref<1x64x128xf32, #tpu.memory_space<hbm>>
      %dma_start3A_32 = tpu.memref_squeeze %dma_start3A_31 : memref<1x64x128xf32, #tpu.memory_space<hbm>> -> memref<64x128xf32, #tpu.memory_space<hbm>>
      %dma_start3A_33 = arith.constant 0 : i32
      %dma_start3A_34 = tpu.memref_slice %arg18[%mul3A_30, %dma_start3A_33] : memref<1024x128xf32, #tpu.memory_space<vmem_shared>> -> memref<64x128xf32, #tpu.memory_space<vmem_shared>>
      tpu.enqueue_dma source(%dma_start3A_34 : memref<64x128xf32, #tpu.memory_space<vmem_shared>>) target(%dma_start3A_32 : memref<64x128xf32, #tpu.memory_space<hbm>>) target_semaphore(%run_scoped3A : memref<!tpu.dma_semaphore, #tpu.memory_space<semaphore_mem>>)
      %dma_wait3A = arith.constant 0 : i32
      %dma_wait3A_35 = tpu.memref_slice %arg9[%arg0, %mul3A_30, %dma_wait3A] : memref<2x1024x128xf32, #tpu.memory_space<hbm>> -> memref<1x64x128xf32, #tpu.memory_space<hbm>>
      %dma_wait3A_36 = tpu.memref_squeeze %dma_wait3A_35 : memref<1x64x128xf32, #tpu.memory_space<hbm>> -> memref<64x128xf32, #tpu.memory_space<hbm>>
      %dma_wait3A_37 = arith.constant 0 : i32
      %dma_wait3A_38 = tpu.memref_slice %arg18[%mul3A_30, %dma_wait3A_37] : memref<1024x128xf32, #tpu.memory_space<vmem_shared>> -> memref<64x128xf32, #tpu.memory_space<vmem_shared>>
      tpu.wait_dma2 semaphore(%run_scoped3A : memref<!tpu.dma_semaphore, #tpu.memory_space<semaphore_mem>>) src(%dma_wait3A_38 : memref<64x128xf32, #tpu.memory_space<vmem_shared>>) dst(%dma_wait3A_36 : memref<64x128xf32, #tpu.memory_space<hbm>>)
      tpu.yield
    }) : () -> ()
    "tpu.region"() ({
      %run_scoped3A = tpu.sem_alloc : memref<!tpu.dma_semaphore, #tpu.memory_space<semaphore_mem>>
      %dma_start3A = arith.constant 0 : i32
      %dma_start3A_31 = tpu.memref_slice %arg10[%arg0, %mul3A_30, %dma_start3A] : memref<2x1024x128xf32, #tpu.memory_space<hbm>> -> memref<1x64x128xf32, #tpu.memory_space<hbm>>
      %dma_start3A_32 = tpu.memref_squeeze %dma_start3A_31 : memref<1x64x128xf32, #tpu.memory_space<hbm>> -> memref<64x128xf32, #tpu.memory_space<hbm>>
      %dma_start3A_33 = arith.constant 0 : i32
      %dma_start3A_34 = tpu.memref_slice %arg19[%mul3A_30, %dma_start3A_33] : memref<1024x128xf32, #tpu.memory_space<vmem_shared>> -> memref<64x128xf32, #tpu.memory_space<vmem_shared>>
      tpu.enqueue_dma source(%dma_start3A_34 : memref<64x128xf32, #tpu.memory_space<vmem_shared>>) target(%dma_start3A_32 : memref<64x128xf32, #tpu.memory_space<hbm>>) target_semaphore(%run_scoped3A : memref<!tpu.dma_semaphore, #tpu.memory_space<semaphore_mem>>)
      %dma_wait3A = arith.constant 0 : i32
      %dma_wait3A_35 = tpu.memref_slice %arg10[%arg0, %mul3A_30, %dma_wait3A] : memref<2x1024x128xf32, #tpu.memory_space<hbm>> -> memref<1x64x128xf32, #tpu.memory_space<hbm>>
      %dma_wait3A_36 = tpu.memref_squeeze %dma_wait3A_35 : memref<1x64x128xf32, #tpu.memory_space<hbm>> -> memref<64x128xf32, #tpu.memory_space<hbm>>
      %dma_wait3A_37 = arith.constant 0 : i32
      %dma_wait3A_38 = tpu.memref_slice %arg19[%mul3A_30, %dma_wait3A_37] : memref<1024x128xf32, #tpu.memory_space<vmem_shared>> -> memref<64x128xf32, #tpu.memory_space<vmem_shared>>
      tpu.wait_dma2 semaphore(%run_scoped3A : memref<!tpu.dma_semaphore, #tpu.memory_space<semaphore_mem>>) src(%dma_wait3A_38 : memref<64x128xf32, #tpu.memory_space<vmem_shared>>) dst(%dma_wait3A_36 : memref<64x128xf32, #tpu.memory_space<hbm>>)
      tpu.yield
    }) : () -> ()
    "tpu.region"() ({
      %run_scoped3A = tpu.sem_alloc : memref<!tpu.dma_semaphore, #tpu.memory_space<semaphore_mem>>
      %dma_start3A = arith.constant 0 : i32
      %dma_start3A_31 = tpu.memref_slice %arg11[%arg0, %mul3A_30, %dma_start3A] : memref<2x1024x128xf32, #tpu.memory_space<hbm>> -> memref<1x64x128xf32, #tpu.memory_space<hbm>>
      %dma_start3A_32 = tpu.memref_squeeze %dma_start3A_31 : memref<1x64x128xf32, #tpu.memory_space<hbm>> -> memref<64x128xf32, #tpu.memory_space<hbm>>
      %dma_start3A_33 = arith.constant 0 : i32
      %dma_start3A_34 = tpu.memref_slice %arg20[%mul3A_30, %dma_start3A_33] : memref<1024x128xf32, #tpu.memory_space<vmem_shared>> -> memref<64x128xf32, #tpu.memory_space<vmem_shared>>
      tpu.enqueue_dma source(%dma_start3A_34 : memref<64x128xf32, #tpu.memory_space<vmem_shared>>) target(%dma_start3A_32 : memref<64x128xf32, #tpu.memory_space<hbm>>) target_semaphore(%run_scoped3A : memref<!tpu.dma_semaphore, #tpu.memory_space<semaphore_mem>>)
      %dma_wait3A = arith.constant 0 : i32
      %dma_wait3A_35 = tpu.memref_slice %arg11[%arg0, %mul3A_30, %dma_wait3A] : memref<2x1024x128xf32, #tpu.memory_space<hbm>> -> memref<1x64x128xf32, #tpu.memory_space<hbm>>
      %dma_wait3A_36 = tpu.memref_squeeze %dma_wait3A_35 : memref<1x64x128xf32, #tpu.memory_space<hbm>> -> memref<64x128xf32, #tpu.memory_space<hbm>>
      %dma_wait3A_37 = arith.constant 0 : i32
      %dma_wait3A_38 = tpu.memref_slice %arg20[%mul3A_30, %dma_wait3A_37] : memref<1024x128xf32, #tpu.memory_space<vmem_shared>> -> memref<64x128xf32, #tpu.memory_space<vmem_shared>>
      tpu.wait_dma2 semaphore(%run_scoped3A : memref<!tpu.dma_semaphore, #tpu.memory_space<semaphore_mem>>) src(%dma_wait3A_38 : memref<64x128xf32, #tpu.memory_space<vmem_shared>>) dst(%dma_wait3A_36 : memref<64x128xf32, #tpu.memory_space<hbm>>)
      tpu.yield
    }) : () -> ()
    return
  }
}

module attributes {stable_mosaic.version = 14 : i64} {
  func.func @body(%arg0: i32, %arg1: memref<64x8192xf32, #tpu.memory_space<vmem>>, %arg2: memref<64x64xf32, #tpu.memory_space<vmem>>, %arg3: memref<8192x128xf32, #tpu.memory_space<vmem>>) attributes {dimension_semantics = [#tpu.dimension_semantics<arbitrary>], iteration_bounds = array<i64: 13>, scalar_prefetch = 0 : i64, scratch_operands = 0 : i64, tpu.core_type = #tpu.core_type<tc>, window_params = [{transform_indices = @transform_0, window_bounds = array<i64: 64, 8192>}, {pipeline_mode = #tpu.pipeline_mode<synchronous>, transform_indices = @transform_1, window_bounds = array<i64: 64, 64>}, {transform_indices = @transform_2, window_bounds = array<i64: 8192, 128>}]} {
    %get3A = arith.constant 0 : index
    %get3A_0 = arith.constant 0 : index
    %get3A_1 = vector.load %arg1[%get3A, %get3A_0] : memref<64x8192xf32, #tpu.memory_space<vmem>>, vector<64x8192xf32>
    %get3A_2 = arith.constant 0 : index
    %get3A_3 = arith.constant 0 : index
    %get3A_4 = vector.load %arg2[%get3A_2, %get3A_3] : memref<64x64xf32, #tpu.memory_space<vmem>>, vector<64x64xf32>
    %dot_general3A = arith.constant dense<0.000000e+00> : vector<8192x64xf32>
    %dot_general3A_5 = tpu.matmul %get3A_1, %get3A_4, %dot_general3A {dimension_numbers = #tpu.dot_dimension_numbers<[0], [0], [1], [1], [0, 1, 1, 1], [], []>, transpose_lhs_hint = false} : vector<64x8192xf32>, vector<64x64xf32>, vector<8192x64xf32> -> vector<8192x64xf32>
    %swap3A = arith.constant 0 : index
    %swap3A_6 = arith.constant 0 : index
    %swap3A_7 = vector.load %arg3[%swap3A, %swap3A_6] : memref<8192x128xf32, #tpu.memory_space<vmem>>, vector<8192x64xf32>
    tpu.vector_store %arg3[%swap3A, %swap3A_6], %dot_general3A_5 {strides = array<i32>} : memref<8192x128xf32, #tpu.memory_space<vmem>>, vector<8192x64xf32>,
    return
  }
  func.func @transform_0(%arg0: i32) -> (i32, i32) {
    %c0_i32 = arith.constant 0 : i32
    %c0_i32_0 = arith.constant 0 : i32
    return %c0_i32, %arg0 : i32, i32
  }
  func.func @transform_1(%arg0: i32) -> (i32, i32) {
    %c0_i32 = arith.constant 0 : i32
    %c0_i32_0 = arith.constant 0 : i32
    %c0_i32_1 = arith.constant 0 : i32
    return %c0_i32, %c0_i32_0 : i32, i32
  }
  func.func @transform_2(%arg0: i32) -> (i32, i32) {
    %c0_i32 = arith.constant 0 : i32
    %c0_i32_0 = arith.constant 0 : i32
    return %arg0, %c0_i32 : i32, i32
  }
}

module attributes {stable_mosaic.version = 14 : i64} {
  func.func @body(%arg0: i32, %arg1: memref<64x8192xf32, #tpu.memory_space<vmem>>, %arg2: memref<64x64xf32, #tpu.memory_space<vmem>>, %arg3: memref<8192x128xf32, #tpu.memory_space<vmem>>) attributes {dimension_semantics = [#tpu.dimension_semantics<arbitrary>], iteration_bounds = array<i64: 123>, scalar_prefetch = 0 : i64, scratch_operands = 0 : i64, tpu.core_type = #tpu.core_type<tc>, window_params = [{transform_indices = @transform_0, window_bounds = array<i64: 64, 8192>}, {pipeline_mode = #tpu.pipeline_mode<synchronous>, transform_indices = @transform_1, window_bounds = array<i64: 64, 64>}, {transform_indices = @transform_2, window_bounds = array<i64: 8192, 128>}]} {
    %get3A = arith.constant 0 : index
    %get3A_0 = arith.constant 0 : index
    %get3A_1 = vector.load %arg1[%get3A, %get3A_0] : memref<64x8192xf32, #tpu.memory_space<vmem>>, vector<64x8192xf32>
    %get3A_2 = arith.constant 0 : index
    %get3A_3 = arith.constant 0 : index
    %get3A_4 = vector.load %arg2[%get3A_2, %get3A_3] : memref<64x64xf32, #tpu.memory_space<vmem>>, vector<64x64xf32>
    %dot_general3A = arith.constant dense<0.000000e+00> : vector<8192x64xf32>
    %dot_general3A_5 = tpu.matmul %get3A_1, %get3A_4, %dot_general3A {dimension_numbers = #tpu.dot_dimension_numbers<[0], [0], [1], [1], [0, 1, 1, 1], [], []>, transpose_lhs_hint = false} : vector<64x8192xf32>, vector<64x64xf32>, vector<8192x64xf32> -> vector<8192x64xf32>
    %swap3A = arith.constant 0 : index
    %swap3A_6 = arith.constant 0 : index
    %swap3A_7 = vector.load %arg3[%swap3A, %swap3A_6] : memref<8192x128xf32, #tpu.memory_space<vmem>>, vector<8192x64xf32>
    tpu.vector_store %arg3[%swap3A, %swap3A_6], %dot_general3A_5 {strides = array<i32>} : memref<8192x128xf32, #tpu.memory_space<vmem>>, vector<8192x64xf32>,
    return
  }
  func.func @transform_0(%arg0: i32) -> (i32, i32) {
    %c0_i32 = arith.constant 0 : i32
    %c0_i32_0 = arith.constant 0 : i32
    return %c0_i32, %arg0 : i32, i32
  }
  func.func @transform_1(%arg0: i32) -> (i32, i32) {
    %c0_i32 = arith.constant 0 : i32
    %c0_i32_0 = arith.constant 0 : i32
    %c0_i32_1 = arith.constant 0 : i32
    return %c0_i32, %c0_i32_0 : i32, i32
  }
  func.func @transform_2(%arg0: i32) -> (i32, i32) {
    %c0_i32 = arith.constant 0 : i32
    %c0_i32_0 = arith.constant 0 : i32
    return %arg0, %c0_i32 : i32, i32
  }
}

module attributes {stable_mosaic.version = 14 : i64} {
  func.func @body(%arg0: i32, %arg1: memref<2048x128xf32, #tpu.memory_space<vmem>>, %arg2: memref<2048x128xf32, #tpu.memory_space<vmem>>, %arg3: memref<64x128xf32, #tpu.memory_space<vmem>>, %arg4: memref<1x64xf32, #tpu.memory_space<vmem>>, %arg5: memref<64x64xf32, #tpu.memory_space<vmem>>, %arg6: memref<1x1xf32, #tpu.memory_space<vmem>>, %arg7: memref<2048x128xf32, #tpu.memory_space<vmem>>) attributes {dimension_semantics = [#tpu.dimension_semantics<arbitrary>], iteration_bounds = array<i64: 10>, scalar_prefetch = 0 : i64, scratch_operands = 0 : i64, tpu.core_type = #tpu.core_type<tc>, window_params = [{transform_indices = @transform_0, window_bounds = array<i64: 2048, 128>}, {transform_indices = @transform_1, window_bounds = array<i64: 2048, 128>}, {pipeline_mode = #tpu.pipeline_mode<synchronous>, transform_indices = @transform_2, window_bounds = array<i64: 64, 128>}, {pipeline_mode = #tpu.pipeline_mode<synchronous>, transform_indices = @transform_3, window_bounds = array<i64: 1, 64>}, {pipeline_mode = #tpu.pipeline_mode<synchronous>, transform_indices = @transform_4, window_bounds = array<i64: 64, 64>}, {pipeline_mode = #tpu.pipeline_mode<synchronous>, transform_indices = @transform_5, window_bounds = array<i64: 1, 1>}, {transform_indices = @transform_6, window_bounds = array<i64: 2048, 128>}]} {
    %get3A = arith.constant 0 : index
    %get3A_0 = arith.constant 0 : index
    %get3A_1 = vector.load %arg2[%get3A, %get3A_0] : memref<2048x128xf32, #tpu.memory_space<vmem>>, vector<2048x64xf32>
    %get3A_2 = arith.constant 0 : index
    %get3A_3 = arith.constant 0 : index
    %get3A_4 = vector.load %arg3[%get3A_2, %get3A_3] : memref<64x128xf32, #tpu.memory_space<vmem>>, vector<64x128xf32>
    %get3A_5 = arith.constant 0 : index
    %get3A_6 = arith.constant 0 : index
    %get3A_7 = vector.load %arg1[%get3A_5, %get3A_6] : memref<2048x128xf32, #tpu.memory_space<vmem>>, vector<2048x64xf32>
    %slice3A = vector.extract_strided_slice %get3A_4 {offsets = [0, 0], sizes = [64, 64], strides = [1, 1]} : vector<64x128xf32> to vector<64x64xf32>
    %transpose3A = tpu.transpose %slice3A, [1, 0] : vector<64x64xf32> -> vector<64x64xf32>
    %dot_general3A = arith.constant dense<0.000000e+00> : vector<2048x64xf32>
    %dot_general3A_8 = tpu.matmul %get3A_7, %transpose3A, %dot_general3A {dimension_numbers = #tpu.dot_dimension_numbers<[1], [0], [0], [1], [0, 0, 1, 1], [], []>, transpose_lhs_hint = false} : vector<2048x64xf32>, vector<64x64xf32>, vector<2048x64xf32> -> vector<2048x64xf32>
    %slice3A_9 = vector.extract_strided_slice %get3A_4 {offsets = [0, 64], sizes = [64, 64], strides = [1, 1]} : vector<64x128xf32> to vector<64x64xf32>
    %transpose3A_10 = tpu.transpose %slice3A_9, [1, 0] : vector<64x64xf32> -> vector<64x64xf32>
    %dot_general3A_11 = arith.constant dense<0.000000e+00> : vector<2048x64xf32>
    %dot_general3A_12 = tpu.matmul %get3A_1, %transpose3A_10, %dot_general3A_11 {dimension_numbers = #tpu.dot_dimension_numbers<[1], [0], [0], [1], [0, 0, 1, 1], [], []>, transpose_lhs_hint = false} : vector<2048x64xf32>, vector<64x64xf32>, vector<2048x64xf32> -> vector<2048x64xf32>
    %add3A = arith.addf %dot_general3A_8, %dot_general3A_12 : vector<2048x64xf32>
    %get3A_13 = arith.constant 0 : index
    %get3A_14 = arith.constant 0 : index
    %get3A_15 = vector.load %arg4[%get3A_13, %get3A_14] : memref<1x64xf32, #tpu.memory_space<vmem>>, vector<1x64xf32>
    %add3A_16 = vector.broadcast %get3A_15 : vector<1x64xf32> to vector<2048x64xf32>
    %add3A_17 = arith.addf %add3A, %add3A_16 : vector<2048x64xf32>
    %max3A = arith.constant 0.000000e+00 : f32
    %max3A_18 = vector.broadcast %max3A : f32 to vector<2048x64xf32>
    %max3A_19 = arith.maximumf %add3A_17, %max3A_18 : vector<2048x64xf32>
    %get3A_20 = arith.constant 0 : index
    %get3A_21 = arith.constant 0 : index
    %get3A_22 = vector.load %arg5[%get3A_20, %get3A_21] : memref<64x64xf32, #tpu.memory_space<vmem>>, vector<64x64xf32>
    %transpose3A_23 = tpu.transpose %get3A_22, [1, 0] : vector<64x64xf32> -> vector<64x64xf32>
    %dot_general3A_24 = arith.constant dense<0.000000e+00> : vector<2048x64xf32>
    %dot_general3A_25 = tpu.matmul %max3A_19, %transpose3A_23, %dot_general3A_24 {dimension_numbers = #tpu.dot_dimension_numbers<[1], [0], [0], [1], [0, 0, 1, 1], [], []>, transpose_lhs_hint = false} : vector<2048x64xf32>, vector<64x64xf32>, vector<2048x64xf32> -> vector<2048x64xf32>
    %get3A_26 = arith.constant 0 : index
    %get3A_27 = arith.constant 0 : index
    %get3A_28 = vector.load %arg6[%get3A_26, %get3A_27] : memref<1x1xf32, #tpu.memory_space<vmem>>, vector<1x1xf32>
    %add3A_29 = vector.broadcast %get3A_28 : vector<1x1xf32> to vector<2048x64xf32>
    %add3A_30 = arith.addf %dot_general3A_25, %add3A_29 : vector<2048x64xf32>
    %exp3A = math.exp %add3A_30 : vector<2048x64xf32>
    %mul3A = arith.mulf %get3A_1, %exp3A : vector<2048x64xf32>
    %concatenate3A = tpu.concatenate %mul3A, %exp3A in 1 : vector<2048x64xf32>, vector<2048x64xf32> -> vector<2048x128xf32>
    %swap3A = arith.constant 0 : index
    %swap3A_31 = arith.constant 0 : index
    %swap3A_32 = vector.load %arg7[%swap3A, %swap3A_31] : memref<2048x128xf32, #tpu.memory_space<vmem>>, vector<2048x128xf32>
    tpu.vector_store %arg7[%swap3A, %swap3A_31], %concatenate3A {strides = array<i32>} : memref<2048x128xf32, #tpu.memory_space<vmem>>, vector<2048x128xf32>,
    return
  }
  func.func @transform_0(%arg0: i32) -> (i32, i32) {
    %c0_i32 = arith.constant 0 : i32
    %c0_i32_0 = arith.constant 0 : i32
    return %arg0, %c0_i32 : i32, i32
  }
  func.func @transform_1(%arg0: i32) -> (i32, i32) {
    %c0_i32 = arith.constant 0 : i32
    %c0_i32_0 = arith.constant 0 : i32
    return %arg0, %c0_i32 : i32, i32
  }
  func.func @transform_2(%arg0: i32) -> (i32, i32) {
    %c0_i32 = arith.constant 0 : i32
    %c0_i32_0 = arith.constant 0 : i32
    %c0_i32_1 = arith.constant 0 : i32
    return %c0_i32, %c0_i32_0 : i32, i32
  }
  func.func @transform_3(%arg0: i32) -> (i32, i32) {
    %c0_i32 = arith.constant 0 : i32
    %c0_i32_0 = arith.constant 0 : i32
    %c0_i32_1 = arith.constant 0 : i32
    return %c0_i32, %c0_i32_0 : i32, i32
  }
  func.func @transform_4(%arg0: i32) -> (i32, i32) {
    %c0_i32 = arith.constant 0 : i32
    %c0_i32_0 = arith.constant 0 : i32
    %c0_i32_1 = arith.constant 0 : i32
    return %c0_i32, %c0_i32_0 : i32, i32
  }
  func.func @transform_5(%arg0: i32) -> (i32, i32) {
    %c0_i32 = arith.constant 0 : i32
    %c0_i32_0 = arith.constant 0 : i32
    %c0_i32_1 = arith.constant 0 : i32
    return %c0_i32, %c0_i32_0 : i32, i32
  }
  func.func @transform_6(%arg0: i32) -> (i32, i32) {
    %c0_i32 = arith.constant 0 : i32
    %c0_i32_0 = arith.constant 0 : i32
    return %arg0, %c0_i32 : i32, i32
  }
}

module attributes {stable_mosaic.version = 14 : i64} {
  func.func @body(%arg0: i32, %arg1: memref<2048x128xf32, #tpu.memory_space<vmem>>, %arg2: memref<1x1x2048xi32, #tpu.memory_space<vmem>>, %arg3: memref<2048x128xf32, #tpu.memory_space<vmem>>, %arg4: memref<16x64xf32, #tpu.memory_space<vmem>>, %arg5: memref<64x128xf32, #tpu.memory_space<vmem>>, %arg6: memref<1x64xf32, #tpu.memory_space<vmem>>, %arg7: memref<64x128xf32, #tpu.memory_space<vmem>>, %arg8: memref<1x64xf32, #tpu.memory_space<vmem>>, %arg9: memref<64x64xf32, #tpu.memory_space<vmem>>, %arg10: memref<1x1xf32, #tpu.memory_space<vmem>>, %arg11: memref<2048x128xf32, #tpu.memory_space<vmem>>) attributes {dimension_semantics = [#tpu.dimension_semantics<arbitrary>], iteration_bounds = array<i64: 25>, scalar_prefetch = 0 : i64, scratch_operands = 0 : i64, tpu.core_type = #tpu.core_type<tc>, window_params = [{transform_indices = @transform_0, window_bounds = array<i64: 2048, 128>}, {transform_indices = @transform_1, window_bounds = array<i64: 1, 1, 2048>}, {transform_indices = @transform_2, window_bounds = array<i64: 2048, 128>}, {pipeline_mode = #tpu.pipeline_mode<synchronous>, transform_indices = @transform_3, window_bounds = array<i64: 16, 64>}, {pipeline_mode = #tpu.pipeline_mode<synchronous>, transform_indices = @transform_4, window_bounds = array<i64: 64, 128>}, {pipeline_mode = #tpu.pipeline_mode<synchronous>, transform_indices = @transform_5, window_bounds = array<i64: 1, 64>}, {pipeline_mode = #tpu.pipeline_mode<synchronous>, transform_indices = @transform_6, window_bounds = array<i64: 64, 128>}, {pipeline_mode = #tpu.pipeline_mode<synchronous>, transform_indices = @transform_7, window_bounds = array<i64: 1, 64>}, {pipeline_mode = #tpu.pipeline_mode<synchronous>, transform_indices = @transform_8, window_bounds = array<i64: 64, 64>}, {pipeline_mode = #tpu.pipeline_mode<synchronous>, transform_indices = @transform_9, window_bounds = array<i64: 1, 1>}, {transform_indices = @transform_10, window_bounds = array<i64: 2048, 128>}]} {
    %get3A = arith.constant 0 : index
    %get3A_0 = arith.constant 0 : index
    %get3A_1 = arith.constant 0 : index
    %get3A_2 = vector.load %arg2[%get3A, %get3A_0, %get3A_1] : memref<1x1x2048xi32, #tpu.memory_space<vmem>>, vector<1x1x2048xi32>
    %get3A_3 = vector.shape_cast %get3A_2 : vector<1x1x2048xi32> to vector<2048xi32>
    %broadcast_in_dim3A = vector.shape_cast %get3A_3 : vector<2048xi32> to vector<2048x1xi32>
    %iota3A = tpu.iota {dimensions = array<i32: 1>} : vector<2048x16xi32>
    %eq3A = vector.broadcast %broadcast_in_dim3A : vector<2048x1xi32> to vector<2048x16xi32>
    %eq3A_4 = arith.cmpi eq, %eq3A, %iota3A : vector<2048x16xi32>
    %convert_element_type3A = arith.extui %eq3A_4 : vector<2048x16xi1> to vector<2048x16xi32>
    %convert_element_type3A_5 = arith.sitofp %convert_element_type3A : vector<2048x16xi32> to vector<2048x16xf32>
    %get3A_6 = arith.constant 0 : index
    %get3A_7 = arith.constant 0 : index
    %get3A_8 = vector.load %arg4[%get3A_6, %get3A_7] : memref<16x64xf32, #tpu.memory_space<vmem>>, vector<16x64xf32>
    %dot_general3A = arith.constant dense<0.000000e+00> : vector<2048x64xf32>
    %dot_general3A_9 = tpu.matmul %convert_element_type3A_5, %get3A_8, %dot_general3A {dimension_numbers = #tpu.dot_dimension_numbers<[1], [0], [0], [1], [0, 0, 1, 1], [], []>, transpose_lhs_hint = false} : vector<2048x16xf32>, vector<16x64xf32>, vector<2048x64xf32> -> vector<2048x64xf32>
    %get3A_10 = arith.constant 0 : index
    %get3A_11 = arith.constant 0 : index
    %get3A_12 = vector.load %arg5[%get3A_10, %get3A_11] : memref<64x128xf32, #tpu.memory_space<vmem>>, vector<64x128xf32>
    %get3A_13 = arith.constant 0 : index
    %get3A_14 = arith.constant 0 : index
    %get3A_15 = vector.load %arg1[%get3A_13, %get3A_14] : memref<2048x128xf32, #tpu.memory_space<vmem>>, vector<2048x64xf32>
    %slice3A = vector.extract_strided_slice %get3A_12 {offsets = [0, 0], sizes = [64, 64], strides = [1, 1]} : vector<64x128xf32> to vector<64x64xf32>
    %transpose3A = tpu.transpose %slice3A, [1, 0] : vector<64x64xf32> -> vector<64x64xf32>
    %dot_general3A_16 = arith.constant dense<0.000000e+00> : vector<2048x64xf32>
    %dot_general3A_17 = tpu.matmul %get3A_15, %transpose3A, %dot_general3A_16 {dimension_numbers = #tpu.dot_dimension_numbers<[1], [0], [0], [1], [0, 0, 1, 1], [], []>, transpose_lhs_hint = false} : vector<2048x64xf32>, vector<64x64xf32>, vector<2048x64xf32> -> vector<2048x64xf32>
    %slice3A_18 = vector.extract_strided_slice %get3A_12 {offsets = [0, 64], sizes = [64, 64], strides = [1, 1]} : vector<64x128xf32> to vector<64x64xf32>
    %transpose3A_19 = tpu.transpose %slice3A_18, [1, 0] : vector<64x64xf32> -> vector<64x64xf32>
    %dot_general3A_20 = arith.constant dense<0.000000e+00> : vector<2048x64xf32>
    %dot_general3A_21 = tpu.matmul %dot_general3A_9, %transpose3A_19, %dot_general3A_20 {dimension_numbers = #tpu.dot_dimension_numbers<[1], [0], [0], [1], [0, 0, 1, 1], [], []>, transpose_lhs_hint = false} : vector<2048x64xf32>, vector<64x64xf32>, vector<2048x64xf32> -> vector<2048x64xf32>
    %add3A = arith.addf %dot_general3A_17, %dot_general3A_21 : vector<2048x64xf32>
    %get3A_22 = arith.constant 0 : index
    %get3A_23 = arith.constant 0 : index
    %get3A_24 = vector.load %arg6[%get3A_22, %get3A_23] : memref<1x64xf32, #tpu.memory_space<vmem>>, vector<1x64xf32>
    %add3A_25 = vector.broadcast %get3A_24 : vector<1x64xf32> to vector<2048x64xf32>
    %add3A_26 = arith.addf %add3A, %add3A_25 : vector<2048x64xf32>
    %get3A_27 = arith.constant 0 : index
    %get3A_28 = arith.constant 0 : index
    %get3A_29 = vector.load %arg7[%get3A_27, %get3A_28] : memref<64x128xf32, #tpu.memory_space<vmem>>, vector<64x128xf32>
    %slice3A_30 = vector.extract_strided_slice %get3A_29 {offsets = [0, 0], sizes = [64, 64], strides = [1, 1]} : vector<64x128xf32> to vector<64x64xf32>
    %transpose3A_31 = tpu.transpose %slice3A_30, [1, 0] : vector<64x64xf32> -> vector<64x64xf32>
    %dot_general3A_32 = arith.constant dense<0.000000e+00> : vector<2048x64xf32>
    %dot_general3A_33 = tpu.matmul %add3A_26, %transpose3A_31, %dot_general3A_32 {dimension_numbers = #tpu.dot_dimension_numbers<[1], [0], [0], [1], [0, 0, 1, 1], [], []>, transpose_lhs_hint = false} : vector<2048x64xf32>, vector<64x64xf32>, vector<2048x64xf32> -> vector<2048x64xf32>
    %get3A_34 = arith.constant 0 : index
    %get3A_35 = arith.constant 0 : index
    %get3A_36 = vector.load %arg3[%get3A_34, %get3A_35] : memref<2048x128xf32, #tpu.memory_space<vmem>>, vector<2048x64xf32>
    %slice3A_37 = vector.extract_strided_slice %get3A_29 {offsets = [0, 64], sizes = [64, 64], strides = [1, 1]} : vector<64x128xf32> to vector<64x64xf32>
    %transpose3A_38 = tpu.transpose %slice3A_37, [1, 0] : vector<64x64xf32> -> vector<64x64xf32>
    %dot_general3A_39 = arith.constant dense<0.000000e+00> : vector<2048x64xf32>
    %dot_general3A_40 = tpu.matmul %get3A_36, %transpose3A_38, %dot_general3A_39 {dimension_numbers = #tpu.dot_dimension_numbers<[1], [0], [0], [1], [0, 0, 1, 1], [], []>, transpose_lhs_hint = false} : vector<2048x64xf32>, vector<64x64xf32>, vector<2048x64xf32> -> vector<2048x64xf32>
    %add3A_41 = arith.addf %dot_general3A_33, %dot_general3A_40 : vector<2048x64xf32>
    %get3A_42 = arith.constant 0 : index
    %get3A_43 = arith.constant 0 : index
    %get3A_44 = vector.load %arg8[%get3A_42, %get3A_43] : memref<1x64xf32, #tpu.memory_space<vmem>>, vector<1x64xf32>
    %add3A_45 = vector.broadcast %get3A_44 : vector<1x64xf32> to vector<2048x64xf32>
    %add3A_46 = arith.addf %add3A_41, %add3A_45 : vector<2048x64xf32>
    %max3A = arith.constant 0.000000e+00 : f32
    %max3A_47 = vector.broadcast %max3A : f32 to vector<2048x64xf32>
    %max3A_48 = arith.maximumf %add3A_46, %max3A_47 : vector<2048x64xf32>
    %get3A_49 = arith.constant 0 : index
    %get3A_50 = arith.constant 0 : index
    %get3A_51 = vector.load %arg9[%get3A_49, %get3A_50] : memref<64x64xf32, #tpu.memory_space<vmem>>, vector<64x64xf32>
    %transpose3A_52 = tpu.transpose %get3A_51, [1, 0] : vector<64x64xf32> -> vector<64x64xf32>
    %dot_general3A_53 = arith.constant dense<0.000000e+00> : vector<2048x64xf32>
    %dot_general3A_54 = tpu.matmul %max3A_48, %transpose3A_52, %dot_general3A_53 {dimension_numbers = #tpu.dot_dimension_numbers<[1], [0], [0], [1], [0, 0, 1, 1], [], []>, transpose_lhs_hint = false} : vector<2048x64xf32>, vector<64x64xf32>, vector<2048x64xf32> -> vector<2048x64xf32>
    %get3A_55 = arith.constant 0 : index
    %get3A_56 = arith.constant 0 : index
    %get3A_57 = vector.load %arg10[%get3A_55, %get3A_56] : memref<1x1xf32, #tpu.memory_space<vmem>>, vector<1x1xf32>
    %add3A_58 = vector.broadcast %get3A_57 : vector<1x1xf32> to vector<2048x64xf32>
    %add3A_59 = arith.addf %dot_general3A_54, %add3A_58 : vector<2048x64xf32>
    %exp3A = math.exp %add3A_59 : vector<2048x64xf32>
    %mul3A = arith.mulf %add3A_26, %exp3A : vector<2048x64xf32>
    %concatenate3A = tpu.concatenate %mul3A, %exp3A in 1 : vector<2048x64xf32>, vector<2048x64xf32> -> vector<2048x128xf32>
    %swap3A = arith.constant 0 : index
    %swap3A_60 = arith.constant 0 : index
    %swap3A_61 = vector.load %arg11[%swap3A, %swap3A_60] : memref<2048x128xf32, #tpu.memory_space<vmem>>, vector<2048x128xf32>
    tpu.vector_store %arg11[%swap3A, %swap3A_60], %concatenate3A {strides = array<i32>} : memref<2048x128xf32, #tpu.memory_space<vmem>>, vector<2048x128xf32>,
    return
  }
  func.func @transform_0(%arg0: i32) -> (i32, i32) {
    %c0_i32 = arith.constant 0 : i32
    %c0_i32_0 = arith.constant 0 : i32
    return %arg0, %c0_i32 : i32, i32
  }
  func.func @transform_1(%arg0: i32) -> (i32, i32, i32) {
    %c0_i32 = arith.constant 0 : i32
    %c0_i32_0 = arith.constant 0 : i32
    %c0_i32_1 = arith.constant 0 : i32
    return %arg0, %c0_i32, %c0_i32_0 : i32, i32, i32
  }
  func.func @transform_2(%arg0: i32) -> (i32, i32) {
    %c0_i32 = arith.constant 0 : i32
    %c0_i32_0 = arith.constant 0 : i32
    return %arg0, %c0_i32 : i32, i32
  }
  func.func @transform_3(%arg0: i32) -> (i32, i32) {
    %c0_i32 = arith.constant 0 : i32
    %c0_i32_0 = arith.constant 0 : i32
    %c0_i32_1 = arith.constant 0 : i32
    return %c0_i32, %c0_i32_0 : i32, i32
  }
  func.func @transform_4(%arg0: i32) -> (i32, i32) {
    %c0_i32 = arith.constant 0 : i32
    %c0_i32_0 = arith.constant 0 : i32
    %c0_i32_1 = arith.constant 0 : i32
    return %c0_i32, %c0_i32_0 : i32, i32
  }
  func.func @transform_5(%arg0: i32) -> (i32, i32) {
    %c0_i32 = arith.constant 0 : i32
    %c0_i32_0 = arith.constant 0 : i32
    %c0_i32_1 = arith.constant 0 : i32
    return %c0_i32, %c0_i32_0 : i32, i32
  }
  func.func @transform_6(%arg0: i32) -> (i32, i32) {
    %c0_i32 = arith.constant 0 : i32
    %c0_i32_0 = arith.constant 0 : i32
    %c0_i32_1 = arith.constant 0 : i32
    return %c0_i32, %c0_i32_0 : i32, i32
  }
  func.func @transform_7(%arg0: i32) -> (i32, i32) {
    %c0_i32 = arith.constant 0 : i32
    %c0_i32_0 = arith.constant 0 : i32
    %c0_i32_1 = arith.constant 0 : i32
    return %c0_i32, %c0_i32_0 : i32, i32
  }
  func.func @transform_8(%arg0: i32) -> (i32, i32) {
    %c0_i32 = arith.constant 0 : i32
    %c0_i32_0 = arith.constant 0 : i32
    %c0_i32_1 = arith.constant 0 : i32
    return %c0_i32, %c0_i32_0 : i32, i32
  }
  func.func @transform_9(%arg0: i32) -> (i32, i32) {
    %c0_i32 = arith.constant 0 : i32
    %c0_i32_0 = arith.constant 0 : i32
    %c0_i32_1 = arith.constant 0 : i32
    return %c0_i32, %c0_i32_0 : i32, i32
  }
  func.func @transform_10(%arg0: i32) -> (i32, i32) {
    %c0_i32 = arith.constant 0 : i32
    %c0_i32_0 = arith.constant 0 : i32
    return %arg0, %c0_i32 : i32, i32
  }
}

module attributes {stable_mosaic.version = 14 : i64} {
  func.func @body(%arg0: i32, %arg1: memref<2x1024x128xf32, #tpu.memory_space<vmem>>, %arg2: memref<2x1024x128xf32, #tpu.memory_space<vmem>>, %arg3: memref<2x1024x128xf32, #tpu.memory_space<vmem>>, %arg4: memref<2048x128xf32, #tpu.memory_space<vmem>>, %arg5: memref<64x64xf32, #tpu.memory_space<vmem>>, %arg6: memref<1x64xf32, #tpu.memory_space<vmem>>, %arg7: memref<64x64xf32, #tpu.memory_space<vmem>>, %arg8: memref<1x64xf32, #tpu.memory_space<vmem>>, %arg9: memref<64x64xf32, #tpu.memory_space<vmem>>, %arg10: memref<1x64xf32, #tpu.memory_space<vmem>>, %arg11: memref<64x128xf32, #tpu.memory_space<vmem>>, %arg12: memref<1x64xf32, #tpu.memory_space<vmem>>, %arg13: memref<64x128xf32, #tpu.memory_space<vmem>>, %arg14: memref<1x64xf32, #tpu.memory_space<vmem>>, %arg15: memref<64x64xf32, #tpu.memory_space<vmem>>, %arg16: memref<1x64xf32, #tpu.memory_space<vmem>>, %arg17: memref<64x64xf32, #tpu.memory_space<vmem>>, %arg18: memref<1x1xf32, #tpu.memory_space<vmem>>, %arg19: memref<1024x1xf32, #tpu.memory_space<vmem>>, %arg20: memref<2048x1024xf32, #tpu.memory_space<vmem>>, %arg21: memref<1024x64xf32, #tpu.memory_space<vmem>>) attributes {dimension_semantics = [#tpu.dimension_semantics<arbitrary>], iteration_bounds = array<i64: 49>, scalar_prefetch = 0 : i64, scratch_operands = 1 : i64, tpu.core_type = #tpu.core_type<tc>, window_params = [{pipeline_mode = #tpu.pipeline_mode<synchronous>, transform_indices = @transform_0, window_bounds = array<i64: 2, 1024, 128>}, {pipeline_mode = #tpu.pipeline_mode<synchronous>, transform_indices = @transform_1, window_bounds = array<i64: 2, 1024, 128>}, {pipeline_mode = #tpu.pipeline_mode<synchronous>, transform_indices = @transform_2, window_bounds = array<i64: 2, 1024, 128>}, {transform_indices = @transform_3, window_bounds = array<i64: 2048, 128>}, {pipeline_mode = #tpu.pipeline_mode<synchronous>, transform_indices = @transform_4, window_bounds = array<i64: 64, 64>}, {pipeline_mode = #tpu.pipeline_mode<synchronous>, transform_indices = @transform_5, window_bounds = array<i64: 1, 64>}, {pipeline_mode = #tpu.pipeline_mode<synchronous>, transform_indices = @transform_6, window_bounds = array<i64: 64, 64>}, {pipeline_mode = #tpu.pipeline_mode<synchronous>, transform_indices = @transform_7, window_bounds = array<i64: 1, 64>}, {pipeline_mode = #tpu.pipeline_mode<synchronous>, transform_indices = @transform_8, window_bounds = array<i64: 64, 64>}, {pipeline_mode = #tpu.pipeline_mode<synchronous>, transform_indices = @transform_9, window_bounds = array<i64: 1, 64>}, {pipeline_mode = #tpu.pipeline_mode<synchronous>, transform_indices = @transform_10, window_bounds = array<i64: 64, 128>}, {pipeline_mode = #tpu.pipeline_mode<synchronous>, transform_indices = @transform_11, window_bounds = array<i64: 1, 64>}, {pipeline_mode = #tpu.pipeline_mode<synchronous>, transform_indices = @transform_12, window_bounds = array<i64: 64, 128>}, {pipeline_mode = #tpu.pipeline_mode<synchronous>, transform_indices = @transform_13, window_bounds = array<i64: 1, 64>}, {pipeline_mode = #tpu.pipeline_mode<synchronous>, transform_indices = @transform_14, window_bounds = array<i64: 64, 64>}, {pipeline_mode = #tpu.pipeline_mode<synchronous>, transform_indices = @transform_15, window_bounds = array<i64: 1, 64>}, {pipeline_mode = #tpu.pipeline_mode<synchronous>, transform_indices = @transform_16, window_bounds = array<i64: 64, 64>}, {pipeline_mode = #tpu.pipeline_mode<synchronous>, transform_indices = @transform_17, window_bounds = array<i64: 1, 1>}, {pipeline_mode = #tpu.pipeline_mode<synchronous>, transform_indices = @transform_18, window_bounds = array<i64: 1024, 1>}, {transform_indices = @transform_19, window_bounds = array<i64: 2048, 1024>}]} {
    %eq3A = arith.constant 0 : i32
    %eq3A_0 = arith.cmpi eq, %arg0, %eq3A : i32
    %convert_element_type3A = arith.extui %eq3A_0 : i1 to i32
    %cond3A = arith.constant 0 : i32
    %cond3A_1 = arith.cmpi ne, %convert_element_type3A, %cond3A : i32
    scf.if %cond3A_1 {
      %get3A_10 = arith.constant 0 : index
      %get3A_11 = arith.constant 0 : index
      %get3A_12 = arith.constant 0 : index
      %get3A_13 = vector.load %arg1[%get3A_10, %get3A_11, %get3A_12] : memref<2x1024x128xf32, #tpu.memory_space<vmem>>, vector<2x1024x128xf32>
      %slice3A = vector.extract_strided_slice %get3A_13 {offsets = [0, 0, 0], sizes = [1, 1024, 128], strides = [1, 1, 1]} : vector<2x1024x128xf32> to vector<1x1024x128xf32>
      %squeeze3A = vector.shape_cast %slice3A : vector<1x1024x128xf32> to vector<1024x128xf32>
      %slice3A_14 = vector.extract_strided_slice %get3A_13 {offsets = [1, 0, 0], sizes = [1, 1024, 128], strides = [1, 1, 1]} : vector<2x1024x128xf32> to vector<1x1024x128xf32>
      %squeeze3A_15 = vector.shape_cast %slice3A_14 : vector<1x1024x128xf32> to vector<1024x128xf32>
      %add3A = arith.addf %squeeze3A, %squeeze3A_15 : vector<1024x128xf32>
      %slice3A_16 = vector.extract_strided_slice %add3A {offsets = [0, 0], sizes = [1024, 64], strides = [1, 1]} : vector<1024x128xf32> to vector<1024x64xf32>
      %slice3A_17 = vector.extract_strided_slice %add3A {offsets = [0, 64], sizes = [1024, 64], strides = [1, 1]} : vector<1024x128xf32> to vector<1024x64xf32>
      %add3A_18 = arith.constant 1.000000e-16 : f32
      %add3A_19 = vector.broadcast %add3A_18 : f32 to vector<1024x64xf32>
      %add3A_20 = arith.addf %slice3A_17, %add3A_19 : vector<1024x64xf32>
      %div3A = arith.divf %slice3A_16, %add3A_20 : vector<1024x64xf32>
      %get3A_21 = arith.constant 0 : index
      %get3A_22 = arith.constant 0 : index
      %get3A_23 = vector.load %arg5[%get3A_21, %get3A_22] : memref<64x64xf32, #tpu.memory_space<vmem>>, vector<64x64xf32>
      %transpose3A = tpu.transpose %get3A_23, [1, 0] : vector<64x64xf32> -> vector<64x64xf32>
      %dot_general3A_24 = arith.constant dense<0.000000e+00> : vector<1024x64xf32>
      %dot_general3A_25 = tpu.matmul %div3A, %transpose3A, %dot_general3A_24 {dimension_numbers = #tpu.dot_dimension_numbers<[1], [0], [0], [1], [0, 0, 1, 1], [], []>, transpose_lhs_hint = false} : vector<1024x64xf32>, vector<64x64xf32>, vector<1024x64xf32> -> vector<1024x64xf32>
      %get3A_26 = arith.constant 0 : index
      %get3A_27 = arith.constant 0 : index
      %get3A_28 = vector.load %arg6[%get3A_26, %get3A_27] : memref<1x64xf32, #tpu.memory_space<vmem>>, vector<1x64xf32>
      %add3A_29 = vector.broadcast %get3A_28 : vector<1x64xf32> to vector<1024x64xf32>
      %add3A_30 = arith.addf %dot_general3A_25, %add3A_29 : vector<1024x64xf32>
      %max3A = arith.constant 0.000000e+00 : f32
      %max3A_31 = vector.broadcast %max3A : f32 to vector<1024x64xf32>
      %max3A_32 = arith.maximumf %add3A_30, %max3A_31 : vector<1024x64xf32>
      %get3A_33 = arith.constant 0 : index
      %get3A_34 = arith.constant 0 : index
      %get3A_35 = arith.constant 0 : index
      %get3A_36 = vector.load %arg2[%get3A_33, %get3A_34, %get3A_35] : memref<2x1024x128xf32, #tpu.memory_space<vmem>>, vector<2x1024x128xf32>
      %slice3A_37 = vector.extract_strided_slice %get3A_36 {offsets = [0, 0, 0], sizes = [1, 1024, 128], strides = [1, 1, 1]} : vector<2x1024x128xf32> to vector<1x1024x128xf32>
      %squeeze3A_38 = vector.shape_cast %slice3A_37 : vector<1x1024x128xf32> to vector<1024x128xf32>
      %slice3A_39 = vector.extract_strided_slice %get3A_36 {offsets = [1, 0, 0], sizes = [1, 1024, 128], strides = [1, 1, 1]} : vector<2x1024x128xf32> to vector<1x1024x128xf32>
      %squeeze3A_40 = vector.shape_cast %slice3A_39 : vector<1x1024x128xf32> to vector<1024x128xf32>
      %add3A_41 = arith.addf %squeeze3A_38, %squeeze3A_40 : vector<1024x128xf32>
      %slice3A_42 = vector.extract_strided_slice %add3A_41 {offsets = [0, 0], sizes = [1024, 64], strides = [1, 1]} : vector<1024x128xf32> to vector<1024x64xf32>
      %slice3A_43 = vector.extract_strided_slice %add3A_41 {offsets = [0, 64], sizes = [1024, 64], strides = [1, 1]} : vector<1024x128xf32> to vector<1024x64xf32>
      %add3A_44 = arith.constant 1.000000e-16 : f32
      %add3A_45 = vector.broadcast %add3A_44 : f32 to vector<1024x64xf32>
      %add3A_46 = arith.addf %slice3A_43, %add3A_45 : vector<1024x64xf32>
      %div3A_47 = arith.divf %slice3A_42, %add3A_46 : vector<1024x64xf32>
      %get3A_48 = arith.constant 0 : index
      %get3A_49 = arith.constant 0 : index
      %get3A_50 = vector.load %arg7[%get3A_48, %get3A_49] : memref<64x64xf32, #tpu.memory_space<vmem>>, vector<64x64xf32>
      %transpose3A_51 = tpu.transpose %get3A_50, [1, 0] : vector<64x64xf32> -> vector<64x64xf32>
      %dot_general3A_52 = arith.constant dense<0.000000e+00> : vector<1024x64xf32>
      %dot_general3A_53 = tpu.matmul %div3A_47, %transpose3A_51, %dot_general3A_52 {dimension_numbers = #tpu.dot_dimension_numbers<[1], [0], [0], [1], [0, 0, 1, 1], [], []>, transpose_lhs_hint = false} : vector<1024x64xf32>, vector<64x64xf32>, vector<1024x64xf32> -> vector<1024x64xf32>
      %get3A_54 = arith.constant 0 : index
      %get3A_55 = arith.constant 0 : index
      %get3A_56 = vector.load %arg8[%get3A_54, %get3A_55] : memref<1x64xf32, #tpu.memory_space<vmem>>, vector<1x64xf32>
      %add3A_57 = vector.broadcast %get3A_56 : vector<1x64xf32> to vector<1024x64xf32>
      %add3A_58 = arith.addf %dot_general3A_53, %add3A_57 : vector<1024x64xf32>
      %max3A_59 = arith.constant 0.000000e+00 : f32
      %max3A_60 = vector.broadcast %max3A_59 : f32 to vector<1024x64xf32>
      %max3A_61 = arith.maximumf %add3A_58, %max3A_60 : vector<1024x64xf32>
      %get3A_62 = arith.constant 0 : index
      %get3A_63 = arith.constant 0 : index
      %get3A_64 = arith.constant 0 : index
      %get3A_65 = vector.load %arg3[%get3A_62, %get3A_63, %get3A_64] : memref<2x1024x128xf32, #tpu.memory_space<vmem>>, vector<2x1024x128xf32>
      %slice3A_66 = vector.extract_strided_slice %get3A_65 {offsets = [0, 0, 0], sizes = [1, 1024, 128], strides = [1, 1, 1]} : vector<2x1024x128xf32> to vector<1x1024x128xf32>
      %squeeze3A_67 = vector.shape_cast %slice3A_66 : vector<1x1024x128xf32> to vector<1024x128xf32>
      %slice3A_68 = vector.extract_strided_slice %get3A_65 {offsets = [1, 0, 0], sizes = [1, 1024, 128], strides = [1, 1, 1]} : vector<2x1024x128xf32> to vector<1x1024x128xf32>
      %squeeze3A_69 = vector.shape_cast %slice3A_68 : vector<1x1024x128xf32> to vector<1024x128xf32>
      %add3A_70 = arith.addf %squeeze3A_67, %squeeze3A_69 : vector<1024x128xf32>
      %slice3A_71 = vector.extract_strided_slice %add3A_70 {offsets = [0, 0], sizes = [1024, 64], strides = [1, 1]} : vector<1024x128xf32> to vector<1024x64xf32>
      %slice3A_72 = vector.extract_strided_slice %add3A_70 {offsets = [0, 64], sizes = [1024, 64], strides = [1, 1]} : vector<1024x128xf32> to vector<1024x64xf32>
      %add3A_73 = arith.constant 1.000000e-16 : f32
      %add3A_74 = vector.broadcast %add3A_73 : f32 to vector<1024x64xf32>
      %add3A_75 = arith.addf %slice3A_72, %add3A_74 : vector<1024x64xf32>
      %div3A_76 = arith.divf %slice3A_71, %add3A_75 : vector<1024x64xf32>
      %get3A_77 = arith.constant 0 : index
      %get3A_78 = arith.constant 0 : index
      %get3A_79 = vector.load %arg9[%get3A_77, %get3A_78] : memref<64x64xf32, #tpu.memory_space<vmem>>, vector<64x64xf32>
      %transpose3A_80 = tpu.transpose %get3A_79, [1, 0] : vector<64x64xf32> -> vector<64x64xf32>
      %dot_general3A_81 = arith.constant dense<0.000000e+00> : vector<1024x64xf32>
      %dot_general3A_82 = tpu.matmul %div3A_76, %transpose3A_80, %dot_general3A_81 {dimension_numbers = #tpu.dot_dimension_numbers<[1], [0], [0], [1], [0, 0, 1, 1], [], []>, transpose_lhs_hint = false} : vector<1024x64xf32>, vector<64x64xf32>, vector<1024x64xf32> -> vector<1024x64xf32>
      %get3A_83 = arith.constant 0 : index
      %get3A_84 = arith.constant 0 : index
      %get3A_85 = vector.load %arg10[%get3A_83, %get3A_84] : memref<1x64xf32, #tpu.memory_space<vmem>>, vector<1x64xf32>
      %add3A_86 = vector.broadcast %get3A_85 : vector<1x64xf32> to vector<1024x64xf32>
      %add3A_87 = arith.addf %dot_general3A_82, %add3A_86 : vector<1024x64xf32>
      %max3A_88 = arith.constant 0.000000e+00 : f32
      %max3A_89 = vector.broadcast %max3A_88 : f32 to vector<1024x64xf32>
      %max3A_90 = arith.maximumf %add3A_87, %max3A_89 : vector<1024x64xf32>
      %get3A_91 = arith.constant 0 : index
      %get3A_92 = arith.constant 0 : index
      %get3A_93 = vector.load %arg11[%get3A_91, %get3A_92] : memref<64x128xf32, #tpu.memory_space<vmem>>, vector<64x128xf32>
      %slice3A_94 = vector.extract_strided_slice %get3A_93 {offsets = [0, 0], sizes = [64, 64], strides = [1, 1]} : vector<64x128xf32> to vector<64x64xf32>
      %transpose3A_95 = tpu.transpose %slice3A_94, [1, 0] : vector<64x64xf32> -> vector<64x64xf32>
      %dot_general3A_96 = arith.constant dense<0.000000e+00> : vector<1024x64xf32>
      %dot_general3A_97 = tpu.matmul %max3A_32, %transpose3A_95, %dot_general3A_96 {dimension_numbers = #tpu.dot_dimension_numbers<[1], [0], [0], [1], [0, 0, 1, 1], [], []>, transpose_lhs_hint = false} : vector<1024x64xf32>, vector<64x64xf32>, vector<1024x64xf32> -> vector<1024x64xf32>
      %slice3A_98 = vector.extract_strided_slice %get3A_93 {offsets = [0, 64], sizes = [64, 64], strides = [1, 1]} : vector<64x128xf32> to vector<64x64xf32>
      %transpose3A_99 = tpu.transpose %slice3A_98, [1, 0] : vector<64x64xf32> -> vector<64x64xf32>
      %dot_general3A_100 = arith.constant dense<0.000000e+00> : vector<1024x64xf32>
      %dot_general3A_101 = tpu.matmul %max3A_90, %transpose3A_99, %dot_general3A_100 {dimension_numbers = #tpu.dot_dimension_numbers<[1], [0], [0], [1], [0, 0, 1, 1], [], []>, transpose_lhs_hint = false} : vector<1024x64xf32>, vector<64x64xf32>, vector<1024x64xf32> -> vector<1024x64xf32>
      %add3A_102 = arith.addf %dot_general3A_97, %dot_general3A_101 : vector<1024x64xf32>
      %get3A_103 = arith.constant 0 : index
      %get3A_104 = arith.constant 0 : index
      %get3A_105 = vector.load %arg12[%get3A_103, %get3A_104] : memref<1x64xf32, #tpu.memory_space<vmem>>, vector<1x64xf32>
      %add3A_106 = vector.broadcast %get3A_105 : vector<1x64xf32> to vector<1024x64xf32>
      %add3A_107 = arith.addf %add3A_102, %add3A_106 : vector<1024x64xf32>
      %max3A_108 = arith.constant 0.000000e+00 : f32
      %max3A_109 = vector.broadcast %max3A_108 : f32 to vector<1024x64xf32>
      %max3A_110 = arith.maximumf %add3A_107, %max3A_109 : vector<1024x64xf32>
      %swap3A_111 = arith.constant 0 : index
      %swap3A_112 = arith.constant 0 : index
      %swap3A_113 = vector.load %arg21[%swap3A_111, %swap3A_112] : memref<1024x64xf32, #tpu.memory_space<vmem>>, vector<1024x64xf32>
      tpu.vector_store %arg21[%swap3A_111, %swap3A_112], %max3A_110 {strides = array<i32>} : memref<1024x64xf32, #tpu.memory_space<vmem>>, vector<1024x64xf32>,
      %get3A_114 = arith.constant 0 : index
      %get3A_115 = arith.constant 0 : index
      %get3A_116 = vector.load %arg13[%get3A_114, %get3A_115] : memref<64x128xf32, #tpu.memory_space<vmem>>, vector<64x128xf32>
      %slice3A_117 = vector.extract_strided_slice %get3A_116 {offsets = [0, 0], sizes = [64, 64], strides = [1, 1]} : vector<64x128xf32> to vector<64x64xf32>
      %transpose3A_118 = tpu.transpose %slice3A_117, [1, 0] : vector<64x64xf32> -> vector<64x64xf32>
      %dot_general3A_119 = arith.constant dense<0.000000e+00> : vector<1024x64xf32>
      %dot_general3A_120 = tpu.matmul %max3A_110, %transpose3A_118, %dot_general3A_119 {dimension_numbers = #tpu.dot_dimension_numbers<[1], [0], [0], [1], [0, 0, 1, 1], [], []>, transpose_lhs_hint = false} : vector<1024x64xf32>, vector<64x64xf32>, vector<1024x64xf32> -> vector<1024x64xf32>
      %slice3A_121 = vector.extract_strided_slice %get3A_116 {offsets = [0, 64], sizes = [64, 64], strides = [1, 1]} : vector<64x128xf32> to vector<64x64xf32>
      %transpose3A_122 = tpu.transpose %slice3A_121, [1, 0] : vector<64x64xf32> -> vector<64x64xf32>
      %dot_general3A_123 = arith.constant dense<0.000000e+00> : vector<1024x64xf32>
      %dot_general3A_124 = tpu.matmul %max3A_61, %transpose3A_122, %dot_general3A_123 {dimension_numbers = #tpu.dot_dimension_numbers<[1], [0], [0], [1], [0, 0, 1, 1], [], []>, transpose_lhs_hint = false} : vector<1024x64xf32>, vector<64x64xf32>, vector<1024x64xf32> -> vector<1024x64xf32>
      %add3A_125 = arith.addf %dot_general3A_120, %dot_general3A_124 : vector<1024x64xf32>
      %get3A_126 = arith.constant 0 : index
      %get3A_127 = arith.constant 0 : index
      %get3A_128 = vector.load %arg14[%get3A_126, %get3A_127] : memref<1x64xf32, #tpu.memory_space<vmem>>, vector<1x64xf32>
      %add3A_129 = vector.broadcast %get3A_128 : vector<1x64xf32> to vector<1024x64xf32>
      %add3A_130 = arith.addf %add3A_125, %add3A_129 : vector<1024x64xf32>
      %max3A_131 = arith.constant 0.000000e+00 : f32
      %max3A_132 = vector.broadcast %max3A_131 : f32 to vector<1024x64xf32>
      %max3A_133 = arith.maximumf %add3A_130, %max3A_132 : vector<1024x64xf32>
      %get3A_134 = arith.constant 0 : index
      %get3A_135 = arith.constant 0 : index
      %get3A_136 = vector.load %arg15[%get3A_134, %get3A_135] : memref<64x64xf32, #tpu.memory_space<vmem>>, vector<64x64xf32>
      %transpose3A_137 = tpu.transpose %get3A_136, [1, 0] : vector<64x64xf32> -> vector<64x64xf32>
      %dot_general3A_138 = arith.constant dense<0.000000e+00> : vector<1024x64xf32>
      %dot_general3A_139 = tpu.matmul %max3A_133, %transpose3A_137, %dot_general3A_138 {dimension_numbers = #tpu.dot_dimension_numbers<[1], [0], [0], [1], [0, 0, 1, 1], [], []>, transpose_lhs_hint = false} : vector<1024x64xf32>, vector<64x64xf32>, vector<1024x64xf32> -> vector<1024x64xf32>
      %get3A_140 = arith.constant 0 : index
      %get3A_141 = arith.constant 0 : index
      %get3A_142 = vector.load %arg16[%get3A_140, %get3A_141] : memref<1x64xf32, #tpu.memory_space<vmem>>, vector<1x64xf32>
      %add3A_143 = vector.broadcast %get3A_142 : vector<1x64xf32> to vector<1024x64xf32>
      %add3A_144 = arith.addf %dot_general3A_139, %add3A_143 : vector<1024x64xf32>
      %max3A_145 = arith.constant 0.000000e+00 : f32
      %max3A_146 = vector.broadcast %max3A_145 : f32 to vector<1024x64xf32>
      %max3A_147 = arith.maximumf %add3A_144, %max3A_146 : vector<1024x64xf32>
      %get3A_148 = arith.constant 0 : index
      %get3A_149 = arith.constant 0 : index
      %get3A_150 = vector.load %arg17[%get3A_148, %get3A_149] : memref<64x64xf32, #tpu.memory_space<vmem>>, vector<64x64xf32>
      %transpose3A_151 = tpu.transpose %get3A_150, [1, 0] : vector<64x64xf32> -> vector<64x64xf32>
      %dot_general3A_152 = arith.constant dense<0.000000e+00> : vector<1024x64xf32>
      %dot_general3A_153 = tpu.matmul %max3A_147, %transpose3A_151, %dot_general3A_152 {dimension_numbers = #tpu.dot_dimension_numbers<[1], [0], [0], [1], [0, 0, 1, 1], [], []>, transpose_lhs_hint = false} : vector<1024x64xf32>, vector<64x64xf32>, vector<1024x64xf32> -> vector<1024x64xf32>
      %get3A_154 = arith.constant 0 : index
      %get3A_155 = arith.constant 0 : index
      %get3A_156 = vector.load %arg18[%get3A_154, %get3A_155] : memref<1x1xf32, #tpu.memory_space<vmem>>, vector<1x1xf32>
      %add3A_157 = vector.broadcast %get3A_156 : vector<1x1xf32> to vector<1024x64xf32>
      %add3A_158 = arith.addf %dot_general3A_153, %add3A_157 : vector<1024x64xf32>
      %slice3A_159 = vector.extract_strided_slice %add3A_158 {offsets = [0, 0], sizes = [1024, 1], strides = [1, 1]} : vector<1024x64xf32> to vector<1024x1xf32>
      %swap3A_160 = arith.constant 0 : index
      %swap3A_161 = arith.constant 0 : index
      %swap3A_162 = vector.load %arg19[%swap3A_160, %swap3A_161] : memref<1024x1xf32, #tpu.memory_space<vmem>>, vector<1024x1xf32>
      tpu.vector_store %arg19[%swap3A_160, %swap3A_161], %slice3A_159 {strides = array<i32>} : memref<1024x1xf32, #tpu.memory_space<vmem>>, vector<1024x1xf32>,
    } else {
    }
    %get3A = arith.constant 0 : index
    %get3A_2 = arith.constant 0 : index
    %get3A_3 = vector.load %arg4[%get3A, %get3A_2] : memref<2048x128xf32, #tpu.memory_space<vmem>>, vector<2048x64xf32>
    %get3A_4 = arith.constant 0 : index
    %get3A_5 = arith.constant 0 : index
    %get3A_6 = vector.load %arg21[%get3A_4, %get3A_5] : memref<1024x64xf32, #tpu.memory_space<vmem>>, vector<1024x64xf32>
    %dot_general3A = arith.constant dense<0.000000e+00> : vector<2048x1024xf32>
    %dot_general3A_7 = tpu.matmul %get3A_3, %get3A_6, %dot_general3A {dimension_numbers = #tpu.dot_dimension_numbers<[1], [1], [0], [0], [0, 0, 1, 0], [], []>, transpose_lhs_hint = false} : vector<2048x64xf32>, vector<1024x64xf32>, vector<2048x1024xf32> -> vector<2048x1024xf32>
    %swap3A = arith.constant 0 : index
    %swap3A_8 = arith.constant 0 : index
    %swap3A_9 = vector.load %arg20[%swap3A, %swap3A_8] : memref<2048x1024xf32, #tpu.memory_space<vmem>>, vector<2048x1024xf32>
    tpu.vector_store %arg20[%swap3A, %swap3A_8], %dot_general3A_7 {strides = array<i32>} : memref<2048x1024xf32, #tpu.memory_space<vmem>>, vector<2048x1024xf32>,
    return
  }
  func.func @transform_0(%arg0: i32) -> (i32, i32, i32) {
    %c0_i32 = arith.constant 0 : i32
    %c0_i32_0 = arith.constant 0 : i32
    %c0_i32_1 = arith.constant 0 : i32
    %c0_i32_2 = arith.constant 0 : i32
    return %c0_i32, %c0_i32_0, %c0_i32_1 : i32, i32, i32
  }
  func.func @transform_1(%arg0: i32) -> (i32, i32, i32) {
    %c0_i32 = arith.constant 0 : i32
    %c0_i32_0 = arith.constant 0 : i32
    %c0_i32_1 = arith.constant 0 : i32
    %c0_i32_2 = arith.constant 0 : i32
    return %c0_i32, %c0_i32_0, %c0_i32_1 : i32, i32, i32
  }
  func.func @transform_2(%arg0: i32) -> (i32, i32, i32) {
    %c0_i32 = arith.constant 0 : i32
    %c0_i32_0 = arith.constant 0 : i32
    %c0_i32_1 = arith.constant 0 : i32
    %c0_i32_2 = arith.constant 0 : i32
    return %c0_i32, %c0_i32_0, %c0_i32_1 : i32, i32, i32
  }
  func.func @transform_3(%arg0: i32) -> (i32, i32) {
    %c0_i32 = arith.constant 0 : i32
    %c0_i32_0 = arith.constant 0 : i32
    return %arg0, %c0_i32 : i32, i32
  }
  func.func @transform_4(%arg0: i32) -> (i32, i32) {
    %c0_i32 = arith.constant 0 : i32
    %c0_i32_0 = arith.constant 0 : i32
    %c0_i32_1 = arith.constant 0 : i32
    return %c0_i32, %c0_i32_0 : i32, i32
  }
  func.func @transform_5(%arg0: i32) -> (i32, i32) {
    %c0_i32 = arith.constant 0 : i32
    %c0_i32_0 = arith.constant 0 : i32
    %c0_i32_1 = arith.constant 0 : i32
    return %c0_i32, %c0_i32_0 : i32, i32
  }
  func.func @transform_6(%arg0: i32) -> (i32, i32) {
    %c0_i32 = arith.constant 0 : i32
    %c0_i32_0 = arith.constant 0 : i32
    %c0_i32_1 = arith.constant 0 : i32
    return %c0_i32, %c0_i32_0 : i32, i32
  }
  func.func @transform_7(%arg0: i32) -> (i32, i32) {
    %c0_i32 = arith.constant 0 : i32
    %c0_i32_0 = arith.constant 0 : i32
    %c0_i32_1 = arith.constant 0 : i32
    return %c0_i32, %c0_i32_0 : i32, i32
  }
  func.func @transform_8(%arg0: i32) -> (i32, i32) {
    %c0_i32 = arith.constant 0 : i32
    %c0_i32_0 = arith.constant 0 : i32
    %c0_i32_1 = arith.constant 0 : i32
    return %c0_i32, %c0_i32_0 : i32, i32
  }
  func.func @transform_9(%arg0: i32) -> (i32, i32) {
    %c0_i32 = arith.constant 0 : i32
    %c0_i32_0 = arith.constant 0 : i32
    %c0_i32_1 = arith.constant 0 : i32
    return %c0_i32, %c0_i32_0 : i32, i32
  }
  func.func @transform_10(%arg0: i32) -> (i32, i32) {
    %c0_i32 = arith.constant 0 : i32
    %c0_i32_0 = arith.constant 0 : i32
    %c0_i32_1 = arith.constant 0 : i32
    return %c0_i32, %c0_i32_0 : i32, i32
  }
  func.func @transform_11(%arg0: i32) -> (i32, i32) {
    %c0_i32 = arith.constant 0 : i32
    %c0_i32_0 = arith.constant 0 : i32
    %c0_i32_1 = arith.constant 0 : i32
    return %c0_i32, %c0_i32_0 : i32, i32
  }
  func.func @transform_12(%arg0: i32) -> (i32, i32) {
    %c0_i32 = arith.constant 0 : i32
    %c0_i32_0 = arith.constant 0 : i32
    %c0_i32_1 = arith.constant 0 : i32
    return %c0_i32, %c0_i32_0 : i32, i32
  }
  func.func @transform_13(%arg0: i32) -> (i32, i32) {
    %c0_i32 = arith.constant 0 : i32
    %c0_i32_0 = arith.constant 0 : i32
    %c0_i32_1 = arith.constant 0 : i32
    return %c0_i32, %c0_i32_0 : i32, i32
  }
  func.func @transform_14(%arg0: i32) -> (i32, i32) {
    %c0_i32 = arith.constant 0 : i32
    %c0_i32_0 = arith.constant 0 : i32
    %c0_i32_1 = arith.constant 0 : i32
    return %c0_i32, %c0_i32_0 : i32, i32
  }
  func.func @transform_15(%arg0: i32) -> (i32, i32) {
    %c0_i32 = arith.constant 0 : i32
    %c0_i32_0 = arith.constant 0 : i32
    %c0_i32_1 = arith.constant 0 : i32
    return %c0_i32, %c0_i32_0 : i32, i32
  }
  func.func @transform_16(%arg0: i32) -> (i32, i32) {
    %c0_i32 = arith.constant 0 : i32
    %c0_i32_0 = arith.constant 0 : i32
    %c0_i32_1 = arith.constant 0 : i32
    return %c0_i32, %c0_i32_0 : i32, i32
  }
  func.func @transform_17(%arg0: i32) -> (i32, i32) {
    %c0_i32 = arith.constant 0 : i32
    %c0_i32_0 = arith.constant 0 : i32
    %c0_i32_1 = arith.constant 0 : i32
    return %c0_i32, %c0_i32_0 : i32, i32
  }
  func.func @transform_18(%arg0: i32) -> (i32, i32) {
    %c0_i32 = arith.constant 0 : i32
    %c0_i32_0 = arith.constant 0 : i32
    %c0_i32_1 = arith.constant 0 : i32
    return %c0_i32, %c0_i32_0 : i32, i32
  }
  func.func @transform_19(%arg0: i32) -> (i32, i32) {
    %c0_i32 = arith.constant 0 : i32
    %c0_i32_0 = arith.constant 0 : i32
    return %arg0, %c0_i32 : i32, i32
  }
}

</mosaic_0001>

<sc_bundles>
// kernel: kernel.12.cloned.1.call-start
scs
__scs_entry_jumppad:
0x0: {  	(pc) =	sbr.rel $0x88, $3  }
0x1: {  	(tag) =	ssettag $0x0;
	lr =	simm.s32 $0x1  }
0x2: {  	[smem:$0x3F76] =	sst lr;
	_ =	strace $0xD0000000  }
0x3: {  	_ = 	snop  }
0x4: {  	_ = 	snop  }
0x5: {  	_ = 	snop  }
0x6: {  	_ = 	snop  }
0x7: {  	_ = 	snop  }
__scs_overlays_trampoline_lowered:
0x8: {  	[smem:$0x3F85] =	sst s0  }
0x9: {  	[smem:$0x3F86] =	sst s1  }
0xa: {  	[smem:$0x3F87] =	sst s2  }
0xb: {  	[smem:$0x3F88] =	sst s3  }
0xc: {  	[smem:$0x3F89] =	sst s4  }
0xd: {  	[smem:$0x3F8A] =	sst s5  }
0xe: {  	[smem:$0x3F8B] =	sst s6  }
0xf: {  	[smem:$0x3F8C] =	sst s7  }
0x10: {  	[smem:$0x3F8D] =	sst s8  }
0x11: {  	[smem:$0x3F8E] =	sst s9;
	s0 =	simm.s32 @!p0 $0x0  }
0x12: {  	s1 =	sld [smem:$0x3F74];
	s0 =	simm.s32 @p0 $0x1  }
0x13: {  	[smem:$0x3F8F] =	sst s0;
	s0 =	simm.s32 @!p1 $0x0  }
0x14: {  	s2 =	sld [smem:$0x3F73];
	s0 =	simm.s32 @p1 $0x1  }
0x15: {  	[smem:$0x3F90] =	sst s0;
	s0 =	simm.s32 @!p2 $0x0  }
0x16: {  	s3 =	sld [smem:$0x3FDB];
	s0 =	simm.s32 @p2 $0x1  }
0x17: {  	s4 =	simm.s32 $0x1BF5;
	[smem:$0x3F92] =	sst s0  }
0x18: {  	s0 =	sld [smem:$0x3F75];
	_ =	swait.ge [sflag:s4], $0x0  }
0x19: {  	s7 =	sld [smem:$0x3F76]  }
0x1a: {  	s8 =	sadd.s32 $0xFFFFE003, lr  }
0x1b: {  	s9 =	sadd.s32 $0xFFFFFEF7, lr;
	s5 =	simm.s32 $0xFFFFFFFF;
	p2 =	slt.u32 s8, $0xFFFFF086  }
0x1c: {  	p1 =	slt.u32 s9, $0xF7A;
	s5 =	simm.s32 @!p2 $0x0  }
0x1d: {  	s5 =	simm.s32 @p1 $0x1;
	p0 =	seq.s32 s7, s2  }
0x1e: {  	s7 =	smul.u32 @!p0 $0xF7A, s2;
	p2 =	seq.s32 @!p0 s5, $0x0  }
0x1f: {  	s9 =	smul.u32 $0xF7A, s1;
	s8 =	simm.s32 @!p0 $0x1BF5;
	p2 =	por !p2, p0  }
0x20: {  	[sflag:s8] =	ssyncset.s32 @!p0 $0xFFFFF086;
	s6 =	sadd.s32 @!p0 s3, s7;
	s7 =	simm.s32 @!p0 $0x108  }
0x21: {  	s3 =	sadd.s32 s3, s9;
	s6 =	sadd.s32 @!p0 $0x88, s6;
	s7 =	simm.s32 @p2 $0x1082  }
0x22: {  	[simem:s7], [sflag:s8] =	dma.local @!p0 [hbm:s6], $0xF7A  }
0x23: {  	s9 =	sor.u32 $0xD0000000, s2;
	s6 =	simm.s32 $0x108;
	_ =	swait.ge @!p0 [sflag:s8], $0x0  }
0x24: {  	s3 =	sadd.s32 $0x88, s3;
	s6 =	simm.s32 @!p1 $0x1082;
	[sflag:s4] =	ssyncset.s32 $0xFFFFF086  }
0x25: {  	[simem:s6], [sflag:s4] =	dma.local [hbm:s3], $0xF7A  }
0x26: {  	[smem:$0x3F76] =	sst s1;
	(tag) =	ssettag s2;
	_ =	strace s9  }
0x27: {  	s1 =	sld [smem:$0x3F86]  }
0x28: {  	s2 =	sld [smem:$0x3F87]  }
0x29: {  	s4 =	sld [smem:$0x3F89]  }
0x2a: {  	p0 =	seq.s32 s5, $0x0;
	s5 =	sld [smem:$0x3F8A]  }
0x2b: {  	s6 =	sld [smem:$0x3F8B]  }
0x2c: {  	s7 =	sld [smem:$0x3F8C]  }
0x2d: {  	s3 =	simm.s32 $0x108;
	s8 =	sld [smem:$0x3F8D]  }
0x2e: {  	s3 =	simm.s32 @!p0 $0x1082;
	s9 =	sld [smem:$0x3F8E]  }
0x2f: {  	lr =	sadd.s32 s0, s3;
	s0 =	sld [smem:$0x3F85]  }
0x30: {  	s3 =	sld [smem:$0x3F88]  }
0x31: {  	[smem:$0x3F91] =	sst s10  }
0x32: {  	s10 =	sld [smem:$0x3F8F];
	_ =	sdelay $0x3  }
0x33: {  	p0 =	seq.s32 s10, $0x1;
	s10 =	sld [smem:$0x3F91];
	_ =	sdelay $0x3  }
0x34: {  	[smem:$0x3F91] =	sst s10  }
0x35: {  	s10 =	sld [smem:$0x3F90];
	_ =	sdelay $0x3  }
0x36: {  	p1 =	seq.s32 s10, $0x1;
	s10 =	sld [smem:$0x3F91];
	_ =	sdelay $0x3  }
0x37: {  	[smem:$0x3F91] =	sst s10  }
0x38: {  	s10 =	sld [smem:$0x3F92]  }
0x39: {  	_ = 	snop;
	(pc) =	sbr.ind lr, $3  }
0x3a: {  	_ = 	snop  }
0x3b: {  	_ = 	snop  }
0x3c: {  	p2 =	seq.s32 s10, $0x1;
	s10 =	sld [smem:$0x3F91]  }
0x3d: {  	_ =	shalt  }
0x3e: {  	_ =	shalt  }
0x3f: {  	_ =	shalt  }
0x40: {  	_ =	shalt  }
0x41: {  	_ =	shalt  }
0x42: {  	_ =	shalt  }
0x43: {  	_ =	shalt  }
0x44: {  	_ =	shalt  }
0x45: {  	_ =	shalt  }
0x46: {  	_ =	shalt  }
0x47: {  	_ =	shalt  }
0x48: {  	_ =	shalt  }
0x49: {  	_ =	shalt  }
0x4a: {  	_ =	shalt  }
0x4b: {  	_ =	shalt  }
0x4c: {  	_ =	shalt  }
0x4d: {  	_ =	shalt  }
0x4e: {  	_ =	shalt  }
0x4f: {  	_ =	shalt  }
0x50: {  	_ =	shalt  }
0x51: {  	_ =	shalt  }
0x52: {  	_ =	shalt  }
0x53: {  	_ =	shalt  }
0x54: {  	_ =	shalt  }
0x55: {  	_ =	shalt  }
0x56: {  	_ =	shalt  }
0x57: {  	_ =	shalt  }
0x58: {  	_ =	shalt  }
0x59: {  	_ =	shalt  }
0x5a: {  	_ =	shalt  }
0x5b: {  	_ =	shalt  }
0x5c: {  	_ =	shalt  }
0x5d: {  	_ =	shalt  }
0x5e: {  	_ =	shalt  }
0x5f: {  	_ =	shalt  }
0x60: {  	_ =	shalt  }
0x61: {  	_ =	shalt  }
0x62: {  	_ =	shalt  }
0x63: {  	_ =	shalt  }
0x64: {  	_ =	shalt  }
0x65: {  	_ =	shalt  }
0x66: {  	_ =	shalt  }
0x67: {  	_ =	shalt  }
0x68: {  	_ =	shalt  }
0x69: {  	_ =	shalt  }
0x6a: {  	_ =	shalt  }
0x6b: {  	_ =	shalt  }
0x6c: {  	_ =	shalt  }
0x6d: {  	_ =	shalt  }
0x6e: {  	_ =	shalt  }
0x6f: {  	_ =	shalt  }
0x70: {  	_ =	shalt  }
0x71: {  	_ =	shalt  }
0x72: {  	_ =	shalt  }
0x73: {  	_ =	shalt  }
0x74: {  	_ =	shalt  }
0x75: {  	_ =	shalt  }
0x76: {  	_ =	shalt  }
0x77: {  	_ =	shalt  }
0x78: {  	_ =	shalt  }
0x79: {  	_ =	shalt  }
0x7a: {  	_ =	shalt  }
0x7b: {  	_ =	shalt  }
0x7c: {  	_ =	shalt  }
0x7d: {  	_ =	shalt  }
0x7e: {  	_ =	shalt  }
0x7f: {  	_ =	shalt  }
0x80: {  	_ =	shalt  }
0x81: {  	_ =	shalt  }
0x82: {  	_ =	shalt  }
0x83: {  	_ =	shalt  }
0x84: {  	_ =	shalt  }
0x85: {  	_ =	shalt  }
0x86: {  	_ =	shalt  }
0x87: {  	_ =	shalt  }
.Lfunc_end0:
.L_simem_size_0:
called_computation_lowered:
.L_overlay_start_0:
0x88: {  	s2 =	sld [smem:$0x3FD9]  }
0x89: {  	s3 =	sld [smem:$0x3FFE];
	_ =	sdelay $0x1  }
0x8a: {  	s1 =	srdreg.scid  }
0x8b: {  	s0 =	sand.u32 $0x1, s1  }
0x8c: {  	s17 =	sshll.u32 s0, $0xA;
	s2 =	sadd.s32 s3, s2  }
0x8d: {  	s2 =	sadd.s32 s2, s17  }
0x8e: {  	[smem:$0x3F9D] =	sst s2  }
0x8f: {  	_ = 	snop  }
0x90: {  	s18 =	sld [smem:$0x3FC8]  }
0x91: {  	s4 =	sld [smem:$0x3FC0];
	(tm) =	ssettm $0x1  }
0x92: {  	s19 =	sld [smem:$0x3FFB];
	_ =	sdelay $0x3  }
0x93: {  	_ =	strace s19  }
0x94: {  	s2 =	sld [smem:$0x3FFC];
	_ =	sdelay $0x3  }
0x95: {  	_ =	strace s2  }
0x96: {  	s2 =	sld [smem:$0x3FFD];
	_ =	sdelay $0x3  }
0x97: {  	_ =	strace s2  }
0x98: {  	_ =	strace $0x8FFFFFFF  }
0x99: {  	s20 =	sld [smem:$0x3FDB];
	_ =	sdelay $0x1  }
0x9a: {  	s5 =	simm.s32 $_scs_section_size  }
0x9b: {  	s6 =	simm.s32 $_size__tile_overlayer_lowered;
	s7 =	simm.s32 $_tile_overlayer_lowered  }
0x9c: {  	s8 =	simm.s32 $0x1BFF;
	s21 =	sshll.u32 s7, $0x1;
	s5 =	sadd.s32 s5, s20  }
0x9d: {  	s22 =	simm.s32 $0x0;
	s6 =	sshll.u32 s6, $0x1;
	s7 =	sadd.s32 s21, s5  }
0x9e: {  	[timem:s22], [sflag:s8] =	dma.local [hbm:s7], s6  }
0x9f: {  	_ =	swait.ge [sflag:s8], s6  }
0xa0: {  	s6 =	ssub.s32 $0x0, s6;
	[sflag:s8] =	ssyncset.done $0x0  }
0xa1: {  	[sflag:s8] =	ssyncadd.s32 s6;
	_ =	sdelay $0x1  }
0xa2: {  	s23 =	simm.s32 $0x1B8B  }
0xa3: {  	_ =	swait.ge [sflag:s23], $0x1  }
0xa4: {  	[sflag:s23] =	ssyncset.done $0x0  }
0xa5: {  	[sflag:s23] =	ssyncadd.s32 $0xFFFFFFFF  }
0xa6: {  	s6 =	sld [smem:$0x0]  }
0xa7: {  	s7 =	sand.u32 $0xFFFFFFFE, s1  }
0xa8: {  	p0 =	sne.s32 s1, s7  }
0xa9: {  	s7 =	sshll.u32 @p0 s7, $0xE  }
0xaa: {  	s7 =	sadd.s32 @p0 $0x11B8D, s7;
	s8 =	sshll.u32 @p0 s6, $0x11  }
0xab: {  	s7 =	sor.u32 @p0 s8, s7  }
0xac: {  	[sflag:s7] =	ssyncadd.remote.s32 @p0 $0x1;
	_ =	sdelay $0x1  }
0xad: {  	s7 =	simm.s32 @p0 $0x1B8D  }
0xae: {  	_ =	swait.eq @p0 [sflag:s7], $0x1  }
0xaf: {  	[sflag:s7] =	ssyncadd.s32 @p0 $0xFFFFFFFF  }
0xb0: {  	s8 =	sshll.u32 @!p0 s1, $0xE  }
0xb1: {  	s8 =	sor.u32 @!p0 $0x4000, s8;
	s7 =	simm.s32 @!p0 $0x1B8D  }
0xb2: {  	s6 =	sshll.u32 @!p0 s6, $0x11;
	s8 =	sadd.s32 @!p0 $0x11B8D, s8;
	_ =	swait.eq @!p0 [sflag:s7], $0x1  }
0xb3: {  	s6 =	sor.u32 @!p0 s6, s8;
	[sflag:s7] =	ssyncadd.s32 @!p0 $0xFFFFFFFF  }
0xb4: {  	s25 =	simm.s32 $0x1B8E;
	s24 =	sld [smem:$0x3FFE];
	[sflag:s6] =	ssyncadd.remote.s32 @!p0 $0x1  }
0xb5: {  	s26 =	simm.s32 $execute0_lowered;
	[smem:$0x3FD2] =	sst s25  }
0xb6: {  	s7 =	sshll.u32 s26, $0x1;
	_ =	strace $0x80000049;
	[dreg:$0x1] =	wrdreg $0xFFFFFFFF  }
0xb7: {  	s28 =	simm.s32 $_size_execute0_lowered;
	s5 =	sadd.s32 s5, s7;
	[dreg:$0x0] =	wrdreg $0x0  }
0xb8: {  	s7 =	sshll.u32 s28, $0x1;
	[dreg:$0x2] =	wrdreg s5  }
0xb9: {  	[dreg:$0x3] =	wrdreg s7  }
0xba: {  	[dreg:$0x4] =	wrdreg $0xC0  }
0xbb: {  	_ =	task [dreg:s22], $0x5FFFF  }
0xbc: {  	[dreg:$0x1] =	wrdreg $0xFFFFFFFF  }
0xbd: {  	[dreg:$0x0] =	wrdreg $0x60  }
0xbe: {  	[dreg:$0x2] =	wrdreg s24  }
0xbf: {  	[dreg:$0x3] =	wrdreg s4  }
0xc0: {  	[dreg:$0x4] =	wrdreg s18  }
0xc1: {  	[dreg:$0x5] =	wrdreg $0x9  }
0xc2: {  	_ =	task.clear_ibuf [dreg:s22], $0x6FFFF;
	_ =	strace $0x90000049  }
0xc3: {  	s29 =	simm.s32 $0x9;
	_ =	strace $0x8000004B  }
0xc4: {  	_ =	swait.ge [sflag:s29], $0x1  }
0xc5: {  	[sflag:s29] =	ssyncadd.s32 $0xFFFFFFFF  }
0xc6: {  	_ =	strace $0x9000004B  }
0xc7: {  	_ =	sfence  }
0xc8: {  	s30 =	sld [smem:$0x0];
	_ =	sdelay $0x2  }
0xc9: {  	s31 =	sshll.u32 s1, $0xD;
	s1 =	sshrl.u32 s1, $0x2  }
0xca: {  	s4 =	sand.u32 $0x4000, s31;
	s1 =	sadd.s32 s1, s30  }
0xcb: {  	s0 =	sor.u32 s4, s0;
	s1 =	sshll.u32 s1, $0x11  }
0xcc: {  	s0 =	sor.u32 s1, s0  }
0xcd: {  	s0 =	sadd.s32 $0x8F2B, s0  }
0xce: {  	[sflag:s0] =	ssyncadd.remote.s32 $0x1  }
0xcf: {  	_ =	sfence.sel $0xFFFF  }
0xd0: {  	[dreg:$0x0] =	wrdreg $0xFFFFFFFF;
	(pc) =	sbr.abs _section_cstart, $3  }
0xd1: {  	[dreg:$0x1] =	wrdreg $0xFFFFFFFF  }
0xd2: {  	_ =	task.clear_ibuf [dreg:s22], $0x2FFFF;
	_ =	strace $0x9FFFFFFF  }
0xd3: {  	(tm) =	ssettm $0x7FFFFFFF  }
tec
execute0_lowered:
.L_overlay_start_1:
0x0: {  	(tag) =	ssettag $0x1  }
0x1: {  	s4 =	rddreg [dreg:$0x0]  }
0x2: {  	s5 =	rddreg [dreg:$0x1]  }
0x3: {  	s6 =	rddreg [dreg:$0x2]  }
0x4: {  	s0 =	rddreg [dreg:$0x3];
	s2 =	simm.s32 $0x0;
	s3 =	srdreg.scid  }
0x5: {  	s1 =	stileid.u32;
	s14 =	simm.s32 $0x2E80;
	s15 =	simm.s32 $0x5680  }
0x6: {  	s16 =	simm.s32 $0x7E80;
	s17 =	simm.s32 $0x2;
	s18 =	simm.s32 $0x3  }
0x7: {  	s19 =	simm.s32 $0x4;
	s20 =	simm.s32 $0x0;
	[smem:$0x7FF] =	sst s2  }
0x8: {  	s7 =	sand.u32 $0x1, s3;
	s29 =	sshll.u32 s1, $0x1;
	s3 =	sadd.s32 $0x1065000, s4  }
0x9: {  	s10 =	smul.u32 $0xC800, s1;
	_ =	strace $0x8000004A;
	s8 =	sor.u32 s7, s29  }
0xa: {  	s11 =	ssub.s32 $0x2, s7;
	s7 =	smul.u32 $0x6400, s7;
	s9 =	sshll.u32 s8, $0x9  }
0xb: {  	s12 =	smul.u32 $0x640, s8;
	s13 =	sshrl.u32 s11, $0x1;
	s8 =	sshll.u32 s8, $0x2  }
0xc: {  	s10 =	sadd.s32 s10, s4;
	s9 =	sadd.s32 s9, s4;
	s11 =	ssub.s32 s11, s13  }
0xd: {  	s4 =	sadd.s32 s5, s8;
	s31 =	sadd.s32 s7, s10;
	s10 =	simm.s32 $0x20  }
0xe: {  	s13 =	simm.s32 $0x50;
	s5 =	sadd.s32 $0x11EBA00, s9;
	s30 =	sshrl.u32 s12, $0x3  }
0xf: {  	s7 =	smax.u32 s11, $0x1;
	s8 =	sadd.s32 $0x11EFA00, s31;
	s9 =	simm.s32 $0x5  }
0x10: {  	s11 =	simm.s32 $0x680;
	s12 =	simm.s32 $0x1;
	s6 =	sadd.s32 s6, s30  }
.LBB2_1:
0x11: {  	[tilespmem:s2], [sflag:$0x5] =	stream.linear.gather [hbm4b:s4+s2], $0x20, $0x38;
	[tilespmem:$0xA680] =	vst v63  }
0x12: {  	_ =	swait.ge [sflag:s9], $0x20  }
0x13: {  	[sflag:s9] =	ssyncset.done $0x0  }
0x14: {  	[sflag:s9] =	ssyncadd.s32 $0xFFFFFFE0  }
0x15: {  	[tilespmem:s11], [sflag:$0x1] =	stream.indirect.gather [hbm4b:s3+s10], $0x80, s2, s10, $0xb8;
	[tilespmem:$0xA680] =	vst v63  }
0x16: {  	_ =	swait.ge [sflag:s12], $0x1000  }
0x17: {  	[sflag:s12] =	ssyncset.done $0x0  }
0x18: {  	[sflag:s12] =	ssyncadd.s32 $0xFFFFF000  }
0x19: {  	[hbm4b:s5+s2] =	stream.linear.scatter [tilespmem:s11], [sflag:$0x5], $0x1000, $0x38;
	[tilespmem:$0xA680] =	vst v63  }
0x1a: {  	_ =	swait.ge [sflag:s9], $0x1000  }
0x1b: {  	[sflag:s9] =	ssyncset.done $0x0  }
0x1c: {  	[sflag:s9] =	ssyncadd.s32 $0xFFFFF000  }
0x1d: {  	[tilespmem:s2], [sflag:$0x5] =	stream.linear.gather [hbm4b:s6+s2], $0x640, $0x38;
	[tilespmem:$0xA680] =	vst v63  }
0x1e: {  	_ =	swait.ge [sflag:s9], $0x640  }
0x1f: {  	[sflag:s9] =	ssyncset.done $0x0  }
0x20: {  	s21 =	simm.s32 $0x0;
	[sflag:s9] =	ssyncadd.s32 $0xFFFFF9C0  }
0x21: {  	[tilespmem:s11], [sflag:$0x1] =	stream.indirect.gather [hbm4b:s3+s13], $0x80, s21, s13, $0xb8;
	[tilespmem:$0xA680] =	vst v63  }
0x22: {  	s26 =	simm.s32 $0x50  }
0x23: {  	[tilespmem:s14], [sflag:$0x2] =	stream.indirect.gather [hbm4b:s3+s13], $0x80, s26, s13, $0xb8;
	[tilespmem:$0xA680] =	vst v63  }
0x24: {  	s28 =	simm.s32 $0xA0  }
0x25: {  	[tilespmem:s15], [sflag:$0x3] =	stream.indirect.gather [hbm4b:s3+s13], $0x80, s28, s13, $0xb8;
	[tilespmem:$0xA680] =	vst v63  }
0x26: {  	s29 =	simm.s32 $0xF0  }
0x27: {  	[tilespmem:s16], [sflag:$0x4] =	stream.indirect.gather [hbm4b:s3+s13], $0x80, s29, s13, $0xb8;
	[tilespmem:$0xA680] =	vst v63  }
0x28: {  	_ =	swait.ge [sflag:s12], $0x2800  }
0x29: {  	[sflag:s12] =	ssyncset.done $0x0  }
0x2a: {  	s30 =	sadd.s32 $0x0, s8;
	[sflag:s12] =	ssyncadd.s32 $0xFFFFD800  }
0x2b: {  	[hbm4b:s30+s2] =	stream.linear.scatter [tilespmem:s11], [sflag:$0x5], $0x2800, $0x38;
	[tilespmem:$0xA680] =	vst v63  }
0x2c: {  	_ =	swait.ge [sflag:s9], $0x2800  }
0x2d: {  	[sflag:s9] =	ssyncset.done $0x0  }
0x2e: {  	[sflag:s9] =	ssyncadd.s32 $0xFFFFD800  }
0x2f: {  	_ =	swait.ge [sflag:s17], $0x2800  }
0x30: {  	[sflag:s17] =	ssyncset.done $0x0  }
0x31: {  	s22 =	sadd.s32 $0x500, s30;
	[sflag:s17] =	ssyncadd.s32 $0xFFFFD800  }
0x32: {  	[hbm4b:s22+s2] =	stream.linear.scatter [tilespmem:s14], [sflag:$0x5], $0x2800, $0x38;
	[tilespmem:$0xA680] =	vst v63  }
0x33: {  	_ =	swait.ge [sflag:s9], $0x2800  }
0x34: {  	[sflag:s9] =	ssyncset.done $0x0  }
0x35: {  	[sflag:s9] =	ssyncadd.s32 $0xFFFFD800  }
0x36: {  	_ =	swait.ge [sflag:s18], $0x2800  }
0x37: {  	[sflag:s18] =	ssyncset.done $0x0  }
0x38: {  	s31 =	sadd.s32 $0xA00, s30;
	[sflag:s18] =	ssyncadd.s32 $0xFFFFD800  }
0x39: {  	[hbm4b:s31+s2] =	stream.linear.scatter [tilespmem:s15], [sflag:$0x5], $0x2800, $0x38;
	[tilespmem:$0xA680] =	vst v63  }
0x3a: {  	_ =	swait.ge [sflag:s9], $0x2800  }
0x3b: {  	[sflag:s9] =	ssyncset.done $0x0  }
0x3c: {  	[sflag:s9] =	ssyncadd.s32 $0xFFFFD800  }
0x3d: {  	_ =	swait.ge [sflag:s19], $0x2800  }
0x3e: {  	[sflag:s19] =	ssyncset.done $0x0  }
0x3f: {  	s21 =	sadd.s32 $0xF00, s30;
	[sflag:s19] =	ssyncadd.s32 $0xFFFFD800  }
0x40: {  	[hbm4b:s21+s2] =	stream.linear.scatter [tilespmem:s16], [sflag:$0x5], $0x2800, $0x38;
	[tilespmem:$0xA680] =	vst v63  }
0x41: {  	s23 =	simm.s32 $0x2800;
	_ =	swait.ge [sflag:s9], $0x2800  }
0x42: {  	s22 =	simm.s32 $0x230;
	s21 =	simm.s32 $0x1400;
	[sflag:s9] =	ssyncset.done $0x0  }
.LBB2_2:
0x43: {  	p0 =	sne.s32 s23, $0x5000;
	s24 =	sadd.s32 $0xFFFFFF10, s22;
	[sflag:s9] =	ssyncadd.s32 $0xFFFFD800  }
0x44: {  	[tilespmem:s11], [sflag:$0x1] =	stream.indirect.gather [hbm4b:s3+s13], $0x80, s24, s13, $0xb8;
	[tilespmem:$0xA680] =	vst v63  }
0x45: {  	s25 =	smov.u32 s23;
	s23 =	sadd.s32 $0x1400, s23;
	s24 =	sadd.s32 $0xFFFFFF60, s22  }
0x46: {  	[tilespmem:s14], [sflag:$0x2] =	stream.indirect.gather [hbm4b:s3+s13], $0x80, s24, s13, $0xb8;
	[tilespmem:$0xA680] =	vst v63  }
0x47: {  	s24 =	sadd.s32 $0xFFFFFFB0, s22  }
0x48: {  	[tilespmem:s15], [sflag:$0x3] =	stream.indirect.gather [hbm4b:s3+s13], $0x80, s24, s13, $0xb8;
	[tilespmem:$0xA680] =	vst v63  }
0x49: {  	_ = 	snop  }
0x4a: {  	[tilespmem:s16], [sflag:$0x4] =	stream.indirect.gather [hbm4b:s3+s13], $0x80, s22, s13, $0xb8;
	[tilespmem:$0xA680] =	vst v63  }
0x4b: {  	_ =	swait.ge [sflag:s12], $0x2800  }
0x4c: {  	[sflag:s12] =	ssyncset.done $0x0  }
0x4d: {  	s24 =	sadd.s32 s21, s8;
	s21 =	smov.u32 s25;
	[sflag:s12] =	ssyncadd.s32 $0xFFFFD800  }
0x4e: {  	[hbm4b:s24+s2] =	stream.linear.scatter [tilespmem:s11], [sflag:$0x5], $0x2800, $0x38;
	[tilespmem:$0xA680] =	vst v63  }
0x4f: {  	_ =	swait.ge [sflag:s9], $0x2800  }
0x50: {  	[sflag:s9] =	ssyncset.done $0x0  }
0x51: {  	[sflag:s9] =	ssyncadd.s32 $0xFFFFD800  }
0x52: {  	_ =	swait.ge [sflag:s17], $0x2800  }
0x53: {  	[sflag:s17] =	ssyncset.done $0x0  }
0x54: {  	s25 =	sadd.s32 $0x500, s24;
	[sflag:s17] =	ssyncadd.s32 $0xFFFFD800  }
0x55: {  	[hbm4b:s25+s2] =	stream.linear.scatter [tilespmem:s14], [sflag:$0x5], $0x2800, $0x38;
	[tilespmem:$0xA680] =	vst v63  }
0x56: {  	_ =	swait.ge [sflag:s9], $0x2800  }
0x57: {  	[sflag:s9] =	ssyncset.done $0x0  }
0x58: {  	[sflag:s9] =	ssyncadd.s32 $0xFFFFD800  }
0x59: {  	_ =	swait.ge [sflag:s18], $0x2800  }
0x5a: {  	[sflag:s18] =	ssyncset.done $0x0  }
0x5b: {  	s25 =	sadd.s32 $0xA00, s24;
	[sflag:s18] =	ssyncadd.s32 $0xFFFFD800  }
0x5c: {  	[hbm4b:s25+s2] =	stream.linear.scatter [tilespmem:s15], [sflag:$0x5], $0x2800, $0x38;
	[tilespmem:$0xA680] =	vst v63  }
0x5d: {  	_ =	swait.ge [sflag:s9], $0x2800  }
0x5e: {  	[sflag:s9] =	ssyncset.done $0x0  }
0x5f: {  	[sflag:s9] =	ssyncadd.s32 $0xFFFFD800  }
0x60: {  	_ =	swait.ge [sflag:s19], $0x2800  }
.Ltmp0:
0x61: {  	[sflag:s19] =	ssyncset.done $0x0;
	(pc) =	sbr.rel @p0 .LBB2_2-.Ltmp0, $4  }
0x62: {  	s24 =	sadd.s32 $0xF00, s24;
	[sflag:s19] =	ssyncadd.s32 $0xFFFFD800  }
0x63: {  	[hbm4b:s24+s2] =	stream.linear.scatter [tilespmem:s16], [sflag:$0x5], $0x2800, $0x38;
	[tilespmem:$0xA680] =	vst v63  }
0x64: {  	_ =	swait.ge [sflag:s9], $0x2800  }
0x65: {  	s22 =	sadd.s32 $0x140, s22;
	[sflag:s9] =	ssyncset.done $0x0  }
0x66: {  	s23 =	sadd.s32 $0xFFFFFF10, s22;
	[sflag:s9] =	ssyncadd.s32 $0xFFFFD800  }
0x67: {  	[tilespmem:s11], [sflag:$0x1] =	stream.indirect.gather [hbm4b:s3+s13], $0x80, s23, s13, $0xb8;
	[tilespmem:$0xA680] =	vst v63  }
0x68: {  	s28 =	sadd.s32 $0xFFFFFF60, s22  }
0x69: {  	[tilespmem:s14], [sflag:$0x2] =	stream.indirect.gather [hbm4b:s3+s13], $0x80, s28, s13, $0xb8;
	[tilespmem:$0xA680] =	vst v63  }
0x6a: {  	s29 =	sadd.s32 $0xFFFFFFB0, s22  }
0x6b: {  	[tilespmem:s15], [sflag:$0x3] =	stream.indirect.gather [hbm4b:s3+s13], $0x80, s29, s13, $0xb8;
	[tilespmem:$0xA680] =	vst v63  }
0x6c: {  	_ = 	snop  }
0x6d: {  	[tilespmem:s16], [sflag:$0x4] =	stream.indirect.gather [hbm4b:s3+s13], $0x80, s22, s13, $0xb8;
	[tilespmem:$0xA680] =	vst v63  }
0x6e: {  	_ =	swait.ge [sflag:s12], $0x2800  }
0x6f: {  	[sflag:s12] =	ssyncset.done $0x0  }
0x70: {  	s21 =	sadd.s32 s21, s8;
	[sflag:s12] =	ssyncadd.s32 $0xFFFFD800  }
0x71: {  	[hbm4b:s21+s2] =	stream.linear.scatter [tilespmem:s11], [sflag:$0x5], $0x2800, $0x38;
	[tilespmem:$0xA680] =	vst v63  }
0x72: {  	_ =	swait.ge [sflag:s9], $0x2800  }
0x73: {  	[sflag:s9] =	ssyncset.done $0x0  }
0x74: {  	[sflag:s9] =	ssyncadd.s32 $0xFFFFD800  }
0x75: {  	_ =	swait.ge [sflag:s17], $0x2800  }
0x76: {  	[sflag:s17] =	ssyncset.done $0x0  }
0x77: {  	s30 =	sadd.s32 $0x500, s21;
	[sflag:s17] =	ssyncadd.s32 $0xFFFFD800  }
0x78: {  	[hbm4b:s30+s2] =	stream.linear.scatter [tilespmem:s14], [sflag:$0x5], $0x2800, $0x38;
	[tilespmem:$0xA680] =	vst v63  }
0x79: {  	_ =	swait.ge [sflag:s9], $0x2800  }
0x7a: {  	[sflag:s9] =	ssyncset.done $0x0  }
0x7b: {  	[sflag:s9] =	ssyncadd.s32 $0xFFFFD800  }
0x7c: {  	_ =	swait.ge [sflag:s18], $0x2800  }
0x7d: {  	[sflag:s18] =	ssyncset.done $0x0  }
0x7e: {  	s31 =	sadd.s32 $0xA00, s21;
	[sflag:s18] =	ssyncadd.s32 $0xFFFFD800  }
0x7f: {  	[hbm4b:s31+s2] =	stream.linear.scatter [tilespmem:s15], [sflag:$0x5], $0x2800, $0x38;
	[tilespmem:$0xA680] =	vst v63  }
0x80: {  	_ =	swait.ge [sflag:s9], $0x2800  }
0x81: {  	[sflag:s9] =	ssyncset.done $0x0  }
0x82: {  	[sflag:s9] =	ssyncadd.s32 $0xFFFFD800  }
0x83: {  	s20 =	sadd.s32 $0x1, s20;
	_ =	swait.ge [sflag:s19], $0x2800  }
0x84: {  	p0 =	sne.s32 s20, s7;
	[sflag:s19] =	ssyncset.done $0x0  }
.Ltmp1:
0x85: {  	s21 =	sadd.s32 $0xF00, s21;
	[sflag:s19] =	ssyncadd.s32 $0xFFFFD800;
	(pc) =	sbr.rel @p0 .LBB2_1-.Ltmp1, $4  }
0x86: {  	[hbm4b:s21+s2] =	stream.linear.scatter [tilespmem:s16], [sflag:$0x5], $0x2800, $0x38;
	[tilespmem:$0xA680] =	vst v63  }
0x87: {  	_ =	swait.ge [sflag:s9], $0x2800  }
0x88: {  	[sflag:s9] =	ssyncset.done $0x0  }
0x89: {  	[sflag:s9] =	ssyncadd.s32 $0xFFFFD800  }
0x8a: {  	_ =	sfence.sel $0x180000  }
0x8b: {  	[bflag:$0x0] =	sbarrier.arrive $0xFFFF  }
0x8c: {  	p0 =	sne.s32 s1, $0x0;
	_ =	strace $0x9000004A  }
0x8d: {  	s0 =	sadd.s32 @!p0 $0x100000, s0;
	[bflag:$0x2] =	sbarrier.arrive $0xFFFF  }
0x8e: {  	[sflag:s0] =	ssyncadd.tile.s32 @!p0 $0x1;
	_ =	shalt  }
.Lfunc_end2:
_tile_overlayer_lowered:
.L_overlay_start_2:
0x8f: {  	(tag) =	ssettag $0x2  }
0x90: {  	s0 =	rddreg [dreg:$0x0];
	s2 =	stileid.u32  }
0x91: {  	s1 =	rddreg [dreg:$0x1];
	p0 =	sne.s32 s2, $0x0  }
0x92: {  	s3 =	rddreg [dreg:$0x2];
	[bflag:$0x3] =	sbarrier.arrive $0xFFFF;
	s2 =	simm.s32 @!p0 $0x1C05  }
0x93: {  	[timem:s3], [sflag:s2] =	dma.local @!p0 [hbm:s0], s1  }
0x94: {  	s0 =	simm.s32 @!p0 $0x5  }
0x95: {  	_ =	swait.ge @!p0 [sflag:s0], s1  }
0x96: {  	s1 =	ssub.s32 @!p0 $0x0, s1;
	[sflag:s0] =	ssyncset.done @!p0 $0x0  }
0x97: {  	[sflag:s0] =	ssyncadd.s32 @!p0 s1  }
0x98: {  	[bflag:$0x3] =	sbarrier.arrive $0xFFFF  }
0x99: {  	_ =	shalt  }

// kernel: kernel.15.cloned.1.call-start
scs
__scs_entry_jumppad:
0x0: {  	(pc) =	sbr.rel $0x88, $3  }
0x1: {  	(tag) =	ssettag $0x0;
	lr =	simm.s32 $0x1  }
0x2: {  	[smem:$0x3F76] =	sst lr;
	_ =	strace $0xD0000000  }
0x3: {  	_ = 	snop  }
0x4: {  	_ = 	snop  }
0x5: {  	_ = 	snop  }
0x6: {  	_ = 	snop  }
0x7: {  	_ = 	snop  }
__scs_overlays_trampoline_lowered:
0x8: {  	[smem:$0x3F85] =	sst s0  }
0x9: {  	[smem:$0x3F86] =	sst s1  }
0xa: {  	[smem:$0x3F87] =	sst s2  }
0xb: {  	[smem:$0x3F88] =	sst s3  }
0xc: {  	[smem:$0x3F89] =	sst s4  }
0xd: {  	[smem:$0x3F8A] =	sst s5  }
0xe: {  	[smem:$0x3F8B] =	sst s6  }
0xf: {  	[smem:$0x3F8C] =	sst s7  }
0x10: {  	[smem:$0x3F8D] =	sst s8  }
0x11: {  	[smem:$0x3F8E] =	sst s9;
	s0 =	simm.s32 @!p0 $0x0  }
0x12: {  	s1 =	sld [smem:$0x3F74];
	s0 =	simm.s32 @p0 $0x1  }
0x13: {  	[smem:$0x3F8F] =	sst s0;
	s0 =	simm.s32 @!p1 $0x0  }
0x14: {  	s2 =	sld [smem:$0x3F73];
	s0 =	simm.s32 @p1 $0x1  }
0x15: {  	[smem:$0x3F90] =	sst s0;
	s0 =	simm.s32 @!p2 $0x0  }
0x16: {  	s3 =	sld [smem:$0x3FDB];
	s0 =	simm.s32 @p2 $0x1  }
0x17: {  	s4 =	simm.s32 $0x1BF5;
	[smem:$0x3F92] =	sst s0  }
0x18: {  	s0 =	sld [smem:$0x3F75];
	_ =	swait.ge [sflag:s4], $0x0  }
0x19: {  	s7 =	sld [smem:$0x3F76]  }
0x1a: {  	s8 =	sadd.s32 $0xFFFFE003, lr  }
0x1b: {  	s9 =	sadd.s32 $0xFFFFFEF7, lr;
	s5 =	simm.s32 $0xFFFFFFFF;
	p2 =	slt.u32 s8, $0xFFFFF086  }
0x1c: {  	p1 =	slt.u32 s9, $0xF7A;
	s5 =	simm.s32 @!p2 $0x0  }
0x1d: {  	s5 =	simm.s32 @p1 $0x1;
	p0 =	seq.s32 s7, s2  }
0x1e: {  	s7 =	smul.u32 @!p0 $0xF7A, s2;
	p2 =	seq.s32 @!p0 s5, $0x0  }
0x1f: {  	s9 =	smul.u32 $0xF7A, s1;
	s8 =	simm.s32 @!p0 $0x1BF5;
	p2 =	por !p2, p0  }
0x20: {  	[sflag:s8] =	ssyncset.s32 @!p0 $0xFFFFF086;
	s6 =	sadd.s32 @!p0 s3, s7;
	s7 =	simm.s32 @!p0 $0x108  }
0x21: {  	s3 =	sadd.s32 s3, s9;
	s6 =	sadd.s32 @!p0 $0x88, s6;
	s7 =	simm.s32 @p2 $0x1082  }
0x22: {  	[simem:s7], [sflag:s8] =	dma.local @!p0 [hbm:s6], $0xF7A  }
0x23: {  	s9 =	sor.u32 $0xD0000000, s2;
	s6 =	simm.s32 $0x108;
	_ =	swait.ge @!p0 [sflag:s8], $0x0  }
0x24: {  	s3 =	sadd.s32 $0x88, s3;
	s6 =	simm.s32 @!p1 $0x1082;
	[sflag:s4] =	ssyncset.s32 $0xFFFFF086  }
0x25: {  	[simem:s6], [sflag:s4] =	dma.local [hbm:s3], $0xF7A  }
0x26: {  	[smem:$0x3F76] =	sst s1;
	(tag) =	ssettag s2;
	_ =	strace s9  }
0x27: {  	s1 =	sld [smem:$0x3F86]  }
0x28: {  	s2 =	sld [smem:$0x3F87]  }
0x29: {  	s4 =	sld [smem:$0x3F89]  }
0x2a: {  	p0 =	seq.s32 s5, $0x0;
	s5 =	sld [smem:$0x3F8A]  }
0x2b: {  	s6 =	sld [smem:$0x3F8B]  }
0x2c: {  	s7 =	sld [smem:$0x3F8C]  }
0x2d: {  	s3 =	simm.s32 $0x108;
	s8 =	sld [smem:$0x3F8D]  }
0x2e: {  	s3 =	simm.s32 @!p0 $0x1082;
	s9 =	sld [smem:$0x3F8E]  }
0x2f: {  	lr =	sadd.s32 s0, s3;
	s0 =	sld [smem:$0x3F85]  }
0x30: {  	s3 =	sld [smem:$0x3F88]  }
0x31: {  	[smem:$0x3F91] =	sst s10  }
0x32: {  	s10 =	sld [smem:$0x3F8F];
	_ =	sdelay $0x3  }
0x33: {  	p0 =	seq.s32 s10, $0x1;
	s10 =	sld [smem:$0x3F91];
	_ =	sdelay $0x3  }
0x34: {  	[smem:$0x3F91] =	sst s10  }
0x35: {  	s10 =	sld [smem:$0x3F90];
	_ =	sdelay $0x3  }
0x36: {  	p1 =	seq.s32 s10, $0x1;
	s10 =	sld [smem:$0x3F91];
	_ =	sdelay $0x3  }
0x37: {  	[smem:$0x3F91] =	sst s10  }
0x38: {  	s10 =	sld [smem:$0x3F92]  }
0x39: {  	_ = 	snop;
	(pc) =	sbr.ind lr, $3  }
0x3a: {  	_ = 	snop  }
0x3b: {  	_ = 	snop  }
0x3c: {  	p2 =	seq.s32 s10, $0x1;
	s10 =	sld [smem:$0x3F91]  }
0x3d: {  	_ =	shalt  }
0x3e: {  	_ =	shalt  }
0x3f: {  	_ =	shalt  }
0x40: {  	_ =	shalt  }
0x41: {  	_ =	shalt  }
0x42: {  	_ =	shalt  }
0x43: {  	_ =	shalt  }
0x44: {  	_ =	shalt  }
0x45: {  	_ =	shalt  }
0x46: {  	_ =	shalt  }
0x47: {  	_ =	shalt  }
0x48: {  	_ =	shalt  }
0x49: {  	_ =	shalt  }
0x4a: {  	_ =	shalt  }
0x4b: {  	_ =	shalt  }
0x4c: {  	_ =	shalt  }
0x4d: {  	_ =	shalt  }
0x4e: {  	_ =	shalt  }
0x4f: {  	_ =	shalt  }
0x50: {  	_ =	shalt  }
0x51: {  	_ =	shalt  }
0x52: {  	_ =	shalt  }
0x53: {  	_ =	shalt  }
0x54: {  	_ =	shalt  }
0x55: {  	_ =	shalt  }
0x56: {  	_ =	shalt  }
0x57: {  	_ =	shalt  }
0x58: {  	_ =	shalt  }
0x59: {  	_ =	shalt  }
0x5a: {  	_ =	shalt  }
0x5b: {  	_ =	shalt  }
0x5c: {  	_ =	shalt  }
0x5d: {  	_ =	shalt  }
0x5e: {  	_ =	shalt  }
0x5f: {  	_ =	shalt  }
0x60: {  	_ =	shalt  }
0x61: {  	_ =	shalt  }
0x62: {  	_ =	shalt  }
0x63: {  	_ =	shalt  }
0x64: {  	_ =	shalt  }
0x65: {  	_ =	shalt  }
0x66: {  	_ =	shalt  }
0x67: {  	_ =	shalt  }
0x68: {  	_ =	shalt  }
0x69: {  	_ =	shalt  }
0x6a: {  	_ =	shalt  }
0x6b: {  	_ =	shalt  }
0x6c: {  	_ =	shalt  }
0x6d: {  	_ =	shalt  }
0x6e: {  	_ =	shalt  }
0x6f: {  	_ =	shalt  }
0x70: {  	_ =	shalt  }
0x71: {  	_ =	shalt  }
0x72: {  	_ =	shalt  }
0x73: {  	_ =	shalt  }
0x74: {  	_ =	shalt  }
0x75: {  	_ =	shalt  }
0x76: {  	_ =	shalt  }
0x77: {  	_ =	shalt  }
0x78: {  	_ =	shalt  }
0x79: {  	_ =	shalt  }
0x7a: {  	_ =	shalt  }
0x7b: {  	_ =	shalt  }
0x7c: {  	_ =	shalt  }
0x7d: {  	_ =	shalt  }
0x7e: {  	_ =	shalt  }
0x7f: {  	_ =	shalt  }
0x80: {  	_ =	shalt  }
0x81: {  	_ =	shalt  }
0x82: {  	_ =	shalt  }
0x83: {  	_ =	shalt  }
0x84: {  	_ =	shalt  }
0x85: {  	_ =	shalt  }
0x86: {  	_ =	shalt  }
0x87: {  	_ =	shalt  }
.Lfunc_end0:
.L_simem_size_0:
called_computation.1_lowered:
.L_overlay_start_0:
0x88: {  	s2 =	sld [smem:$0x3FD9]  }
0x89: {  	s3 =	sld [smem:$0x3FFE];
	_ =	sdelay $0x1  }
0x8a: {  	s1 =	srdreg.scid  }
0x8b: {  	s0 =	sand.u32 $0x1, s1  }
0x8c: {  	s17 =	sshll.u32 s0, $0xA;
	s2 =	sadd.s32 s3, s2  }
0x8d: {  	s2 =	sadd.s32 s2, s17  }
0x8e: {  	[smem:$0x3F9D] =	sst s2  }
0x8f: {  	_ = 	snop  }
0x90: {  	s2 =	sld [smem:$0x3FC9]  }
0x91: {  	s18 =	sld [smem:$0x3FC5]  }
0x92: {  	s4 =	sld [smem:$0x3FC3];
	(tm) =	ssettm $0x1  }
0x93: {  	s5 =	sld [smem:$0x3FFB];
	_ =	sdelay $0x3  }
0x94: {  	_ =	strace s5  }
0x95: {  	s5 =	sld [smem:$0x3FFC];
	_ =	sdelay $0x3  }
0x96: {  	_ =	strace s5  }
0x97: {  	s5 =	sld [smem:$0x3FFD];
	_ =	sdelay $0x3  }
0x98: {  	_ =	strace s5  }
0x99: {  	_ =	strace $0x8FFFFFFF  }
0x9a: {  	s19 =	sld [smem:$0x3FDB];
	_ =	sdelay $0x1  }
0x9b: {  	s6 =	simm.s32 $_scs_section_size  }
0x9c: {  	s7 =	simm.s32 $_size__tile_overlayer_lowered;
	s8 =	simm.s32 $_tile_overlayer_lowered  }
0x9d: {  	s22 =	simm.s32 $0x1BFF;
	s21 =	sshll.u32 s8, $0x1;
	s5 =	sadd.s32 s6, s19  }
0x9e: {  	s9 =	simm.s32 $0x0;
	s20 =	sshll.u32 s7, $0x1;
	s7 =	sadd.s32 s21, s5  }
0x9f: {  	[timem:s9], [sflag:s22] =	dma.local [hbm:s7], s20  }
0xa0: {  	_ =	swait.ge [sflag:s22], s20  }
0xa1: {  	s6 =	ssub.s32 $0x0, s20;
	[sflag:s22] =	ssyncset.done $0x0  }
0xa2: {  	[sflag:s22] =	ssyncadd.s32 s6;
	_ =	sdelay $0x1  }
0xa3: {  	s23 =	simm.s32 $0x1B8B  }
0xa4: {  	_ =	swait.ge [sflag:s23], $0x1  }
0xa5: {  	[sflag:s23] =	ssyncset.done $0x0  }
0xa6: {  	s25 =	simm.s32 $0x1B8E;
	s24 =	sld [smem:$0x3FFE];
	[sflag:s23] =	ssyncadd.s32 $0xFFFFFFFF  }
0xa7: {  	s26 =	simm.s32 $execute0_lowered;
	[smem:$0x3FD2] =	sst s25  }
0xa8: {  	s7 =	sshll.u32 s26, $0x1;
	_ =	strace $0x80000046;
	[dreg:$0x1] =	wrdreg $0xFFFFFFFF  }
0xa9: {  	s28 =	simm.s32 $_size_execute0_lowered;
	s5 =	sadd.s32 s5, s7;
	[dreg:$0x0] =	wrdreg $0x0  }
0xaa: {  	s7 =	sshll.u32 s28, $0x1;
	[dreg:$0x2] =	wrdreg s5  }
0xab: {  	[dreg:$0x3] =	wrdreg s7  }
0xac: {  	[dreg:$0x4] =	wrdreg $0xC0  }
0xad: {  	_ =	task [dreg:s9], $0x5FFFF  }
0xae: {  	[dreg:$0x1] =	wrdreg $0xFFFFFFFF  }
0xaf: {  	[dreg:$0x0] =	wrdreg $0x60  }
0xb0: {  	[dreg:$0x2] =	wrdreg s24  }
0xb1: {  	[dreg:$0x3] =	wrdreg s2  }
0xb2: {  	[dreg:$0x4] =	wrdreg s18  }
0xb3: {  	[dreg:$0x5] =	wrdreg s4  }
0xb4: {  	[dreg:$0x6] =	wrdreg $0xA  }
0xb5: {  	_ =	task.clear_ibuf [dreg:s9], $0x7FFFF;
	_ =	strace $0x90000046  }
0xb6: {  	s29 =	simm.s32 $0xA;
	_ =	strace $0x80000048  }
0xb7: {  	_ =	swait.ge [sflag:s29], $0x1  }
0xb8: {  	[sflag:s29] =	ssyncadd.s32 $0xFFFFFFFF  }
0xb9: {  	_ =	strace $0x90000048  }
0xba: {  	_ =	sfence  }
0xbb: {  	s30 =	sld [smem:$0x0];
	_ =	sdelay $0x2  }
0xbc: {  	s31 =	sshll.u32 s1, $0xD;
	s1 =	sshrl.u32 s1, $0x2  }
0xbd: {  	s3 =	sand.u32 $0x4000, s31;
	s1 =	sadd.s32 s1, s30  }
0xbe: {  	s0 =	sor.u32 s3, s0;
	s1 =	sshll.u32 s1, $0x11  }
0xbf: {  	s0 =	sor.u32 s1, s0  }
0xc0: {  	s0 =	sadd.s32 $0x8F2B, s0  }
0xc1: {  	[sflag:s0] =	ssyncadd.remote.s32 $0x1  }
0xc2: {  	_ =	sfence.sel $0xFFFF  }
0xc3: {  	[dreg:$0x0] =	wrdreg $0xFFFFFFFF;
	(pc) =	sbr.abs _section_cstart, $3  }
0xc4: {  	[dreg:$0x1] =	wrdreg $0xFFFFFFFF  }
0xc5: {  	_ =	task.clear_ibuf [dreg:s9], $0x2FFFF;
	_ =	strace $0x9FFFFFFF  }
0xc6: {  	(tm) =	ssettm $0x7FFFFFFF  }
0xc7: {  	_ =	shalt  }
tec
execute0_lowered:
.L_overlay_start_1:
0x0: {  	(tag) =	ssettag $0x1  }
0x1: {  	s0 =	rddreg [dreg:$0x0]  }
0x2: {  	s1 =	rddreg [dreg:$0x1]  }
0x3: {  	s6 =	rddreg [dreg:$0x2]  }
0x4: {  	s7 =	rddreg [dreg:$0x3]  }
0x5: {  	s3 =	srdreg.scid;
	s9 =	stileid.u32  }
0x6: {  	s2 =	simm.s32 $0x0;
	s18 =	simm.s32 $0x5;
	s20 =	simm.s32 $0x680  }
0x7: {  	s21 =	simm.s32 $0x1;
	s22 =	simm.s32 $0x50;
	s23 =	simm.s32 $0x2E80  }
0x8: {  	s28 =	simm.s32 $0x2;
	s29 =	simm.s32 $0x3;
	s30 =	simm.s32 $0x4  }
0x9: {  	s12 =	sand.u32 $0x1, s3;
	s24 =	sshll.u32 s9, $0x1;
	[smem:$0x7FF] =	sst s2  }
0xa: {  	s3 =	sadd.s32 $0x6A00, s0;
	s9 =	smul.u32 $0xC800, s9;
	s4 =	sor.u32 s12, s24  }
0xb: {  	_ =	strace $0x80000047;
	s25 =	ssub.s32 $0x2, s12;
	s31 =	smul.u32 $0x6400, s12  }
0xc: {  	s24 =	simm.s32 $0x0;
	s5 =	sshll.u32 s4, $0x9;
	s8 =	smul.u32 $0x2800, s4  }
0xd: {  	s10 =	smul.u32 $0x50, s4;
	s11 =	sshrl.u32 s25, $0x1;
	s13 =	sshll.u32 s4, $0x2  }
0xe: {  	s14 =	smul.u32 $0x640, s4;
	s5 =	sadd.s32 s5, s0;
	s15 =	ssub.s32 s25, s11  }
0xf: {  	s1 =	sadd.s32 s1, s13;
	s25 =	simm.s32 $0x5680;
	s16 =	sadd.s32 s8, s0  }
0x10: {  	s0 =	sadd.s32 s9, s0;
	[dreg:$0x5] =	wrdreg s1;
	s5 =	sadd.s32 $0xF49000, s5  }
0x11: {  	s6 =	sadd.s32 s6, s10;
	s26 =	sshrl.u32 s14, $0x3;
	s8 =	sadd.s32 $0xF4D500, s16  }
0x12: {  	s12 =	smax.u32 s15, $0x1;
	s9 =	sadd.s32 $0xF4DA00, s16;
	s10 =	sadd.s32 $0xF4D000, s16  }
0x13: {  	s7 =	sadd.s32 s7, s26;
	s11 =	sadd.s32 $0xF4DF00, s16;
	s13 =	sadd.s32 $0xF4E400, s16  }
0x14: {  	s14 =	sadd.s32 $0xF4E900, s16;
	s15 =	sadd.s32 $0xF4EE00, s16;
	s0 =	sadd.s32 s31, s0  }
0x15: {  	s16 =	sadd.s32 $0xF4F300, s16;
	s26 =	simm.s32 $0x7E80;
	s17 =	sadd.s32 $0xF9D000, s0  }
.LBB2_1:
0x16: {  	s0 =	rddreg [dreg:$0x5]  }
0x17: {  	[tilespmem:s2], [sflag:$0x5] =	stream.linear.gather [hbm4b:s0+s2], $0x20, $0x38;
	[tilespmem:$0xA680] =	vst v63  }
0x18: {  	_ =	swait.ge [sflag:s18], $0x20  }
0x19: {  	[sflag:s18] =	ssyncset.done $0x0  }
0x1a: {  	s19 =	simm.s32 $0x20;
	[sflag:s18] =	ssyncadd.s32 $0xFFFFFFE0  }
0x1b: {  	[tilespmem:s20], [sflag:$0x1] =	stream.indirect.gather [hbm4b:s3+s19], $0x80, s2, s19, $0xb8;
	[tilespmem:$0xA680] =	vst v63  }
0x1c: {  	_ =	swait.ge [sflag:s21], $0x1000  }
0x1d: {  	[sflag:s21] =	ssyncset.done $0x0  }
0x1e: {  	[sflag:s21] =	ssyncadd.s32 $0xFFFFF000  }
0x1f: {  	[hbm4b:s5+s2] =	stream.linear.scatter [tilespmem:s20], [sflag:$0x5], $0x1000, $0x38;
	[tilespmem:$0xA680] =	vst v63  }
0x20: {  	_ =	swait.ge [sflag:s18], $0x1000  }
0x21: {  	[sflag:s18] =	ssyncset.done $0x0  }
0x22: {  	[sflag:s18] =	ssyncadd.s32 $0xFFFFF000  }
0x23: {  	[tilespmem:s2], [sflag:$0x5] =	stream.linear.gather [hbm4b:s6+s2], $0x280, $0x38;
	[tilespmem:$0xA680] =	vst v63  }
0x24: {  	_ =	swait.ge [sflag:s18], $0x280  }
0x25: {  	[sflag:s18] =	ssyncset.done $0x0  }
0x26: {  	[sflag:s18] =	ssyncadd.s32 $0xFFFFFD80  }
0x27: {  	[tilespmem:s20], [sflag:$0x1] =	stream.indirect.gather [hbm4b:s3+s22], $0x80, s2, s22, $0xb8;
	[tilespmem:$0xA680] =	vst v63  }
0x28: {  	_ = 	snop  }
0x29: {  	[tilespmem:s23], [sflag:$0x2] =	stream.indirect.gather [hbm4b:s3+s22], $0x80, s22, s22, $0xb8;
	[tilespmem:$0xA680] =	vst v63  }
0x2a: {  	s1 =	simm.s32 $0xA0  }
0x2b: {  	[tilespmem:s25], [sflag:$0x3] =	stream.indirect.gather [hbm4b:s3+s22], $0x80, s1, s22, $0xb8;
	[tilespmem:$0xA680] =	vst v63  }
0x2c: {  	s0 =	simm.s32 $0xF0  }
0x2d: {  	[tilespmem:s26], [sflag:$0x4] =	stream.indirect.gather [hbm4b:s3+s22], $0x80, s0, s22, $0xb8;
	[tilespmem:$0xA680] =	vst v63  }
0x2e: {  	_ =	swait.ge [sflag:s21], $0x2800  }
0x2f: {  	[sflag:s21] =	ssyncset.done $0x0  }
0x30: {  	[sflag:s21] =	ssyncadd.s32 $0xFFFFD800  }
0x31: {  	[hbm4b:s10+s2] =	stream.linear.scatter [tilespmem:s20], [sflag:$0x5], $0x2800, $0x38;
	[tilespmem:$0xA680] =	vst v63  }
0x32: {  	_ =	swait.ge [sflag:s18], $0x2800  }
0x33: {  	[sflag:s18] =	ssyncset.done $0x0  }
0x34: {  	[sflag:s18] =	ssyncadd.s32 $0xFFFFD800  }
0x35: {  	_ =	swait.ge [sflag:s28], $0x2800  }
0x36: {  	[sflag:s28] =	ssyncset.done $0x0  }
0x37: {  	[sflag:s28] =	ssyncadd.s32 $0xFFFFD800  }
0x38: {  	[hbm4b:s8+s2] =	stream.linear.scatter [tilespmem:s23], [sflag:$0x5], $0x2800, $0x38;
	[tilespmem:$0xA680] =	vst v63  }
0x39: {  	_ =	swait.ge [sflag:s18], $0x2800  }
0x3a: {  	[sflag:s18] =	ssyncset.done $0x0  }
0x3b: {  	[sflag:s18] =	ssyncadd.s32 $0xFFFFD800  }
0x3c: {  	_ =	swait.ge [sflag:s29], $0x2800  }
0x3d: {  	[sflag:s29] =	ssyncset.done $0x0  }
0x3e: {  	[sflag:s29] =	ssyncadd.s32 $0xFFFFD800  }
0x3f: {  	[hbm4b:s9+s2] =	stream.linear.scatter [tilespmem:s25], [sflag:$0x5], $0x2800, $0x38;
	[tilespmem:$0xA680] =	vst v63  }
0x40: {  	_ =	swait.ge [sflag:s18], $0x2800  }
0x41: {  	[sflag:s18] =	ssyncset.done $0x0  }
0x42: {  	[sflag:s18] =	ssyncadd.s32 $0xFFFFD800  }
0x43: {  	_ =	swait.ge [sflag:s30], $0x2800  }
0x44: {  	[sflag:s30] =	ssyncset.done $0x0  }
0x45: {  	[sflag:s30] =	ssyncadd.s32 $0xFFFFD800  }
0x46: {  	[hbm4b:s11+s2] =	stream.linear.scatter [tilespmem:s26], [sflag:$0x5], $0x2800, $0x38;
	[tilespmem:$0xA680] =	vst v63  }
0x47: {  	_ =	swait.ge [sflag:s18], $0x2800  }
0x48: {  	[sflag:s18] =	ssyncset.done $0x0  }
0x49: {  	s1 =	simm.s32 $0x140;
	[sflag:s18] =	ssyncadd.s32 $0xFFFFD800  }
0x4a: {  	[tilespmem:s20], [sflag:$0x1] =	stream.indirect.gather [hbm4b:s3+s22], $0x80, s1, s22, $0xb8;
	[tilespmem:$0xA680] =	vst v63  }
0x4b: {  	s4 =	simm.s32 $0x190  }
0x4c: {  	[tilespmem:s23], [sflag:$0x2] =	stream.indirect.gather [hbm4b:s3+s22], $0x80, s4, s22, $0xb8;
	[tilespmem:$0xA680] =	vst v63  }
0x4d: {  	s19 =	simm.s32 $0x1E0  }
0x4e: {  	[tilespmem:s25], [sflag:$0x3] =	stream.indirect.gather [hbm4b:s3+s22], $0x80, s19, s22, $0xb8;
	[tilespmem:$0xA680] =	vst v63  }
0x4f: {  	s4 =	simm.s32 $0x230  }
0x50: {  	[tilespmem:s26], [sflag:$0x4] =	stream.indirect.gather [hbm4b:s3+s22], $0x80, s4, s22, $0xb8;
	[tilespmem:$0xA680] =	vst v63  }
0x51: {  	_ =	swait.ge [sflag:s21], $0x2800  }
0x52: {  	[sflag:s21] =	ssyncset.done $0x0  }
0x53: {  	[sflag:s21] =	ssyncadd.s32 $0xFFFFD800  }
0x54: {  	[hbm4b:s13+s2] =	stream.linear.scatter [tilespmem:s20], [sflag:$0x5], $0x2800, $0x38;
	[tilespmem:$0xA680] =	vst v63  }
0x55: {  	_ =	swait.ge [sflag:s18], $0x2800  }
0x56: {  	[sflag:s18] =	ssyncset.done $0x0  }
0x57: {  	[sflag:s18] =	ssyncadd.s32 $0xFFFFD800  }
0x58: {  	_ =	swait.ge [sflag:s28], $0x2800  }
0x59: {  	[sflag:s28] =	ssyncset.done $0x0  }
0x5a: {  	[sflag:s28] =	ssyncadd.s32 $0xFFFFD800  }
0x5b: {  	[hbm4b:s14+s2] =	stream.linear.scatter [tilespmem:s23], [sflag:$0x5], $0x2800, $0x38;
	[tilespmem:$0xA680] =	vst v63  }
0x5c: {  	_ =	swait.ge [sflag:s18], $0x2800  }
0x5d: {  	[sflag:s18] =	ssyncset.done $0x0  }
0x5e: {  	[sflag:s18] =	ssyncadd.s32 $0xFFFFD800  }
0x5f: {  	_ =	swait.ge [sflag:s29], $0x2800  }
0x60: {  	[sflag:s29] =	ssyncset.done $0x0  }
0x61: {  	[sflag:s29] =	ssyncadd.s32 $0xFFFFD800  }
0x62: {  	[hbm4b:s15+s2] =	stream.linear.scatter [tilespmem:s25], [sflag:$0x5], $0x2800, $0x38;
	[tilespmem:$0xA680] =	vst v63  }
0x63: {  	_ =	swait.ge [sflag:s18], $0x2800  }
0x64: {  	[sflag:s18] =	ssyncset.done $0x0  }
0x65: {  	[sflag:s18] =	ssyncadd.s32 $0xFFFFD800  }
0x66: {  	_ =	swait.ge [sflag:s30], $0x2800  }
0x67: {  	[sflag:s30] =	ssyncset.done $0x0  }
0x68: {  	[sflag:s30] =	ssyncadd.s32 $0xFFFFD800  }
0x69: {  	[hbm4b:s16+s2] =	stream.linear.scatter [tilespmem:s26], [sflag:$0x5], $0x2800, $0x38;
	[tilespmem:$0xA680] =	vst v63  }
0x6a: {  	_ =	swait.ge [sflag:s18], $0x2800  }
0x6b: {  	[sflag:s18] =	ssyncset.done $0x0  }
0x6c: {  	[sflag:s18] =	ssyncadd.s32 $0xFFFFD800  }
0x6d: {  	[tilespmem:s2], [sflag:$0x5] =	stream.linear.gather [hbm4b:s7+s2], $0x640, $0x38;
	[tilespmem:$0xA680] =	vst v63  }
0x6e: {  	_ =	swait.ge [sflag:s18], $0x640  }
0x6f: {  	[sflag:s18] =	ssyncset.done $0x0  }
0x70: {  	s19 =	simm.s32 $0x0;
	[sflag:s18] =	ssyncadd.s32 $0xFFFFF9C0  }
0x71: {  	[tilespmem:s20], [sflag:$0x1] =	stream.indirect.gather [hbm4b:s3+s22], $0x80, s19, s22, $0xb8;
	[tilespmem:$0xA680] =	vst v63  }
0x72: {  	s4 =	simm.s32 $0x50  }
0x73: {  	[tilespmem:s23], [sflag:$0x2] =	stream.indirect.gather [hbm4b:s3+s22], $0x80, s4, s22, $0xb8;
	[tilespmem:$0xA680] =	vst v63  }
0x74: {  	s19 =	simm.s32 $0xA0  }
0x75: {  	[tilespmem:s25], [sflag:$0x3] =	stream.indirect.gather [hbm4b:s3+s22], $0x80, s19, s22, $0xb8;
	[tilespmem:$0xA680] =	vst v63  }
0x76: {  	_ = 	snop  }
0x77: {  	[tilespmem:s26], [sflag:$0x4] =	stream.indirect.gather [hbm4b:s3+s22], $0x80, s0, s22, $0xb8;
	[tilespmem:$0xA680] =	vst v63  }
0x78: {  	_ =	swait.ge [sflag:s21], $0x2800  }
0x79: {  	[sflag:s21] =	ssyncset.done $0x0  }
0x7a: {  	s0 =	sadd.s32 $0x0, s17;
	[sflag:s21] =	ssyncadd.s32 $0xFFFFD800  }
0x7b: {  	[hbm4b:s0+s2] =	stream.linear.scatter [tilespmem:s20], [sflag:$0x5], $0x2800, $0x38;
	[tilespmem:$0xA680] =	vst v63  }
0x7c: {  	_ =	swait.ge [sflag:s18], $0x2800  }
0x7d: {  	[sflag:s18] =	ssyncset.done $0x0  }
0x7e: {  	[sflag:s18] =	ssyncadd.s32 $0xFFFFD800  }
0x7f: {  	_ =	swait.ge [sflag:s28], $0x2800  }
0x80: {  	[sflag:s28] =	ssyncset.done $0x0  }
0x81: {  	s4 =	sadd.s32 $0x500, s0;
	[sflag:s28] =	ssyncadd.s32 $0xFFFFD800  }
0x82: {  	[hbm4b:s4+s2] =	stream.linear.scatter [tilespmem:s23], [sflag:$0x5], $0x2800, $0x38;
	[tilespmem:$0xA680] =	vst v63  }
0x83: {  	_ =	swait.ge [sflag:s18], $0x2800  }
0x84: {  	[sflag:s18] =	ssyncset.done $0x0  }
0x85: {  	[sflag:s18] =	ssyncadd.s32 $0xFFFFD800  }
0x86: {  	_ =	swait.ge [sflag:s29], $0x2800  }
0x87: {  	[sflag:s29] =	ssyncset.done $0x0  }
0x88: {  	s19 =	sadd.s32 $0xA00, s0;
	[sflag:s29] =	ssyncadd.s32 $0xFFFFD800  }
0x89: {  	[hbm4b:s19+s2] =	stream.linear.scatter [tilespmem:s25], [sflag:$0x5], $0x2800, $0x38;
	[tilespmem:$0xA680] =	vst v63  }
0x8a: {  	_ =	swait.ge [sflag:s18], $0x2800  }
0x8b: {  	[sflag:s18] =	ssyncset.done $0x0  }
0x8c: {  	[sflag:s18] =	ssyncadd.s32 $0xFFFFD800  }
0x8d: {  	_ =	swait.ge [sflag:s30], $0x2800  }
0x8e: {  	[sflag:s30] =	ssyncset.done $0x0  }
0x8f: {  	s0 =	sadd.s32 $0xF00, s0;
	[sflag:s30] =	ssyncadd.s32 $0xFFFFD800  }
0x90: {  	[hbm4b:s0+s2] =	stream.linear.scatter [tilespmem:s26], [sflag:$0x5], $0x2800, $0x38;
	[tilespmem:$0xA680] =	vst v63  }
0x91: {  	s31 =	simm.s32 $0x1400;
	_ =	swait.ge [sflag:s18], $0x2800  }
0x92: {  	s1 =	simm.s32 $0x2800;
	s0 =	simm.s32 $0x230;
	[sflag:s18] =	ssyncset.done $0x0  }
.LBB2_2:
0x93: {  	p0 =	sne.s32 s1, $0x5000;
	s19 =	sadd.s32 $0xFFFFFF10, s0;
	[sflag:s18] =	ssyncadd.s32 $0xFFFFD800  }
0x94: {  	[tilespmem:s20], [sflag:$0x1] =	stream.indirect.gather [hbm4b:s3+s22], $0x80, s19, s22, $0xb8;
	[tilespmem:$0xA680] =	vst v63  }
0x95: {  	s4 =	smov.u32 s1;
	s1 =	sadd.s32 $0x1400, s1;
	s19 =	sadd.s32 $0xFFFFFF60, s0  }
0x96: {  	[tilespmem:s23], [sflag:$0x2] =	stream.indirect.gather [hbm4b:s3+s22], $0x80, s19, s22, $0xb8;
	[tilespmem:$0xA680] =	vst v63  }
0x97: {  	s19 =	sadd.s32 $0xFFFFFFB0, s0  }
0x98: {  	[tilespmem:s25], [sflag:$0x3] =	stream.indirect.gather [hbm4b:s3+s22], $0x80, s19, s22, $0xb8;
	[tilespmem:$0xA680] =	vst v63  }
0x99: {  	_ = 	snop  }
0x9a: {  	[tilespmem:s26], [sflag:$0x4] =	stream.indirect.gather [hbm4b:s3+s22], $0x80, s0, s22, $0xb8;
	[tilespmem:$0xA680] =	vst v63  }
0x9b: {  	_ =	swait.ge [sflag:s21], $0x2800  }
0x9c: {  	[sflag:s21] =	ssyncset.done $0x0  }
0x9d: {  	s19 =	sadd.s32 s31, s17;
	s31 =	smov.u32 s4;
	[sflag:s21] =	ssyncadd.s32 $0xFFFFD800  }
0x9e: {  	[hbm4b:s19+s2] =	stream.linear.scatter [tilespmem:s20], [sflag:$0x5], $0x2800, $0x38;
	[tilespmem:$0xA680] =	vst v63  }
0x9f: {  	_ =	swait.ge [sflag:s18], $0x2800  }
0xa0: {  	[sflag:s18] =	ssyncset.done $0x0  }
0xa1: {  	[sflag:s18] =	ssyncadd.s32 $0xFFFFD800  }
0xa2: {  	_ =	swait.ge [sflag:s28], $0x2800  }
0xa3: {  	[sflag:s28] =	ssyncset.done $0x0  }
0xa4: {  	s4 =	sadd.s32 $0x500, s19;
	[sflag:s28] =	ssyncadd.s32 $0xFFFFD800  }
0xa5: {  	[hbm4b:s4+s2] =	stream.linear.scatter [tilespmem:s23], [sflag:$0x5], $0x2800, $0x38;
	[tilespmem:$0xA680] =	vst v63  }
0xa6: {  	_ =	swait.ge [sflag:s18], $0x2800  }
0xa7: {  	[sflag:s18] =	ssyncset.done $0x0  }
0xa8: {  	[sflag:s18] =	ssyncadd.s32 $0xFFFFD800  }
0xa9: {  	_ =	swait.ge [sflag:s29], $0x2800  }
0xaa: {  	[sflag:s29] =	ssyncset.done $0x0  }
0xab: {  	s4 =	sadd.s32 $0xA00, s19;
	[sflag:s29] =	ssyncadd.s32 $0xFFFFD800  }
0xac: {  	[hbm4b:s4+s2] =	stream.linear.scatter [tilespmem:s25], [sflag:$0x5], $0x2800, $0x38;
	[tilespmem:$0xA680] =	vst v63  }
0xad: {  	_ =	swait.ge [sflag:s18], $0x2800  }
0xae: {  	[sflag:s18] =	ssyncset.done $0x0  }
0xaf: {  	[sflag:s18] =	ssyncadd.s32 $0xFFFFD800  }
0xb0: {  	_ =	swait.ge [sflag:s30], $0x2800  }
.Ltmp0:
0xb1: {  	[sflag:s30] =	ssyncset.done $0x0;
	(pc) =	sbr.rel @p0 .LBB2_2-.Ltmp0, $4  }
0xb2: {  	s4 =	sadd.s32 $0xF00, s19;
	[sflag:s30] =	ssyncadd.s32 $0xFFFFD800  }
0xb3: {  	[hbm4b:s4+s2] =	stream.linear.scatter [tilespmem:s26], [sflag:$0x5], $0x2800, $0x38;
	[tilespmem:$0xA680] =	vst v63  }
0xb4: {  	_ =	swait.ge [sflag:s18], $0x2800  }
0xb5: {  	s0 =	sadd.s32 $0x140, s0;
	[sflag:s18] =	ssyncset.done $0x0  }
0xb6: {  	s1 =	sadd.s32 $0xFFFFFF10, s0;
	[sflag:s18] =	ssyncadd.s32 $0xFFFFD800  }
0xb7: {  	[tilespmem:s20], [sflag:$0x1] =	stream.indirect.gather [hbm4b:s3+s22], $0x80, s1, s22, $0xb8;
	[tilespmem:$0xA680] =	vst v63  }
0xb8: {  	s4 =	sadd.s32 $0xFFFFFF60, s0  }
0xb9: {  	[tilespmem:s23], [sflag:$0x2] =	stream.indirect.gather [hbm4b:s3+s22], $0x80, s4, s22, $0xb8;
	[tilespmem:$0xA680] =	vst v63  }
0xba: {  	s19 =	sadd.s32 $0xFFFFFFB0, s0  }
0xbb: {  	[tilespmem:s25], [sflag:$0x3] =	stream.indirect.gather [hbm4b:s3+s22], $0x80, s19, s22, $0xb8;
	[tilespmem:$0xA680] =	vst v63  }
0xbc: {  	_ = 	snop  }
0xbd: {  	[tilespmem:s26], [sflag:$0x4] =	stream.indirect.gather [hbm4b:s3+s22], $0x80, s0, s22, $0xb8;
	[tilespmem:$0xA680] =	vst v63  }
0xbe: {  	_ =	swait.ge [sflag:s21], $0x2800  }
0xbf: {  	[sflag:s21] =	ssyncset.done $0x0  }
0xc0: {  	s4 =	sadd.s32 s31, s17;
	[sflag:s21] =	ssyncadd.s32 $0xFFFFD800  }
0xc1: {  	[hbm4b:s4+s2] =	stream.linear.scatter [tilespmem:s20], [sflag:$0x5], $0x2800, $0x38;
	[tilespmem:$0xA680] =	vst v63  }
0xc2: {  	_ =	swait.ge [sflag:s18], $0x2800  }
0xc3: {  	[sflag:s18] =	ssyncset.done $0x0  }
0xc4: {  	[sflag:s18] =	ssyncadd.s32 $0xFFFFD800  }
0xc5: {  	_ =	swait.ge [sflag:s28], $0x2800  }
0xc6: {  	[sflag:s28] =	ssyncset.done $0x0  }
0xc7: {  	s19 =	sadd.s32 $0x500, s4;
	[sflag:s28] =	ssyncadd.s32 $0xFFFFD800  }
0xc8: {  	[hbm4b:s19+s2] =	stream.linear.scatter [tilespmem:s23], [sflag:$0x5], $0x2800, $0x38;
	[tilespmem:$0xA680] =	vst v63  }
0xc9: {  	_ =	swait.ge [sflag:s18], $0x2800  }
0xca: {  	[sflag:s18] =	ssyncset.done $0x0  }
0xcb: {  	[sflag:s18] =	ssyncadd.s32 $0xFFFFD800  }
0xcc: {  	_ =	swait.ge [sflag:s29], $0x2800  }
0xcd: {  	[sflag:s29] =	ssyncset.done $0x0  }
0xce: {  	s31 =	sadd.s32 $0xA00, s4;
	[sflag:s29] =	ssyncadd.s32 $0xFFFFD800  }
0xcf: {  	[hbm4b:s31+s2] =	stream.linear.scatter [tilespmem:s25], [sflag:$0x5], $0x2800, $0x38;
	[tilespmem:$0xA680] =	vst v63  }
0xd0: {  	_ =	swait.ge [sflag:s18], $0x2800  }
0xd1: {  	[sflag:s18] =	ssyncset.done $0x0  }
0xd2: {  	[sflag:s18] =	ssyncadd.s32 $0xFFFFD800  }
0xd3: {  	s24 =	sadd.s32 $0x1, s24;
	_ =	swait.ge [sflag:s30], $0x2800  }
0xd4: {  	p0 =	sne.s32 s24, s12;
	[sflag:s30] =	ssyncset.done $0x0  }
.Ltmp1:
0xd5: {  	s0 =	sadd.s32 $0xF00, s4;
	[sflag:s30] =	ssyncadd.s32 $0xFFFFD800;
	(pc) =	sbr.rel @p0 .LBB2_1-.Ltmp1, $4  }
0xd6: {  	[hbm4b:s0+s2] =	stream.linear.scatter [tilespmem:s26], [sflag:$0x5], $0x2800, $0x38;
	[tilespmem:$0xA680] =	vst v63  }
0xd7: {  	_ =	swait.ge [sflag:s18], $0x2800  }
0xd8: {  	[sflag:s18] =	ssyncset.done $0x0  }
0xd9: {  	[sflag:s18] =	ssyncadd.s32 $0xFFFFD800  }
0xda: {  	_ =	sfence.sel $0x180000  }
0xdb: {  	[bflag:$0x0] =	sbarrier.arrive $0xFFFF  }
0xdc: {  	_ =	strace $0x90000047  }
0xdd: {  	s0 =	stileid.u32;
	[bflag:$0x2] =	sbarrier.arrive $0xFFFF  }
0xde: {  	p0 =	sne.s32 s0, $0x0;
	s0 =	rddreg [dreg:$0x4]  }
0xdf: {  	s0 =	sadd.s32 @!p0 $0x100000, s0  }
0xe0: {  	[sflag:s0] =	ssyncadd.tile.s32 @!p0 $0x1;
	_ =	shalt  }
.Lfunc_end2:
_tile_overlayer_lowered:
.L_overlay_start_2:
0xe1: {  	(tag) =	ssettag $0x2  }
0xe2: {  	s0 =	rddreg [dreg:$0x0];
	s2 =	stileid.u32  }
0xe3: {  	s1 =	rddreg [dreg:$0x1];
	p0 =	sne.s32 s2, $0x0  }
0xe4: {  	s3 =	rddreg [dreg:$0x2];
	[bflag:$0x3] =	sbarrier.arrive $0xFFFF;
	s2 =	simm.s32 @!p0 $0x1C05  }
0xe5: {  	[timem:s3], [sflag:s2] =	dma.local @!p0 [hbm:s0], s1  }
0xe6: {  	s0 =	simm.s32 @!p0 $0x5  }
0xe7: {  	_ =	swait.ge @!p0 [sflag:s0], s1  }
0xe8: {  	s1 =	ssub.s32 @!p0 $0x0, s1;
	[sflag:s0] =	ssyncset.done @!p0 $0x0  }
0xe9: {  	[sflag:s0] =	ssyncadd.s32 @!p0 s1  }
0xea: {  	[bflag:$0x3] =	sbarrier.arrive $0xFFFF  }
0xeb: {  	_ =	shalt  }

// kernel: kernel.18.cloned.1.call-start
scs
__scs_entry_jumppad:
0x0: {  	(pc) =	sbr.rel $0x88, $3  }
0x1: {  	(tag) =	ssettag $0x0;
	lr =	simm.s32 $0x1  }
0x2: {  	[smem:$0x3F76] =	sst lr;
	_ =	strace $0xD0000000  }
0x3: {  	_ = 	snop  }
0x4: {  	_ = 	snop  }
0x5: {  	_ = 	snop  }
0x6: {  	_ = 	snop  }
0x7: {  	_ = 	snop  }
__scs_overlays_trampoline_lowered:
0x8: {  	[smem:$0x3F85] =	sst s0  }
0x9: {  	[smem:$0x3F86] =	sst s1  }
0xa: {  	[smem:$0x3F87] =	sst s2  }
0xb: {  	[smem:$0x3F88] =	sst s3  }
0xc: {  	[smem:$0x3F89] =	sst s4  }
0xd: {  	[smem:$0x3F8A] =	sst s5  }
0xe: {  	[smem:$0x3F8B] =	sst s6  }
0xf: {  	[smem:$0x3F8C] =	sst s7  }
0x10: {  	[smem:$0x3F8D] =	sst s8  }
0x11: {  	[smem:$0x3F8E] =	sst s9;
	s0 =	simm.s32 @!p0 $0x0  }
0x12: {  	s1 =	sld [smem:$0x3F74];
	s0 =	simm.s32 @p0 $0x1  }
0x13: {  	[smem:$0x3F8F] =	sst s0;
	s0 =	simm.s32 @!p1 $0x0  }
0x14: {  	s2 =	sld [smem:$0x3F73];
	s0 =	simm.s32 @p1 $0x1  }
0x15: {  	[smem:$0x3F90] =	sst s0;
	s0 =	simm.s32 @!p2 $0x0  }
0x16: {  	s3 =	sld [smem:$0x3FDB];
	s0 =	simm.s32 @p2 $0x1  }
0x17: {  	s4 =	simm.s32 $0x1BF5;
	[smem:$0x3F92] =	sst s0  }
0x18: {  	s0 =	sld [smem:$0x3F75];
	_ =	swait.ge [sflag:s4], $0x0  }
0x19: {  	s7 =	sld [smem:$0x3F76]  }
0x1a: {  	s8 =	sadd.s32 $0xFFFFE003, lr  }
0x1b: {  	s9 =	sadd.s32 $0xFFFFFEF7, lr;
	s5 =	simm.s32 $0xFFFFFFFF;
	p2 =	slt.u32 s8, $0xFFFFF086  }
0x1c: {  	p1 =	slt.u32 s9, $0xF7A;
	s5 =	simm.s32 @!p2 $0x0  }
0x1d: {  	s5 =	simm.s32 @p1 $0x1;
	p0 =	seq.s32 s7, s2  }
0x1e: {  	s7 =	smul.u32 @!p0 $0xF7A, s2;
	p2 =	seq.s32 @!p0 s5, $0x0  }
0x1f: {  	s9 =	smul.u32 $0xF7A, s1;
	s8 =	simm.s32 @!p0 $0x1BF5;
	p2 =	por !p2, p0  }
0x20: {  	[sflag:s8] =	ssyncset.s32 @!p0 $0xFFFFF086;
	s6 =	sadd.s32 @!p0 s3, s7;
	s7 =	simm.s32 @!p0 $0x108  }
0x21: {  	s3 =	sadd.s32 s3, s9;
	s6 =	sadd.s32 @!p0 $0x88, s6;
	s7 =	simm.s32 @p2 $0x1082  }
0x22: {  	[simem:s7], [sflag:s8] =	dma.local @!p0 [hbm:s6], $0xF7A  }
0x23: {  	s9 =	sor.u32 $0xD0000000, s2;
	s6 =	simm.s32 $0x108;
	_ =	swait.ge @!p0 [sflag:s8], $0x0  }
0x24: {  	s3 =	sadd.s32 $0x88, s3;
	s6 =	simm.s32 @!p1 $0x1082;
	[sflag:s4] =	ssyncset.s32 $0xFFFFF086  }
0x25: {  	[simem:s6], [sflag:s4] =	dma.local [hbm:s3], $0xF7A  }
0x26: {  	[smem:$0x3F76] =	sst s1;
	(tag) =	ssettag s2;
	_ =	strace s9  }
0x27: {  	s1 =	sld [smem:$0x3F86]  }
0x28: {  	s2 =	sld [smem:$0x3F87]  }
0x29: {  	s4 =	sld [smem:$0x3F89]  }
0x2a: {  	p0 =	seq.s32 s5, $0x0;
	s5 =	sld [smem:$0x3F8A]  }
0x2b: {  	s6 =	sld [smem:$0x3F8B]  }
0x2c: {  	s7 =	sld [smem:$0x3F8C]  }
0x2d: {  	s3 =	simm.s32 $0x108;
	s8 =	sld [smem:$0x3F8D]  }
0x2e: {  	s3 =	simm.s32 @!p0 $0x1082;
	s9 =	sld [smem:$0x3F8E]  }
0x2f: {  	lr =	sadd.s32 s0, s3;
	s0 =	sld [smem:$0x3F85]  }
0x30: {  	s3 =	sld [smem:$0x3F88]  }
0x31: {  	[smem:$0x3F91] =	sst s10  }
0x32: {  	s10 =	sld [smem:$0x3F8F];
	_ =	sdelay $0x3  }
0x33: {  	p0 =	seq.s32 s10, $0x1;
	s10 =	sld [smem:$0x3F91];
	_ =	sdelay $0x3  }
0x34: {  	[smem:$0x3F91] =	sst s10  }
0x35: {  	s10 =	sld [smem:$0x3F90];
	_ =	sdelay $0x3  }
0x36: {  	p1 =	seq.s32 s10, $0x1;
	s10 =	sld [smem:$0x3F91];
	_ =	sdelay $0x3  }
0x37: {  	[smem:$0x3F91] =	sst s10  }
0x38: {  	s10 =	sld [smem:$0x3F92]  }
0x39: {  	_ = 	snop;
	(pc) =	sbr.ind lr, $3  }
0x3a: {  	_ = 	snop  }
0x3b: {  	_ = 	snop  }
0x3c: {  	p2 =	seq.s32 s10, $0x1;
	s10 =	sld [smem:$0x3F91]  }
0x3d: {  	_ =	shalt  }
0x3e: {  	_ =	shalt  }
0x3f: {  	_ =	shalt  }
0x40: {  	_ =	shalt  }
0x41: {  	_ =	shalt  }
0x42: {  	_ =	shalt  }
0x43: {  	_ =	shalt  }
0x44: {  	_ =	shalt  }
0x45: {  	_ =	shalt  }
0x46: {  	_ =	shalt  }
0x47: {  	_ =	shalt  }
0x48: {  	_ =	shalt  }
0x49: {  	_ =	shalt  }
0x4a: {  	_ =	shalt  }
0x4b: {  	_ =	shalt  }
0x4c: {  	_ =	shalt  }
0x4d: {  	_ =	shalt  }
0x4e: {  	_ =	shalt  }
0x4f: {  	_ =	shalt  }
0x50: {  	_ =	shalt  }
0x51: {  	_ =	shalt  }
0x52: {  	_ =	shalt  }
0x53: {  	_ =	shalt  }
0x54: {  	_ =	shalt  }
0x55: {  	_ =	shalt  }
0x56: {  	_ =	shalt  }
0x57: {  	_ =	shalt  }
0x58: {  	_ =	shalt  }
0x59: {  	_ =	shalt  }
0x5a: {  	_ =	shalt  }
0x5b: {  	_ =	shalt  }
0x5c: {  	_ =	shalt  }
0x5d: {  	_ =	shalt  }
0x5e: {  	_ =	shalt  }
0x5f: {  	_ =	shalt  }
0x60: {  	_ =	shalt  }
0x61: {  	_ =	shalt  }
0x62: {  	_ =	shalt  }
0x63: {  	_ =	shalt  }
0x64: {  	_ =	shalt  }
0x65: {  	_ =	shalt  }
0x66: {  	_ =	shalt  }
0x67: {  	_ =	shalt  }
0x68: {  	_ =	shalt  }
0x69: {  	_ =	shalt  }
0x6a: {  	_ =	shalt  }
0x6b: {  	_ =	shalt  }
0x6c: {  	_ =	shalt  }
0x6d: {  	_ =	shalt  }
0x6e: {  	_ =	shalt  }
0x6f: {  	_ =	shalt  }
0x70: {  	_ =	shalt  }
0x71: {  	_ =	shalt  }
0x72: {  	_ =	shalt  }
0x73: {  	_ =	shalt  }
0x74: {  	_ =	shalt  }
0x75: {  	_ =	shalt  }
0x76: {  	_ =	shalt  }
0x77: {  	_ =	shalt  }
0x78: {  	_ =	shalt  }
0x79: {  	_ =	shalt  }
0x7a: {  	_ =	shalt  }
0x7b: {  	_ =	shalt  }
0x7c: {  	_ =	shalt  }
0x7d: {  	_ =	shalt  }
0x7e: {  	_ =	shalt  }
0x7f: {  	_ =	shalt  }
0x80: {  	_ =	shalt  }
0x81: {  	_ =	shalt  }
0x82: {  	_ =	shalt  }
0x83: {  	_ =	shalt  }
0x84: {  	_ =	shalt  }
0x85: {  	_ =	shalt  }
0x86: {  	_ =	shalt  }
0x87: {  	_ =	shalt  }
.Lfunc_end0:
.L_simem_size_0:
called_computation.2_lowered:
.L_overlay_start_0:
0x88: {  	s2 =	sld [smem:$0x3FD9]  }
0x89: {  	s3 =	sld [smem:$0x3FFE];
	_ =	sdelay $0x1  }
0x8a: {  	s1 =	srdreg.scid  }
0x8b: {  	s0 =	sand.u32 $0x1, s1  }
0x8c: {  	s14 =	sshll.u32 s0, $0xA;
	s2 =	sadd.s32 s3, s2  }
0x8d: {  	s2 =	sadd.s32 s2, s14  }
0x8e: {  	[smem:$0x3F9D] =	sst s2  }
0x8f: {  	_ = 	snop  }
0x90: {  	s2 =	sld [smem:$0x3FD0]  }
0x91: {  	s15 =	sld [smem:$0x3FC6]  }
0x92: {  	s4 =	sld [smem:$0x3FC4]  }
0x93: {  	s6 =	simm.s32 $0xB;
	s7 =	simm.s32 $0x10;
	s5 =	sld [smem:$0x3FC1]  }
0x94: {  	[smem:s7], [sflag:s6] =	dma.local [hbm:s2], $0x1  }
0x95: {  	_ =	swait.eq [sflag:s6], $0x1  }
0x96: {  	[sflag:s6] =	ssyncset.done $0x0  }
0x97: {  	[sflag:s6] =	ssyncadd.s32 $0xFFFFFFFF  }
0x98: {  	s16 =	sld [smem:$0x11];
	(tm) =	ssettm $0x1  }
0x99: {  	s17 =	sld [smem:$0x3FFB];
	_ =	sdelay $0x3  }
0x9a: {  	_ =	strace s17  }
0x9b: {  	s6 =	sld [smem:$0x3FFC];
	_ =	sdelay $0x3  }
0x9c: {  	_ =	strace s6  }
0x9d: {  	s6 =	sld [smem:$0x3FFD];
	_ =	sdelay $0x3  }
0x9e: {  	_ =	strace s6  }
0x9f: {  	_ =	strace $0x8FFFFFFF  }
0xa0: {  	s18 =	sld [smem:$0x3FDB];
	_ =	sdelay $0x1  }
0xa1: {  	s19 =	simm.s32 $_scs_section_size  }
0xa2: {  	s8 =	simm.s32 $_size__tile_overlayer_lowered;
	s9 =	simm.s32 $_tile_overlayer_lowered  }
0xa3: {  	s22 =	simm.s32 $0x1BFF;
	s21 =	sshll.u32 s9, $0x1;
	s6 =	sadd.s32 s19, s18  }
0xa4: {  	s10 =	simm.s32 $0x0;
	s20 =	sshll.u32 s8, $0x1;
	s8 =	sadd.s32 s21, s6  }
0xa5: {  	[timem:s10], [sflag:s22] =	dma.local [hbm:s8], s20  }
0xa6: {  	_ =	swait.ge [sflag:s22], s20  }
0xa7: {  	s7 =	ssub.s32 $0x0, s20;
	[sflag:s22] =	ssyncset.done $0x0  }
0xa8: {  	[sflag:s22] =	ssyncadd.s32 s7;
	_ =	sdelay $0x1  }
0xa9: {  	s23 =	simm.s32 $0x1B8B  }
0xaa: {  	_ =	swait.ge [sflag:s23], $0x1  }
0xab: {  	[sflag:s23] =	ssyncset.done $0x0  }
0xac: {  	s25 =	simm.s32 $0x1B8E;
	s24 =	sld [smem:$0x3FFE];
	[sflag:s23] =	ssyncadd.s32 $0xFFFFFFFF  }
0xad: {  	s26 =	simm.s32 $execute0_lowered;
	[smem:$0x3FD2] =	sst s25  }
0xae: {  	s8 =	sshll.u32 s26, $0x1;
	_ =	strace $0x8000004C;
	[dreg:$0x1] =	wrdreg $0xFFFFFFFF  }
0xaf: {  	s28 =	simm.s32 $_size_execute0_lowered;
	s6 =	sadd.s32 s6, s8;
	[dreg:$0x0] =	wrdreg $0x0  }
0xb0: {  	s8 =	sshll.u32 s28, $0x1;
	[dreg:$0x2] =	wrdreg s6  }
0xb1: {  	[dreg:$0x3] =	wrdreg s8  }
0xb2: {  	[dreg:$0x4] =	wrdreg $0xC0  }
0xb3: {  	_ =	task [dreg:s10], $0x5FFFF  }
0xb4: {  	[dreg:$0x1] =	wrdreg $0xFFFFFFFF  }
0xb5: {  	[dreg:$0x0] =	wrdreg $0x60  }
0xb6: {  	[dreg:$0x2] =	wrdreg s24  }
0xb7: {  	[dreg:$0x3] =	wrdreg s15  }
0xb8: {  	[dreg:$0x4] =	wrdreg s4  }
0xb9: {  	[dreg:$0x5] =	wrdreg s5  }
0xba: {  	[dreg:$0x6] =	wrdreg s16  }
0xbb: {  	[dreg:$0x7] =	wrdreg $0x9  }
0xbc: {  	_ =	task.clear_ibuf [dreg:s10], $0x8FFFF;
	_ =	strace $0x9000004C  }
0xbd: {  	s29 =	simm.s32 $0x9;
	_ =	strace $0x8000004E  }
0xbe: {  	_ =	swait.ge [sflag:s29], $0x1  }
0xbf: {  	[sflag:s29] =	ssyncadd.s32 $0xFFFFFFFF  }
0xc0: {  	_ =	strace $0x9000004E  }
0xc1: {  	_ =	sfence  }
0xc2: {  	s30 =	sld [smem:$0x0];
	_ =	sdelay $0x2  }
0xc3: {  	s31 =	sshll.u32 s1, $0xD;
	s1 =	sshrl.u32 s1, $0x2  }
0xc4: {  	s3 =	sand.u32 $0x4000, s31;
	s1 =	sadd.s32 s1, s30  }
0xc5: {  	s0 =	sor.u32 s3, s0;
	s1 =	sshll.u32 s1, $0x11  }
0xc6: {  	s0 =	sor.u32 s1, s0  }
0xc7: {  	s0 =	sadd.s32 $0x8F2B, s0  }
0xc8: {  	[sflag:s0] =	ssyncadd.remote.s32 $0x1  }
0xc9: {  	_ =	sfence.sel $0xFFFF  }
0xca: {  	[dreg:$0x0] =	wrdreg $0xFFFFFFFF;
	(pc) =	sbr.abs _section_cstart, $3  }
0xcb: {  	[dreg:$0x1] =	wrdreg $0xFFFFFFFF  }
0xcc: {  	_ =	task.clear_ibuf [dreg:s10], $0x2FFFF;
	_ =	strace $0x9FFFFFFF  }
0xcd: {  	(tm) =	ssettm $0x7FFFFFFF  }
tec
execute0_lowered:
.L_overlay_start_1:
0x0: {  	(tag) =	ssettag $0x1  }
0x1: {  	s0 =	rddreg [dreg:$0x0]  }
0x2: {  	s1 =	rddreg [dreg:$0x1]  }
0x3: {  	s6 =	rddreg [dreg:$0x2]  }
0x4: {  	s7 =	rddreg [dreg:$0x3]  }
0x5: {  	s17 =	rddreg [dreg:$0x4]  }
0x6: {  	s4 =	stileid.u32;
	s3 =	srdreg.scid  }
0x7: {  	s2 =	simm.s32 $0x0;
	s20 =	simm.s32 $0x50;
	s21 =	simm.s32 $0x680  }
0x8: {  	s28 =	simm.s32 $0x3;
	s29 =	simm.s32 $0x4;
	s31 =	simm.s32 $0x0  }
0x9: {  	s13 =	sand.u32 $0x1, s3;
	s22 =	sshll.u32 s4, $0x1;
	[smem:$0x7FF] =	sst s2  }
0xa: {  	s18 =	smul.u32 $0xC800, s4;
	s3 =	sadd.s32 $0xF49000, s0;
	s4 =	sadd.s32 $0x11EBA00, s0  }
0xb: {  	s5 =	sor.u32 s13, s22;
	_ =	strace $0x8000004D;
	s26 =	smul.u32 $0x6400, s13  }
0xc: {  	s9 =	ssub.s32 $0x2, s13;
	s22 =	simm.s32 $0x2E80;
	s8 =	smul.u32 $0x2800, s5  }
0xd: {  	s10 =	smul.u32 $0x640, s5;
	s19 =	sadd.s32 s18, s0;
	s11 =	sshrl.u32 s9, $0x1  }
0xe: {  	s12 =	smul.u32 $0x50, s5;
	s18 =	sadd.s32 s18, s17;
	s23 =	ssub.s32 s9, s11  }
0xf: {  	s30 =	sadd.s32 s26, s19;
	s18 =	sadd.s32 s26, s18;
	s19 =	simm.s32 $0x5  }
0x10: {  	s26 =	simm.s32 $0x2;
	s0 =	sadd.s32 s8, s0;
	s24 =	sshrl.u32 s10, $0x3  }
0x11: {  	s25 =	sadd.s32 s6, s12;
	s8 =	smax.u32 s23, $0x1;
	s17 =	sadd.s32 $0x56A00, s30  }
0x12: {  	s23 =	simm.s32 $0x5680;
	s1 =	sadd.s32 s1, s24;
	[dreg:$0x7] =	wrdreg s25  }
0x13: {  	s7 =	sadd.s32 s7, s24;
	s9 =	sadd.s32 $0x6A00, s0;
	s10 =	sadd.s32 $0x6F00, s0  }
0x14: {  	s11 =	sadd.s32 $0x7400, s0;
	s12 =	sadd.s32 $0x7900, s0;
	s13 =	sadd.s32 $0x7E00, s0  }
0x15: {  	s14 =	sadd.s32 $0x8300, s0;
	s15 =	sadd.s32 $0x8800, s0;
	s16 =	sadd.s32 $0x8D00, s0  }
0x16: {  	s24 =	simm.s32 $0x7E80;
	s25 =	simm.s32 $0x1;
	[dreg:$0x6] =	wrdreg s1  }
.LBB2_1:
0x17: {  	s0 =	rddreg [dreg:$0x6]  }
0x18: {  	[tilespmem:s2], [sflag:$0x5] =	stream.linear.gather [hbm4b:s0+s2], $0x640, $0x38;
	[tilespmem:$0xA680] =	vst v63  }
0x19: {  	_ =	swait.ge [sflag:s19], $0x640  }
0x1a: {  	[sflag:s19] =	ssyncset.done $0x0  }
0x1b: {  	s1 =	simm.s32 $0x0;
	[sflag:s19] =	ssyncadd.s32 $0xFFFFF9C0  }
0x1c: {  	[tilespmem:s21], [sflag:$0x1] =	stream.indirect.gather [hbm4b:s3+s20], $0x80, s1, s20, $0xb8;
	[tilespmem:$0xA680] =	vst v63  }
0x1d: {  	s5 =	simm.s32 $0x50  }
0x1e: {  	[tilespmem:s22], [sflag:$0x2] =	stream.indirect.gather [hbm4b:s3+s20], $0x80, s5, s20, $0xb8;
	[tilespmem:$0xA680] =	vst v63  }
0x1f: {  	s6 =	simm.s32 $0xA0  }
0x20: {  	[tilespmem:s23], [sflag:$0x3] =	stream.indirect.gather [hbm4b:s3+s20], $0x80, s6, s20, $0xb8;
	[tilespmem:$0xA680] =	vst v63  }
0x21: {  	s1 =	simm.s32 $0xF0  }
0x22: {  	[tilespmem:s24], [sflag:$0x4] =	stream.indirect.gather [hbm4b:s3+s20], $0x80, s1, s20, $0xb8;
	[tilespmem:$0xA680] =	vst v63  }
0x23: {  	_ =	swait.ge [sflag:s25], $0x2800  }
0x24: {  	[sflag:s25] =	ssyncset.done $0x0  }
0x25: {  	s5 =	sadd.s32 $0x0, s17;
	[sflag:s25] =	ssyncadd.s32 $0xFFFFD800  }
0x26: {  	[hbm4b:s5+s2] =	stream.linear.scatter [tilespmem:s21], [sflag:$0x5], $0x2800, $0x38;
	[tilespmem:$0xA680] =	vst v63  }
0x27: {  	_ =	swait.ge [sflag:s19], $0x2800  }
0x28: {  	[sflag:s19] =	ssyncset.done $0x0  }
0x29: {  	[sflag:s19] =	ssyncadd.s32 $0xFFFFD800  }
0x2a: {  	_ =	swait.ge [sflag:s26], $0x2800  }
0x2b: {  	[sflag:s26] =	ssyncset.done $0x0  }
0x2c: {  	s1 =	sadd.s32 $0x500, s5;
	[sflag:s26] =	ssyncadd.s32 $0xFFFFD800  }
0x2d: {  	[hbm4b:s1+s2] =	stream.linear.scatter [tilespmem:s22], [sflag:$0x5], $0x2800, $0x38;
	[tilespmem:$0xA680] =	vst v63  }
0x2e: {  	_ =	swait.ge [sflag:s19], $0x2800  }
0x2f: {  	[sflag:s19] =	ssyncset.done $0x0  }
0x30: {  	[sflag:s19] =	ssyncadd.s32 $0xFFFFD800  }
0x31: {  	_ =	swait.ge [sflag:s28], $0x2800  }
0x32: {  	[sflag:s28] =	ssyncset.done $0x0  }
0x33: {  	s6 =	sadd.s32 $0xA00, s5;
	[sflag:s28] =	ssyncadd.s32 $0xFFFFD800  }
0x34: {  	[hbm4b:s6+s2] =	stream.linear.scatter [tilespmem:s23], [sflag:$0x5], $0x2800, $0x38;
	[tilespmem:$0xA680] =	vst v63  }
0x35: {  	_ =	swait.ge [sflag:s19], $0x2800  }
0x36: {  	[sflag:s19] =	ssyncset.done $0x0  }
0x37: {  	[sflag:s19] =	ssyncadd.s32 $0xFFFFD800  }
0x38: {  	_ =	swait.ge [sflag:s29], $0x2800  }
0x39: {  	[sflag:s29] =	ssyncset.done $0x0  }
0x3a: {  	s0 =	sadd.s32 $0xF00, s5;
	[sflag:s29] =	ssyncadd.s32 $0xFFFFD800  }
0x3b: {  	[hbm4b:s0+s2] =	stream.linear.scatter [tilespmem:s24], [sflag:$0x5], $0x2800, $0x38;
	[tilespmem:$0xA680] =	vst v63  }
0x3c: {  	s30 =	simm.s32 $0x2800;
	_ =	swait.ge [sflag:s19], $0x2800  }
0x3d: {  	s1 =	simm.s32 $0x230;
	s0 =	simm.s32 $0x1400;
	[sflag:s19] =	ssyncset.done $0x0  }
.LBB2_2:
0x3e: {  	p0 =	sne.s32 s30, $0x5000;
	s5 =	sadd.s32 $0xFFFFFF10, s1;
	[sflag:s19] =	ssyncadd.s32 $0xFFFFD800  }
0x3f: {  	[tilespmem:s21], [sflag:$0x1] =	stream.indirect.gather [hbm4b:s3+s20], $0x80, s5, s20, $0xb8;
	[tilespmem:$0xA680] =	vst v63  }
0x40: {  	s6 =	smov.u32 s30;
	s30 =	sadd.s32 $0x1400, s30;
	s5 =	sadd.s32 $0xFFFFFF60, s1  }
0x41: {  	[tilespmem:s22], [sflag:$0x2] =	stream.indirect.gather [hbm4b:s3+s20], $0x80, s5, s20, $0xb8;
	[tilespmem:$0xA680] =	vst v63  }
0x42: {  	s5 =	sadd.s32 $0xFFFFFFB0, s1  }
0x43: {  	[tilespmem:s23], [sflag:$0x3] =	stream.indirect.gather [hbm4b:s3+s20], $0x80, s5, s20, $0xb8;
	[tilespmem:$0xA680] =	vst v63  }
0x44: {  	_ = 	snop  }
0x45: {  	[tilespmem:s24], [sflag:$0x4] =	stream.indirect.gather [hbm4b:s3+s20], $0x80, s1, s20, $0xb8;
	[tilespmem:$0xA680] =	vst v63  }
0x46: {  	_ =	swait.ge [sflag:s25], $0x2800  }
0x47: {  	[sflag:s25] =	ssyncset.done $0x0  }
0x48: {  	s5 =	sadd.s32 s0, s17;
	s0 =	smov.u32 s6;
	[sflag:s25] =	ssyncadd.s32 $0xFFFFD800  }
0x49: {  	[hbm4b:s5+s2] =	stream.linear.scatter [tilespmem:s21], [sflag:$0x5], $0x2800, $0x38;
	[tilespmem:$0xA680] =	vst v63  }
0x4a: {  	_ =	swait.ge [sflag:s19], $0x2800  }
0x4b: {  	[sflag:s19] =	ssyncset.done $0x0  }
0x4c: {  	[sflag:s19] =	ssyncadd.s32 $0xFFFFD800  }
0x4d: {  	_ =	swait.ge [sflag:s26], $0x2800  }
0x4e: {  	[sflag:s26] =	ssyncset.done $0x0  }
0x4f: {  	s6 =	sadd.s32 $0x500, s5;
	[sflag:s26] =	ssyncadd.s32 $0xFFFFD800  }
0x50: {  	[hbm4b:s6+s2] =	stream.linear.scatter [tilespmem:s22], [sflag:$0x5], $0x2800, $0x38;
	[tilespmem:$0xA680] =	vst v63  }
0x51: {  	_ =	swait.ge [sflag:s19], $0x2800  }
0x52: {  	[sflag:s19] =	ssyncset.done $0x0  }
0x53: {  	[sflag:s19] =	ssyncadd.s32 $0xFFFFD800  }
0x54: {  	_ =	swait.ge [sflag:s28], $0x2800  }
0x55: {  	[sflag:s28] =	ssyncset.done $0x0  }
0x56: {  	s6 =	sadd.s32 $0xA00, s5;
	[sflag:s28] =	ssyncadd.s32 $0xFFFFD800  }
0x57: {  	[hbm4b:s6+s2] =	stream.linear.scatter [tilespmem:s23], [sflag:$0x5], $0x2800, $0x38;
	[tilespmem:$0xA680] =	vst v63  }
0x58: {  	_ =	swait.ge [sflag:s19], $0x2800  }
0x59: {  	[sflag:s19] =	ssyncset.done $0x0  }
0x5a: {  	[sflag:s19] =	ssyncadd.s32 $0xFFFFD800  }
0x5b: {  	_ =	swait.ge [sflag:s29], $0x2800  }
.Ltmp0:
0x5c: {  	[sflag:s29] =	ssyncset.done $0x0;
	(pc) =	sbr.rel @p0 .LBB2_2-.Ltmp0, $4  }
0x5d: {  	s5 =	sadd.s32 $0xF00, s5;
	[sflag:s29] =	ssyncadd.s32 $0xFFFFD800  }
0x5e: {  	[hbm4b:s5+s2] =	stream.linear.scatter [tilespmem:s24], [sflag:$0x5], $0x2800, $0x38;
	[tilespmem:$0xA680] =	vst v63  }
0x5f: {  	_ =	swait.ge [sflag:s19], $0x2800  }
0x60: {  	s1 =	sadd.s32 $0x140, s1;
	[sflag:s19] =	ssyncset.done $0x0  }
0x61: {  	s5 =	sadd.s32 $0xFFFFFF10, s1;
	[sflag:s19] =	ssyncadd.s32 $0xFFFFD800  }
0x62: {  	[tilespmem:s21], [sflag:$0x1] =	stream.indirect.gather [hbm4b:s3+s20], $0x80, s5, s20, $0xb8;
	[tilespmem:$0xA680] =	vst v63  }
0x63: {  	s6 =	sadd.s32 $0xFFFFFF60, s1  }
0x64: {  	[tilespmem:s22], [sflag:$0x2] =	stream.indirect.gather [hbm4b:s3+s20], $0x80, s6, s20, $0xb8;
	[tilespmem:$0xA680] =	vst v63  }
0x65: {  	s6 =	sadd.s32 $0xFFFFFFB0, s1  }
0x66: {  	[tilespmem:s23], [sflag:$0x3] =	stream.indirect.gather [hbm4b:s3+s20], $0x80, s6, s20, $0xb8;
	[tilespmem:$0xA680] =	vst v63  }
0x67: {  	_ = 	snop  }
0x68: {  	[tilespmem:s24], [sflag:$0x4] =	stream.indirect.gather [hbm4b:s3+s20], $0x80, s1, s20, $0xb8;
	[tilespmem:$0xA680] =	vst v63  }
0x69: {  	_ =	swait.ge [sflag:s25], $0x2800  }
0x6a: {  	[sflag:s25] =	ssyncset.done $0x0  }
0x6b: {  	s0 =	sadd.s32 s0, s17;
	[sflag:s25] =	ssyncadd.s32 $0xFFFFD800  }
0x6c: {  	[hbm4b:s0+s2] =	stream.linear.scatter [tilespmem:s21], [sflag:$0x5], $0x2800, $0x38;
	[tilespmem:$0xA680] =	vst v63  }
0x6d: {  	_ =	swait.ge [sflag:s19], $0x2800  }
0x6e: {  	[sflag:s19] =	ssyncset.done $0x0  }
0x6f: {  	[sflag:s19] =	ssyncadd.s32 $0xFFFFD800  }
0x70: {  	_ =	swait.ge [sflag:s26], $0x2800  }
0x71: {  	[sflag:s26] =	ssyncset.done $0x0  }
0x72: {  	s6 =	sadd.s32 $0x500, s0;
	[sflag:s26] =	ssyncadd.s32 $0xFFFFD800  }
0x73: {  	[hbm4b:s6+s2] =	stream.linear.scatter [tilespmem:s22], [sflag:$0x5], $0x2800, $0x38;
	[tilespmem:$0xA680] =	vst v63  }
0x74: {  	_ =	swait.ge [sflag:s19], $0x2800  }
0x75: {  	[sflag:s19] =	ssyncset.done $0x0  }
0x76: {  	[sflag:s19] =	ssyncadd.s32 $0xFFFFD800  }
0x77: {  	_ =	swait.ge [sflag:s28], $0x2800  }
0x78: {  	[sflag:s28] =	ssyncset.done $0x0  }
0x79: {  	s5 =	sadd.s32 $0xA00, s0;
	[sflag:s28] =	ssyncadd.s32 $0xFFFFD800  }
0x7a: {  	[hbm4b:s5+s2] =	stream.linear.scatter [tilespmem:s23], [sflag:$0x5], $0x2800, $0x38;
	[tilespmem:$0xA680] =	vst v63  }
0x7b: {  	_ =	swait.ge [sflag:s19], $0x2800  }
0x7c: {  	[sflag:s19] =	ssyncset.done $0x0  }
0x7d: {  	[sflag:s19] =	ssyncadd.s32 $0xFFFFD800  }
0x7e: {  	_ =	swait.ge [sflag:s29], $0x2800  }
0x7f: {  	[sflag:s29] =	ssyncset.done $0x0  }
0x80: {  	s0 =	sadd.s32 $0xF00, s0;
	[sflag:s29] =	ssyncadd.s32 $0xFFFFD800  }
0x81: {  	[hbm4b:s0+s2] =	stream.linear.scatter [tilespmem:s24], [sflag:$0x5], $0x2800, $0x38;
	[tilespmem:$0xA680] =	vst v63  }
0x82: {  	_ =	swait.ge [sflag:s19], $0x2800  }
0x83: {  	[sflag:s19] =	ssyncset.done $0x0  }
0x84: {  	s1 =	simm.s32 $0x0;
	s6 =	rddreg [dreg:$0x7];
	[sflag:s19] =	ssyncadd.s32 $0xFFFFD800  }
0x85: {  	[tilespmem:s1], [sflag:$0x5] =	stream.linear.gather [hbm4b:s6+s1], $0x280, $0x38;
	[tilespmem:$0xA680] =	vst v63  }
0x86: {  	_ =	swait.ge [sflag:s19], $0x280  }
0x87: {  	[sflag:s19] =	ssyncset.done $0x0  }
0x88: {  	[sflag:s19] =	ssyncadd.s32 $0xFFFFFD80  }
0x89: {  	[tilespmem:s21], [sflag:$0x1] =	stream.indirect.gather [hbm4b:s3+s20], $0x80, s1, s20, $0xb8;
	[tilespmem:$0xA680] =	vst v63  }
0x8a: {  	_ = 	snop  }
0x8b: {  	[tilespmem:s22], [sflag:$0x2] =	stream.indirect.gather [hbm4b:s3+s20], $0x80, s20, s20, $0xb8;
	[tilespmem:$0xA680] =	vst v63  }
0x8c: {  	s5 =	simm.s32 $0xA0  }
0x8d: {  	[tilespmem:s23], [sflag:$0x3] =	stream.indirect.gather [hbm4b:s3+s20], $0x80, s5, s20, $0xb8;
	[tilespmem:$0xA680] =	vst v63  }
0x8e: {  	s0 =	simm.s32 $0xF0  }
0x8f: {  	[tilespmem:s24], [sflag:$0x4] =	stream.indirect.gather [hbm4b:s3+s20], $0x80, s0, s20, $0xb8;
	[tilespmem:$0xA680] =	vst v63  }
0x90: {  	_ =	swait.ge [sflag:s25], $0x2800  }
0x91: {  	[sflag:s25] =	ssyncset.done $0x0  }
0x92: {  	[sflag:s25] =	ssyncadd.s32 $0xFFFFD800  }
0x93: {  	[hbm4b:s9+s1] =	stream.linear.scatter [tilespmem:s21], [sflag:$0x5], $0x2800, $0x38;
	[tilespmem:$0xA680] =	vst v63  }
0x94: {  	_ =	swait.ge [sflag:s19], $0x2800  }
0x95: {  	[sflag:s19] =	ssyncset.done $0x0  }
0x96: {  	[sflag:s19] =	ssyncadd.s32 $0xFFFFD800  }
0x97: {  	_ =	swait.ge [sflag:s26], $0x2800  }
0x98: {  	[sflag:s26] =	ssyncset.done $0x0  }
0x99: {  	[sflag:s26] =	ssyncadd.s32 $0xFFFFD800  }
0x9a: {  	[hbm4b:s10+s1] =	stream.linear.scatter [tilespmem:s22], [sflag:$0x5], $0x2800, $0x38;
	[tilespmem:$0xA680] =	vst v63  }
0x9b: {  	_ =	swait.ge [sflag:s19], $0x2800  }
0x9c: {  	[sflag:s19] =	ssyncset.done $0x0  }
0x9d: {  	[sflag:s19] =	ssyncadd.s32 $0xFFFFD800  }
0x9e: {  	_ =	swait.ge [sflag:s28], $0x2800  }
0x9f: {  	[sflag:s28] =	ssyncset.done $0x0  }
0xa0: {  	[sflag:s28] =	ssyncadd.s32 $0xFFFFD800  }
0xa1: {  	[hbm4b:s11+s1] =	stream.linear.scatter [tilespmem:s23], [sflag:$0x5], $0x2800, $0x38;
	[tilespmem:$0xA680] =	vst v63  }
0xa2: {  	_ =	swait.ge [sflag:s19], $0x2800  }
0xa3: {  	[sflag:s19] =	ssyncset.done $0x0  }
0xa4: {  	[sflag:s19] =	ssyncadd.s32 $0xFFFFD800  }
0xa5: {  	_ =	swait.ge [sflag:s29], $0x2800  }
0xa6: {  	[sflag:s29] =	ssyncset.done $0x0  }
0xa7: {  	[sflag:s29] =	ssyncadd.s32 $0xFFFFD800  }
0xa8: {  	[hbm4b:s12+s1] =	stream.linear.scatter [tilespmem:s24], [sflag:$0x5], $0x2800, $0x38;
	[tilespmem:$0xA680] =	vst v63  }
0xa9: {  	_ =	swait.ge [sflag:s19], $0x2800  }
0xaa: {  	[sflag:s19] =	ssyncset.done $0x0  }
0xab: {  	s6 =	simm.s32 $0x140;
	[sflag:s19] =	ssyncadd.s32 $0xFFFFD800  }
0xac: {  	[tilespmem:s21], [sflag:$0x1] =	stream.indirect.gather [hbm4b:s3+s20], $0x80, s6, s20, $0xb8;
	[tilespmem:$0xA680] =	vst v63  }
0xad: {  	s6 =	simm.s32 $0x190  }
0xae: {  	[tilespmem:s22], [sflag:$0x2] =	stream.indirect.gather [hbm4b:s3+s20], $0x80, s6, s20, $0xb8;
	[tilespmem:$0xA680] =	vst v63  }
0xaf: {  	s6 =	simm.s32 $0x1E0  }
0xb0: {  	[tilespmem:s23], [sflag:$0x3] =	stream.indirect.gather [hbm4b:s3+s20], $0x80, s6, s20, $0xb8;
	[tilespmem:$0xA680] =	vst v63  }
0xb1: {  	s6 =	simm.s32 $0x230  }
0xb2: {  	[tilespmem:s24], [sflag:$0x4] =	stream.indirect.gather [hbm4b:s3+s20], $0x80, s6, s20, $0xb8;
	[tilespmem:$0xA680] =	vst v63  }
0xb3: {  	_ =	swait.ge [sflag:s25], $0x2800  }
0xb4: {  	[sflag:s25] =	ssyncset.done $0x0  }
0xb5: {  	[sflag:s25] =	ssyncadd.s32 $0xFFFFD800  }
0xb6: {  	[hbm4b:s13+s1] =	stream.linear.scatter [tilespmem:s21], [sflag:$0x5], $0x2800, $0x38;
	[tilespmem:$0xA680] =	vst v63  }
0xb7: {  	_ =	swait.ge [sflag:s19], $0x2800  }
0xb8: {  	[sflag:s19] =	ssyncset.done $0x0  }
0xb9: {  	[sflag:s19] =	ssyncadd.s32 $0xFFFFD800  }
0xba: {  	_ =	swait.ge [sflag:s26], $0x2800  }
0xbb: {  	[sflag:s26] =	ssyncset.done $0x0  }
0xbc: {  	[sflag:s26] =	ssyncadd.s32 $0xFFFFD800  }
0xbd: {  	[hbm4b:s14+s1] =	stream.linear.scatter [tilespmem:s22], [sflag:$0x5], $0x2800, $0x38;
	[tilespmem:$0xA680] =	vst v63  }
0xbe: {  	_ =	swait.ge [sflag:s19], $0x2800  }
0xbf: {  	[sflag:s19] =	ssyncset.done $0x0  }
0xc0: {  	[sflag:s19] =	ssyncadd.s32 $0xFFFFD800  }
0xc1: {  	_ =	swait.ge [sflag:s28], $0x2800  }
0xc2: {  	[sflag:s28] =	ssyncset.done $0x0  }
0xc3: {  	[sflag:s28] =	ssyncadd.s32 $0xFFFFD800  }
0xc4: {  	[hbm4b:s15+s1] =	stream.linear.scatter [tilespmem:s23], [sflag:$0x5], $0x2800, $0x38;
	[tilespmem:$0xA680] =	vst v63  }
0xc5: {  	_ =	swait.ge [sflag:s19], $0x2800  }
0xc6: {  	[sflag:s19] =	ssyncset.done $0x0  }
0xc7: {  	[sflag:s19] =	ssyncadd.s32 $0xFFFFD800  }
0xc8: {  	_ =	swait.ge [sflag:s29], $0x2800  }
0xc9: {  	[sflag:s29] =	ssyncset.done $0x0  }
0xca: {  	[sflag:s29] =	ssyncadd.s32 $0xFFFFD800  }
0xcb: {  	[hbm4b:s16+s1] =	stream.linear.scatter [tilespmem:s24], [sflag:$0x5], $0x2800, $0x38;
	[tilespmem:$0xA680] =	vst v63  }
0xcc: {  	_ =	swait.ge [sflag:s19], $0x2800  }
0xcd: {  	[sflag:s19] =	ssyncset.done $0x0  }
0xce: {  	[sflag:s19] =	ssyncadd.s32 $0xFFFFD800  }
0xcf: {  	[tilespmem:s1], [sflag:$0x5] =	stream.linear.gather [hbm4b:s7+s1], $0x640, $0x38;
	[tilespmem:$0xA680] =	vst v63  }
0xd0: {  	_ =	swait.ge [sflag:s19], $0x640  }
0xd1: {  	[sflag:s19] =	ssyncset.done $0x0  }
0xd2: {  	s6 =	simm.s32 $0x0;
	[sflag:s19] =	ssyncadd.s32 $0xFFFFF9C0  }
0xd3: {  	[tilespmem:s21], [sflag:$0x1] =	stream.indirect.gather [hbm4b:s4+s20], $0x80, s6, s20, $0xb8;
	[tilespmem:$0xA680] =	vst v63  }
0xd4: {  	s5 =	simm.s32 $0x50  }
0xd5: {  	[tilespmem:s22], [sflag:$0x2] =	stream.indirect.gather [hbm4b:s4+s20], $0x80, s5, s20, $0xb8;
	[tilespmem:$0xA680] =	vst v63  }
0xd6: {  	s6 =	simm.s32 $0xA0  }
0xd7: {  	[tilespmem:s23], [sflag:$0x3] =	stream.indirect.gather [hbm4b:s4+s20], $0x80, s6, s20, $0xb8;
	[tilespmem:$0xA680] =	vst v63  }
0xd8: {  	_ = 	snop  }
0xd9: {  	[tilespmem:s24], [sflag:$0x4] =	stream.indirect.gather [hbm4b:s4+s20], $0x80, s0, s20, $0xb8;
	[tilespmem:$0xA680] =	vst v63  }
0xda: {  	_ =	swait.ge [sflag:s25], $0x2800  }
0xdb: {  	[sflag:s25] =	ssyncset.done $0x0  }
0xdc: {  	s0 =	sadd.s32 $0x0, s18;
	[sflag:s25] =	ssyncadd.s32 $0xFFFFD800  }
0xdd: {  	[hbm4b:s0+s2] =	stream.linear.scatter [tilespmem:s21], [sflag:$0x5], $0x2800, $0x38;
	[tilespmem:$0xA680] =	vst v63  }
0xde: {  	_ =	swait.ge [sflag:s19], $0x2800  }
0xdf: {  	[sflag:s19] =	ssyncset.done $0x0  }
0xe0: {  	[sflag:s19] =	ssyncadd.s32 $0xFFFFD800  }
0xe1: {  	_ =	swait.ge [sflag:s26], $0x2800  }
0xe2: {  	[sflag:s26] =	ssyncset.done $0x0  }
0xe3: {  	s5 =	sadd.s32 $0x500, s0;
	[sflag:s26] =	ssyncadd.s32 $0xFFFFD800  }
0xe4: {  	[hbm4b:s5+s2] =	stream.linear.scatter [tilespmem:s22], [sflag:$0x5], $0x2800, $0x38;
	[tilespmem:$0xA680] =	vst v63  }
0xe5: {  	_ =	swait.ge [sflag:s19], $0x2800  }
0xe6: {  	[sflag:s19] =	ssyncset.done $0x0  }
0xe7: {  	[sflag:s19] =	ssyncadd.s32 $0xFFFFD800  }
0xe8: {  	_ =	swait.ge [sflag:s28], $0x2800  }
0xe9: {  	[sflag:s28] =	ssyncset.done $0x0  }
0xea: {  	s6 =	sadd.s32 $0xA00, s0;
	[sflag:s28] =	ssyncadd.s32 $0xFFFFD800  }
0xeb: {  	[hbm4b:s6+s2] =	stream.linear.scatter [tilespmem:s23], [sflag:$0x5], $0x2800, $0x38;
	[tilespmem:$0xA680] =	vst v63  }
0xec: {  	_ =	swait.ge [sflag:s19], $0x2800  }
0xed: {  	[sflag:s19] =	ssyncset.done $0x0  }
0xee: {  	[sflag:s19] =	ssyncadd.s32 $0xFFFFD800  }
0xef: {  	_ =	swait.ge [sflag:s29], $0x2800  }
0xf0: {  	[sflag:s29] =	ssyncset.done $0x0  }
0xf1: {  	s0 =	sadd.s32 $0xF00, s0;
	[sflag:s29] =	ssyncadd.s32 $0xFFFFD800  }
0xf2: {  	[hbm4b:s0+s2] =	stream.linear.scatter [tilespmem:s24], [sflag:$0x5], $0x2800, $0x38;
	[tilespmem:$0xA680] =	vst v63  }
0xf3: {  	s30 =	simm.s32 $0x2800;
	_ =	swait.ge [sflag:s19], $0x2800  }
0xf4: {  	s1 =	simm.s32 $0x230;
	s0 =	simm.s32 $0x1400;
	[sflag:s19] =	ssyncset.done $0x0  }
.LBB2_4:
0xf5: {  	p0 =	sne.s32 s30, $0x5000;
	s5 =	sadd.s32 $0xFFFFFF10, s1;
	[sflag:s19] =	ssyncadd.s32 $0xFFFFD800  }
0xf6: {  	[tilespmem:s21], [sflag:$0x1] =	stream.indirect.gather [hbm4b:s4+s20], $0x80, s5, s20, $0xb8;
	[tilespmem:$0xA680] =	vst v63  }
0xf7: {  	s6 =	smov.u32 s30;
	s30 =	sadd.s32 $0x1400, s30;
	s5 =	sadd.s32 $0xFFFFFF60, s1  }
0xf8: {  	[tilespmem:s22], [sflag:$0x2] =	stream.indirect.gather [hbm4b:s4+s20], $0x80, s5, s20, $0xb8;
	[tilespmem:$0xA680] =	vst v63  }
0xf9: {  	s5 =	sadd.s32 $0xFFFFFFB0, s1  }
0xfa: {  	[tilespmem:s23], [sflag:$0x3] =	stream.indirect.gather [hbm4b:s4+s20], $0x80, s5, s20, $0xb8;
	[tilespmem:$0xA680] =	vst v63  }
0xfb: {  	_ = 	snop  }
0xfc: {  	[tilespmem:s24], [sflag:$0x4] =	stream.indirect.gather [hbm4b:s4+s20], $0x80, s1, s20, $0xb8;
	[tilespmem:$0xA680] =	vst v63  }
0xfd: {  	_ =	swait.ge [sflag:s25], $0x2800  }
0xfe: {  	[sflag:s25] =	ssyncset.done $0x0  }
0xff: {  	s5 =	sadd.s32 s0, s18;
	s0 =	smov.u32 s6;
	[sflag:s25] =	ssyncadd.s32 $0xFFFFD800  }
0x100: {  	[hbm4b:s5+s2] =	stream.linear.scatter [tilespmem:s21], [sflag:$0x5], $0x2800, $0x38;
	[tilespmem:$0xA680] =	vst v63  }
0x101: {  	_ =	swait.ge [sflag:s19], $0x2800  }
0x102: {  	[sflag:s19] =	ssyncset.done $0x0  }
0x103: {  	[sflag:s19] =	ssyncadd.s32 $0xFFFFD800  }
0x104: {  	_ =	swait.ge [sflag:s26], $0x2800  }
0x105: {  	[sflag:s26] =	ssyncset.done $0x0  }
0x106: {  	s6 =	sadd.s32 $0x500, s5;
	[sflag:s26] =	ssyncadd.s32 $0xFFFFD800  }
0x107: {  	[hbm4b:s6+s2] =	stream.linear.scatter [tilespmem:s22], [sflag:$0x5], $0x2800, $0x38;
	[tilespmem:$0xA680] =	vst v63  }
0x108: {  	_ =	swait.ge [sflag:s19], $0x2800  }
0x109: {  	[sflag:s19] =	ssyncset.done $0x0  }
0x10a: {  	[sflag:s19] =	ssyncadd.s32 $0xFFFFD800  }
0x10b: {  	_ =	swait.ge [sflag:s28], $0x2800  }
0x10c: {  	[sflag:s28] =	ssyncset.done $0x0  }
0x10d: {  	s6 =	sadd.s32 $0xA00, s5;
	[sflag:s28] =	ssyncadd.s32 $0xFFFFD800  }
0x10e: {  	[hbm4b:s6+s2] =	stream.linear.scatter [tilespmem:s23], [sflag:$0x5], $0x2800, $0x38;
	[tilespmem:$0xA680] =	vst v63  }
0x10f: {  	_ =	swait.ge [sflag:s19], $0x2800  }
0x110: {  	[sflag:s19] =	ssyncset.done $0x0  }
0x111: {  	[sflag:s19] =	ssyncadd.s32 $0xFFFFD800  }
0x112: {  	_ =	swait.ge [sflag:s29], $0x2800  }
.Ltmp1:
0x113: {  	[sflag:s29] =	ssyncset.done $0x0;
	(pc) =	sbr.rel @p0 .LBB2_4-.Ltmp1, $4  }
0x114: {  	s5 =	sadd.s32 $0xF00, s5;
	[sflag:s29] =	ssyncadd.s32 $0xFFFFD800  }
0x115: {  	[hbm4b:s5+s2] =	stream.linear.scatter [tilespmem:s24], [sflag:$0x5], $0x2800, $0x38;
	[tilespmem:$0xA680] =	vst v63  }
0x116: {  	_ =	swait.ge [sflag:s19], $0x2800  }
0x117: {  	s1 =	sadd.s32 $0x140, s1;
	[sflag:s19] =	ssyncset.done $0x0  }
0x118: {  	s5 =	sadd.s32 $0xFFFFFF10, s1;
	[sflag:s19] =	ssyncadd.s32 $0xFFFFD800  }
0x119: {  	[tilespmem:s21], [sflag:$0x1] =	stream.indirect.gather [hbm4b:s4+s20], $0x80, s5, s20, $0xb8;
	[tilespmem:$0xA680] =	vst v63  }
0x11a: {  	s6 =	sadd.s32 $0xFFFFFF60, s1  }
0x11b: {  	[tilespmem:s22], [sflag:$0x2] =	stream.indirect.gather [hbm4b:s4+s20], $0x80, s6, s20, $0xb8;
	[tilespmem:$0xA680] =	vst v63  }
0x11c: {  	s30 =	sadd.s32 $0xFFFFFFB0, s1  }
0x11d: {  	[tilespmem:s23], [sflag:$0x3] =	stream.indirect.gather [hbm4b:s4+s20], $0x80, s30, s20, $0xb8;
	[tilespmem:$0xA680] =	vst v63  }
0x11e: {  	_ = 	snop  }
0x11f: {  	[tilespmem:s24], [sflag:$0x4] =	stream.indirect.gather [hbm4b:s4+s20], $0x80, s1, s20, $0xb8;
	[tilespmem:$0xA680] =	vst v63  }
0x120: {  	_ =	swait.ge [sflag:s25], $0x2800  }
0x121: {  	[sflag:s25] =	ssyncset.done $0x0  }
0x122: {  	s0 =	sadd.s32 s0, s18;
	[sflag:s25] =	ssyncadd.s32 $0xFFFFD800  }
0x123: {  	[hbm4b:s0+s2] =	stream.linear.scatter [tilespmem:s21], [sflag:$0x5], $0x2800, $0x38;
	[tilespmem:$0xA680] =	vst v63  }
0x124: {  	_ =	swait.ge [sflag:s19], $0x2800  }
0x125: {  	[sflag:s19] =	ssyncset.done $0x0  }
0x126: {  	[sflag:s19] =	ssyncadd.s32 $0xFFFFD800  }
0x127: {  	_ =	swait.ge [sflag:s26], $0x2800  }
0x128: {  	[sflag:s26] =	ssyncset.done $0x0  }
0x129: {  	s6 =	sadd.s32 $0x500, s0;
	[sflag:s26] =	ssyncadd.s32 $0xFFFFD800  }
0x12a: {  	[hbm4b:s6+s2] =	stream.linear.scatter [tilespmem:s22], [sflag:$0x5], $0x2800, $0x38;
	[tilespmem:$0xA680] =	vst v63  }
0x12b: {  	_ =	swait.ge [sflag:s19], $0x2800  }
0x12c: {  	[sflag:s19] =	ssyncset.done $0x0  }
0x12d: {  	[sflag:s19] =	ssyncadd.s32 $0xFFFFD800  }
0x12e: {  	_ =	swait.ge [sflag:s28], $0x2800  }
0x12f: {  	[sflag:s28] =	ssyncset.done $0x0  }
0x130: {  	s30 =	sadd.s32 $0xA00, s0;
	[sflag:s28] =	ssyncadd.s32 $0xFFFFD800  }
0x131: {  	[hbm4b:s30+s2] =	stream.linear.scatter [tilespmem:s23], [sflag:$0x5], $0x2800, $0x38;
	[tilespmem:$0xA680] =	vst v63  }
0x132: {  	_ =	swait.ge [sflag:s19], $0x2800  }
0x133: {  	[sflag:s19] =	ssyncset.done $0x0  }
0x134: {  	[sflag:s19] =	ssyncadd.s32 $0xFFFFD800  }
0x135: {  	s31 =	sadd.s32 $0x1, s31;
	_ =	swait.ge [sflag:s29], $0x2800  }
0x136: {  	p0 =	sne.s32 s31, s8;
	[sflag:s29] =	ssyncset.done $0x0  }
.Ltmp2:
0x137: {  	s0 =	sadd.s32 $0xF00, s0;
	[sflag:s29] =	ssyncadd.s32 $0xFFFFD800;
	(pc) =	sbr.rel @p0 .LBB2_1-.Ltmp2, $4  }
0x138: {  	[hbm4b:s0+s2] =	stream.linear.scatter [tilespmem:s24], [sflag:$0x5], $0x2800, $0x38;
	[tilespmem:$0xA680] =	vst v63  }
0x139: {  	_ =	swait.ge [sflag:s19], $0x2800  }
0x13a: {  	[sflag:s19] =	ssyncset.done $0x0  }
0x13b: {  	[sflag:s19] =	ssyncadd.s32 $0xFFFFD800  }
0x13c: {  	_ =	sfence.sel $0x180000  }
0x13d: {  	[bflag:$0x0] =	sbarrier.arrive $0xFFFF  }
0x13e: {  	_ =	strace $0x9000004D  }
0x13f: {  	s0 =	stileid.u32;
	[bflag:$0x2] =	sbarrier.arrive $0xFFFF  }
0x140: {  	p0 =	sne.s32 s0, $0x0;
	s0 =	rddreg [dreg:$0x5]  }
0x141: {  	s0 =	sadd.s32 @!p0 $0x100000, s0  }
0x142: {  	[sflag:s0] =	ssyncadd.tile.s32 @!p0 $0x1;
	_ =	shalt  }
.Lfunc_end2:
_tile_overlayer_lowered:
.L_overlay_start_2:
0x143: {  	(tag) =	ssettag $0x2  }
0x144: {  	s0 =	rddreg [dreg:$0x0];
	s2 =	stileid.u32  }
0x145: {  	s1 =	rddreg [dreg:$0x1];
	p0 =	sne.s32 s2, $0x0  }
0x146: {  	s3 =	rddreg [dreg:$0x2];
	[bflag:$0x3] =	sbarrier.arrive $0xFFFF;
	s2 =	simm.s32 @!p0 $0x1C05  }
0x147: {  	[timem:s3], [sflag:s2] =	dma.local @!p0 [hbm:s0], s1  }
0x148: {  	s0 =	simm.s32 @!p0 $0x5  }
0x149: {  	_ =	swait.ge @!p0 [sflag:s0], s1  }
0x14a: {  	s1 =	ssub.s32 @!p0 $0x0, s1;
	[sflag:s0] =	ssyncset.done @!p0 $0x0  }
0x14b: {  	[sflag:s0] =	ssyncadd.s32 @!p0 s1  }
0x14c: {  	[bflag:$0x3] =	sbarrier.arrive $0xFFFF  }
0x14d: {  	_ =	shalt  }

// kernel: kernel.21.cloned.1.call-start
scs
__scs_entry_jumppad:
0x0: {  	(pc) =	sbr.rel $0x88, $3  }
0x1: {  	(tag) =	ssettag $0x0;
	lr =	simm.s32 $0x1  }
0x2: {  	[smem:$0x3F76] =	sst lr;
	_ =	strace $0xD0000000  }
0x3: {  	_ = 	snop  }
0x4: {  	_ = 	snop  }
0x5: {  	_ = 	snop  }
0x6: {  	_ = 	snop  }
0x7: {  	_ = 	snop  }
__scs_overlays_trampoline_lowered:
0x8: {  	[smem:$0x3F85] =	sst s0  }
0x9: {  	[smem:$0x3F86] =	sst s1  }
0xa: {  	[smem:$0x3F87] =	sst s2  }
0xb: {  	[smem:$0x3F88] =	sst s3  }
0xc: {  	[smem:$0x3F89] =	sst s4  }
0xd: {  	[smem:$0x3F8A] =	sst s5  }
0xe: {  	[smem:$0x3F8B] =	sst s6  }
0xf: {  	[smem:$0x3F8C] =	sst s7  }
0x10: {  	[smem:$0x3F8D] =	sst s8  }
0x11: {  	[smem:$0x3F8E] =	sst s9;
	s0 =	simm.s32 @!p0 $0x0  }
0x12: {  	s1 =	sld [smem:$0x3F74];
	s0 =	simm.s32 @p0 $0x1  }
0x13: {  	[smem:$0x3F8F] =	sst s0;
	s0 =	simm.s32 @!p1 $0x0  }
0x14: {  	s2 =	sld [smem:$0x3F73];
	s0 =	simm.s32 @p1 $0x1  }
0x15: {  	[smem:$0x3F90] =	sst s0;
	s0 =	simm.s32 @!p2 $0x0  }
0x16: {  	s3 =	sld [smem:$0x3FDB];
	s0 =	simm.s32 @p2 $0x1  }
0x17: {  	s4 =	simm.s32 $0x1BF5;
	[smem:$0x3F92] =	sst s0  }
0x18: {  	s0 =	sld [smem:$0x3F75];
	_ =	swait.ge [sflag:s4], $0x0  }
0x19: {  	s7 =	sld [smem:$0x3F76]  }
0x1a: {  	s8 =	sadd.s32 $0xFFFFE003, lr  }
0x1b: {  	s9 =	sadd.s32 $0xFFFFFEF7, lr;
	s5 =	simm.s32 $0xFFFFFFFF;
	p2 =	slt.u32 s8, $0xFFFFF086  }
0x1c: {  	p1 =	slt.u32 s9, $0xF7A;
	s5 =	simm.s32 @!p2 $0x0  }
0x1d: {  	s5 =	simm.s32 @p1 $0x1;
	p0 =	seq.s32 s7, s2  }
0x1e: {  	s7 =	smul.u32 @!p0 $0xF7A, s2;
	p2 =	seq.s32 @!p0 s5, $0x0  }
0x1f: {  	s9 =	smul.u32 $0xF7A, s1;
	s8 =	simm.s32 @!p0 $0x1BF5;
	p2 =	por !p2, p0  }
0x20: {  	[sflag:s8] =	ssyncset.s32 @!p0 $0xFFFFF086;
	s6 =	sadd.s32 @!p0 s3, s7;
	s7 =	simm.s32 @!p0 $0x108  }
0x21: {  	s3 =	sadd.s32 s3, s9;
	s6 =	sadd.s32 @!p0 $0x88, s6;
	s7 =	simm.s32 @p2 $0x1082  }
0x22: {  	[simem:s7], [sflag:s8] =	dma.local @!p0 [hbm:s6], $0xF7A  }
0x23: {  	s9 =	sor.u32 $0xD0000000, s2;
	s6 =	simm.s32 $0x108;
	_ =	swait.ge @!p0 [sflag:s8], $0x0  }
0x24: {  	s3 =	sadd.s32 $0x88, s3;
	s6 =	simm.s32 @!p1 $0x1082;
	[sflag:s4] =	ssyncset.s32 $0xFFFFF086  }
0x25: {  	[simem:s6], [sflag:s4] =	dma.local [hbm:s3], $0xF7A  }
0x26: {  	[smem:$0x3F76] =	sst s1;
	(tag) =	ssettag s2;
	_ =	strace s9  }
0x27: {  	s1 =	sld [smem:$0x3F86]  }
0x28: {  	s2 =	sld [smem:$0x3F87]  }
0x29: {  	s4 =	sld [smem:$0x3F89]  }
0x2a: {  	p0 =	seq.s32 s5, $0x0;
	s5 =	sld [smem:$0x3F8A]  }
0x2b: {  	s6 =	sld [smem:$0x3F8B]  }
0x2c: {  	s7 =	sld [smem:$0x3F8C]  }
0x2d: {  	s3 =	simm.s32 $0x108;
	s8 =	sld [smem:$0x3F8D]  }
0x2e: {  	s3 =	simm.s32 @!p0 $0x1082;
	s9 =	sld [smem:$0x3F8E]  }
0x2f: {  	lr =	sadd.s32 s0, s3;
	s0 =	sld [smem:$0x3F85]  }
0x30: {  	s3 =	sld [smem:$0x3F88]  }
0x31: {  	[smem:$0x3F91] =	sst s10  }
0x32: {  	s10 =	sld [smem:$0x3F8F];
	_ =	sdelay $0x3  }
0x33: {  	p0 =	seq.s32 s10, $0x1;
	s10 =	sld [smem:$0x3F91];
	_ =	sdelay $0x3  }
0x34: {  	[smem:$0x3F91] =	sst s10  }
0x35: {  	s10 =	sld [smem:$0x3F90];
	_ =	sdelay $0x3  }
0x36: {  	p1 =	seq.s32 s10, $0x1;
	s10 =	sld [smem:$0x3F91];
	_ =	sdelay $0x3  }
0x37: {  	[smem:$0x3F91] =	sst s10  }
0x38: {  	s10 =	sld [smem:$0x3F92]  }
0x39: {  	_ = 	snop;
	(pc) =	sbr.ind lr, $3  }
0x3a: {  	_ = 	snop  }
0x3b: {  	_ = 	snop  }
0x3c: {  	p2 =	seq.s32 s10, $0x1;
	s10 =	sld [smem:$0x3F91]  }
0x3d: {  	_ =	shalt  }
0x3e: {  	_ =	shalt  }
0x3f: {  	_ =	shalt  }
0x40: {  	_ =	shalt  }
0x41: {  	_ =	shalt  }
0x42: {  	_ =	shalt  }
0x43: {  	_ =	shalt  }
0x44: {  	_ =	shalt  }
0x45: {  	_ =	shalt  }
0x46: {  	_ =	shalt  }
0x47: {  	_ =	shalt  }
0x48: {  	_ =	shalt  }
0x49: {  	_ =	shalt  }
0x4a: {  	_ =	shalt  }
0x4b: {  	_ =	shalt  }
0x4c: {  	_ =	shalt  }
0x4d: {  	_ =	shalt  }
0x4e: {  	_ =	shalt  }
0x4f: {  	_ =	shalt  }
0x50: {  	_ =	shalt  }
0x51: {  	_ =	shalt  }
0x52: {  	_ =	shalt  }
0x53: {  	_ =	shalt  }
0x54: {  	_ =	shalt  }
0x55: {  	_ =	shalt  }
0x56: {  	_ =	shalt  }
0x57: {  	_ =	shalt  }
0x58: {  	_ =	shalt  }
0x59: {  	_ =	shalt  }
0x5a: {  	_ =	shalt  }
0x5b: {  	_ =	shalt  }
0x5c: {  	_ =	shalt  }
0x5d: {  	_ =	shalt  }
0x5e: {  	_ =	shalt  }
0x5f: {  	_ =	shalt  }
0x60: {  	_ =	shalt  }
0x61: {  	_ =	shalt  }
0x62: {  	_ =	shalt  }
0x63: {  	_ =	shalt  }
0x64: {  	_ =	shalt  }
0x65: {  	_ =	shalt  }
0x66: {  	_ =	shalt  }
0x67: {  	_ =	shalt  }
0x68: {  	_ =	shalt  }
0x69: {  	_ =	shalt  }
0x6a: {  	_ =	shalt  }
0x6b: {  	_ =	shalt  }
0x6c: {  	_ =	shalt  }
0x6d: {  	_ =	shalt  }
0x6e: {  	_ =	shalt  }
0x6f: {  	_ =	shalt  }
0x70: {  	_ =	shalt  }
0x71: {  	_ =	shalt  }
0x72: {  	_ =	shalt  }
0x73: {  	_ =	shalt  }
0x74: {  	_ =	shalt  }
0x75: {  	_ =	shalt  }
0x76: {  	_ =	shalt  }
0x77: {  	_ =	shalt  }
0x78: {  	_ =	shalt  }
0x79: {  	_ =	shalt  }
0x7a: {  	_ =	shalt  }
0x7b: {  	_ =	shalt  }
0x7c: {  	_ =	shalt  }
0x7d: {  	_ =	shalt  }
0x7e: {  	_ =	shalt  }
0x7f: {  	_ =	shalt  }
0x80: {  	_ =	shalt  }
0x81: {  	_ =	shalt  }
0x82: {  	_ =	shalt  }
0x83: {  	_ =	shalt  }
0x84: {  	_ =	shalt  }
0x85: {  	_ =	shalt  }
0x86: {  	_ =	shalt  }
0x87: {  	_ =	shalt  }
.Lfunc_end0:
.L_simem_size_0:
called_computation.3_lowered:
.L_overlay_start_0:
0x88: {  	s2 =	sld [smem:$0x3FD9]  }
0x89: {  	s3 =	sld [smem:$0x3FFE];
	_ =	sdelay $0x1  }
0x8a: {  	s1 =	srdreg.scid  }
0x8b: {  	s0 =	sand.u32 $0x1, s1  }
0x8c: {  	s14 =	sshll.u32 s0, $0xA;
	s2 =	sadd.s32 s3, s2  }
0x8d: {  	s2 =	sadd.s32 s2, s14  }
0x8e: {  	[smem:$0x3F9D] =	sst s2  }
0x8f: {  	_ = 	snop  }
0x90: {  	s2 =	sld [smem:$0x3FD0]  }
0x91: {  	s15 =	sld [smem:$0x3FC6]  }
0x92: {  	s4 =	sld [smem:$0x3FC4]  }
0x93: {  	s6 =	simm.s32 $0xB;
	s7 =	simm.s32 $0x10;
	s5 =	sld [smem:$0x3FC1]  }
0x94: {  	[smem:s7], [sflag:s6] =	dma.local [hbm:s2], $0x1  }
0x95: {  	_ =	swait.eq [sflag:s6], $0x1  }
0x96: {  	[sflag:s6] =	ssyncset.done $0x0  }
0x97: {  	[sflag:s6] =	ssyncadd.s32 $0xFFFFFFFF  }
0x98: {  	s16 =	sld [smem:$0x11];
	(tm) =	ssettm $0x1  }
0x99: {  	s17 =	sld [smem:$0x3FFB];
	_ =	sdelay $0x3  }
0x9a: {  	_ =	strace s17  }
0x9b: {  	s6 =	sld [smem:$0x3FFC];
	_ =	sdelay $0x3  }
0x9c: {  	_ =	strace s6  }
0x9d: {  	s6 =	sld [smem:$0x3FFD];
	_ =	sdelay $0x3  }
0x9e: {  	_ =	strace s6  }
0x9f: {  	_ =	strace $0x8FFFFFFF  }
0xa0: {  	s18 =	sld [smem:$0x3FDB];
	_ =	sdelay $0x1  }
0xa1: {  	s19 =	simm.s32 $_scs_section_size  }
0xa2: {  	s8 =	simm.s32 $_size__tile_overlayer_lowered;
	s9 =	simm.s32 $_tile_overlayer_lowered  }
0xa3: {  	s22 =	simm.s32 $0x1BFF;
	s21 =	sshll.u32 s9, $0x1;
	s6 =	sadd.s32 s19, s18  }
0xa4: {  	s10 =	simm.s32 $0x0;
	s20 =	sshll.u32 s8, $0x1;
	s8 =	sadd.s32 s21, s6  }
0xa5: {  	[timem:s10], [sflag:s22] =	dma.local [hbm:s8], s20  }
0xa6: {  	_ =	swait.ge [sflag:s22], s20  }
0xa7: {  	s7 =	ssub.s32 $0x0, s20;
	[sflag:s22] =	ssyncset.done $0x0  }
0xa8: {  	[sflag:s22] =	ssyncadd.s32 s7;
	_ =	sdelay $0x1  }
0xa9: {  	s23 =	simm.s32 $0x1B8B  }
0xaa: {  	_ =	swait.ge [sflag:s23], $0x1  }
0xab: {  	[sflag:s23] =	ssyncset.done $0x0  }
0xac: {  	s25 =	simm.s32 $0x1B8E;
	s24 =	sld [smem:$0x3FFE];
	[sflag:s23] =	ssyncadd.s32 $0xFFFFFFFF  }
0xad: {  	s26 =	simm.s32 $execute0_lowered;
	[smem:$0x3FD2] =	sst s25  }
0xae: {  	s8 =	sshll.u32 s26, $0x1;
	_ =	strace $0x8000004F;
	[dreg:$0x1] =	wrdreg $0xFFFFFFFF  }
0xaf: {  	s28 =	simm.s32 $_size_execute0_lowered;
	s6 =	sadd.s32 s6, s8;
	[dreg:$0x0] =	wrdreg $0x0  }
0xb0: {  	s8 =	sshll.u32 s28, $0x1;
	[dreg:$0x2] =	wrdreg s6  }
0xb1: {  	[dreg:$0x3] =	wrdreg s8  }
0xb2: {  	[dreg:$0x4] =	wrdreg $0xC0  }
0xb3: {  	_ =	task [dreg:s10], $0x5FFFF  }
0xb4: {  	[dreg:$0x1] =	wrdreg $0xFFFFFFFF  }
0xb5: {  	[dreg:$0x0] =	wrdreg $0x60  }
0xb6: {  	[dreg:$0x2] =	wrdreg s16  }
0xb7: {  	[dreg:$0x3] =	wrdreg s15  }
0xb8: {  	[dreg:$0x4] =	wrdreg s24  }
0xb9: {  	[dreg:$0x5] =	wrdreg s5  }
0xba: {  	[dreg:$0x6] =	wrdreg s4  }
0xbb: {  	[dreg:$0x7] =	wrdreg $0x51000  }
0xbc: {  	[dreg:$0x8] =	wrdreg $0x71000  }
0xbd: {  	[dreg:$0x9] =	wrdreg $0x91000  }
0xbe: {  	[dreg:$0xa] =	wrdreg $0x9  }
0xbf: {  	_ =	task.clear_ibuf [dreg:s10], $0xBFFFF;
	_ =	strace $0x9000004F  }
0xc0: {  	s29 =	simm.s32 $0x9;
	_ =	strace $0x80000051  }
0xc1: {  	_ =	swait.ge [sflag:s29], $0x1  }
0xc2: {  	[sflag:s29] =	ssyncadd.s32 $0xFFFFFFFF  }
0xc3: {  	_ =	strace $0x90000051  }
0xc4: {  	_ =	sfence  }
0xc5: {  	s30 =	sld [smem:$0x0];
	_ =	sdelay $0x2  }
0xc6: {  	s31 =	sshll.u32 s1, $0xD;
	s1 =	sshrl.u32 s1, $0x2  }
0xc7: {  	s3 =	sand.u32 $0x4000, s31;
	s1 =	sadd.s32 s1, s30  }
0xc8: {  	s0 =	sor.u32 s3, s0;
	s1 =	sshll.u32 s1, $0x11  }
0xc9: {  	s0 =	sor.u32 s1, s0  }
0xca: {  	s0 =	sadd.s32 $0x8F2B, s0  }
0xcb: {  	[sflag:s0] =	ssyncadd.remote.s32 $0x1  }
0xcc: {  	_ =	sfence.sel $0xFFFF  }
0xcd: {  	[dreg:$0x0] =	wrdreg $0xFFFFFFFF;
	(pc) =	sbr.abs _section_cstart, $3  }
0xce: {  	[dreg:$0x1] =	wrdreg $0xFFFFFFFF  }
0xcf: {  	_ =	task.clear_ibuf [dreg:s10], $0x2FFFF;
	_ =	strace $0x9FFFFFFF  }
0xd0: {  	(tm) =	ssettm $0x7FFFFFFF  }
0xd1: {  	_ =	shalt  }
tec
execute0_lowered:
.L_overlay_start_1:
0x0: {  	(tag) =	ssettag $0x1  }
0x1: {  	s0 =	rddreg [dreg:$0x0]  }
0x2: {  	s5 =	rddreg [dreg:$0x1]  }
0x3: {  	s7 =	rddreg [dreg:$0x2]  }
0x4: {  	s9 =	rddreg [dreg:$0x3]  }
0x5: {  	s10 =	rddreg [dreg:$0x4]  }
0x6: {  	s1 =	rddreg [dreg:$0x5]  }
0x7: {  	s2 =	rddreg [dreg:$0x6]  }
0x8: {  	s3 =	rddreg [dreg:$0x7];
	s4 =	simm.s32 $0x0;
	s20 =	stileid.u32  }
0x9: {  	s6 =	srdreg.scid;
	s28 =	simm.s32 $0x1;
	s29 =	simm.s32 $0x50  }
0xa: {  	s30 =	simm.s32 $0x2;
	s31 =	simm.s32 $0x0;
	s8 =	smul.u32 $0xC800, s20  }
0xb: {  	[smem:$0x7FF] =	sst s4;
	s11 =	smul.u32 $0x5000, s20;
	s14 =	sand.u32 $0x1, s6  }
0xc: {  	s13 =	sshll.u32 s20, $0xD;
	s25 =	smul.u32 $0xC80, s20;
	p0 =	sne.s32 s20, $0x0  }
0xd: {  	_ =	strace $0x80000050;
	s6 =	sshll.u32 s14, $0x11;
	s15 =	ssub.s32 $0x2, s14  }
0xe: {  	s23 =	sadd.s32 s13, s1;
	s26 =	smul.u32 $0x640, s14;
	s12 =	sadd.s32 s8, s7  }
0xf: {  	s17 =	sadd.s32 s11, s7;
	s21 =	sor.u32 s13, s6;
	s6 =	sadd.s32 $0x56A00, s7  }
0x10: {  	s16 =	sshrl.u32 s15, $0x1;
	s0 =	sadd.s32 s8, s0;
	s11 =	sshrl.u32 s21, $0x3  }
0x11: {  	s22 =	ssub.s32 s15, s16;
	s15 =	smul.u32 $0x6400, s14;
	s21 =	sadd.s32 s26, s25  }
0x12: {  	s25 =	smul.u32 $0x500, s20;
	s20 =	simm.s32 $0x2800;
	s7 =	sadd.s32 s11, s7  }
0x13: {  	s19 =	smax.u32 s22, $0x1;
	s22 =	sadd.s32 $0x50, s21;
	s24 =	sadd.s32 $0x5AA00, s7  }
0x14: {  	s18 =	sadd.s32 $0x62A00, s7;
	s7 =	sadd.s32 $0x6AA00, s7;
	[dreg:$0xc] =	wrdreg s19  }
0x15: {  	s0 =	sadd.s32 s15, s0;
	s19 =	smul.u32 $0x280, s14;
	[dreg:$0x9] =	wrdreg s24  }
0x16: {  	s26 =	sadd.s32 s15, s12;
	s14 =	smul.u32 $0x2800, s14;
	[dreg:$0xa] =	wrdreg s18  }
0x17: {  	s24 =	sadd.s32 s13, s2;
	[dreg:$0xb] =	wrdreg s7;
	s7 =	sadd.s32 s13, s3  }
0x18: {  	s11 =	sadd.s32 $0x500, s0;
	s0 =	sshrl.u32 s22, $0x3;
	s18 =	sshrl.u32 s21, $0x3  }
0x19: {  	s8 =	sadd.s32 $0x11F100, s26;
	s12 =	sadd.s32 s0, s5;
	s13 =	sadd.s32 s18, s5  }
0x1a: {  	s19 =	sadd.s32 s19, s25;
	s15 =	sadd.s32 s0, s9;
	s16 =	sadd.s32 s18, s9  }
0x1b: {  	s5 =	sadd.s32 s14, s17;
	s25 =	sshrl.u32 s23, $0x3;
	s26 =	sshrl.u32 s24, $0x3  }
0x1c: {  	s21 =	sor.u32 $0x50, s19;
	s22 =	sshrl.u32 s19, $0x3;
	[dreg:$0xd] =	wrdreg s25  }
0x1d: {  	s17 =	sadd.s32 $0x6F00, s5;
	[dreg:$0xe] =	wrdreg s26;
	s25 =	sshrl.u32 s7, $0x3  }
0x1e: {  	s26 =	simm.s32 $0x5080;
	s0 =	sshrl.u32 s21, $0x3;
	s19 =	sadd.s32 s22, s10  }
0x1f: {  	s21 =	simm.s32 $0x5000;
	s22 =	simm.s32 $0x3;
	s18 =	sadd.s32 s0, s10  }
.LBB2_1:
0x20: {  	s0 =	sshrl.u32 @!p0 s1, $0x3;
	s5 =	simm.s32 @!p0 $0x1C03  }
0x21: {  	[spmem:s0], [sflag:s5] =	dma.local @!p0 [hbm:s6], $0x4000  }
0x22: {  	s0 =	simm.s32 @!p0 $0x3  }
0x23: {  	_ =	swait.ge @!p0 [sflag:s0], $0x4000  }
0x24: {  	[sflag:s0] =	ssyncset.done @!p0 $0x0  }
0x25: {  	s7 =	sshrl.u32 @!p0 s2, $0x3;
	[sflag:s0] =	ssyncadd.s32 @!p0 $0xFFFFC000  }
0x26: {  	[spmem:s7], [sflag:s5] =	dma.local @!p0 [hbm:s6], $0x4000  }
0x27: {  	_ =	swait.ge @!p0 [sflag:s0], $0x4000  }
0x28: {  	[sflag:s0] =	ssyncset.done @!p0 $0x0  }
0x29: {  	s7 =	sshrl.u32 @!p0 s3, $0x3;
	[sflag:s0] =	ssyncadd.s32 @!p0 $0xFFFFC000  }
0x2a: {  	[spmem:s7], [sflag:s5] =	dma.local @!p0 [hbm:s6], $0x4000  }
0x2b: {  	_ =	swait.ge @!p0 [sflag:s0], $0x4000  }
0x2c: {  	[sflag:s0] =	ssyncset.done @!p0 $0x0  }
0x2d: {  	[sflag:s0] =	ssyncadd.s32 @!p0 $0xFFFFC000  }
0x2e: {  	s14 =	sadd.s32 $0xFFFFFB00, s11;
	[bflag:$0x0] =	sbarrier.arrive $0xFFFF  }
0x2f: {  	[tilespmem:s4], [sflag:$0x1] =	stream.linear.gather [hbm4b:s14+s4], $0x2800, $0x38;
	[tilespmem:$0xB100] =	vst v63  }
0x30: {  	_ = 	snop  }
0x31: {  	[tilespmem:s20], [sflag:$0x2] =	stream.linear.gather [hbm4b:s11+s4], $0x2800, $0x38;
	[tilespmem:$0xB100] =	vst v63  }
0x32: {  	s23 =	sadd.s32 $0x0, s13  }
0x33: {  	[tilespmem:s21], [sflag:$0x3] =	stream.linear.gather [hbm4b:s23+s4], $0x50, $0x38;
	[tilespmem:$0xB100] =	vst v63  }
0x34: {  	_ =	swait.ge [sflag:s22], $0x50  }
0x35: {  	[sflag:s22] =	ssyncset.done $0x0  }
0x36: {  	s24 =	sadd.s32 $0x0, s12;
	[sflag:s22] =	ssyncadd.s32 $0xFFFFFFB0  }
0x37: {  	[tilespmem:s26], [sflag:$0x3] =	stream.linear.gather [hbm4b:s24+s4], $0x50, $0x38;
	[tilespmem:$0xB100] =	vst v63  }
0x38: {  	_ =	swait.ge [sflag:s22], $0x50  }
0x39: {  	[sflag:s22] =	ssyncset.done $0x0  }
0x3a: {  	[sflag:s22] =	ssyncadd.s32 $0xFFFFFFB0  }
0x3b: {  	_ =	swait.ge [sflag:s28], $0x2800  }
0x3c: {  	[sflag:s28] =	ssyncset.done $0x0  }
0x3d: {  	[sflag:s28] =	ssyncadd.s32 $0xFFFFD800  }
0x3e: {  	[spmem:s1] =	stream.indirect.scatter.add.f32 [tilespmem:s4], [sflag:$0x3], $0x80, s21, s29, $0xb8;
	[tilespmem:$0xB100] =	vst v63  }
0x3f: {  	_ =	swait.ge [sflag:s22], $0x2800  }
0x40: {  	[sflag:s22] =	ssyncset.done $0x0  }
0x41: {  	[sflag:s22] =	ssyncadd.s32 $0xFFFFD800  }
0x42: {  	_ =	swait.ge [sflag:s30], $0x2800  }
0x43: {  	[sflag:s30] =	ssyncset.done $0x0  }
0x44: {  	s9 =	simm.s32 $0x28;
	[sflag:s30] =	ssyncadd.s32 $0xFFFFD800  }
0x45: {  	[spmem:s1] =	stream.indirect.scatter.add.f32 [tilespmem:s20], [sflag:$0x3], $0x80, s26, s29, $0xb8;
	[tilespmem:$0xB100] =	vst v63  }
0x46: {  	s7 =	sadd.s32 $0xA00, s11;
	s5 =	simm.s32 $0x14;
	_ =	swait.ge [sflag:s22], $0x2800  }
0x47: {  	s10 =	sadd.s32 $0xA00, s7;
	s14 =	sadd.s32 $0xFFFFFB00, s7;
	[sflag:s22] =	ssyncset.done $0x0  }
.LBB2_2:
0x48: {  	s23 =	sadd.s32 $0xFFFFFB00, s10  }
0x49: {  	s0 =	simm.s32 $0x0;
	[sflag:s22] =	ssyncadd.s32 $0xFFFFD800;
	s24 =	smov.u32 s9  }
0x4a: {  	[tilespmem:s0], [sflag:$0x1] =	stream.linear.gather [hbm4b:s14+s0], $0x2800, $0x38;
	[tilespmem:$0xB100] =	vst v63  }
0x4b: {  	p1 =	sne.s32 s9, $0xB4;
	s9 =	sadd.s32 $0x14, s9;
	s14 =	smov.u32 s23  }
0x4c: {  	[tilespmem:s20], [sflag:$0x2] =	stream.linear.gather [hbm4b:s7+s0], $0x2800, $0x38;
	[tilespmem:$0xB100] =	vst v63  }
0x4d: {  	s23 =	sadd.s32 s5, s13;
	s7 =	smov.u32 s10  }
0x4e: {  	[tilespmem:s21], [sflag:$0x3] =	stream.linear.gather [hbm4b:s23+s0], $0x50, $0x38;
	[tilespmem:$0xB100] =	vst v63  }
0x4f: {  	_ =	swait.ge [sflag:s22], $0x50  }
0x50: {  	[sflag:s22] =	ssyncset.done $0x0  }
0x51: {  	s23 =	sadd.s32 s5, s12;
	s5 =	smov.u32 s24;
	[sflag:s22] =	ssyncadd.s32 $0xFFFFFFB0  }
0x52: {  	[tilespmem:s26], [sflag:$0x3] =	stream.linear.gather [hbm4b:s23+s0], $0x50, $0x38;
	[tilespmem:$0xB100] =	vst v63  }
0x53: {  	_ =	swait.ge [sflag:s22], $0x50  }
0x54: {  	[sflag:s22] =	ssyncset.done $0x0  }
0x55: {  	[sflag:s22] =	ssyncadd.s32 $0xFFFFFFB0  }
0x56: {  	_ =	swait.ge [sflag:s28], $0x2800  }
0x57: {  	[sflag:s28] =	ssyncset.done $0x0  }
0x58: {  	[sflag:s28] =	ssyncadd.s32 $0xFFFFD800  }
0x59: {  	[spmem:s1] =	stream.indirect.scatter.add.f32 [tilespmem:s0], [sflag:$0x3], $0x80, s21, s29, $0xb8;
	[tilespmem:$0xB100] =	vst v63  }
0x5a: {  	_ =	swait.ge [sflag:s22], $0x2800  }
0x5b: {  	[sflag:s22] =	ssyncset.done $0x0  }
0x5c: {  	[sflag:s22] =	ssyncadd.s32 $0xFFFFD800  }
0x5d: {  	_ =	swait.ge [sflag:s30], $0x2800  }
.Ltmp0:
0x5e: {  	[sflag:s30] =	ssyncset.done $0x0;
	(pc) =	sbr.rel @p1 .LBB2_2-.Ltmp0, $4  }
0x5f: {  	[sflag:s30] =	ssyncadd.s32 $0xFFFFD800  }
0x60: {  	[spmem:s1] =	stream.indirect.scatter.add.f32 [tilespmem:s20], [sflag:$0x3], $0x80, s26, s29, $0xb8;
	[tilespmem:$0xB100] =	vst v63  }
0x61: {  	_ =	swait.ge [sflag:s22], $0x2800  }
0x62: {  	s10 =	sadd.s32 $0xA00, s10;
	[sflag:s22] =	ssyncset.done $0x0  }
0x63: {  	[sflag:s22] =	ssyncadd.s32 $0xFFFFD800  }
0x64: {  	[tilespmem:s0], [sflag:$0x1] =	stream.linear.gather [hbm4b:s14+s0], $0x2800, $0x38;
	[tilespmem:$0xB100] =	vst v63  }
0x65: {  	_ = 	snop  }
0x66: {  	[tilespmem:s20], [sflag:$0x2] =	stream.linear.gather [hbm4b:s7+s0], $0x2800, $0x38;
	[tilespmem:$0xB100] =	vst v63  }
0x67: {  	s23 =	sadd.s32 s5, s13  }
0x68: {  	[tilespmem:s21], [sflag:$0x3] =	stream.linear.gather [hbm4b:s23+s0], $0x50, $0x38;
	[tilespmem:$0xB100] =	vst v63  }
0x69: {  	_ =	swait.ge [sflag:s22], $0x50  }
0x6a: {  	[sflag:s22] =	ssyncset.done $0x0  }
0x6b: {  	s24 =	sadd.s32 s5, s12;
	[sflag:s22] =	ssyncadd.s32 $0xFFFFFFB0  }
0x6c: {  	[tilespmem:s26], [sflag:$0x3] =	stream.linear.gather [hbm4b:s24+s0], $0x50, $0x38;
	[tilespmem:$0xB100] =	vst v63  }
0x6d: {  	_ =	swait.ge [sflag:s22], $0x50  }
0x6e: {  	[sflag:s22] =	ssyncset.done $0x0  }
0x6f: {  	[sflag:s22] =	ssyncadd.s32 $0xFFFFFFB0  }
0x70: {  	_ =	swait.ge [sflag:s28], $0x2800  }
0x71: {  	[sflag:s28] =	ssyncset.done $0x0  }
0x72: {  	[sflag:s28] =	ssyncadd.s32 $0xFFFFD800  }
0x73: {  	[spmem:s1] =	stream.indirect.scatter.add.f32 [tilespmem:s0], [sflag:$0x3], $0x80, s21, s29, $0xb8;
	[tilespmem:$0xB100] =	vst v63  }
0x74: {  	_ =	swait.ge [sflag:s22], $0x2800  }
0x75: {  	[sflag:s22] =	ssyncset.done $0x0  }
0x76: {  	[sflag:s22] =	ssyncadd.s32 $0xFFFFD800  }
0x77: {  	_ =	swait.ge [sflag:s30], $0x2800  }
0x78: {  	p3 =	por $0x1, $0x1;
	[sflag:s30] =	ssyncset.done $0x0  }
.Ltmp1:
0x79: {  	[sflag:s30] =	ssyncadd.s32 $0xFFFFD800;
	(pc) =	sbr.rel @!p3 .LBB2_7-.Ltmp1, $4  }
0x7a: {  	[spmem:s1] =	stream.indirect.scatter.add.f32 [tilespmem:s20], [sflag:$0x3], $0x80, s26, s29, $0xb8;
	[tilespmem:$0xB100] =	vst v63  }
0x7b: {  	s5 =	simm.s32 $0x14;
	_ =	swait.ge [sflag:s22], $0x2800  }
0x7c: {  	p1 =	por $0x0, $0x0;
	p2 =	por $0x0, $0x0;
	[sflag:s22] =	ssyncset.done $0x0  }
0x7d: {  	s14 =	smov.u32 s8;
	s7 =	simm.s32 $0x0;
	[sflag:s22] =	ssyncadd.s32 $0xFFFFD800  }
0x7e: {  	s7 =	sadd.s32 $0xFFFFFB00, s8  }
0x7f: {  	[tilespmem:s0], [sflag:$0x1] =	stream.linear.gather [hbm4b:s7+s0], $0x2800, $0x38;
	[tilespmem:$0xB100] =	vst v63  }
0x80: {  	_ = 	snop  }
0x81: {  	[tilespmem:s20], [sflag:$0x2] =	stream.linear.gather [hbm4b:s8+s0], $0x2800, $0x38;
	[tilespmem:$0xB100] =	vst v63  }
0x82: {  	s23 =	sadd.s32 $0x0, s16  }
0x83: {  	[tilespmem:s21], [sflag:$0x3] =	stream.linear.gather [hbm4b:s23+s0], $0x50, $0x38;
	[tilespmem:$0xB100] =	vst v63  }
0x84: {  	_ =	swait.ge [sflag:s22], $0x50  }
0x85: {  	[sflag:s22] =	ssyncset.done $0x0  }
0x86: {  	s24 =	sadd.s32 $0x0, s15;
	[sflag:s22] =	ssyncadd.s32 $0xFFFFFFB0  }
0x87: {  	[tilespmem:s26], [sflag:$0x3] =	stream.linear.gather [hbm4b:s24+s0], $0x50, $0x38;
	[tilespmem:$0xB100] =	vst v63  }
0x88: {  	_ =	swait.ge [sflag:s22], $0x50  }
0x89: {  	[sflag:s22] =	ssyncset.done $0x0  }
0x8a: {  	[sflag:s22] =	ssyncadd.s32 $0xFFFFFFB0  }
0x8b: {  	_ =	swait.ge [sflag:s28], $0x2800  }
0x8c: {  	[sflag:s28] =	ssyncset.done $0x0  }
0x8d: {  	[sflag:s28] =	ssyncadd.s32 $0xFFFFD800  }
0x8e: {  	[spmem:s2] =	stream.indirect.scatter.add.f32 [tilespmem:s0], [sflag:$0x3], $0x80, s21, s29, $0xb8;
	[tilespmem:$0xB100] =	vst v63  }
0x8f: {  	_ =	swait.ge [sflag:s22], $0x2800  }
0x90: {  	[sflag:s22] =	ssyncset.done $0x0  }
0x91: {  	[sflag:s22] =	ssyncadd.s32 $0xFFFFD800  }
0x92: {  	p3 =	por $0x1, $0x1;
	_ =	swait.ge [sflag:s30], $0x2800  }
.Ltmp2:
0x93: {  	[sflag:s30] =	ssyncset.done $0x0;
	(pc) =	sbr.rel @!p3 .LBB2_5-.Ltmp2, $4  }
0x94: {  	[sflag:s30] =	ssyncadd.s32 $0xFFFFD800  }
0x95: {  	[spmem:s2] =	stream.indirect.scatter.add.f32 [tilespmem:s20], [sflag:$0x3], $0x80, s26, s29, $0xb8;
	[tilespmem:$0xB100] =	vst v63  }
0x96: {  	s9 =	simm.s32 $0x28;
	s14 =	sadd.s32 $0xA00, s8;
	_ =	swait.ge [sflag:s22], $0x2800  }
0x97: {  	p2 =	por $0x1, $0x1;
	s7 =	simm.s32 $0x14;
	[sflag:s22] =	ssyncset.done $0x0  }
.LBB2_6:
0x98: {  	p3 =	sne.s32 s9, $0xB4;
	s10 =	sadd.s32 $0xFFFFFB00, s14;
	[sflag:s22] =	ssyncadd.s32 $0xFFFFD800  }
0x99: {  	[tilespmem:s0], [sflag:$0x1] =	stream.linear.gather [hbm4b:s10+s0], $0x2800, $0x38;
	[tilespmem:$0xB100] =	vst v63  }
0x9a: {  	s10 =	smov.u32 s9;
	s9 =	sadd.s32 $0x14, s9  }
0x9b: {  	[tilespmem:s20], [sflag:$0x2] =	stream.linear.gather [hbm4b:s14+s0], $0x2800, $0x38;
	[tilespmem:$0xB100] =	vst v63  }
0x9c: {  	s23 =	sadd.s32 s7, s16  }
0x9d: {  	[tilespmem:s21], [sflag:$0x3] =	stream.linear.gather [hbm4b:s23+s0], $0x50, $0x38;
	[tilespmem:$0xB100] =	vst v63  }
0x9e: {  	_ =	swait.ge [sflag:s22], $0x50  }
0x9f: {  	[sflag:s22] =	ssyncset.done $0x0  }
0xa0: {  	s23 =	sadd.s32 s7, s15;
	s7 =	smov.u32 s10;
	[sflag:s22] =	ssyncadd.s32 $0xFFFFFFB0  }
0xa1: {  	[tilespmem:s26], [sflag:$0x3] =	stream.linear.gather [hbm4b:s23+s0], $0x50, $0x38;
	[tilespmem:$0xB100] =	vst v63  }
0xa2: {  	_ =	swait.ge [sflag:s22], $0x50  }
0xa3: {  	[sflag:s22] =	ssyncset.done $0x0  }
0xa4: {  	[sflag:s22] =	ssyncadd.s32 $0xFFFFFFB0  }
0xa5: {  	_ =	swait.ge [sflag:s28], $0x2800  }
0xa6: {  	[sflag:s28] =	ssyncset.done $0x0  }
0xa7: {  	[sflag:s28] =	ssyncadd.s32 $0xFFFFD800  }
0xa8: {  	[spmem:s2] =	stream.indirect.scatter.add.f32 [tilespmem:s0], [sflag:$0x3], $0x80, s21, s29, $0xb8;
	[tilespmem:$0xB100] =	vst v63  }
0xa9: {  	_ =	swait.ge [sflag:s22], $0x2800  }
0xaa: {  	[sflag:s22] =	ssyncset.done $0x0  }
0xab: {  	[sflag:s22] =	ssyncadd.s32 $0xFFFFD800  }
0xac: {  	_ =	swait.ge [sflag:s30], $0x2800  }
.Ltmp3:
0xad: {  	[sflag:s30] =	ssyncset.done $0x0;
	(pc) =	sbr.rel @p3 .LBB2_6-.Ltmp3, $4  }
0xae: {  	[sflag:s30] =	ssyncadd.s32 $0xFFFFD800  }
0xaf: {  	[spmem:s2] =	stream.indirect.scatter.add.f32 [tilespmem:s20], [sflag:$0x3], $0x80, s26, s29, $0xb8;
	[tilespmem:$0xB100] =	vst v63  }
0xb0: {  	_ =	swait.ge [sflag:s22], $0x2800  }
0xb1: {  	s14 =	sadd.s32 $0xA00, s14;
	[sflag:s22] =	ssyncset.done $0x0  }
.LBB2_7:
0xb2: {  	s9 =	sadd.s32 $0xFFFFFB00, s14;
	[sflag:s22] =	ssyncadd.s32 @p2 $0xFFFFD800  }
0xb3: {  	[tilespmem:s0], [sflag:$0x1] =	stream.linear.gather [hbm4b:s9+s0], $0x2800, $0x38;
	[tilespmem:$0xB100] =	vst v63  }
0xb4: {  	_ = 	snop  }
0xb5: {  	[tilespmem:s20], [sflag:$0x2] =	stream.linear.gather [hbm4b:s14+s0], $0x2800, $0x38;
	[tilespmem:$0xB100] =	vst v63  }
0xb6: {  	s23 =	sadd.s32 s7, s16  }
0xb7: {  	[tilespmem:s21], [sflag:$0x3] =	stream.linear.gather [hbm4b:s23+s0], $0x50, $0x38;
	[tilespmem:$0xB100] =	vst v63  }
0xb8: {  	_ =	swait.ge [sflag:s22], $0x50  }
0xb9: {  	[sflag:s22] =	ssyncset.done $0x0  }
0xba: {  	s24 =	sadd.s32 s7, s15;
	[sflag:s22] =	ssyncadd.s32 $0xFFFFFFB0  }
0xbb: {  	[tilespmem:s26], [sflag:$0x3] =	stream.linear.gather [hbm4b:s24+s0], $0x50, $0x38;
	[tilespmem:$0xB100] =	vst v63  }
0xbc: {  	_ =	swait.ge [sflag:s22], $0x50  }
0xbd: {  	[sflag:s22] =	ssyncset.done $0x0  }
0xbe: {  	[sflag:s22] =	ssyncadd.s32 $0xFFFFFFB0  }
0xbf: {  	_ =	swait.ge [sflag:s28], $0x2800  }
0xc0: {  	[sflag:s28] =	ssyncset.done $0x0  }
0xc1: {  	[sflag:s28] =	ssyncadd.s32 $0xFFFFD800  }
0xc2: {  	[spmem:s2] =	stream.indirect.scatter.add.f32 [tilespmem:s0], [sflag:$0x3], $0x80, s21, s29, $0xb8;
	[tilespmem:$0xB100] =	vst v63  }
0xc3: {  	_ =	swait.ge [sflag:s22], $0x2800  }
0xc4: {  	[sflag:s22] =	ssyncset.done $0x0  }
0xc5: {  	[sflag:s22] =	ssyncadd.s32 $0xFFFFD800  }
0xc6: {  	_ =	swait.ge [sflag:s30], $0x2800  }
0xc7: {  	p2 =	por $0x1, $0x1;
	[sflag:s30] =	ssyncset.done $0x0  }
.Ltmp4:
0xc8: {  	[sflag:s30] =	ssyncadd.s32 $0xFFFFD800;
	(pc) =	sbr.rel @!p2 .LBB2_12-.Ltmp4, $4  }
0xc9: {  	[spmem:s2] =	stream.indirect.scatter.add.f32 [tilespmem:s20], [sflag:$0x3], $0x80, s26, s29, $0xb8;
	[tilespmem:$0xB100] =	vst v63  }
0xca: {  	_ =	swait.ge [sflag:s22], $0x2800  }
0xcb: {  	[sflag:s22] =	ssyncset.done $0x0  }
0xcc: {  	s7 =	smov.u32 s17;
	[sflag:s22] =	ssyncadd.s32 $0xFFFFD800  }
0xcd: {  	s0 =	sadd.s32 $0xFFFFFB00, s17  }
0xce: {  	[tilespmem:s4], [sflag:$0x1] =	stream.linear.gather [hbm4b:s0+s4], $0x2800, $0x38;
	[tilespmem:$0xB100] =	vst v63  }
0xcf: {  	_ = 	snop  }
0xd0: {  	[tilespmem:s20], [sflag:$0x2] =	stream.linear.gather [hbm4b:s17+s4], $0x2800, $0x38;
	[tilespmem:$0xB100] =	vst v63  }
0xd1: {  	s23 =	sadd.s32 $0x0, s19  }
0xd2: {  	[tilespmem:s21], [sflag:$0x3] =	stream.linear.gather [hbm4b:s23+s4], $0x50, $0x38;
	[tilespmem:$0xB100] =	vst v63  }
0xd3: {  	_ =	swait.ge [sflag:s22], $0x50  }
0xd4: {  	[sflag:s22] =	ssyncset.done $0x0  }
0xd5: {  	s24 =	sadd.s32 $0x0, s18;
	[sflag:s22] =	ssyncadd.s32 $0xFFFFFFB0  }
0xd6: {  	[tilespmem:s26], [sflag:$0x3] =	stream.linear.gather [hbm4b:s24+s4], $0x50, $0x38;
	[tilespmem:$0xB100] =	vst v63  }
0xd7: {  	_ =	swait.ge [sflag:s22], $0x50  }
0xd8: {  	[sflag:s22] =	ssyncset.done $0x0  }
0xd9: {  	[sflag:s22] =	ssyncadd.s32 $0xFFFFFFB0  }
0xda: {  	_ =	swait.ge [sflag:s28], $0x2800  }
0xdb: {  	[sflag:s28] =	ssyncset.done $0x0  }
0xdc: {  	[sflag:s28] =	ssyncadd.s32 $0xFFFFD800  }
0xdd: {  	[spmem:s3] =	stream.indirect.scatter.add.f32 [tilespmem:s4], [sflag:$0x3], $0x80, s21, s29, $0xb8;
	[tilespmem:$0xB100] =	vst v63  }
0xde: {  	_ =	swait.ge [sflag:s22], $0x2800  }
0xdf: {  	[sflag:s22] =	ssyncset.done $0x0  }
0xe0: {  	[sflag:s22] =	ssyncadd.s32 $0xFFFFD800  }
0xe1: {  	p2 =	por $0x1, $0x1;
	_ =	swait.ge [sflag:s30], $0x2800  }
.Ltmp5:
0xe2: {  	[sflag:s30] =	ssyncset.done $0x0;
	(pc) =	sbr.rel @!p2 .LBB2_9-.Ltmp5, $4  }
0xe3: {  	[sflag:s30] =	ssyncadd.s32 $0xFFFFD800  }
0xe4: {  	[spmem:s3] =	stream.indirect.scatter.add.f32 [tilespmem:s20], [sflag:$0x3], $0x80, s26, s29, $0xb8;
	[tilespmem:$0xB100] =	vst v63  }
0xe5: {  	s7 =	sadd.s32 $0xA00, s17;
	_ =	swait.ge [sflag:s22], $0x2800  }
0xe6: {  	p1 =	por $0x1, $0x1;
	s0 =	simm.s32 $0x28;
	[sflag:s22] =	ssyncset.done $0x0  }
.LBB2_10:
0xe7: {  	p2 =	sne.s32 s0, $0x3C;
	s9 =	sadd.s32 $0xFFFFFB00, s7;
	[sflag:s22] =	ssyncadd.s32 $0xFFFFD800  }
0xe8: {  	[tilespmem:s4], [sflag:$0x1] =	stream.linear.gather [hbm4b:s9+s4], $0x2800, $0x38;
	[tilespmem:$0xB100] =	vst v63  }
0xe9: {  	s9 =	smov.u32 s0;
	s0 =	sadd.s32 $0x14, s0  }
0xea: {  	[tilespmem:s20], [sflag:$0x2] =	stream.linear.gather [hbm4b:s7+s4], $0x2800, $0x38;
	[tilespmem:$0xB100] =	vst v63  }
0xeb: {  	s10 =	sadd.s32 s5, s19  }
0xec: {  	[tilespmem:s21], [sflag:$0x3] =	stream.linear.gather [hbm4b:s10+s4], $0x50, $0x38;
	[tilespmem:$0xB100] =	vst v63  }
0xed: {  	_ =	swait.ge [sflag:s22], $0x50  }
0xee: {  	[sflag:s22] =	ssyncset.done $0x0  }
0xef: {  	s10 =	sadd.s32 s5, s18;
	s5 =	smov.u32 s9;
	[sflag:s22] =	ssyncadd.s32 $0xFFFFFFB0  }
0xf0: {  	[tilespmem:s26], [sflag:$0x3] =	stream.linear.gather [hbm4b:s10+s4], $0x50, $0x38;
	[tilespmem:$0xB100] =	vst v63  }
0xf1: {  	_ =	swait.ge [sflag:s22], $0x50  }
0xf2: {  	[sflag:s22] =	ssyncset.done $0x0  }
0xf3: {  	[sflag:s22] =	ssyncadd.s32 $0xFFFFFFB0  }
0xf4: {  	_ =	swait.ge [sflag:s28], $0x2800  }
0xf5: {  	[sflag:s28] =	ssyncset.done $0x0  }
0xf6: {  	[sflag:s28] =	ssyncadd.s32 $0xFFFFD800  }
0xf7: {  	[spmem:s3] =	stream.indirect.scatter.add.f32 [tilespmem:s4], [sflag:$0x3], $0x80, s21, s29, $0xb8;
	[tilespmem:$0xB100] =	vst v63  }
0xf8: {  	_ =	swait.ge [sflag:s22], $0x2800  }
0xf9: {  	[sflag:s22] =	ssyncset.done $0x0  }
0xfa: {  	[sflag:s22] =	ssyncadd.s32 $0xFFFFD800  }
0xfb: {  	_ =	swait.ge [sflag:s30], $0x2800  }
.Ltmp6:
0xfc: {  	[sflag:s30] =	ssyncset.done $0x0;
	(pc) =	sbr.rel @p2 .LBB2_10-.Ltmp6, $4  }
0xfd: {  	[sflag:s30] =	ssyncadd.s32 $0xFFFFD800  }
0xfe: {  	[spmem:s3] =	stream.indirect.scatter.add.f32 [tilespmem:s20], [sflag:$0x3], $0x80, s26, s29, $0xb8;
	[tilespmem:$0xB100] =	vst v63  }
0xff: {  	_ =	swait.ge [sflag:s22], $0x2800  }
0x100: {  	s7 =	sadd.s32 $0xA00, s7;
	[sflag:s22] =	ssyncset.done $0x0  }
0x101: {  	s0 =	smov.u32 s5  }
.LBB2_12:
0x102: {  	s5 =	sadd.s32 $0xFFFFFB00, s7;
	[sflag:s22] =	ssyncadd.s32 @p1 $0xFFFFD800  }
0x103: {  	[tilespmem:s4], [sflag:$0x1] =	stream.linear.gather [hbm4b:s5+s4], $0x2800, $0x38;
	[tilespmem:$0xB100] =	vst v63  }
0x104: {  	_ = 	snop  }
0x105: {  	[tilespmem:s20], [sflag:$0x2] =	stream.linear.gather [hbm4b:s7+s4], $0x2800, $0x38;
	[tilespmem:$0xB100] =	vst v63  }
0x106: {  	s23 =	sadd.s32 s0, s19  }
0x107: {  	[tilespmem:s21], [sflag:$0x3] =	stream.linear.gather [hbm4b:s23+s4], $0x50, $0x38;
	[tilespmem:$0xB100] =	vst v63  }
0x108: {  	_ =	swait.ge [sflag:s22], $0x50  }
0x109: {  	[sflag:s22] =	ssyncset.done $0x0  }
0x10a: {  	s24 =	sadd.s32 s0, s18;
	[sflag:s22] =	ssyncadd.s32 $0xFFFFFFB0  }
0x10b: {  	[tilespmem:s26], [sflag:$0x3] =	stream.linear.gather [hbm4b:s24+s4], $0x50, $0x38;
	[tilespmem:$0xB100] =	vst v63  }
0x10c: {  	_ =	swait.ge [sflag:s22], $0x50  }
0x10d: {  	[sflag:s22] =	ssyncset.done $0x0  }
0x10e: {  	[sflag:s22] =	ssyncadd.s32 $0xFFFFFFB0  }
0x10f: {  	_ =	swait.ge [sflag:s28], $0x2800  }
0x110: {  	[sflag:s28] =	ssyncset.done $0x0  }
0x111: {  	[sflag:s28] =	ssyncadd.s32 $0xFFFFD800  }
0x112: {  	[spmem:s3] =	stream.indirect.scatter.add.f32 [tilespmem:s4], [sflag:$0x3], $0x80, s21, s29, $0xb8;
	[tilespmem:$0xB100] =	vst v63  }
0x113: {  	_ =	swait.ge [sflag:s22], $0x2800  }
0x114: {  	[sflag:s22] =	ssyncset.done $0x0  }
0x115: {  	[sflag:s22] =	ssyncadd.s32 $0xFFFFD800  }
0x116: {  	_ =	swait.ge [sflag:s30], $0x2800  }
0x117: {  	[sflag:s30] =	ssyncset.done $0x0  }
0x118: {  	[sflag:s30] =	ssyncadd.s32 $0xFFFFD800  }
0x119: {  	[spmem:s3] =	stream.indirect.scatter.add.f32 [tilespmem:s20], [sflag:$0x3], $0x80, s26, s29, $0xb8;
	[tilespmem:$0xB100] =	vst v63  }
0x11a: {  	_ =	swait.ge [sflag:s22], $0x2800  }
0x11b: {  	[sflag:s22] =	ssyncset.done $0x0  }
0x11c: {  	[sflag:s22] =	ssyncadd.s32 $0xFFFFD800  }
0x11d: {  	s5 =	stileid.u32;
	[bflag:$0x0] =	sbarrier.arrive $0xFFFF  }
0x11e: {  	s0 =	sshll.u32 s5, $0x6;
	s7 =	rddreg [dreg:$0x9]  }
0x11f: {  	s0 =	sor.u32 $0x1C03, s0;
	s9 =	rddreg [dreg:$0xd]  }
0x120: {  	[hbm:s7], [sflag:s0] =	dma.local [spmem:s9], $0x400  }
0x121: {  	_ =	swait.ge [sflag:s22], $0x400  }
0x122: {  	[sflag:s22] =	ssyncset.done $0x0;
	s10 =	rddreg [dreg:$0xa]  }
0x123: {  	s14 =	rddreg [dreg:$0xe];
	[sflag:s22] =	ssyncadd.s32 $0xFFFFFC00  }
0x124: {  	[hbm:s10], [sflag:s0] =	dma.local [spmem:s14], $0x400  }
0x125: {  	_ =	swait.ge [sflag:s22], $0x400  }
0x126: {  	[sflag:s22] =	ssyncset.done $0x0  }
0x127: {  	s23 =	rddreg [dreg:$0xb];
	[sflag:s22] =	ssyncadd.s32 $0xFFFFFC00  }
0x128: {  	[hbm:s23], [sflag:s0] =	dma.local [spmem:s25], $0x400  }
0x129: {  	_ =	swait.ge [sflag:s22], $0x400  }
0x12a: {  	s31 =	sadd.s32 $0x1, s31;
	s24 =	rddreg [dreg:$0xc]  }
0x12b: {  	p1 =	sne.s32 s31, s24  }
.Ltmp7:
0x12c: {  	_ = 	snop;
	(pc) =	sbr.rel @p1 .LBB2_1-.Ltmp7, $4  }
.Ltmp8:
0x12d: {  	_ = 	snop;
	(pc) =	sbr.rel @!p1 .LBB2_13-.Ltmp8, $4  }
0x12e: {  	_ = 	snop  }
0x12f: {  	[sflag:s22] =	ssyncset.done $0x0  }
0x130: {  	[sflag:s22] =	ssyncadd.s32 $0xFFFFFC00  }
0x131: {  	_ = 	snop  }
.LBB2_5:
.Ltmp9:
0x132: {  	(pc) =	sbr.rel .LBB2_7-.Ltmp9, $2  }
0x133: {  	_ =	sdelay $0x2  }
0x134: {  	s7 =	simm.s32 $0x14  }
.LBB2_9:
.Ltmp10:
0x135: {  	(pc) =	sbr.rel .LBB2_12-.Ltmp10, $2  }
0x136: {  	_ =	sdelay $0x2  }
0x137: {  	s0 =	simm.s32 $0x14  }
.LBB2_13:
0x138: {  	_ =	sfence.sel $0x180000  }
0x139: {  	[bflag:$0x0] =	sbarrier.arrive $0xFFFF  }
0x13a: {  	_ =	strace $0x90000050  }
0x13b: {  	[bflag:$0x2] =	sbarrier.arrive $0xFFFF  }
0x13c: {  	s0 =	rddreg [dreg:$0x8]  }
0x13d: {  	s0 =	sadd.s32 @!p0 $0x100000, s0  }
0x13e: {  	[sflag:s0] =	ssyncadd.tile.s32 @!p0 $0x1;
	_ =	shalt  }
.Lfunc_end2:
_tile_overlayer_lowered:
.L_overlay_start_2:
0x13f: {  	(tag) =	ssettag $0x2  }
0x140: {  	s0 =	rddreg [dreg:$0x0];
	s2 =	stileid.u32  }
0x141: {  	s1 =	rddreg [dreg:$0x1];
	p0 =	sne.s32 s2, $0x0  }
0x142: {  	s3 =	rddreg [dreg:$0x2];
	[bflag:$0x3] =	sbarrier.arrive $0xFFFF;
	s2 =	simm.s32 @!p0 $0x1C03  }
0x143: {  	[timem:s3], [sflag:s2] =	dma.local @!p0 [hbm:s0], s1  }
0x144: {  	s0 =	simm.s32 @!p0 $0x3  }
0x145: {  	_ =	swait.ge @!p0 [sflag:s0], s1  }
0x146: {  	s1 =	ssub.s32 @!p0 $0x0, s1;
	[sflag:s0] =	ssyncset.done @!p0 $0x0  }
0x147: {  	[sflag:s0] =	ssyncadd.s32 @!p0 s1  }
0x148: {  	[bflag:$0x3] =	sbarrier.arrive $0xFFFF  }
0x149: {  	_ =	shalt  }

</sc_bundles>
